<compile_context>
chip_gen: v7x
topology: tpu7x:2x2x1
jax: 0.10.2.dev20260603
libtpu: 0.0.44.dev20260713+nightly
codegen_flags: <defaults>
</compile_context>

<pallas_src>
import functools

import jax
import jax.numpy as jnp
from jax import lax
from jax.experimental import pallas as pl
from jax.experimental.pallas import tpu as pltpu
from jax.experimental.pallas import tpu_sc as plsc

_VOCAB = 100000
_DIM = 1024
_BATCH = 16384
_NC = 2
_NS = 16
_NW = _NC * _NS
_BPW = _BATCH // _NW
_CH = 16
_NCHUNK = _BPW // _CH
_NBR = 3
_NBS = 3
_AHEAD = 3

_mesh = plsc.VectorSubcoreMesh(core_axis_name="c", subcore_axis_name="s")


@functools.partial(
    pl.kernel,
    mesh=_mesh,
    out_type=jax.ShapeDtypeStruct((_BATCH, _DIM), jnp.float32),
    scratch_types=[
        pltpu.VMEM((_BPW,), jnp.int32),
        pltpu.VMEM((_NBR, _CH, _DIM), jnp.float32),
        pltpu.VMEM_SHARED((_NS, _NBS, _CH, _DIM), jnp.float32),
        pltpu.SemaphoreType.DMA,
        pltpu.SemaphoreType.DMA,
        pltpu.SemaphoreType.DMA,
    ],
)
def _sc_gather(table_hbm, idx_hbm, out_hbm, idx_v, rows_v, sp, gsem, lsem, wsem):
    cid = lax.axis_index("c")
    sid = lax.axis_index("s")
    wid = sid * _NC + cid
    base = wid * _BPW
    pltpu.sync_copy(idx_hbm.at[pl.ds(base, _BPW)], idx_v)

    def start_gather(ci):
        return pltpu.async_copy(
            table_hbm.at[idx_v.at[pl.ds(ci * _CH, _CH)]],
            rows_v.at[ci % _NBR],
            gsem,
        )

    gd = [None] * _NCHUNK
    ld = [None] * _NCHUNK
    wd = [None] * _NCHUNK
    for ci in range(min(_AHEAD, _NCHUNK)):
        gd[ci] = start_gather(ci)
    for ci in range(_NCHUNK):
        gd[ci].wait()
        if ci >= _NBS:
            wd[ci - _NBS].wait()
        ld[ci] = pltpu.async_copy(
            rows_v.at[ci % _NBR], sp.at[sid, ci % _NBS], lsem
        )
        ld[ci].wait()
        wd[ci] = pltpu.async_copy(
            sp.at[sid, ci % _NBS], out_hbm.at[pl.ds(base + ci * _CH, _CH)], wsem
        )
        nxt = ci + _AHEAD
        if nxt < _NCHUNK:
            gd[nxt] = start_gather(nxt)
    for ci in range(max(0, _NCHUNK - _NBS), _NCHUNK):
        wd[ci].wait()


def kernel(indices, table):
    return _sc_gather(table, indices.astype(jnp.int32))

# --- scband reference (transcript-rebuilt; emitter-appended) ---
"""Pipeline reference for scband-precomputed-embedding-backbone-75359496176023 (READ-ONLY COPY).

The authoritative reference and input builder live on the scoring server;
editing this copy changes nothing except your own understanding.
"""

import jax, jax.numpy as jnp
import numpy as np

NUM_CLASSES = 100000
EMBED_DIM = 1024
BATCH = 16384

def setup_inputs(seed: int = 0) -> dict:
    key = jax.random.key(seed)
    k1, k2 = jax.random.split(key)
    indices = jax.random.randint(k1, (BATCH,), 0, NUM_CLASSES, dtype=jnp.int64 if jax.config.jax_enable_x64 else jnp.int32)
    table = jax.random.normal(k2, (NUM_CLASSES, EMBED_DIM), dtype=jnp.float32)
    return {"indices": indices, "table": table}

def reference(indices, table):
    # Faithful translation of PrecomputedEmbeddingBackbone.forward:
    # text strings are pre-resolved to integer indices; each index gathers a
    # row from the precomputed embedding buffer. Out-of-range indices (idx < 0)
    # would map to a zero embedding; we model the in-vocabulary path, which is
    # a pure row gather over the [num_classes, embed_dim] table.
    valid = (indices >= 0) & (indices < NUM_CLASSES)
    safe_idx = jnp.where(valid, indices, 0)
    emb = jnp.take(table, safe_idx, axis=0)
    emb = jnp.where(valid[:, None], emb, jnp.zeros_like(emb))
    return emb

if __name__ == "__main__":
    import jax
    _d = setup_inputs()
    print(jax.jit(kernel)(*tuple(_d.values())))

</pallas_src>

<mosaic_0001>
#map = affine_map<(d0, d1) -> (0, 0)>
#map1 = affine_map<(d0, d1) -> (0)>
module attributes {stable_mosaic.version = 14 : i64} {
  func.func @_sc_gather(%arg0: i32, %arg1: i32, %arg2: memref<100000x1024xf32, #tpu.memory_space<hbm>>, %arg3: memref<16384xi32, #tpu.memory_space<hbm>>, %arg4: memref<16384x1024xf32, #tpu.memory_space<hbm>>, %arg5: memref<512xi32, #tpu.memory_space<vmem>>, %arg6: memref<3x16x1024xf32, #tpu.memory_space<vmem>>, %arg7: memref<16x3x16x1024xf32, #tpu.memory_space<vmem_shared>>, %arg8: memref<!tpu.dma_semaphore, #tpu.memory_space<semaphore_mem>>, %arg9: memref<!tpu.dma_semaphore, #tpu.memory_space<semaphore_mem>>, %arg10: memref<!tpu.dma_semaphore, #tpu.memory_space<semaphore_mem>>) attributes {dimension_semantics = [#tpu.dimension_semantics<core_parallel>, #tpu.dimension_semantics<subcore_parallel>], iteration_bounds = array<i64: 2, 16>, scalar_prefetch = 0 : i64, scratch_operands = 6 : i64, tpu.core_type = #tpu.core_type<sc_vector_subcore>, window_params = [{transform_indices = #map}, {transform_indices = #map1}, {transform_indices = #map}]} {
    %mul3A = arith.constant 2 : i32
    %mul3A_0 = arith.muli %arg1, %mul3A : i32
    %add3A = arith.addi %mul3A_0, %arg0 : i32
    %mul3A_1 = arith.constant 512 : i32
    %mul3A_2 = arith.muli %add3A, %mul3A_1 : i32
    "tpu.region"() ({
      %run_scoped3A = tpu.sem_alloc : memref<!tpu.dma_semaphore, #tpu.memory_space<semaphore_mem>>
      %dma_start3A_2305 = tpu.memref_slice %arg3[%mul3A_2] : memref<16384xi32, #tpu.memory_space<hbm>> -> memref<512xi32, #tpu.memory_space<hbm>>
      %dma_start3A_2306 = tpu.memref_slice %arg3[%mul3A_2] : memref<16384xi32, #tpu.memory_space<hbm>> -> memref<512xi32, #tpu.memory_space<hbm>>
      tpu.enqueue_dma source(%dma_start3A_2306 : memref<512xi32, #tpu.memory_space<hbm>>) target(%arg5 : memref<512xi32, #tpu.memory_space<vmem>>) target_semaphore(%run_scoped3A : memref<!tpu.dma_semaphore, #tpu.memory_space<semaphore_mem>>)
      %dma_wait3A_2307 = tpu.memref_slice %arg3[%mul3A_2] : memref<16384xi32, #tpu.memory_space<hbm>> -> memref<512xi32, #tpu.memory_space<hbm>>
      %dma_wait3A_2308 = tpu.memref_slice %arg3[%mul3A_2] : memref<16384xi32, #tpu.memory_space<hbm>> -> memref<512xi32, #tpu.memory_space<hbm>>
      tpu.wait_dma2 semaphore(%run_scoped3A : memref<!tpu.dma_semaphore, #tpu.memory_space<semaphore_mem>>) src(%dma_wait3A_2308 : memref<512xi32, #tpu.memory_space<hbm>>) dst(%arg5 : memref<512xi32, #tpu.memory_space<vmem>>)
      tpu.yield
    }) : () -> ()
    %dma_start3A = arith.constant 0 : i32
    %dma_start3A_3 = arith.constant 0 : i32
    %dma_start3A_4 = arith.constant 0 : i32
    %dma_start3A_5 = tpu.memref_slice %arg6[%dma_start3A, %dma_start3A_3, %dma_start3A_4] : memref<3x16x1024xf32, #tpu.memory_space<vmem>> -> memref<1x16x1024xf32, #tpu.memory_space<vmem>>
    %dma_start3A_6 = tpu.memref_squeeze %dma_start3A_5 : memref<1x16x1024xf32, #tpu.memory_space<vmem>> -> memref<16x1024xf32, #tpu.memory_space<vmem>>
    %dma_start3A_7 = arith.constant 0 : i32
    %dma_start3A_8 = tpu.memref_slice %arg5[%dma_start3A_7] : memref<512xi32, #tpu.memory_space<vmem>> -> memref<16xi32, #tpu.memory_space<vmem>>
    %dma_start3A_9 = arith.constant 0 : i32
    %dma_start3A_10 = arith.constant 0 : i32
    %dma_start3A_11 = tpu.memref_slice %arg2[%dma_start3A_9, %dma_start3A_10] : memref<100000x1024xf32, #tpu.memory_space<hbm>> -> memref<100000x1024xf32, #tpu.memory_space<hbm>>
    tpu.enqueue_indirect_dma source(%dma_start3A_11 : memref<100000x1024xf32, #tpu.memory_space<hbm>>) target(%dma_start3A_6 : memref<16x1024xf32, #tpu.memory_space<vmem>>) offsets(%dma_start3A_8 : memref<16xi32, #tpu.memory_space<vmem>>) semaphore(%arg8 : memref<!tpu.dma_semaphore, #tpu.memory_space<semaphore_mem>>)
    %dma_start3A_12 = arith.constant 1 : i32
    %dma_start3A_13 = arith.constant 0 : i32
    %dma_start3A_14 = arith.constant 0 : i32
    %dma_start3A_15 = tpu.memref_slice %arg6[%dma_start3A_12, %dma_start3A_13, %dma_start3A_14] : memref<3x16x1024xf32, #tpu.memory_space<vmem>> -> memref<1x16x1024xf32, #tpu.memory_space<vmem>>
    %dma_start3A_16 = tpu.memref_squeeze %dma_start3A_15 : memref<1x16x1024xf32, #tpu.memory_space<vmem>> -> memref<16x1024xf32, #tpu.memory_space<vmem>>
    %dma_start3A_17 = arith.constant 16 : i32
    %dma_start3A_18 = tpu.memref_slice %arg5[%dma_start3A_17] : memref<512xi32, #tpu.memory_space<vmem>> -> memref<16xi32, #tpu.memory_space<vmem>>
    %dma_start3A_19 = arith.constant 0 : i32
    %dma_start3A_20 = arith.constant 0 : i32
    %dma_start3A_21 = tpu.memref_slice %arg2[%dma_start3A_19, %dma_start3A_20] : memref<100000x1024xf32, #tpu.memory_space<hbm>> -> memref<100000x1024xf32, #tpu.memory_space<hbm>>
    tpu.enqueue_indirect_dma source(%dma_start3A_21 : memref<100000x1024xf32, #tpu.memory_space<hbm>>) target(%dma_start3A_16 : memref<16x1024xf32, #tpu.memory_space<vmem>>) offsets(%dma_start3A_18 : memref<16xi32, #tpu.memory_space<vmem>>) semaphore(%arg8 : memref<!tpu.dma_semaphore, #tpu.memory_space<semaphore_mem>>)
    %dma_start3A_22 = arith.constant 2 : i32
    %dma_start3A_23 = arith.constant 0 : i32
    %dma_start3A_24 = arith.constant 0 : i32
    %dma_start3A_25 = tpu.memref_slice %arg6[%dma_start3A_22, %dma_start3A_23, %dma_start3A_24] : memref<3x16x1024xf32, #tpu.memory_space<vmem>> -> memref<1x16x1024xf32, #tpu.memory_space<vmem>>
    %dma_start3A_26 = tpu.memref_squeeze %dma_start3A_25 : memref<1x16x1024xf32, #tpu.memory_space<vmem>> -> memref<16x1024xf32, #tpu.memory_space<vmem>>
    %dma_start3A_27 = arith.constant 32 : i32
    %dma_start3A_28 = tpu.memref_slice %arg5[%dma_start3A_27] : memref<512xi32, #tpu.memory_space<vmem>> -> memref<16xi32, #tpu.memory_space<vmem>>
    %dma_start3A_29 = arith.constant 0 : i32
    %dma_start3A_30 = arith.constant 0 : i32
    %dma_start3A_31 = tpu.memref_slice %arg2[%dma_start3A_29, %dma_start3A_30] : memref<100000x1024xf32, #tpu.memory_space<hbm>> -> memref<100000x1024xf32, #tpu.memory_space<hbm>>
    tpu.enqueue_indirect_dma source(%dma_start3A_31 : memref<100000x1024xf32, #tpu.memory_space<hbm>>) target(%dma_start3A_26 : memref<16x1024xf32, #tpu.memory_space<vmem>>) offsets(%dma_start3A_28 : memref<16xi32, #tpu.memory_space<vmem>>) semaphore(%arg8 : memref<!tpu.dma_semaphore, #tpu.memory_space<semaphore_mem>>)
    %dma_wait3A = arith.constant 0 : i32
    %dma_wait3A_32 = arith.constant 0 : i32
    %dma_wait3A_33 = arith.constant 0 : i32
    %dma_wait3A_34 = tpu.memref_slice %arg6[%dma_wait3A, %dma_wait3A_32, %dma_wait3A_33] : memref<3x16x1024xf32, #tpu.memory_space<vmem>> -> memref<1x16x1024xf32, #tpu.memory_space<vmem>>
    %dma_wait3A_35 = tpu.memref_squeeze %dma_wait3A_34 : memref<1x16x1024xf32, #tpu.memory_space<vmem>> -> memref<16x1024xf32, #tpu.memory_space<vmem>>
    %dma_wait3A_36 = arith.constant 0 : i32
    %dma_wait3A_37 = tpu.memref_slice %arg5[%dma_wait3A_36] : memref<512xi32, #tpu.memory_space<vmem>> -> memref<16xi32, #tpu.memory_space<vmem>>
    %dma_wait3A_38 = arith.constant 0 : i32
    %dma_wait3A_39 = arith.constant 0 : i32
    %dma_wait3A_40 = tpu.memref_slice %arg2[%dma_wait3A_38, %dma_wait3A_39] : memref<100000x1024xf32, #tpu.memory_space<hbm>> -> memref<100000x1024xf32, #tpu.memory_space<hbm>>
    tpu.wait_indirect_dma semaphore(%arg8 : memref<!tpu.dma_semaphore, #tpu.memory_space<semaphore_mem>>) src(%dma_wait3A_40 : memref<100000x1024xf32, #tpu.memory_space<hbm>>) dst(%dma_wait3A_35 : memref<16x1024xf32, #tpu.memory_space<vmem>>)
    %dma_start3A_41 = arith.constant 0 : i32
    %dma_start3A_42 = arith.constant 0 : i32
    %dma_start3A_43 = arith.constant 0 : i32
    %dma_start3A_44 = arith.constant 0 : i32
    %dma_start3A_45 = tpu.memref_slice %arg6[%dma_start3A_41, %dma_start3A_43, %dma_start3A_44] : memref<3x16x1024xf32, #tpu.memory_space<vmem>> -> memref<1x16x1024xf32, #tpu.memory_space<vmem>>
    %dma_start3A_46 = tpu.memref_squeeze %dma_start3A_45 : memref<1x16x1024xf32, #tpu.memory_space<vmem>> -> memref<16x1024xf32, #tpu.memory_space<vmem>>
    %dma_start3A_47 = arith.constant 0 : i32
    %dma_start3A_48 = arith.constant 0 : i32
    %dma_start3A_49 = tpu.memref_slice %arg7[%arg1, %dma_start3A_42, %dma_start3A_47, %dma_start3A_48] : memref<16x3x16x1024xf32, #tpu.memory_space<vmem_shared>> -> memref<1x1x16x1024xf32, #tpu.memory_space<vmem_shared>>
    %dma_start3A_50 = tpu.memref_squeeze %dma_start3A_49 : memref<1x1x16x1024xf32, #tpu.memory_space<vmem_shared>> -> memref<16x1024xf32, #tpu.memory_space<vmem_shared>>
    %dma_start3A_51 = arith.constant 0 : i32
    %dma_start3A_52 = arith.constant 0 : i32
    %dma_start3A_53 = tpu.memref_slice %arg7[%arg1, %dma_start3A_42, %dma_start3A_51, %dma_start3A_52] : memref<16x3x16x1024xf32, #tpu.memory_space<vmem_shared>> -> memref<1x1x16x1024xf32, #tpu.memory_space<vmem_shared>>
    %dma_start3A_54 = tpu.memref_squeeze %dma_start3A_53 : memref<1x1x16x1024xf32, #tpu.memory_space<vmem_shared>> -> memref<16x1024xf32, #tpu.memory_space<vmem_shared>>
    %dma_start3A_55 = arith.constant 0 : i32
    %dma_start3A_56 = arith.constant 0 : i32
    %dma_start3A_57 = tpu.memref_slice %arg6[%dma_start3A_41, %dma_start3A_55, %dma_start3A_56] : memref<3x16x1024xf32, #tpu.memory_space<vmem>> -> memref<1x16x1024xf32, #tpu.memory_space<vmem>>
    %dma_start3A_58 = tpu.memref_squeeze %dma_start3A_57 : memref<1x16x1024xf32, #tpu.memory_space<vmem>> -> memref<16x1024xf32, #tpu.memory_space<vmem>>
    tpu.enqueue_dma source(%dma_start3A_58 : memref<16x1024xf32, #tpu.memory_space<vmem>>) target(%dma_start3A_54 : memref<16x1024xf32, #tpu.memory_space<vmem_shared>>) target_semaphore(%arg9 : memref<!tpu.dma_semaphore, #tpu.memory_space<semaphore_mem>>)
    %dma_wait3A_59 = arith.constant 0 : i32
    %dma_wait3A_60 = arith.constant 0 : i32
    %dma_wait3A_61 = arith.constant 0 : i32
    %dma_wait3A_62 = arith.constant 0 : i32
    %dma_wait3A_63 = tpu.memref_slice %arg6[%dma_wait3A_59, %dma_wait3A_61, %dma_wait3A_62] : memref<3x16x1024xf32, #tpu.memory_space<vmem>> -> memref<1x16x1024xf32, #tpu.memory_space<vmem>>
    %dma_wait3A_64 = tpu.memref_squeeze %dma_wait3A_63 : memref<1x16x1024xf32, #tpu.memory_space<vmem>> -> memref<16x1024xf32, #tpu.memory_space<vmem>>
    %dma_wait3A_65 = arith.constant 0 : i32
    %dma_wait3A_66 = arith.constant 0 : i32
    %dma_wait3A_67 = tpu.memref_slice %arg7[%arg1, %dma_wait3A_60, %dma_wait3A_65, %dma_wait3A_66] : memref<16x3x16x1024xf32, #tpu.memory_space<vmem_shared>> -> memref<1x1x16x1024xf32, #tpu.memory_space<vmem_shared>>
    %dma_wait3A_68 = tpu.memref_squeeze %dma_wait3A_67 : memref<1x1x16x1024xf32, #tpu.memory_space<vmem_shared>> -> memref<16x1024xf32, #tpu.memory_space<vmem_shared>>
    %dma_wait3A_69 = arith.constant 0 : i32
    %dma_wait3A_70 = arith.constant 0 : i32
    %dma_wait3A_71 = tpu.memref_slice %arg7[%arg1, %dma_wait3A_60, %dma_wait3A_69, %dma_wait3A_70] : memref<16x3x16x1024xf32, #tpu.memory_space<vmem_shared>> -> memref<1x1x16x1024xf32, #tpu.memory_space<vmem_shared>>
    %dma_wait3A_72 = tpu.memref_squeeze %dma_wait3A_71 : memref<1x1x16x1024xf32, #tpu.memory_space<vmem_shared>> -> memref<16x1024xf32, #tpu.memory_space<vmem_shared>>
    %dma_wait3A_73 = arith.constant 0 : i32
    %dma_wait3A_74 = arith.constant 0 : i32
    %dma_wait3A_75 = tpu.memref_slice %arg6[%dma_wait3A_59, %dma_wait3A_73, %dma_wait3A_74] : memref<3x16x1024xf32, #tpu.memory_space<vmem>> -> memref<1x16x1024xf32, #tpu.memory_space<vmem>>
    %dma_wait3A_76 = tpu.memref_squeeze %dma_wait3A_75 : memref<1x16x1024xf32, #tpu.memory_space<vmem>> -> memref<16x1024xf32, #tpu.memory_space<vmem>>
    tpu.wait_dma2 semaphore(%arg9 : memref<!tpu.dma_semaphore, #tpu.memory_space<semaphore_mem>>) src(%dma_wait3A_76 : memref<16x1024xf32, #tpu.memory_space<vmem>>) dst(%dma_wait3A_72 : memref<16x1024xf32, #tpu.memory_space<vmem_shared>>)
    %add3A_77 = arith.constant 0 : i32
    %add3A_78 = arith.addi %mul3A_2, %add3A_77 : i32
    %dma_start3A_79 = arith.constant 0 : i32
    %dma_start3A_80 = arith.constant 0 : i32
    %dma_start3A_81 = tpu.memref_slice %arg4[%add3A_78, %dma_start3A_80] : memref<16384x1024xf32, #tpu.memory_space<hbm>> -> memref<16x1024xf32, #tpu.memory_space<hbm>>
    %dma_start3A_82 = arith.constant 0 : i32
    %dma_start3A_83 = arith.constant 0 : i32
    %dma_start3A_84 = tpu.memref_slice %arg7[%arg1, %dma_start3A_79, %dma_start3A_82, %dma_start3A_83] : memref<16x3x16x1024xf32, #tpu.memory_space<vmem_shared>> -> memref<1x1x16x1024xf32, #tpu.memory_space<vmem_shared>>
    %dma_start3A_85 = tpu.memref_squeeze %dma_start3A_84 : memref<1x1x16x1024xf32, #tpu.memory_space<vmem_shared>> -> memref<16x1024xf32, #tpu.memory_space<vmem_shared>>
    tpu.enqueue_dma source(%dma_start3A_85 : memref<16x1024xf32, #tpu.memory_space<vmem_shared>>) target(%dma_start3A_81 : memref<16x1024xf32, #tpu.memory_space<hbm>>) target_semaphore(%arg10 : memref<!tpu.dma_semaphore, #tpu.memory_space<semaphore_mem>>)
    %dma_start3A_86 = arith.constant 0 : i32
    %dma_start3A_87 = arith.constant 0 : i32
    %dma_start3A_88 = arith.constant 0 : i32
    %dma_start3A_89 = tpu.memref_slice %arg6[%dma_start3A_86, %dma_start3A_87, %dma_start3A_88] : memref<3x16x1024xf32, #tpu.memory_space<vmem>> -> memref<1x16x1024xf32, #tpu.memory_space<vmem>>
    %dma_start3A_90 = tpu.memref_squeeze %dma_start3A_89 : memref<1x16x1024xf32, #tpu.memory_space<vmem>> -> memref<16x1024xf32, #tpu.memory_space<vmem>>
    %dma_start3A_91 = arith.constant 48 : i32
    %dma_start3A_92 = tpu.memref_slice %arg5[%dma_start3A_91] : memref<512xi32, #tpu.memory_space<vmem>> -> memref<16xi32, #tpu.memory_space<vmem>>
    %dma_start3A_93 = arith.constant 0 : i32
    %dma_start3A_94 = arith.constant 0 : i32
    %dma_start3A_95 = tpu.memref_slice %arg2[%dma_start3A_93, %dma_start3A_94] : memref<100000x1024xf32, #tpu.memory_space<hbm>> -> memref<100000x1024xf32, #tpu.memory_space<hbm>>
    tpu.enqueue_indirect_dma source(%dma_start3A_95 : memref<100000x1024xf32, #tpu.memory_space<hbm>>) target(%dma_start3A_90 : memref<16x1024xf32, #tpu.memory_space<vmem>>) offsets(%dma_start3A_92 : memref<16xi32, #tpu.memory_space<vmem>>) semaphore(%arg8 : memref<!tpu.dma_semaphore, #tpu.memory_space<semaphore_mem>>)
    %dma_wait3A_96 = arith.constant 1 : i32
    %dma_wait3A_97 = arith.constant 0 : i32
    %dma_wait3A_98 = arith.constant 0 : i32
    %dma_wait3A_99 = tpu.memref_slice %arg6[%dma_wait3A_96, %dma_wait3A_97, %dma_wait3A_98] : memref<3x16x1024xf32, #tpu.memory_space<vmem>> -> memref<1x16x1024xf32, #tpu.memory_space<vmem>>
    %dma_wait3A_100 = tpu.memref_squeeze %dma_wait3A_99 : memref<1x16x1024xf32, #tpu.memory_space<vmem>> -> memref<16x1024xf32, #tpu.memory_space<vmem>>
    %dma_wait3A_101 = arith.constant 16 : i32
    %dma_wait3A_102 = tpu.memref_slice %arg5[%dma_wait3A_101] : memref<512xi32, #tpu.memory_space<vmem>> -> memref<16xi32, #tpu.memory_space<vmem>>
    %dma_wait3A_103 = arith.constant 0 : i32
    %dma_wait3A_104 = arith.constant 0 : i32
    %dma_wait3A_105 = tpu.memref_slice %arg2[%dma_wait3A_103, %dma_wait3A_104] : memref<100000x1024xf32, #tpu.memory_space<hbm>> -> memref<100000x1024xf32, #tpu.memory_space<hbm>>
    tpu.wait_indirect_dma semaphore(%arg8 : memref<!tpu.dma_semaphore, #tpu.memory_space<semaphore_mem>>) src(%dma_wait3A_105 : memref<100000x1024xf32, #tpu.memory_space<hbm>>) dst(%dma_wait3A_100 : memref<16x1024xf32, #tpu.memory_space<vmem>>)
    %dma_start3A_106 = arith.constant 1 : i32
    %dma_start3A_107 = arith.constant 1 : i32
    %dma_start3A_108 = arith.constant 0 : i32
    %dma_start3A_109 = arith.constant 0 : i32
    %dma_start3A_110 = tpu.memref_slice %arg6[%dma_start3A_106, %dma_start3A_108, %dma_start3A_109] : memref<3x16x1024xf32, #tpu.memory_space<vmem>> -> memref<1x16x1024xf32, #tpu.memory_space<vmem>>
    %dma_start3A_111 = tpu.memref_squeeze %dma_start3A_110 : memref<1x16x1024xf32, #tpu.memory_space<vmem>> -> memref<16x1024xf32, #tpu.memory_space<vmem>>
    %dma_start3A_112 = arith.constant 0 : i32
    %dma_start3A_113 = arith.constant 0 : i32
    %dma_start3A_114 = tpu.memref_slice %arg7[%arg1, %dma_start3A_107, %dma_start3A_112, %dma_start3A_113] : memref<16x3x16x1024xf32, #tpu.memory_space<vmem_shared>> -> memref<1x1x16x1024xf32, #tpu.memory_space<vmem_shared>>
    %dma_start3A_115 = tpu.memref_squeeze %dma_start3A_114 : memref<1x1x16x1024xf32, #tpu.memory_space<vmem_shared>> -> memref<16x1024xf32, #tpu.memory_space<vmem_shared>>
    %dma_start3A_116 = arith.constant 0 : i32
    %dma_start3A_117 = arith.constant 0 : i32
    %dma_start3A_118 = tpu.memref_slice %arg7[%arg1, %dma_start3A_107, %dma_start3A_116, %dma_start3A_117] : memref<16x3x16x1024xf32, #tpu.memory_space<vmem_shared>> -> memref<1x1x16x1024xf32, #tpu.memory_space<vmem_shared>>
    %dma_start3A_119 = tpu.memref_squeeze %dma_start3A_118 : memref<1x1x16x1024xf32, #tpu.memory_space<vmem_shared>> -> memref<16x1024xf32, #tpu.memory_space<vmem_shared>>
    %dma_start3A_120 = arith.constant 0 : i32
    %dma_start3A_121 = arith.constant 0 : i32
    %dma_start3A_122 = tpu.memref_slice %arg6[%dma_start3A_106, %dma_start3A_120, %dma_start3A_121] : memref<3x16x1024xf32, #tpu.memory_space<vmem>> -> memref<1x16x1024xf32, #tpu.memory_space<vmem>>
    %dma_start3A_123 = tpu.memref_squeeze %dma_start3A_122 : memref<1x16x1024xf32, #tpu.memory_space<vmem>> -> memref<16x1024xf32, #tpu.memory_space<vmem>>
    tpu.enqueue_dma source(%dma_start3A_123 : memref<16x1024xf32, #tpu.memory_space<vmem>>) target(%dma_start3A_119 : memref<16x1024xf32, #tpu.memory_space<vmem_shared>>) target_semaphore(%arg9 : memref<!tpu.dma_semaphore, #tpu.memory_space<semaphore_mem>>)
    %dma_wait3A_124 = arith.constant 1 : i32
    %dma_wait3A_125 = arith.constant 1 : i32
    %dma_wait3A_126 = arith.constant 0 : i32
    %dma_wait3A_127 = arith.constant 0 : i32
    %dma_wait3A_128 = tpu.memref_slice %arg6[%dma_wait3A_124, %dma_wait3A_126, %dma_wait3A_127] : memref<3x16x1024xf32, #tpu.memory_space<vmem>> -> memref<1x16x1024xf32, #tpu.memory_space<vmem>>
    %dma_wait3A_129 = tpu.memref_squeeze %dma_wait3A_128 : memref<1x16x1024xf32, #tpu.memory_space<vmem>> -> memref<16x1024xf32, #tpu.memory_space<vmem>>
    %dma_wait3A_130 = arith.constant 0 : i32
    %dma_wait3A_131 = arith.constant 0 : i32
    %dma_wait3A_132 = tpu.memref_slice %arg7[%arg1, %dma_wait3A_125, %dma_wait3A_130, %dma_wait3A_131] : memref<16x3x16x1024xf32, #tpu.memory_space<vmem_shared>> -> memref<1x1x16x1024xf32, #tpu.memory_space<vmem_shared>>
    %dma_wait3A_133 = tpu.memref_squeeze %dma_wait3A_132 : memref<1x1x16x1024xf32, #tpu.memory_space<vmem_shared>> -> memref<16x1024xf32, #tpu.memory_space<vmem_shared>>
    %dma_wait3A_134 = arith.constant 0 : i32
    %dma_wait3A_135 = arith.constant 0 : i32
    %dma_wait3A_136 = tpu.memref_slice %arg7[%arg1, %dma_wait3A_125, %dma_wait3A_134, %dma_wait3A_135] : memref<16x3x16x1024xf32, #tpu.memory_space<vmem_shared>> -> memref<1x1x16x1024xf32, #tpu.memory_space<vmem_shared>>
    %dma_wait3A_137 = tpu.memref_squeeze %dma_wait3A_136 : memref<1x1x16x1024xf32, #tpu.memory_space<vmem_shared>> -> memref<16x1024xf32, #tpu.memory_space<vmem_shared>>
    %dma_wait3A_138 = arith.constant 0 : i32
    %dma_wait3A_139 = arith.constant 0 : i32
    %dma_wait3A_140 = tpu.memref_slice %arg6[%dma_wait3A_124, %dma_wait3A_138, %dma_wait3A_139] : memref<3x16x1024xf32, #tpu.memory_space<vmem>> -> memref<1x16x1024xf32, #tpu.memory_space<vmem>>
    %dma_wait3A_141 = tpu.memref_squeeze %dma_wait3A_140 : memref<1x16x1024xf32, #tpu.memory_space<vmem>> -> memref<16x1024xf32, #tpu.memory_space<vmem>>
    tpu.wait_dma2 semaphore(%arg9 : memref<!tpu.dma_semaphore, #tpu.memory_space<semaphore_mem>>) src(%dma_wait3A_141 : memref<16x1024xf32, #tpu.memory_space<vmem>>) dst(%dma_wait3A_137 : memref<16x1024xf32, #tpu.memory_space<vmem_shared>>)
    %add3A_142 = arith.constant 16 : i32
    %add3A_143 = arith.addi %mul3A_2, %add3A_142 : i32
    %dma_start3A_144 = arith.constant 1 : i32
    %dma_start3A_145 = arith.constant 0 : i32
    %dma_start3A_146 = tpu.memref_slice %arg4[%add3A_143, %dma_start3A_145] : memref<16384x1024xf32, #tpu.memory_space<hbm>> -> memref<16x1024xf32, #tpu.memory_space<hbm>>
    %dma_start3A_147 = arith.constant 0 : i32
    %dma_start3A_148 = arith.constant 0 : i32
    %dma_start3A_149 = tpu.memref_slice %arg7[%arg1, %dma_start3A_144, %dma_start3A_147, %dma_start3A_148] : memref<16x3x16x1024xf32, #tpu.memory_space<vmem_shared>> -> memref<1x1x16x1024xf32, #tpu.memory_space<vmem_shared>>
    %dma_start3A_150 = tpu.memref_squeeze %dma_start3A_149 : memref<1x1x16x1024xf32, #tpu.memory_space<vmem_shared>> -> memref<16x1024xf32, #tpu.memory_space<vmem_shared>>
    tpu.enqueue_dma source(%dma_start3A_150 : memref<16x1024xf32, #tpu.memory_space<vmem_shared>>) target(%dma_start3A_146 : memref<16x1024xf32, #tpu.memory_space<hbm>>) target_semaphore(%arg10 : memref<!tpu.dma_semaphore, #tpu.memory_space<semaphore_mem>>)
    %dma_start3A_151 = arith.constant 1 : i32
    %dma_start3A_152 = arith.constant 0 : i32
    %dma_start3A_153 = arith.constant 0 : i32
    %dma_start3A_154 = tpu.memref_slice %arg6[%dma_start3A_151, %dma_start3A_152, %dma_start3A_153] : memref<3x16x1024xf32, #tpu.memory_space<vmem>> -> memref<1x16x1024xf32, #tpu.memory_space<vmem>>
    %dma_start3A_155 = tpu.memref_squeeze %dma_start3A_154 : memref<1x16x1024xf32, #tpu.memory_space<vmem>> -> memref<16x1024xf32, #tpu.memory_space<vmem>>
    %dma_start3A_156 = arith.constant 64 : i32
    %dma_start3A_157 = tpu.memref_slice %arg5[%dma_start3A_156] : memref<512xi32, #tpu.memory_space<vmem>> -> memref<16xi32, #tpu.memory_space<vmem>>
    %dma_start3A_158 = arith.constant 0 : i32
    %dma_start3A_159 = arith.constant 0 : i32
    %dma_start3A_160 = tpu.memref_slice %arg2[%dma_start3A_158, %dma_start3A_159] : memref<100000x1024xf32, #tpu.memory_space<hbm>> -> memref<100000x1024xf32, #tpu.memory_space<hbm>>
    tpu.enqueue_indirect_dma source(%dma_start3A_160 : memref<100000x1024xf32, #tpu.memory_space<hbm>>) target(%dma_start3A_155 : memref<16x1024xf32, #tpu.memory_space<vmem>>) offsets(%dma_start3A_157 : memref<16xi32, #tpu.memory_space<vmem>>) semaphore(%arg8 : memref<!tpu.dma_semaphore, #tpu.memory_space<semaphore_mem>>)
    %dma_wait3A_161 = arith.constant 2 : i32
    %dma_wait3A_162 = arith.constant 0 : i32
    %dma_wait3A_163 = arith.constant 0 : i32
    %dma_wait3A_164 = tpu.memref_slice %arg6[%dma_wait3A_161, %dma_wait3A_162, %dma_wait3A_163] : memref<3x16x1024xf32, #tpu.memory_space<vmem>> -> memref<1x16x1024xf32, #tpu.memory_space<vmem>>
    %dma_wait3A_165 = tpu.memref_squeeze %dma_wait3A_164 : memref<1x16x1024xf32, #tpu.memory_space<vmem>> -> memref<16x1024xf32, #tpu.memory_space<vmem>>
    %dma_wait3A_166 = arith.constant 32 : i32
    %dma_wait3A_167 = tpu.memref_slice %arg5[%dma_wait3A_166] : memref<512xi32, #tpu.memory_space<vmem>> -> memref<16xi32, #tpu.memory_space<vmem>>
    %dma_wait3A_168 = arith.constant 0 : i32
    %dma_wait3A_169 = arith.constant 0 : i32
    %dma_wait3A_170 = tpu.memref_slice %arg2[%dma_wait3A_168, %dma_wait3A_169] : memref<100000x1024xf32, #tpu.memory_space<hbm>> -> memref<100000x1024xf32, #tpu.memory_space<hbm>>
    tpu.wait_indirect_dma semaphore(%arg8 : memref<!tpu.dma_semaphore, #tpu.memory_space<semaphore_mem>>) src(%dma_wait3A_170 : memref<100000x1024xf32, #tpu.memory_space<hbm>>) dst(%dma_wait3A_165 : memref<16x1024xf32, #tpu.memory_space<vmem>>)
    %dma_start3A_171 = arith.constant 2 : i32
    %dma_start3A_172 = arith.constant 2 : i32
    %dma_start3A_173 = arith.constant 0 : i32
    %dma_start3A_174 = arith.constant 0 : i32
    %dma_start3A_175 = tpu.memref_slice %arg6[%dma_start3A_171, %dma_start3A_173, %dma_start3A_174] : memref<3x16x1024xf32, #tpu.memory_space<vmem>> -> memref<1x16x1024xf32, #tpu.memory_space<vmem>>
    %dma_start3A_176 = tpu.memref_squeeze %dma_start3A_175 : memref<1x16x1024xf32, #tpu.memory_space<vmem>> -> memref<16x1024xf32, #tpu.memory_space<vmem>>
    %dma_start3A_177 = arith.constant 0 : i32
    %dma_start3A_178 = arith.constant 0 : i32
    %dma_start3A_179 = tpu.memref_slice %arg7[%arg1, %dma_start3A_172, %dma_start3A_177, %dma_start3A_178] : memref<16x3x16x1024xf32, #tpu.memory_space<vmem_shared>> -> memref<1x1x16x1024xf32, #tpu.memory_space<vmem_shared>>
    %dma_start3A_180 = tpu.memref_squeeze %dma_start3A_179 : memref<1x1x16x1024xf32, #tpu.memory_space<vmem_shared>> -> memref<16x1024xf32, #tpu.memory_space<vmem_shared>>
    %dma_start3A_181 = arith.constant 0 : i32
    %dma_start3A_182 = arith.constant 0 : i32
    %dma_start3A_183 = tpu.memref_slice %arg7[%arg1, %dma_start3A_172, %dma_start3A_181, %dma_start3A_182] : memref<16x3x16x1024xf32, #tpu.memory_space<vmem_shared>> -> memref<1x1x16x1024xf32, #tpu.memory_space<vmem_shared>>
    %dma_start3A_184 = tpu.memref_squeeze %dma_start3A_183 : memref<1x1x16x1024xf32, #tpu.memory_space<vmem_shared>> -> memref<16x1024xf32, #tpu.memory_space<vmem_shared>>
    %dma_start3A_185 = arith.constant 0 : i32
    %dma_start3A_186 = arith.constant 0 : i32
    %dma_start3A_187 = tpu.memref_slice %arg6[%dma_start3A_171, %dma_start3A_185, %dma_start3A_186] : memref<3x16x1024xf32, #tpu.memory_space<vmem>> -> memref<1x16x1024xf32, #tpu.memory_space<vmem>>
    %dma_start3A_188 = tpu.memref_squeeze %dma_start3A_187 : memref<1x16x1024xf32, #tpu.memory_space<vmem>> -> memref<16x1024xf32, #tpu.memory_space<vmem>>
    tpu.enqueue_dma source(%dma_start3A_188 : memref<16x1024xf32, #tpu.memory_space<vmem>>) target(%dma_start3A_184 : memref<16x1024xf32, #tpu.memory_space<vmem_shared>>) target_semaphore(%arg9 : memref<!tpu.dma_semaphore, #tpu.memory_space<semaphore_mem>>)
    %dma_wait3A_189 = arith.constant 2 : i32
    %dma_wait3A_190 = arith.constant 2 : i32
    %dma_wait3A_191 = arith.constant 0 : i32
    %dma_wait3A_192 = arith.constant 0 : i32
    %dma_wait3A_193 = tpu.memref_slice %arg6[%dma_wait3A_189, %dma_wait3A_191, %dma_wait3A_192] : memref<3x16x1024xf32, #tpu.memory_space<vmem>> -> memref<1x16x1024xf32, #tpu.memory_space<vmem>>
    %dma_wait3A_194 = tpu.memref_squeeze %dma_wait3A_193 : memref<1x16x1024xf32, #tpu.memory_space<vmem>> -> memref<16x1024xf32, #tpu.memory_space<vmem>>
    %dma_wait3A_195 = arith.constant 0 : i32
    %dma_wait3A_196 = arith.constant 0 : i32
    %dma_wait3A_197 = tpu.memref_slice %arg7[%arg1, %dma_wait3A_190, %dma_wait3A_195, %dma_wait3A_196] : memref<16x3x16x1024xf32, #tpu.memory_space<vmem_shared>> -> memref<1x1x16x1024xf32, #tpu.memory_space<vmem_shared>>
    %dma_wait3A_198 = tpu.memref_squeeze %dma_wait3A_197 : memref<1x1x16x1024xf32, #tpu.memory_space<vmem_shared>> -> memref<16x1024xf32, #tpu.memory_space<vmem_shared>>
    %dma_wait3A_199 = arith.constant 0 : i32
    %dma_wait3A_200 = arith.constant 0 : i32
    %dma_wait3A_201 = tpu.memref_slice %arg7[%arg1, %dma_wait3A_190, %dma_wait3A_199, %dma_wait3A_200] : memref<16x3x16x1024xf32, #tpu.memory_space<vmem_shared>> -> memref<1x1x16x1024xf32, #tpu.memory_space<vmem_shared>>
    %dma_wait3A_202 = tpu.memref_squeeze %dma_wait3A_201 : memref<1x1x16x1024xf32, #tpu.memory_space<vmem_shared>> -> memref<16x1024xf32, #tpu.memory_space<vmem_shared>>
    %dma_wait3A_203 = arith.constant 0 : i32
    %dma_wait3A_204 = arith.constant 0 : i32
    %dma_wait3A_205 = tpu.memref_slice %arg6[%dma_wait3A_189, %dma_wait3A_203, %dma_wait3A_204] : memref<3x16x1024xf32, #tpu.memory_space<vmem>> -> memref<1x16x1024xf32, #tpu.memory_space<vmem>>
    %dma_wait3A_206 = tpu.memref_squeeze %dma_wait3A_205 : memref<1x16x1024xf32, #tpu.memory_space<vmem>> -> memref<16x1024xf32, #tpu.memory_space<vmem>>
    tpu.wait_dma2 semaphore(%arg9 : memref<!tpu.dma_semaphore, #tpu.memory_space<semaphore_mem>>) src(%dma_wait3A_206 : memref<16x1024xf32, #tpu.memory_space<vmem>>) dst(%dma_wait3A_202 : memref<16x1024xf32, #tpu.memory_space<vmem_shared>>)
    %add3A_207 = arith.constant 32 : i32
    %add3A_208 = arith.addi %mul3A_2, %add3A_207 : i32
    %dma_start3A_209 = arith.constant 2 : i32
    %dma_start3A_210 = arith.constant 0 : i32
    %dma_start3A_211 = tpu.memref_slice %arg4[%add3A_208, %dma_start3A_210] : memref<16384x1024xf32, #tpu.memory_space<hbm>> -> memref<16x1024xf32, #tpu.memory_space<hbm>>
    %dma_start3A_212 = arith.constant 0 : i32
    %dma_start3A_213 = arith.constant 0 : i32
    %dma_start3A_214 = tpu.memref_slice %arg7[%arg1, %dma_start3A_209, %dma_start3A_212, %dma_start3A_213] : memref<16x3x16x1024xf32, #tpu.memory_space<vmem_shared>> -> memref<1x1x16x1024xf32, #tpu.memory_space<vmem_shared>>
    %dma_start3A_215 = tpu.memref_squeeze %dma_start3A_214 : memref<1x1x16x1024xf32, #tpu.memory_space<vmem_shared>> -> memref<16x1024xf32, #tpu.memory_space<vmem_shared>>
    tpu.enqueue_dma source(%dma_start3A_215 : memref<16x1024xf32, #tpu.memory_space<vmem_shared>>) target(%dma_start3A_211 : memref<16x1024xf32, #tpu.memory_space<hbm>>) target_semaphore(%arg10 : memref<!tpu.dma_semaphore, #tpu.memory_space<semaphore_mem>>)
    %dma_start3A_216 = arith.constant 2 : i32
    %dma_start3A_217 = arith.constant 0 : i32
    %dma_start3A_218 = arith.constant 0 : i32
    %dma_start3A_219 = tpu.memref_slice %arg6[%dma_start3A_216, %dma_start3A_217, %dma_start3A_218] : memref<3x16x1024xf32, #tpu.memory_space<vmem>> -> memref<1x16x1024xf32, #tpu.memory_space<vmem>>
    %dma_start3A_220 = tpu.memref_squeeze %dma_start3A_219 : memref<1x16x1024xf32, #tpu.memory_space<vmem>> -> memref<16x1024xf32, #tpu.memory_space<vmem>>
    %dma_start3A_221 = arith.constant 80 : i32
    %dma_start3A_222 = tpu.memref_slice %arg5[%dma_start3A_221] : memref<512xi32, #tpu.memory_space<vmem>> -> memref<16xi32, #tpu.memory_space<vmem>>
    %dma_start3A_223 = arith.constant 0 : i32
    %dma_start3A_224 = arith.constant 0 : i32
    %dma_start3A_225 = tpu.memref_slice %arg2[%dma_start3A_223, %dma_start3A_224] : memref<100000x1024xf32, #tpu.memory_space<hbm>> -> memref<100000x1024xf32, #tpu.memory_space<hbm>>
    tpu.enqueue_indirect_dma source(%dma_start3A_225 : memref<100000x1024xf32, #tpu.memory_space<hbm>>) target(%dma_start3A_220 : memref<16x1024xf32, #tpu.memory_space<vmem>>) offsets(%dma_start3A_222 : memref<16xi32, #tpu.memory_space<vmem>>) semaphore(%arg8 : memref<!tpu.dma_semaphore, #tpu.memory_space<semaphore_mem>>)
    %dma_wait3A_226 = arith.constant 0 : i32
    %dma_wait3A_227 = arith.constant 0 : i32
    %dma_wait3A_228 = arith.constant 0 : i32
    %dma_wait3A_229 = tpu.memref_slice %arg6[%dma_wait3A_226, %dma_wait3A_227, %dma_wait3A_228] : memref<3x16x1024xf32, #tpu.memory_space<vmem>> -> memref<1x16x1024xf32, #tpu.memory_space<vmem>>
    %dma_wait3A_230 = tpu.memref_squeeze %dma_wait3A_229 : memref<1x16x1024xf32, #tpu.memory_space<vmem>> -> memref<16x1024xf32, #tpu.memory_space<vmem>>
    %dma_wait3A_231 = arith.constant 48 : i32
    %dma_wait3A_232 = tpu.memref_slice %arg5[%dma_wait3A_231] : memref<512xi32, #tpu.memory_space<vmem>> -> memref<16xi32, #tpu.memory_space<vmem>>
    %dma_wait3A_233 = arith.constant 0 : i32
    %dma_wait3A_234 = arith.constant 0 : i32
    %dma_wait3A_235 = tpu.memref_slice %arg2[%dma_wait3A_233, %dma_wait3A_234] : memref<100000x1024xf32, #tpu.memory_space<hbm>> -> memref<100000x1024xf32, #tpu.memory_space<hbm>>
    tpu.wait_indirect_dma semaphore(%arg8 : memref<!tpu.dma_semaphore, #tpu.memory_space<semaphore_mem>>) src(%dma_wait3A_235 : memref<100000x1024xf32, #tpu.memory_space<hbm>>) dst(%dma_wait3A_230 : memref<16x1024xf32, #tpu.memory_space<vmem>>)
    %dma_wait3A_236 = arith.constant 0 : i32
    %dma_wait3A_237 = arith.constant 0 : i32
    %dma_wait3A_238 = tpu.memref_slice %arg4[%add3A_78, %dma_wait3A_237] : memref<16384x1024xf32, #tpu.memory_space<hbm>> -> memref<16x1024xf32, #tpu.memory_space<hbm>>
    %dma_wait3A_239 = arith.constant 0 : i32
    %dma_wait3A_240 = arith.constant 0 : i32
    %dma_wait3A_241 = tpu.memref_slice %arg7[%arg1, %dma_wait3A_236, %dma_wait3A_239, %dma_wait3A_240] : memref<16x3x16x1024xf32, #tpu.memory_space<vmem_shared>> -> memref<1x1x16x1024xf32, #tpu.memory_space<vmem_shared>>
    %dma_wait3A_242 = tpu.memref_squeeze %dma_wait3A_241 : memref<1x1x16x1024xf32, #tpu.memory_space<vmem_shared>> -> memref<16x1024xf32, #tpu.memory_space<vmem_shared>>
    tpu.wait_dma2 semaphore(%arg10 : memref<!tpu.dma_semaphore, #tpu.memory_space<semaphore_mem>>) src(%dma_wait3A_242 : memref<16x1024xf32, #tpu.memory_space<vmem_shared>>) dst(%dma_wait3A_238 : memref<16x1024xf32, #tpu.memory_space<hbm>>)
    %dma_start3A_243 = arith.constant 0 : i32
    %dma_start3A_244 = arith.constant 0 : i32
    %dma_start3A_245 = arith.constant 0 : i32
    %dma_start3A_246 = arith.constant 0 : i32
    %dma_start3A_247 = tpu.memref_slice %arg6[%dma_start3A_243, %dma_start3A_245, %dma_start3A_246] : memref<3x16x1024xf32, #tpu.memory_space<vmem>> -> memref<1x16x1024xf32, #tpu.memory_space<vmem>>
    %dma_start3A_248 = tpu.memref_squeeze %dma_start3A_247 : memref<1x16x1024xf32, #tpu.memory_space<vmem>> -> memref<16x1024xf32, #tpu.memory_space<vmem>>
    %dma_start3A_249 = arith.constant 0 : i32
    %dma_start3A_250 = arith.constant 0 : i32
    %dma_start3A_251 = tpu.memref_slice %arg7[%arg1, %dma_start3A_244, %dma_start3A_249, %dma_start3A_250] : memref<16x3x16x1024xf32, #tpu.memory_space<vmem_shared>> -> memref<1x1x16x1024xf32, #tpu.memory_space<vmem_shared>>
    %dma_start3A_252 = tpu.memref_squeeze %dma_start3A_251 : memref<1x1x16x1024xf32, #tpu.memory_space<vmem_shared>> -> memref<16x1024xf32, #tpu.memory_space<vmem_shared>>
    %dma_start3A_253 = arith.constant 0 : i32
    %dma_start3A_254 = arith.constant 0 : i32
    %dma_start3A_255 = tpu.memref_slice %arg7[%arg1, %dma_start3A_244, %dma_start3A_253, %dma_start3A_254] : memref<16x3x16x1024xf32, #tpu.memory_space<vmem_shared>> -> memref<1x1x16x1024xf32, #tpu.memory_space<vmem_shared>>
    %dma_start3A_256 = tpu.memref_squeeze %dma_start3A_255 : memref<1x1x16x1024xf32, #tpu.memory_space<vmem_shared>> -> memref<16x1024xf32, #tpu.memory_space<vmem_shared>>
    %dma_start3A_257 = arith.constant 0 : i32
    %dma_start3A_258 = arith.constant 0 : i32
    %dma_start3A_259 = tpu.memref_slice %arg6[%dma_start3A_243, %dma_start3A_257, %dma_start3A_258] : memref<3x16x1024xf32, #tpu.memory_space<vmem>> -> memref<1x16x1024xf32, #tpu.memory_space<vmem>>
    %dma_start3A_260 = tpu.memref_squeeze %dma_start3A_259 : memref<1x16x1024xf32, #tpu.memory_space<vmem>> -> memref<16x1024xf32, #tpu.memory_space<vmem>>
    tpu.enqueue_dma source(%dma_start3A_260 : memref<16x1024xf32, #tpu.memory_space<vmem>>) target(%dma_start3A_256 : memref<16x1024xf32, #tpu.memory_space<vmem_shared>>) target_semaphore(%arg9 : memref<!tpu.dma_semaphore, #tpu.memory_space<semaphore_mem>>)
    %dma_wait3A_261 = arith.constant 0 : i32
    %dma_wait3A_262 = arith.constant 0 : i32
    %dma_wait3A_263 = arith.constant 0 : i32
    %dma_wait3A_264 = arith.constant 0 : i32
    %dma_wait3A_265 = tpu.memref_slice %arg6[%dma_wait3A_261, %dma_wait3A_263, %dma_wait3A_264] : memref<3x16x1024xf32, #tpu.memory_space<vmem>> -> memref<1x16x1024xf32, #tpu.memory_space<vmem>>
    %dma_wait3A_266 = tpu.memref_squeeze %dma_wait3A_265 : memref<1x16x1024xf32, #tpu.memory_space<vmem>> -> memref<16x1024xf32, #tpu.memory_space<vmem>>
    %dma_wait3A_267 = arith.constant 0 : i32
    %dma_wait3A_268 = arith.constant 0 : i32
    %dma_wait3A_269 = tpu.memref_slice %arg7[%arg1, %dma_wait3A_262, %dma_wait3A_267, %dma_wait3A_268] : memref<16x3x16x1024xf32, #tpu.memory_space<vmem_shared>> -> memref<1x1x16x1024xf32, #tpu.memory_space<vmem_shared>>
    %dma_wait3A_270 = tpu.memref_squeeze %dma_wait3A_269 : memref<1x1x16x1024xf32, #tpu.memory_space<vmem_shared>> -> memref<16x1024xf32, #tpu.memory_space<vmem_shared>>
    %dma_wait3A_271 = arith.constant 0 : i32
    %dma_wait3A_272 = arith.constant 0 : i32
    %dma_wait3A_273 = tpu.memref_slice %arg7[%arg1, %dma_wait3A_262, %dma_wait3A_271, %dma_wait3A_272] : memref<16x3x16x1024xf32, #tpu.memory_space<vmem_shared>> -> memref<1x1x16x1024xf32, #tpu.memory_space<vmem_shared>>
    %dma_wait3A_274 = tpu.memref_squeeze %dma_wait3A_273 : memref<1x1x16x1024xf32, #tpu.memory_space<vmem_shared>> -> memref<16x1024xf32, #tpu.memory_space<vmem_shared>>
    %dma_wait3A_275 = arith.constant 0 : i32
    %dma_wait3A_276 = arith.constant 0 : i32
    %dma_wait3A_277 = tpu.memref_slice %arg6[%dma_wait3A_261, %dma_wait3A_275, %dma_wait3A_276] : memref<3x16x1024xf32, #tpu.memory_space<vmem>> -> memref<1x16x1024xf32, #tpu.memory_space<vmem>>
    %dma_wait3A_278 = tpu.memref_squeeze %dma_wait3A_277 : memref<1x16x1024xf32, #tpu.memory_space<vmem>> -> memref<16x1024xf32, #tpu.memory_space<vmem>>
    tpu.wait_dma2 semaphore(%arg9 : memref<!tpu.dma_semaphore, #tpu.memory_space<semaphore_mem>>) src(%dma_wait3A_278 : memref<16x1024xf32, #tpu.memory_space<vmem>>) dst(%dma_wait3A_274 : memref<16x1024xf32, #tpu.memory_space<vmem_shared>>)
    %add3A_279 = arith.constant 48 : i32
    %add3A_280 = arith.addi %mul3A_2, %add3A_279 : i32
    %dma_start3A_281 = arith.constant 0 : i32
    %dma_start3A_282 = arith.constant 0 : i32
    %dma_start3A_283 = tpu.memref_slice %arg4[%add3A_280, %dma_start3A_282] : memref<16384x1024xf32, #tpu.memory_space<hbm>> -> memref<16x1024xf32, #tpu.memory_space<hbm>>
    %dma_start3A_284 = arith.constant 0 : i32
    %dma_start3A_285 = arith.constant 0 : i32
    %dma_start3A_286 = tpu.memref_slice %arg7[%arg1, %dma_start3A_281, %dma_start3A_284, %dma_start3A_285] : memref<16x3x16x1024xf32, #tpu.memory_space<vmem_shared>> -> memref<1x1x16x1024xf32, #tpu.memory_space<vmem_shared>>
    %dma_start3A_287 = tpu.memref_squeeze %dma_start3A_286 : memref<1x1x16x1024xf32, #tpu.memory_space<vmem_shared>> -> memref<16x1024xf32, #tpu.memory_space<vmem_shared>>
    tpu.enqueue_dma source(%dma_start3A_287 : memref<16x1024xf32, #tpu.memory_space<vmem_shared>>) target(%dma_start3A_283 : memref<16x1024xf32, #tpu.memory_space<hbm>>) target_semaphore(%arg10 : memref<!tpu.dma_semaphore, #tpu.memory_space<semaphore_mem>>)
    %dma_start3A_288 = arith.constant 0 : i32
    %dma_start3A_289 = arith.constant 0 : i32
    %dma_start3A_290 = arith.constant 0 : i32
    %dma_start3A_291 = tpu.memref_slice %arg6[%dma_start3A_288, %dma_start3A_289, %dma_start3A_290] : memref<3x16x1024xf32, #tpu.memory_space<vmem>> -> memref<1x16x1024xf32, #tpu.memory_space<vmem>>
    %dma_start3A_292 = tpu.memref_squeeze %dma_start3A_291 : memref<1x16x1024xf32, #tpu.memory_space<vmem>> -> memref<16x1024xf32, #tpu.memory_space<vmem>>
    %dma_start3A_293 = arith.constant 96 : i32
    %dma_start3A_294 = tpu.memref_slice %arg5[%dma_start3A_293] : memref<512xi32, #tpu.memory_space<vmem>> -> memref<16xi32, #tpu.memory_space<vmem>>
    %dma_start3A_295 = arith.constant 0 : i32
    %dma_start3A_296 = arith.constant 0 : i32
    %dma_start3A_297 = tpu.memref_slice %arg2[%dma_start3A_295, %dma_start3A_296] : memref<100000x1024xf32, #tpu.memory_space<hbm>> -> memref<100000x1024xf32, #tpu.memory_space<hbm>>
    tpu.enqueue_indirect_dma source(%dma_start3A_297 : memref<100000x1024xf32, #tpu.memory_space<hbm>>) target(%dma_start3A_292 : memref<16x1024xf32, #tpu.memory_space<vmem>>) offsets(%dma_start3A_294 : memref<16xi32, #tpu.memory_space<vmem>>) semaphore(%arg8 : memref<!tpu.dma_semaphore, #tpu.memory_space<semaphore_mem>>)
    %dma_wait3A_298 = arith.constant 1 : i32
    %dma_wait3A_299 = arith.constant 0 : i32
    %dma_wait3A_300 = arith.constant 0 : i32
    %dma_wait3A_301 = tpu.memref_slice %arg6[%dma_wait3A_298, %dma_wait3A_299, %dma_wait3A_300] : memref<3x16x1024xf32, #tpu.memory_space<vmem>> -> memref<1x16x1024xf32, #tpu.memory_space<vmem>>
    %dma_wait3A_302 = tpu.memref_squeeze %dma_wait3A_301 : memref<1x16x1024xf32, #tpu.memory_space<vmem>> -> memref<16x1024xf32, #tpu.memory_space<vmem>>
    %dma_wait3A_303 = arith.constant 64 : i32
    %dma_wait3A_304 = tpu.memref_slice %arg5[%dma_wait3A_303] : memref<512xi32, #tpu.memory_space<vmem>> -> memref<16xi32, #tpu.memory_space<vmem>>
    %dma_wait3A_305 = arith.constant 0 : i32
    %dma_wait3A_306 = arith.constant 0 : i32
    %dma_wait3A_307 = tpu.memref_slice %arg2[%dma_wait3A_305, %dma_wait3A_306] : memref<100000x1024xf32, #tpu.memory_space<hbm>> -> memref<100000x1024xf32, #tpu.memory_space<hbm>>
    tpu.wait_indirect_dma semaphore(%arg8 : memref<!tpu.dma_semaphore, #tpu.memory_space<semaphore_mem>>) src(%dma_wait3A_307 : memref<100000x1024xf32, #tpu.memory_space<hbm>>) dst(%dma_wait3A_302 : memref<16x1024xf32, #tpu.memory_space<vmem>>)
    %dma_wait3A_308 = arith.constant 1 : i32
    %dma_wait3A_309 = arith.constant 0 : i32
    %dma_wait3A_310 = tpu.memref_slice %arg4[%add3A_143, %dma_wait3A_309] : memref<16384x1024xf32, #tpu.memory_space<hbm>> -> memref<16x1024xf32, #tpu.memory_space<hbm>>
    %dma_wait3A_311 = arith.constant 0 : i32
    %dma_wait3A_312 = arith.constant 0 : i32
    %dma_wait3A_313 = tpu.memref_slice %arg7[%arg1, %dma_wait3A_308, %dma_wait3A_311, %dma_wait3A_312] : memref<16x3x16x1024xf32, #tpu.memory_space<vmem_shared>> -> memref<1x1x16x1024xf32, #tpu.memory_space<vmem_shared>>
    %dma_wait3A_314 = tpu.memref_squeeze %dma_wait3A_313 : memref<1x1x16x1024xf32, #tpu.memory_space<vmem_shared>> -> memref<16x1024xf32, #tpu.memory_space<vmem_shared>>
    tpu.wait_dma2 semaphore(%arg10 : memref<!tpu.dma_semaphore, #tpu.memory_space<semaphore_mem>>) src(%dma_wait3A_314 : memref<16x1024xf32, #tpu.memory_space<vmem_shared>>) dst(%dma_wait3A_310 : memref<16x1024xf32, #tpu.memory_space<hbm>>)
    %dma_start3A_315 = arith.constant 1 : i32
    %dma_start3A_316 = arith.constant 1 : i32
    %dma_start3A_317 = arith.constant 0 : i32
    %dma_start3A_318 = arith.constant 0 : i32
    %dma_start3A_319 = tpu.memref_slice %arg6[%dma_start3A_315, %dma_start3A_317, %dma_start3A_318] : memref<3x16x1024xf32, #tpu.memory_space<vmem>> -> memref<1x16x1024xf32, #tpu.memory_space<vmem>>
    %dma_start3A_320 = tpu.memref_squeeze %dma_start3A_319 : memref<1x16x1024xf32, #tpu.memory_space<vmem>> -> memref<16x1024xf32, #tpu.memory_space<vmem>>
    %dma_start3A_321 = arith.constant 0 : i32
    %dma_start3A_322 = arith.constant 0 : i32
    %dma_start3A_323 = tpu.memref_slice %arg7[%arg1, %dma_start3A_316, %dma_start3A_321, %dma_start3A_322] : memref<16x3x16x1024xf32, #tpu.memory_space<vmem_shared>> -> memref<1x1x16x1024xf32, #tpu.memory_space<vmem_shared>>
    %dma_start3A_324 = tpu.memref_squeeze %dma_start3A_323 : memref<1x1x16x1024xf32, #tpu.memory_space<vmem_shared>> -> memref<16x1024xf32, #tpu.memory_space<vmem_shared>>
    %dma_start3A_325 = arith.constant 0 : i32
    %dma_start3A_326 = arith.constant 0 : i32
    %dma_start3A_327 = tpu.memref_slice %arg7[%arg1, %dma_start3A_316, %dma_start3A_325, %dma_start3A_326] : memref<16x3x16x1024xf32, #tpu.memory_space<vmem_shared>> -> memref<1x1x16x1024xf32, #tpu.memory_space<vmem_shared>>
    %dma_start3A_328 = tpu.memref_squeeze %dma_start3A_327 : memref<1x1x16x1024xf32, #tpu.memory_space<vmem_shared>> -> memref<16x1024xf32, #tpu.memory_space<vmem_shared>>
    %dma_start3A_329 = arith.constant 0 : i32
    %dma_start3A_330 = arith.constant 0 : i32
    %dma_start3A_331 = tpu.memref_slice %arg6[%dma_start3A_315, %dma_start3A_329, %dma_start3A_330] : memref<3x16x1024xf32, #tpu.memory_space<vmem>> -> memref<1x16x1024xf32, #tpu.memory_space<vmem>>
    %dma_start3A_332 = tpu.memref_squeeze %dma_start3A_331 : memref<1x16x1024xf32, #tpu.memory_space<vmem>> -> memref<16x1024xf32, #tpu.memory_space<vmem>>
    tpu.enqueue_dma source(%dma_start3A_332 : memref<16x1024xf32, #tpu.memory_space<vmem>>) target(%dma_start3A_328 : memref<16x1024xf32, #tpu.memory_space<vmem_shared>>) target_semaphore(%arg9 : memref<!tpu.dma_semaphore, #tpu.memory_space<semaphore_mem>>)
    %dma_wait3A_333 = arith.constant 1 : i32
    %dma_wait3A_334 = arith.constant 1 : i32
    %dma_wait3A_335 = arith.constant 0 : i32
    %dma_wait3A_336 = arith.constant 0 : i32
    %dma_wait3A_337 = tpu.memref_slice %arg6[%dma_wait3A_333, %dma_wait3A_335, %dma_wait3A_336] : memref<3x16x1024xf32, #tpu.memory_space<vmem>> -> memref<1x16x1024xf32, #tpu.memory_space<vmem>>
    %dma_wait3A_338 = tpu.memref_squeeze %dma_wait3A_337 : memref<1x16x1024xf32, #tpu.memory_space<vmem>> -> memref<16x1024xf32, #tpu.memory_space<vmem>>
    %dma_wait3A_339 = arith.constant 0 : i32
    %dma_wait3A_340 = arith.constant 0 : i32
    %dma_wait3A_341 = tpu.memref_slice %arg7[%arg1, %dma_wait3A_334, %dma_wait3A_339, %dma_wait3A_340] : memref<16x3x16x1024xf32, #tpu.memory_space<vmem_shared>> -> memref<1x1x16x1024xf32, #tpu.memory_space<vmem_shared>>
    %dma_wait3A_342 = tpu.memref_squeeze %dma_wait3A_341 : memref<1x1x16x1024xf32, #tpu.memory_space<vmem_shared>> -> memref<16x1024xf32, #tpu.memory_space<vmem_shared>>
    %dma_wait3A_343 = arith.constant 0 : i32
    %dma_wait3A_344 = arith.constant 0 : i32
    %dma_wait3A_345 = tpu.memref_slice %arg7[%arg1, %dma_wait3A_334, %dma_wait3A_343, %dma_wait3A_344] : memref<16x3x16x1024xf32, #tpu.memory_space<vmem_shared>> -> memref<1x1x16x1024xf32, #tpu.memory_space<vmem_shared>>
    %dma_wait3A_346 = tpu.memref_squeeze %dma_wait3A_345 : memref<1x1x16x1024xf32, #tpu.memory_space<vmem_shared>> -> memref<16x1024xf32, #tpu.memory_space<vmem_shared>>
    %dma_wait3A_347 = arith.constant 0 : i32
    %dma_wait3A_348 = arith.constant 0 : i32
    %dma_wait3A_349 = tpu.memref_slice %arg6[%dma_wait3A_333, %dma_wait3A_347, %dma_wait3A_348] : memref<3x16x1024xf32, #tpu.memory_space<vmem>> -> memref<1x16x1024xf32, #tpu.memory_space<vmem>>
    %dma_wait3A_350 = tpu.memref_squeeze %dma_wait3A_349 : memref<1x16x1024xf32, #tpu.memory_space<vmem>> -> memref<16x1024xf32, #tpu.memory_space<vmem>>
    tpu.wait_dma2 semaphore(%arg9 : memref<!tpu.dma_semaphore, #tpu.memory_space<semaphore_mem>>) src(%dma_wait3A_350 : memref<16x1024xf32, #tpu.memory_space<vmem>>) dst(%dma_wait3A_346 : memref<16x1024xf32, #tpu.memory_space<vmem_shared>>)
    %add3A_351 = arith.constant 64 : i32
    %add3A_352 = arith.addi %mul3A_2, %add3A_351 : i32
    %dma_start3A_353 = arith.constant 1 : i32
    %dma_start3A_354 = arith.constant 0 : i32
    %dma_start3A_355 = tpu.memref_slice %arg4[%add3A_352, %dma_start3A_354] : memref<16384x1024xf32, #tpu.memory_space<hbm>> -> memref<16x1024xf32, #tpu.memory_space<hbm>>
    %dma_start3A_356 = arith.constant 0 : i32
    %dma_start3A_357 = arith.constant 0 : i32
    %dma_start3A_358 = tpu.memref_slice %arg7[%arg1, %dma_start3A_353, %dma_start3A_356, %dma_start3A_357] : memref<16x3x16x1024xf32, #tpu.memory_space<vmem_shared>> -> memref<1x1x16x1024xf32, #tpu.memory_space<vmem_shared>>
    %dma_start3A_359 = tpu.memref_squeeze %dma_start3A_358 : memref<1x1x16x1024xf32, #tpu.memory_space<vmem_shared>> -> memref<16x1024xf32, #tpu.memory_space<vmem_shared>>
    tpu.enqueue_dma source(%dma_start3A_359 : memref<16x1024xf32, #tpu.memory_space<vmem_shared>>) target(%dma_start3A_355 : memref<16x1024xf32, #tpu.memory_space<hbm>>) target_semaphore(%arg10 : memref<!tpu.dma_semaphore, #tpu.memory_space<semaphore_mem>>)
    %dma_start3A_360 = arith.constant 1 : i32
    %dma_start3A_361 = arith.constant 0 : i32
    %dma_start3A_362 = arith.constant 0 : i32
    %dma_start3A_363 = tpu.memref_slice %arg6[%dma_start3A_360, %dma_start3A_361, %dma_start3A_362] : memref<3x16x1024xf32, #tpu.memory_space<vmem>> -> memref<1x16x1024xf32, #tpu.memory_space<vmem>>
    %dma_start3A_364 = tpu.memref_squeeze %dma_start3A_363 : memref<1x16x1024xf32, #tpu.memory_space<vmem>> -> memref<16x1024xf32, #tpu.memory_space<vmem>>
    %dma_start3A_365 = arith.constant 112 : i32
    %dma_start3A_366 = tpu.memref_slice %arg5[%dma_start3A_365] : memref<512xi32, #tpu.memory_space<vmem>> -> memref<16xi32, #tpu.memory_space<vmem>>
    %dma_start3A_367 = arith.constant 0 : i32
    %dma_start3A_368 = arith.constant 0 : i32
    %dma_start3A_369 = tpu.memref_slice %arg2[%dma_start3A_367, %dma_start3A_368] : memref<100000x1024xf32, #tpu.memory_space<hbm>> -> memref<100000x1024xf32, #tpu.memory_space<hbm>>
    tpu.enqueue_indirect_dma source(%dma_start3A_369 : memref<100000x1024xf32, #tpu.memory_space<hbm>>) target(%dma_start3A_364 : memref<16x1024xf32, #tpu.memory_space<vmem>>) offsets(%dma_start3A_366 : memref<16xi32, #tpu.memory_space<vmem>>) semaphore(%arg8 : memref<!tpu.dma_semaphore, #tpu.memory_space<semaphore_mem>>)
    %dma_wait3A_370 = arith.constant 2 : i32
    %dma_wait3A_371 = arith.constant 0 : i32
    %dma_wait3A_372 = arith.constant 0 : i32
    %dma_wait3A_373 = tpu.memref_slice %arg6[%dma_wait3A_370, %dma_wait3A_371, %dma_wait3A_372] : memref<3x16x1024xf32, #tpu.memory_space<vmem>> -> memref<1x16x1024xf32, #tpu.memory_space<vmem>>
    %dma_wait3A_374 = tpu.memref_squeeze %dma_wait3A_373 : memref<1x16x1024xf32, #tpu.memory_space<vmem>> -> memref<16x1024xf32, #tpu.memory_space<vmem>>
    %dma_wait3A_375 = arith.constant 80 : i32
    %dma_wait3A_376 = tpu.memref_slice %arg5[%dma_wait3A_375] : memref<512xi32, #tpu.memory_space<vmem>> -> memref<16xi32, #tpu.memory_space<vmem>>
    %dma_wait3A_377 = arith.constant 0 : i32
    %dma_wait3A_378 = arith.constant 0 : i32
    %dma_wait3A_379 = tpu.memref_slice %arg2[%dma_wait3A_377, %dma_wait3A_378] : memref<100000x1024xf32, #tpu.memory_space<hbm>> -> memref<100000x1024xf32, #tpu.memory_space<hbm>>
    tpu.wait_indirect_dma semaphore(%arg8 : memref<!tpu.dma_semaphore, #tpu.memory_space<semaphore_mem>>) src(%dma_wait3A_379 : memref<100000x1024xf32, #tpu.memory_space<hbm>>) dst(%dma_wait3A_374 : memref<16x1024xf32, #tpu.memory_space<vmem>>)
    %dma_wait3A_380 = arith.constant 2 : i32
    %dma_wait3A_381 = arith.constant 0 : i32
    %dma_wait3A_382 = tpu.memref_slice %arg4[%add3A_208, %dma_wait3A_381] : memref<16384x1024xf32, #tpu.memory_space<hbm>> -> memref<16x1024xf32, #tpu.memory_space<hbm>>
    %dma_wait3A_383 = arith.constant 0 : i32
    %dma_wait3A_384 = arith.constant 0 : i32
    %dma_wait3A_385 = tpu.memref_slice %arg7[%arg1, %dma_wait3A_380, %dma_wait3A_383, %dma_wait3A_384] : memref<16x3x16x1024xf32, #tpu.memory_space<vmem_shared>> -> memref<1x1x16x1024xf32, #tpu.memory_space<vmem_shared>>
    %dma_wait3A_386 = tpu.memref_squeeze %dma_wait3A_385 : memref<1x1x16x1024xf32, #tpu.memory_space<vmem_shared>> -> memref<16x1024xf32, #tpu.memory_space<vmem_shared>>
    tpu.wait_dma2 semaphore(%arg10 : memref<!tpu.dma_semaphore, #tpu.memory_space<semaphore_mem>>) src(%dma_wait3A_386 : memref<16x1024xf32, #tpu.memory_space<vmem_shared>>) dst(%dma_wait3A_382 : memref<16x1024xf32, #tpu.memory_space<hbm>>)
    %dma_start3A_387 = arith.constant 2 : i32
    %dma_start3A_388 = arith.constant 2 : i32
    %dma_start3A_389 = arith.constant 0 : i32
    %dma_start3A_390 = arith.constant 0 : i32
    %dma_start3A_391 = tpu.memref_slice %arg6[%dma_start3A_387, %dma_start3A_389, %dma_start3A_390] : memref<3x16x1024xf32, #tpu.memory_space<vmem>> -> memref<1x16x1024xf32, #tpu.memory_space<vmem>>
    %dma_start3A_392 = tpu.memref_squeeze %dma_start3A_391 : memref<1x16x1024xf32, #tpu.memory_space<vmem>> -> memref<16x1024xf32, #tpu.memory_space<vmem>>
    %dma_start3A_393 = arith.constant 0 : i32
    %dma_start3A_394 = arith.constant 0 : i32
    %dma_start3A_395 = tpu.memref_slice %arg7[%arg1, %dma_start3A_388, %dma_start3A_393, %dma_start3A_394] : memref<16x3x16x1024xf32, #tpu.memory_space<vmem_shared>> -> memref<1x1x16x1024xf32, #tpu.memory_space<vmem_shared>>
    %dma_start3A_396 = tpu.memref_squeeze %dma_start3A_395 : memref<1x1x16x1024xf32, #tpu.memory_space<vmem_shared>> -> memref<16x1024xf32, #tpu.memory_space<vmem_shared>>
    %dma_start3A_397 = arith.constant 0 : i32
    %dma_start3A_398 = arith.constant 0 : i32
    %dma_start3A_399 = tpu.memref_slice %arg7[%arg1, %dma_start3A_388, %dma_start3A_397, %dma_start3A_398] : memref<16x3x16x1024xf32, #tpu.memory_space<vmem_shared>> -> memref<1x1x16x1024xf32, #tpu.memory_space<vmem_shared>>
    %dma_start3A_400 = tpu.memref_squeeze %dma_start3A_399 : memref<1x1x16x1024xf32, #tpu.memory_space<vmem_shared>> -> memref<16x1024xf32, #tpu.memory_space<vmem_shared>>
    %dma_start3A_401 = arith.constant 0 : i32
    %dma_start3A_402 = arith.constant 0 : i32
    %dma_start3A_403 = tpu.memref_slice %arg6[%dma_start3A_387, %dma_start3A_401, %dma_start3A_402] : memref<3x16x1024xf32, #tpu.memory_space<vmem>> -> memref<1x16x1024xf32, #tpu.memory_space<vmem>>
    %dma_start3A_404 = tpu.memref_squeeze %dma_start3A_403 : memref<1x16x1024xf32, #tpu.memory_space<vmem>> -> memref<16x1024xf32, #tpu.memory_space<vmem>>
    tpu.enqueue_dma source(%dma_start3A_404 : memref<16x1024xf32, #tpu.memory_space<vmem>>) target(%dma_start3A_400 : memref<16x1024xf32, #tpu.memory_space<vmem_shared>>) target_semaphore(%arg9 : memref<!tpu.dma_semaphore, #tpu.memory_space<semaphore_mem>>)
    %dma_wait3A_405 = arith.constant 2 : i32
    %dma_wait3A_406 = arith.constant 2 : i32
    %dma_wait3A_407 = arith.constant 0 : i32
    %dma_wait3A_408 = arith.constant 0 : i32
    %dma_wait3A_409 = tpu.memref_slice %arg6[%dma_wait3A_405, %dma_wait3A_407, %dma_wait3A_408] : memref<3x16x1024xf32, #tpu.memory_space<vmem>> -> memref<1x16x1024xf32, #tpu.memory_space<vmem>>
    %dma_wait3A_410 = tpu.memref_squeeze %dma_wait3A_409 : memref<1x16x1024xf32, #tpu.memory_space<vmem>> -> memref<16x1024xf32, #tpu.memory_space<vmem>>
    %dma_wait3A_411 = arith.constant 0 : i32
    %dma_wait3A_412 = arith.constant 0 : i32
    %dma_wait3A_413 = tpu.memref_slice %arg7[%arg1, %dma_wait3A_406, %dma_wait3A_411, %dma_wait3A_412] : memref<16x3x16x1024xf32, #tpu.memory_space<vmem_shared>> -> memref<1x1x16x1024xf32, #tpu.memory_space<vmem_shared>>
    %dma_wait3A_414 = tpu.memref_squeeze %dma_wait3A_413 : memref<1x1x16x1024xf32, #tpu.memory_space<vmem_shared>> -> memref<16x1024xf32, #tpu.memory_space<vmem_shared>>
    %dma_wait3A_415 = arith.constant 0 : i32
    %dma_wait3A_416 = arith.constant 0 : i32
    %dma_wait3A_417 = tpu.memref_slice %arg7[%arg1, %dma_wait3A_406, %dma_wait3A_415, %dma_wait3A_416] : memref<16x3x16x1024xf32, #tpu.memory_space<vmem_shared>> -> memref<1x1x16x1024xf32, #tpu.memory_space<vmem_shared>>
    %dma_wait3A_418 = tpu.memref_squeeze %dma_wait3A_417 : memref<1x1x16x1024xf32, #tpu.memory_space<vmem_shared>> -> memref<16x1024xf32, #tpu.memory_space<vmem_shared>>
    %dma_wait3A_419 = arith.constant 0 : i32
    %dma_wait3A_420 = arith.constant 0 : i32
    %dma_wait3A_421 = tpu.memref_slice %arg6[%dma_wait3A_405, %dma_wait3A_419, %dma_wait3A_420] : memref<3x16x1024xf32, #tpu.memory_space<vmem>> -> memref<1x16x1024xf32, #tpu.memory_space<vmem>>
    %dma_wait3A_422 = tpu.memref_squeeze %dma_wait3A_421 : memref<1x16x1024xf32, #tpu.memory_space<vmem>> -> memref<16x1024xf32, #tpu.memory_space<vmem>>
    tpu.wait_dma2 semaphore(%arg9 : memref<!tpu.dma_semaphore, #tpu.memory_space<semaphore_mem>>) src(%dma_wait3A_422 : memref<16x1024xf32, #tpu.memory_space<vmem>>) dst(%dma_wait3A_418 : memref<16x1024xf32, #tpu.memory_space<vmem_shared>>)
    %add3A_423 = arith.constant 80 : i32
    %add3A_424 = arith.addi %mul3A_2, %add3A_423 : i32
    %dma_start3A_425 = arith.constant 2 : i32
    %dma_start3A_426 = arith.constant 0 : i32
    %dma_start3A_427 = tpu.memref_slice %arg4[%add3A_424, %dma_start3A_426] : memref<16384x1024xf32, #tpu.memory_space<hbm>> -> memref<16x1024xf32, #tpu.memory_space<hbm>>
    %dma_start3A_428 = arith.constant 0 : i32
    %dma_start3A_429 = arith.constant 0 : i32
    %dma_start3A_430 = tpu.memref_slice %arg7[%arg1, %dma_start3A_425, %dma_start3A_428, %dma_start3A_429] : memref<16x3x16x1024xf32, #tpu.memory_space<vmem_shared>> -> memref<1x1x16x1024xf32, #tpu.memory_space<vmem_shared>>
    %dma_start3A_431 = tpu.memref_squeeze %dma_start3A_430 : memref<1x1x16x1024xf32, #tpu.memory_space<vmem_shared>> -> memref<16x1024xf32, #tpu.memory_space<vmem_shared>>
    tpu.enqueue_dma source(%dma_start3A_431 : memref<16x1024xf32, #tpu.memory_space<vmem_shared>>) target(%dma_start3A_427 : memref<16x1024xf32, #tpu.memory_space<hbm>>) target_semaphore(%arg10 : memref<!tpu.dma_semaphore, #tpu.memory_space<semaphore_mem>>)
    %dma_start3A_432 = arith.constant 2 : i32
    %dma_start3A_433 = arith.constant 0 : i32
    %dma_start3A_434 = arith.constant 0 : i32
    %dma_start3A_435 = tpu.memref_slice %arg6[%dma_start3A_432, %dma_start3A_433, %dma_start3A_434] : memref<3x16x1024xf32, #tpu.memory_space<vmem>> -> memref<1x16x1024xf32, #tpu.memory_space<vmem>>
    %dma_start3A_436 = tpu.memref_squeeze %dma_start3A_435 : memref<1x16x1024xf32, #tpu.memory_space<vmem>> -> memref<16x1024xf32, #tpu.memory_space<vmem>>
    %dma_start3A_437 = arith.constant 128 : i32
    %dma_start3A_438 = tpu.memref_slice %arg5[%dma_start3A_437] : memref<512xi32, #tpu.memory_space<vmem>> -> memref<16xi32, #tpu.memory_space<vmem>>
    %dma_start3A_439 = arith.constant 0 : i32
    %dma_start3A_440 = arith.constant 0 : i32
    %dma_start3A_441 = tpu.memref_slice %arg2[%dma_start3A_439, %dma_start3A_440] : memref<100000x1024xf32, #tpu.memory_space<hbm>> -> memref<100000x1024xf32, #tpu.memory_space<hbm>>
    tpu.enqueue_indirect_dma source(%dma_start3A_441 : memref<100000x1024xf32, #tpu.memory_space<hbm>>) target(%dma_start3A_436 : memref<16x1024xf32, #tpu.memory_space<vmem>>) offsets(%dma_start3A_438 : memref<16xi32, #tpu.memory_space<vmem>>) semaphore(%arg8 : memref<!tpu.dma_semaphore, #tpu.memory_space<semaphore_mem>>)
    %dma_wait3A_442 = arith.constant 0 : i32
    %dma_wait3A_443 = arith.constant 0 : i32
    %dma_wait3A_444 = arith.constant 0 : i32
    %dma_wait3A_445 = tpu.memref_slice %arg6[%dma_wait3A_442, %dma_wait3A_443, %dma_wait3A_444] : memref<3x16x1024xf32, #tpu.memory_space<vmem>> -> memref<1x16x1024xf32, #tpu.memory_space<vmem>>
    %dma_wait3A_446 = tpu.memref_squeeze %dma_wait3A_445 : memref<1x16x1024xf32, #tpu.memory_space<vmem>> -> memref<16x1024xf32, #tpu.memory_space<vmem>>
    %dma_wait3A_447 = arith.constant 96 : i32
    %dma_wait3A_448 = tpu.memref_slice %arg5[%dma_wait3A_447] : memref<512xi32, #tpu.memory_space<vmem>> -> memref<16xi32, #tpu.memory_space<vmem>>
    %dma_wait3A_449 = arith.constant 0 : i32
    %dma_wait3A_450 = arith.constant 0 : i32
    %dma_wait3A_451 = tpu.memref_slice %arg2[%dma_wait3A_449, %dma_wait3A_450] : memref<100000x1024xf32, #tpu.memory_space<hbm>> -> memref<100000x1024xf32, #tpu.memory_space<hbm>>
    tpu.wait_indirect_dma semaphore(%arg8 : memref<!tpu.dma_semaphore, #tpu.memory_space<semaphore_mem>>) src(%dma_wait3A_451 : memref<100000x1024xf32, #tpu.memory_space<hbm>>) dst(%dma_wait3A_446 : memref<16x1024xf32, #tpu.memory_space<vmem>>)
    %dma_wait3A_452 = arith.constant 0 : i32
    %dma_wait3A_453 = arith.constant 0 : i32
    %dma_wait3A_454 = tpu.memref_slice %arg4[%add3A_280, %dma_wait3A_453] : memref<16384x1024xf32, #tpu.memory_space<hbm>> -> memref<16x1024xf32, #tpu.memory_space<hbm>>
    %dma_wait3A_455 = arith.constant 0 : i32
    %dma_wait3A_456 = arith.constant 0 : i32
    %dma_wait3A_457 = tpu.memref_slice %arg7[%arg1, %dma_wait3A_452, %dma_wait3A_455, %dma_wait3A_456] : memref<16x3x16x1024xf32, #tpu.memory_space<vmem_shared>> -> memref<1x1x16x1024xf32, #tpu.memory_space<vmem_shared>>
    %dma_wait3A_458 = tpu.memref_squeeze %dma_wait3A_457 : memref<1x1x16x1024xf32, #tpu.memory_space<vmem_shared>> -> memref<16x1024xf32, #tpu.memory_space<vmem_shared>>
    tpu.wait_dma2 semaphore(%arg10 : memref<!tpu.dma_semaphore, #tpu.memory_space<semaphore_mem>>) src(%dma_wait3A_458 : memref<16x1024xf32, #tpu.memory_space<vmem_shared>>) dst(%dma_wait3A_454 : memref<16x1024xf32, #tpu.memory_space<hbm>>)
    %dma_start3A_459 = arith.constant 0 : i32
    %dma_start3A_460 = arith.constant 0 : i32
    %dma_start3A_461 = arith.constant 0 : i32
    %dma_start3A_462 = arith.constant 0 : i32
    %dma_start3A_463 = tpu.memref_slice %arg6[%dma_start3A_459, %dma_start3A_461, %dma_start3A_462] : memref<3x16x1024xf32, #tpu.memory_space<vmem>> -> memref<1x16x1024xf32, #tpu.memory_space<vmem>>
    %dma_start3A_464 = tpu.memref_squeeze %dma_start3A_463 : memref<1x16x1024xf32, #tpu.memory_space<vmem>> -> memref<16x1024xf32, #tpu.memory_space<vmem>>
    %dma_start3A_465 = arith.constant 0 : i32
    %dma_start3A_466 = arith.constant 0 : i32
    %dma_start3A_467 = tpu.memref_slice %arg7[%arg1, %dma_start3A_460, %dma_start3A_465, %dma_start3A_466] : memref<16x3x16x1024xf32, #tpu.memory_space<vmem_shared>> -> memref<1x1x16x1024xf32, #tpu.memory_space<vmem_shared>>
    %dma_start3A_468 = tpu.memref_squeeze %dma_start3A_467 : memref<1x1x16x1024xf32, #tpu.memory_space<vmem_shared>> -> memref<16x1024xf32, #tpu.memory_space<vmem_shared>>
    %dma_start3A_469 = arith.constant 0 : i32
    %dma_start3A_470 = arith.constant 0 : i32
    %dma_start3A_471 = tpu.memref_slice %arg7[%arg1, %dma_start3A_460, %dma_start3A_469, %dma_start3A_470] : memref<16x3x16x1024xf32, #tpu.memory_space<vmem_shared>> -> memref<1x1x16x1024xf32, #tpu.memory_space<vmem_shared>>
    %dma_start3A_472 = tpu.memref_squeeze %dma_start3A_471 : memref<1x1x16x1024xf32, #tpu.memory_space<vmem_shared>> -> memref<16x1024xf32, #tpu.memory_space<vmem_shared>>
    %dma_start3A_473 = arith.constant 0 : i32
    %dma_start3A_474 = arith.constant 0 : i32
    %dma_start3A_475 = tpu.memref_slice %arg6[%dma_start3A_459, %dma_start3A_473, %dma_start3A_474] : memref<3x16x1024xf32, #tpu.memory_space<vmem>> -> memref<1x16x1024xf32, #tpu.memory_space<vmem>>
    %dma_start3A_476 = tpu.memref_squeeze %dma_start3A_475 : memref<1x16x1024xf32, #tpu.memory_space<vmem>> -> memref<16x1024xf32, #tpu.memory_space<vmem>>
    tpu.enqueue_dma source(%dma_start3A_476 : memref<16x1024xf32, #tpu.memory_space<vmem>>) target(%dma_start3A_472 : memref<16x1024xf32, #tpu.memory_space<vmem_shared>>) target_semaphore(%arg9 : memref<!tpu.dma_semaphore, #tpu.memory_space<semaphore_mem>>)
    %dma_wait3A_477 = arith.constant 0 : i32
    %dma_wait3A_478 = arith.constant 0 : i32
    %dma_wait3A_479 = arith.constant 0 : i32
    %dma_wait3A_480 = arith.constant 0 : i32
    %dma_wait3A_481 = tpu.memref_slice %arg6[%dma_wait3A_477, %dma_wait3A_479, %dma_wait3A_480] : memref<3x16x1024xf32, #tpu.memory_space<vmem>> -> memref<1x16x1024xf32, #tpu.memory_space<vmem>>
    %dma_wait3A_482 = tpu.memref_squeeze %dma_wait3A_481 : memref<1x16x1024xf32, #tpu.memory_space<vmem>> -> memref<16x1024xf32, #tpu.memory_space<vmem>>
    %dma_wait3A_483 = arith.constant 0 : i32
    %dma_wait3A_484 = arith.constant 0 : i32
    %dma_wait3A_485 = tpu.memref_slice %arg7[%arg1, %dma_wait3A_478, %dma_wait3A_483, %dma_wait3A_484] : memref<16x3x16x1024xf32, #tpu.memory_space<vmem_shared>> -> memref<1x1x16x1024xf32, #tpu.memory_space<vmem_shared>>
    %dma_wait3A_486 = tpu.memref_squeeze %dma_wait3A_485 : memref<1x1x16x1024xf32, #tpu.memory_space<vmem_shared>> -> memref<16x1024xf32, #tpu.memory_space<vmem_shared>>
    %dma_wait3A_487 = arith.constant 0 : i32
    %dma_wait3A_488 = arith.constant 0 : i32
    %dma_wait3A_489 = tpu.memref_slice %arg7[%arg1, %dma_wait3A_478, %dma_wait3A_487, %dma_wait3A_488] : memref<16x3x16x1024xf32, #tpu.memory_space<vmem_shared>> -> memref<1x1x16x1024xf32, #tpu.memory_space<vmem_shared>>
    %dma_wait3A_490 = tpu.memref_squeeze %dma_wait3A_489 : memref<1x1x16x1024xf32, #tpu.memory_space<vmem_shared>> -> memref<16x1024xf32, #tpu.memory_space<vmem_shared>>
    %dma_wait3A_491 = arith.constant 0 : i32
    %dma_wait3A_492 = arith.constant 0 : i32
    %dma_wait3A_493 = tpu.memref_slice %arg6[%dma_wait3A_477, %dma_wait3A_491, %dma_wait3A_492] : memref<3x16x1024xf32, #tpu.memory_space<vmem>> -> memref<1x16x1024xf32, #tpu.memory_space<vmem>>
    %dma_wait3A_494 = tpu.memref_squeeze %dma_wait3A_493 : memref<1x16x1024xf32, #tpu.memory_space<vmem>> -> memref<16x1024xf32, #tpu.memory_space<vmem>>
    tpu.wait_dma2 semaphore(%arg9 : memref<!tpu.dma_semaphore, #tpu.memory_space<semaphore_mem>>) src(%dma_wait3A_494 : memref<16x1024xf32, #tpu.memory_space<vmem>>) dst(%dma_wait3A_490 : memref<16x1024xf32, #tpu.memory_space<vmem_shared>>)
    %add3A_495 = arith.constant 96 : i32
    %add3A_496 = arith.addi %mul3A_2, %add3A_495 : i32
    %dma_start3A_497 = arith.constant 0 : i32
    %dma_start3A_498 = arith.constant 0 : i32
    %dma_start3A_499 = tpu.memref_slice %arg4[%add3A_496, %dma_start3A_498] : memref<16384x1024xf32, #tpu.memory_space<hbm>> -> memref<16x1024xf32, #tpu.memory_space<hbm>>
    %dma_start3A_500 = arith.constant 0 : i32
    %dma_start3A_501 = arith.constant 0 : i32
    %dma_start3A_502 = tpu.memref_slice %arg7[%arg1, %dma_start3A_497, %dma_start3A_500, %dma_start3A_501] : memref<16x3x16x1024xf32, #tpu.memory_space<vmem_shared>> -> memref<1x1x16x1024xf32, #tpu.memory_space<vmem_shared>>
    %dma_start3A_503 = tpu.memref_squeeze %dma_start3A_502 : memref<1x1x16x1024xf32, #tpu.memory_space<vmem_shared>> -> memref<16x1024xf32, #tpu.memory_space<vmem_shared>>
    tpu.enqueue_dma source(%dma_start3A_503 : memref<16x1024xf32, #tpu.memory_space<vmem_shared>>) target(%dma_start3A_499 : memref<16x1024xf32, #tpu.memory_space<hbm>>) target_semaphore(%arg10 : memref<!tpu.dma_semaphore, #tpu.memory_space<semaphore_mem>>)
    %dma_start3A_504 = arith.constant 0 : i32
    %dma_start3A_505 = arith.constant 0 : i32
    %dma_start3A_506 = arith.constant 0 : i32
    %dma_start3A_507 = tpu.memref_slice %arg6[%dma_start3A_504, %dma_start3A_505, %dma_start3A_506] : memref<3x16x1024xf32, #tpu.memory_space<vmem>> -> memref<1x16x1024xf32, #tpu.memory_space<vmem>>
    %dma_start3A_508 = tpu.memref_squeeze %dma_start3A_507 : memref<1x16x1024xf32, #tpu.memory_space<vmem>> -> memref<16x1024xf32, #tpu.memory_space<vmem>>
    %dma_start3A_509 = arith.constant 144 : i32
    %dma_start3A_510 = tpu.memref_slice %arg5[%dma_start3A_509] : memref<512xi32, #tpu.memory_space<vmem>> -> memref<16xi32, #tpu.memory_space<vmem>>
    %dma_start3A_511 = arith.constant 0 : i32
    %dma_start3A_512 = arith.constant 0 : i32
    %dma_start3A_513 = tpu.memref_slice %arg2[%dma_start3A_511, %dma_start3A_512] : memref<100000x1024xf32, #tpu.memory_space<hbm>> -> memref<100000x1024xf32, #tpu.memory_space<hbm>>
    tpu.enqueue_indirect_dma source(%dma_start3A_513 : memref<100000x1024xf32, #tpu.memory_space<hbm>>) target(%dma_start3A_508 : memref<16x1024xf32, #tpu.memory_space<vmem>>) offsets(%dma_start3A_510 : memref<16xi32, #tpu.memory_space<vmem>>) semaphore(%arg8 : memref<!tpu.dma_semaphore, #tpu.memory_space<semaphore_mem>>)
    %dma_wait3A_514 = arith.constant 1 : i32
    %dma_wait3A_515 = arith.constant 0 : i32
    %dma_wait3A_516 = arith.constant 0 : i32
    %dma_wait3A_517 = tpu.memref_slice %arg6[%dma_wait3A_514, %dma_wait3A_515, %dma_wait3A_516] : memref<3x16x1024xf32, #tpu.memory_space<vmem>> -> memref<1x16x1024xf32, #tpu.memory_space<vmem>>
    %dma_wait3A_518 = tpu.memref_squeeze %dma_wait3A_517 : memref<1x16x1024xf32, #tpu.memory_space<vmem>> -> memref<16x1024xf32, #tpu.memory_space<vmem>>
    %dma_wait3A_519 = arith.constant 112 : i32
    %dma_wait3A_520 = tpu.memref_slice %arg5[%dma_wait3A_519] : memref<512xi32, #tpu.memory_space<vmem>> -> memref<16xi32, #tpu.memory_space<vmem>>
    %dma_wait3A_521 = arith.constant 0 : i32
    %dma_wait3A_522 = arith.constant 0 : i32
    %dma_wait3A_523 = tpu.memref_slice %arg2[%dma_wait3A_521, %dma_wait3A_522] : memref<100000x1024xf32, #tpu.memory_space<hbm>> -> memref<100000x1024xf32, #tpu.memory_space<hbm>>
    tpu.wait_indirect_dma semaphore(%arg8 : memref<!tpu.dma_semaphore, #tpu.memory_space<semaphore_mem>>) src(%dma_wait3A_523 : memref<100000x1024xf32, #tpu.memory_space<hbm>>) dst(%dma_wait3A_518 : memref<16x1024xf32, #tpu.memory_space<vmem>>)
    %dma_wait3A_524 = arith.constant 1 : i32
    %dma_wait3A_525 = arith.constant 0 : i32
    %dma_wait3A_526 = tpu.memref_slice %arg4[%add3A_352, %dma_wait3A_525] : memref<16384x1024xf32, #tpu.memory_space<hbm>> -> memref<16x1024xf32, #tpu.memory_space<hbm>>
    %dma_wait3A_527 = arith.constant 0 : i32
    %dma_wait3A_528 = arith.constant 0 : i32
    %dma_wait3A_529 = tpu.memref_slice %arg7[%arg1, %dma_wait3A_524, %dma_wait3A_527, %dma_wait3A_528] : memref<16x3x16x1024xf32, #tpu.memory_space<vmem_shared>> -> memref<1x1x16x1024xf32, #tpu.memory_space<vmem_shared>>
    %dma_wait3A_530 = tpu.memref_squeeze %dma_wait3A_529 : memref<1x1x16x1024xf32, #tpu.memory_space<vmem_shared>> -> memref<16x1024xf32, #tpu.memory_space<vmem_shared>>
    tpu.wait_dma2 semaphore(%arg10 : memref<!tpu.dma_semaphore, #tpu.memory_space<semaphore_mem>>) src(%dma_wait3A_530 : memref<16x1024xf32, #tpu.memory_space<vmem_shared>>) dst(%dma_wait3A_526 : memref<16x1024xf32, #tpu.memory_space<hbm>>)
    %dma_start3A_531 = arith.constant 1 : i32
    %dma_start3A_532 = arith.constant 1 : i32
    %dma_start3A_533 = arith.constant 0 : i32
    %dma_start3A_534 = arith.constant 0 : i32
    %dma_start3A_535 = tpu.memref_slice %arg6[%dma_start3A_531, %dma_start3A_533, %dma_start3A_534] : memref<3x16x1024xf32, #tpu.memory_space<vmem>> -> memref<1x16x1024xf32, #tpu.memory_space<vmem>>
    %dma_start3A_536 = tpu.memref_squeeze %dma_start3A_535 : memref<1x16x1024xf32, #tpu.memory_space<vmem>> -> memref<16x1024xf32, #tpu.memory_space<vmem>>
    %dma_start3A_537 = arith.constant 0 : i32
    %dma_start3A_538 = arith.constant 0 : i32
    %dma_start3A_539 = tpu.memref_slice %arg7[%arg1, %dma_start3A_532, %dma_start3A_537, %dma_start3A_538] : memref<16x3x16x1024xf32, #tpu.memory_space<vmem_shared>> -> memref<1x1x16x1024xf32, #tpu.memory_space<vmem_shared>>
    %dma_start3A_540 = tpu.memref_squeeze %dma_start3A_539 : memref<1x1x16x1024xf32, #tpu.memory_space<vmem_shared>> -> memref<16x1024xf32, #tpu.memory_space<vmem_shared>>
    %dma_start3A_541 = arith.constant 0 : i32
    %dma_start3A_542 = arith.constant 0 : i32
    %dma_start3A_543 = tpu.memref_slice %arg7[%arg1, %dma_start3A_532, %dma_start3A_541, %dma_start3A_542] : memref<16x3x16x1024xf32, #tpu.memory_space<vmem_shared>> -> memref<1x1x16x1024xf32, #tpu.memory_space<vmem_shared>>
    %dma_start3A_544 = tpu.memref_squeeze %dma_start3A_543 : memref<1x1x16x1024xf32, #tpu.memory_space<vmem_shared>> -> memref<16x1024xf32, #tpu.memory_space<vmem_shared>>
    %dma_start3A_545 = arith.constant 0 : i32
    %dma_start3A_546 = arith.constant 0 : i32
    %dma_start3A_547 = tpu.memref_slice %arg6[%dma_start3A_531, %dma_start3A_545, %dma_start3A_546] : memref<3x16x1024xf32, #tpu.memory_space<vmem>> -> memref<1x16x1024xf32, #tpu.memory_space<vmem>>
    %dma_start3A_548 = tpu.memref_squeeze %dma_start3A_547 : memref<1x16x1024xf32, #tpu.memory_space<vmem>> -> memref<16x1024xf32, #tpu.memory_space<vmem>>
    tpu.enqueue_dma source(%dma_start3A_548 : memref<16x1024xf32, #tpu.memory_space<vmem>>) target(%dma_start3A_544 : memref<16x1024xf32, #tpu.memory_space<vmem_shared>>) target_semaphore(%arg9 : memref<!tpu.dma_semaphore, #tpu.memory_space<semaphore_mem>>)
    %dma_wait3A_549 = arith.constant 1 : i32
    %dma_wait3A_550 = arith.constant 1 : i32
    %dma_wait3A_551 = arith.constant 0 : i32
    %dma_wait3A_552 = arith.constant 0 : i32
    %dma_wait3A_553 = tpu.memref_slice %arg6[%dma_wait3A_549, %dma_wait3A_551, %dma_wait3A_552] : memref<3x16x1024xf32, #tpu.memory_space<vmem>> -> memref<1x16x1024xf32, #tpu.memory_space<vmem>>
    %dma_wait3A_554 = tpu.memref_squeeze %dma_wait3A_553 : memref<1x16x1024xf32, #tpu.memory_space<vmem>> -> memref<16x1024xf32, #tpu.memory_space<vmem>>
    %dma_wait3A_555 = arith.constant 0 : i32
    %dma_wait3A_556 = arith.constant 0 : i32
    %dma_wait3A_557 = tpu.memref_slice %arg7[%arg1, %dma_wait3A_550, %dma_wait3A_555, %dma_wait3A_556] : memref<16x3x16x1024xf32, #tpu.memory_space<vmem_shared>> -> memref<1x1x16x1024xf32, #tpu.memory_space<vmem_shared>>
    %dma_wait3A_558 = tpu.memref_squeeze %dma_wait3A_557 : memref<1x1x16x1024xf32, #tpu.memory_space<vmem_shared>> -> memref<16x1024xf32, #tpu.memory_space<vmem_shared>>
    %dma_wait3A_559 = arith.constant 0 : i32
    %dma_wait3A_560 = arith.constant 0 : i32
    %dma_wait3A_561 = tpu.memref_slice %arg7[%arg1, %dma_wait3A_550, %dma_wait3A_559, %dma_wait3A_560] : memref<16x3x16x1024xf32, #tpu.memory_space<vmem_shared>> -> memref<1x1x16x1024xf32, #tpu.memory_space<vmem_shared>>
    %dma_wait3A_562 = tpu.memref_squeeze %dma_wait3A_561 : memref<1x1x16x1024xf32, #tpu.memory_space<vmem_shared>> -> memref<16x1024xf32, #tpu.memory_space<vmem_shared>>
    %dma_wait3A_563 = arith.constant 0 : i32
    %dma_wait3A_564 = arith.constant 0 : i32
    %dma_wait3A_565 = tpu.memref_slice %arg6[%dma_wait3A_549, %dma_wait3A_563, %dma_wait3A_564] : memref<3x16x1024xf32, #tpu.memory_space<vmem>> -> memref<1x16x1024xf32, #tpu.memory_space<vmem>>
    %dma_wait3A_566 = tpu.memref_squeeze %dma_wait3A_565 : memref<1x16x1024xf32, #tpu.memory_space<vmem>> -> memref<16x1024xf32, #tpu.memory_space<vmem>>
    tpu.wait_dma2 semaphore(%arg9 : memref<!tpu.dma_semaphore, #tpu.memory_space<semaphore_mem>>) src(%dma_wait3A_566 : memref<16x1024xf32, #tpu.memory_space<vmem>>) dst(%dma_wait3A_562 : memref<16x1024xf32, #tpu.memory_space<vmem_shared>>)
    %add3A_567 = arith.constant 112 : i32
    %add3A_568 = arith.addi %mul3A_2, %add3A_567 : i32
    %dma_start3A_569 = arith.constant 1 : i32
    %dma_start3A_570 = arith.constant 0 : i32
    %dma_start3A_571 = tpu.memref_slice %arg4[%add3A_568, %dma_start3A_570] : memref<16384x1024xf32, #tpu.memory_space<hbm>> -> memref<16x1024xf32, #tpu.memory_space<hbm>>
    %dma_start3A_572 = arith.constant 0 : i32
    %dma_start3A_573 = arith.constant 0 : i32
    %dma_start3A_574 = tpu.memref_slice %arg7[%arg1, %dma_start3A_569, %dma_start3A_572, %dma_start3A_573] : memref<16x3x16x1024xf32, #tpu.memory_space<vmem_shared>> -> memref<1x1x16x1024xf32, #tpu.memory_space<vmem_shared>>
    %dma_start3A_575 = tpu.memref_squeeze %dma_start3A_574 : memref<1x1x16x1024xf32, #tpu.memory_space<vmem_shared>> -> memref<16x1024xf32, #tpu.memory_space<vmem_shared>>
    tpu.enqueue_dma source(%dma_start3A_575 : memref<16x1024xf32, #tpu.memory_space<vmem_shared>>) target(%dma_start3A_571 : memref<16x1024xf32, #tpu.memory_space<hbm>>) target_semaphore(%arg10 : memref<!tpu.dma_semaphore, #tpu.memory_space<semaphore_mem>>)
    %dma_start3A_576 = arith.constant 1 : i32
    %dma_start3A_577 = arith.constant 0 : i32
    %dma_start3A_578 = arith.constant 0 : i32
    %dma_start3A_579 = tpu.memref_slice %arg6[%dma_start3A_576, %dma_start3A_577, %dma_start3A_578] : memref<3x16x1024xf32, #tpu.memory_space<vmem>> -> memref<1x16x1024xf32, #tpu.memory_space<vmem>>
    %dma_start3A_580 = tpu.memref_squeeze %dma_start3A_579 : memref<1x16x1024xf32, #tpu.memory_space<vmem>> -> memref<16x1024xf32, #tpu.memory_space<vmem>>
    %dma_start3A_581 = arith.constant 160 : i32
    %dma_start3A_582 = tpu.memref_slice %arg5[%dma_start3A_581] : memref<512xi32, #tpu.memory_space<vmem>> -> memref<16xi32, #tpu.memory_space<vmem>>
    %dma_start3A_583 = arith.constant 0 : i32
    %dma_start3A_584 = arith.constant 0 : i32
    %dma_start3A_585 = tpu.memref_slice %arg2[%dma_start3A_583, %dma_start3A_584] : memref<100000x1024xf32, #tpu.memory_space<hbm>> -> memref<100000x1024xf32, #tpu.memory_space<hbm>>
    tpu.enqueue_indirect_dma source(%dma_start3A_585 : memref<100000x1024xf32, #tpu.memory_space<hbm>>) target(%dma_start3A_580 : memref<16x1024xf32, #tpu.memory_space<vmem>>) offsets(%dma_start3A_582 : memref<16xi32, #tpu.memory_space<vmem>>) semaphore(%arg8 : memref<!tpu.dma_semaphore, #tpu.memory_space<semaphore_mem>>)
    %dma_wait3A_586 = arith.constant 2 : i32
    %dma_wait3A_587 = arith.constant 0 : i32
    %dma_wait3A_588 = arith.constant 0 : i32
    %dma_wait3A_589 = tpu.memref_slice %arg6[%dma_wait3A_586, %dma_wait3A_587, %dma_wait3A_588] : memref<3x16x1024xf32, #tpu.memory_space<vmem>> -> memref<1x16x1024xf32, #tpu.memory_space<vmem>>
    %dma_wait3A_590 = tpu.memref_squeeze %dma_wait3A_589 : memref<1x16x1024xf32, #tpu.memory_space<vmem>> -> memref<16x1024xf32, #tpu.memory_space<vmem>>
    %dma_wait3A_591 = arith.constant 128 : i32
    %dma_wait3A_592 = tpu.memref_slice %arg5[%dma_wait3A_591] : memref<512xi32, #tpu.memory_space<vmem>> -> memref<16xi32, #tpu.memory_space<vmem>>
    %dma_wait3A_593 = arith.constant 0 : i32
    %dma_wait3A_594 = arith.constant 0 : i32
    %dma_wait3A_595 = tpu.memref_slice %arg2[%dma_wait3A_593, %dma_wait3A_594] : memref<100000x1024xf32, #tpu.memory_space<hbm>> -> memref<100000x1024xf32, #tpu.memory_space<hbm>>
    tpu.wait_indirect_dma semaphore(%arg8 : memref<!tpu.dma_semaphore, #tpu.memory_space<semaphore_mem>>) src(%dma_wait3A_595 : memref<100000x1024xf32, #tpu.memory_space<hbm>>) dst(%dma_wait3A_590 : memref<16x1024xf32, #tpu.memory_space<vmem>>)
    %dma_wait3A_596 = arith.constant 2 : i32
    %dma_wait3A_597 = arith.constant 0 : i32
    %dma_wait3A_598 = tpu.memref_slice %arg4[%add3A_424, %dma_wait3A_597] : memref<16384x1024xf32, #tpu.memory_space<hbm>> -> memref<16x1024xf32, #tpu.memory_space<hbm>>
    %dma_wait3A_599 = arith.constant 0 : i32
    %dma_wait3A_600 = arith.constant 0 : i32
    %dma_wait3A_601 = tpu.memref_slice %arg7[%arg1, %dma_wait3A_596, %dma_wait3A_599, %dma_wait3A_600] : memref<16x3x16x1024xf32, #tpu.memory_space<vmem_shared>> -> memref<1x1x16x1024xf32, #tpu.memory_space<vmem_shared>>
    %dma_wait3A_602 = tpu.memref_squeeze %dma_wait3A_601 : memref<1x1x16x1024xf32, #tpu.memory_space<vmem_shared>> -> memref<16x1024xf32, #tpu.memory_space<vmem_shared>>
    tpu.wait_dma2 semaphore(%arg10 : memref<!tpu.dma_semaphore, #tpu.memory_space<semaphore_mem>>) src(%dma_wait3A_602 : memref<16x1024xf32, #tpu.memory_space<vmem_shared>>) dst(%dma_wait3A_598 : memref<16x1024xf32, #tpu.memory_space<hbm>>)
    %dma_start3A_603 = arith.constant 2 : i32
    %dma_start3A_604 = arith.constant 2 : i32
    %dma_start3A_605 = arith.constant 0 : i32
    %dma_start3A_606 = arith.constant 0 : i32
    %dma_start3A_607 = tpu.memref_slice %arg6[%dma_start3A_603, %dma_start3A_605, %dma_start3A_606] : memref<3x16x1024xf32, #tpu.memory_space<vmem>> -> memref<1x16x1024xf32, #tpu.memory_space<vmem>>
    %dma_start3A_608 = tpu.memref_squeeze %dma_start3A_607 : memref<1x16x1024xf32, #tpu.memory_space<vmem>> -> memref<16x1024xf32, #tpu.memory_space<vmem>>
    %dma_start3A_609 = arith.constant 0 : i32
    %dma_start3A_610 = arith.constant 0 : i32
    %dma_start3A_611 = tpu.memref_slice %arg7[%arg1, %dma_start3A_604, %dma_start3A_609, %dma_start3A_610] : memref<16x3x16x1024xf32, #tpu.memory_space<vmem_shared>> -> memref<1x1x16x1024xf32, #tpu.memory_space<vmem_shared>>
    %dma_start3A_612 = tpu.memref_squeeze %dma_start3A_611 : memref<1x1x16x1024xf32, #tpu.memory_space<vmem_shared>> -> memref<16x1024xf32, #tpu.memory_space<vmem_shared>>
    %dma_start3A_613 = arith.constant 0 : i32
    %dma_start3A_614 = arith.constant 0 : i32
    %dma_start3A_615 = tpu.memref_slice %arg7[%arg1, %dma_start3A_604, %dma_start3A_613, %dma_start3A_614] : memref<16x3x16x1024xf32, #tpu.memory_space<vmem_shared>> -> memref<1x1x16x1024xf32, #tpu.memory_space<vmem_shared>>
    %dma_start3A_616 = tpu.memref_squeeze %dma_start3A_615 : memref<1x1x16x1024xf32, #tpu.memory_space<vmem_shared>> -> memref<16x1024xf32, #tpu.memory_space<vmem_shared>>
    %dma_start3A_617 = arith.constant 0 : i32
    %dma_start3A_618 = arith.constant 0 : i32
    %dma_start3A_619 = tpu.memref_slice %arg6[%dma_start3A_603, %dma_start3A_617, %dma_start3A_618] : memref<3x16x1024xf32, #tpu.memory_space<vmem>> -> memref<1x16x1024xf32, #tpu.memory_space<vmem>>
    %dma_start3A_620 = tpu.memref_squeeze %dma_start3A_619 : memref<1x16x1024xf32, #tpu.memory_space<vmem>> -> memref<16x1024xf32, #tpu.memory_space<vmem>>
    tpu.enqueue_dma source(%dma_start3A_620 : memref<16x1024xf32, #tpu.memory_space<vmem>>) target(%dma_start3A_616 : memref<16x1024xf32, #tpu.memory_space<vmem_shared>>) target_semaphore(%arg9 : memref<!tpu.dma_semaphore, #tpu.memory_space<semaphore_mem>>)
    %dma_wait3A_621 = arith.constant 2 : i32
    %dma_wait3A_622 = arith.constant 2 : i32
    %dma_wait3A_623 = arith.constant 0 : i32
    %dma_wait3A_624 = arith.constant 0 : i32
    %dma_wait3A_625 = tpu.memref_slice %arg6[%dma_wait3A_621, %dma_wait3A_623, %dma_wait3A_624] : memref<3x16x1024xf32, #tpu.memory_space<vmem>> -> memref<1x16x1024xf32, #tpu.memory_space<vmem>>
    %dma_wait3A_626 = tpu.memref_squeeze %dma_wait3A_625 : memref<1x16x1024xf32, #tpu.memory_space<vmem>> -> memref<16x1024xf32, #tpu.memory_space<vmem>>
    %dma_wait3A_627 = arith.constant 0 : i32
    %dma_wait3A_628 = arith.constant 0 : i32
    %dma_wait3A_629 = tpu.memref_slice %arg7[%arg1, %dma_wait3A_622, %dma_wait3A_627, %dma_wait3A_628] : memref<16x3x16x1024xf32, #tpu.memory_space<vmem_shared>> -> memref<1x1x16x1024xf32, #tpu.memory_space<vmem_shared>>
    %dma_wait3A_630 = tpu.memref_squeeze %dma_wait3A_629 : memref<1x1x16x1024xf32, #tpu.memory_space<vmem_shared>> -> memref<16x1024xf32, #tpu.memory_space<vmem_shared>>
    %dma_wait3A_631 = arith.constant 0 : i32
    %dma_wait3A_632 = arith.constant 0 : i32
    %dma_wait3A_633 = tpu.memref_slice %arg7[%arg1, %dma_wait3A_622, %dma_wait3A_631, %dma_wait3A_632] : memref<16x3x16x1024xf32, #tpu.memory_space<vmem_shared>> -> memref<1x1x16x1024xf32, #tpu.memory_space<vmem_shared>>
    %dma_wait3A_634 = tpu.memref_squeeze %dma_wait3A_633 : memref<1x1x16x1024xf32, #tpu.memory_space<vmem_shared>> -> memref<16x1024xf32, #tpu.memory_space<vmem_shared>>
    %dma_wait3A_635 = arith.constant 0 : i32
    %dma_wait3A_636 = arith.constant 0 : i32
    %dma_wait3A_637 = tpu.memref_slice %arg6[%dma_wait3A_621, %dma_wait3A_635, %dma_wait3A_636] : memref<3x16x1024xf32, #tpu.memory_space<vmem>> -> memref<1x16x1024xf32, #tpu.memory_space<vmem>>
    %dma_wait3A_638 = tpu.memref_squeeze %dma_wait3A_637 : memref<1x16x1024xf32, #tpu.memory_space<vmem>> -> memref<16x1024xf32, #tpu.memory_space<vmem>>
    tpu.wait_dma2 semaphore(%arg9 : memref<!tpu.dma_semaphore, #tpu.memory_space<semaphore_mem>>) src(%dma_wait3A_638 : memref<16x1024xf32, #tpu.memory_space<vmem>>) dst(%dma_wait3A_634 : memref<16x1024xf32, #tpu.memory_space<vmem_shared>>)
    %add3A_639 = arith.constant 128 : i32
    %add3A_640 = arith.addi %mul3A_2, %add3A_639 : i32
    %dma_start3A_641 = arith.constant 2 : i32
    %dma_start3A_642 = arith.constant 0 : i32
    %dma_start3A_643 = tpu.memref_slice %arg4[%add3A_640, %dma_start3A_642] : memref<16384x1024xf32, #tpu.memory_space<hbm>> -> memref<16x1024xf32, #tpu.memory_space<hbm>>
    %dma_start3A_644 = arith.constant 0 : i32
    %dma_start3A_645 = arith.constant 0 : i32
    %dma_start3A_646 = tpu.memref_slice %arg7[%arg1, %dma_start3A_641, %dma_start3A_644, %dma_start3A_645] : memref<16x3x16x1024xf32, #tpu.memory_space<vmem_shared>> -> memref<1x1x16x1024xf32, #tpu.memory_space<vmem_shared>>
    %dma_start3A_647 = tpu.memref_squeeze %dma_start3A_646 : memref<1x1x16x1024xf32, #tpu.memory_space<vmem_shared>> -> memref<16x1024xf32, #tpu.memory_space<vmem_shared>>
    tpu.enqueue_dma source(%dma_start3A_647 : memref<16x1024xf32, #tpu.memory_space<vmem_shared>>) target(%dma_start3A_643 : memref<16x1024xf32, #tpu.memory_space<hbm>>) target_semaphore(%arg10 : memref<!tpu.dma_semaphore, #tpu.memory_space<semaphore_mem>>)
    %dma_start3A_648 = arith.constant 2 : i32
    %dma_start3A_649 = arith.constant 0 : i32
    %dma_start3A_650 = arith.constant 0 : i32
    %dma_start3A_651 = tpu.memref_slice %arg6[%dma_start3A_648, %dma_start3A_649, %dma_start3A_650] : memref<3x16x1024xf32, #tpu.memory_space<vmem>> -> memref<1x16x1024xf32, #tpu.memory_space<vmem>>
    %dma_start3A_652 = tpu.memref_squeeze %dma_start3A_651 : memref<1x16x1024xf32, #tpu.memory_space<vmem>> -> memref<16x1024xf32, #tpu.memory_space<vmem>>
    %dma_start3A_653 = arith.constant 176 : i32
    %dma_start3A_654 = tpu.memref_slice %arg5[%dma_start3A_653] : memref<512xi32, #tpu.memory_space<vmem>> -> memref<16xi32, #tpu.memory_space<vmem>>
    %dma_start3A_655 = arith.constant 0 : i32
    %dma_start3A_656 = arith.constant 0 : i32
    %dma_start3A_657 = tpu.memref_slice %arg2[%dma_start3A_655, %dma_start3A_656] : memref<100000x1024xf32, #tpu.memory_space<hbm>> -> memref<100000x1024xf32, #tpu.memory_space<hbm>>
    tpu.enqueue_indirect_dma source(%dma_start3A_657 : memref<100000x1024xf32, #tpu.memory_space<hbm>>) target(%dma_start3A_652 : memref<16x1024xf32, #tpu.memory_space<vmem>>) offsets(%dma_start3A_654 : memref<16xi32, #tpu.memory_space<vmem>>) semaphore(%arg8 : memref<!tpu.dma_semaphore, #tpu.memory_space<semaphore_mem>>)
    %dma_wait3A_658 = arith.constant 0 : i32
    %dma_wait3A_659 = arith.constant 0 : i32
    %dma_wait3A_660 = arith.constant 0 : i32
    %dma_wait3A_661 = tpu.memref_slice %arg6[%dma_wait3A_658, %dma_wait3A_659, %dma_wait3A_660] : memref<3x16x1024xf32, #tpu.memory_space<vmem>> -> memref<1x16x1024xf32, #tpu.memory_space<vmem>>
    %dma_wait3A_662 = tpu.memref_squeeze %dma_wait3A_661 : memref<1x16x1024xf32, #tpu.memory_space<vmem>> -> memref<16x1024xf32, #tpu.memory_space<vmem>>
    %dma_wait3A_663 = arith.constant 144 : i32
    %dma_wait3A_664 = tpu.memref_slice %arg5[%dma_wait3A_663] : memref<512xi32, #tpu.memory_space<vmem>> -> memref<16xi32, #tpu.memory_space<vmem>>
    %dma_wait3A_665 = arith.constant 0 : i32
    %dma_wait3A_666 = arith.constant 0 : i32
    %dma_wait3A_667 = tpu.memref_slice %arg2[%dma_wait3A_665, %dma_wait3A_666] : memref<100000x1024xf32, #tpu.memory_space<hbm>> -> memref<100000x1024xf32, #tpu.memory_space<hbm>>
    tpu.wait_indirect_dma semaphore(%arg8 : memref<!tpu.dma_semaphore, #tpu.memory_space<semaphore_mem>>) src(%dma_wait3A_667 : memref<100000x1024xf32, #tpu.memory_space<hbm>>) dst(%dma_wait3A_662 : memref<16x1024xf32, #tpu.memory_space<vmem>>)
    %dma_wait3A_668 = arith.constant 0 : i32
    %dma_wait3A_669 = arith.constant 0 : i32
    %dma_wait3A_670 = tpu.memref_slice %arg4[%add3A_496, %dma_wait3A_669] : memref<16384x1024xf32, #tpu.memory_space<hbm>> -> memref<16x1024xf32, #tpu.memory_space<hbm>>
    %dma_wait3A_671 = arith.constant 0 : i32
    %dma_wait3A_672 = arith.constant 0 : i32
    %dma_wait3A_673 = tpu.memref_slice %arg7[%arg1, %dma_wait3A_668, %dma_wait3A_671, %dma_wait3A_672] : memref<16x3x16x1024xf32, #tpu.memory_space<vmem_shared>> -> memref<1x1x16x1024xf32, #tpu.memory_space<vmem_shared>>
    %dma_wait3A_674 = tpu.memref_squeeze %dma_wait3A_673 : memref<1x1x16x1024xf32, #tpu.memory_space<vmem_shared>> -> memref<16x1024xf32, #tpu.memory_space<vmem_shared>>
    tpu.wait_dma2 semaphore(%arg10 : memref<!tpu.dma_semaphore, #tpu.memory_space<semaphore_mem>>) src(%dma_wait3A_674 : memref<16x1024xf32, #tpu.memory_space<vmem_shared>>) dst(%dma_wait3A_670 : memref<16x1024xf32, #tpu.memory_space<hbm>>)
    %dma_start3A_675 = arith.constant 0 : i32
    %dma_start3A_676 = arith.constant 0 : i32
    %dma_start3A_677 = arith.constant 0 : i32
    %dma_start3A_678 = arith.constant 0 : i32
    %dma_start3A_679 = tpu.memref_slice %arg6[%dma_start3A_675, %dma_start3A_677, %dma_start3A_678] : memref<3x16x1024xf32, #tpu.memory_space<vmem>> -> memref<1x16x1024xf32, #tpu.memory_space<vmem>>
    %dma_start3A_680 = tpu.memref_squeeze %dma_start3A_679 : memref<1x16x1024xf32, #tpu.memory_space<vmem>> -> memref<16x1024xf32, #tpu.memory_space<vmem>>
    %dma_start3A_681 = arith.constant 0 : i32
    %dma_start3A_682 = arith.constant 0 : i32
    %dma_start3A_683 = tpu.memref_slice %arg7[%arg1, %dma_start3A_676, %dma_start3A_681, %dma_start3A_682] : memref<16x3x16x1024xf32, #tpu.memory_space<vmem_shared>> -> memref<1x1x16x1024xf32, #tpu.memory_space<vmem_shared>>
    %dma_start3A_684 = tpu.memref_squeeze %dma_start3A_683 : memref<1x1x16x1024xf32, #tpu.memory_space<vmem_shared>> -> memref<16x1024xf32, #tpu.memory_space<vmem_shared>>
    %dma_start3A_685 = arith.constant 0 : i32
    %dma_start3A_686 = arith.constant 0 : i32
    %dma_start3A_687 = tpu.memref_slice %arg7[%arg1, %dma_start3A_676, %dma_start3A_685, %dma_start3A_686] : memref<16x3x16x1024xf32, #tpu.memory_space<vmem_shared>> -> memref<1x1x16x1024xf32, #tpu.memory_space<vmem_shared>>
    %dma_start3A_688 = tpu.memref_squeeze %dma_start3A_687 : memref<1x1x16x1024xf32, #tpu.memory_space<vmem_shared>> -> memref<16x1024xf32, #tpu.memory_space<vmem_shared>>
    %dma_start3A_689 = arith.constant 0 : i32
    %dma_start3A_690 = arith.constant 0 : i32
    %dma_start3A_691 = tpu.memref_slice %arg6[%dma_start3A_675, %dma_start3A_689, %dma_start3A_690] : memref<3x16x1024xf32, #tpu.memory_space<vmem>> -> memref<1x16x1024xf32, #tpu.memory_space<vmem>>
    %dma_start3A_692 = tpu.memref_squeeze %dma_start3A_691 : memref<1x16x1024xf32, #tpu.memory_space<vmem>> -> memref<16x1024xf32, #tpu.memory_space<vmem>>
    tpu.enqueue_dma source(%dma_start3A_692 : memref<16x1024xf32, #tpu.memory_space<vmem>>) target(%dma_start3A_688 : memref<16x1024xf32, #tpu.memory_space<vmem_shared>>) target_semaphore(%arg9 : memref<!tpu.dma_semaphore, #tpu.memory_space<semaphore_mem>>)
    %dma_wait3A_693 = arith.constant 0 : i32
    %dma_wait3A_694 = arith.constant 0 : i32
    %dma_wait3A_695 = arith.constant 0 : i32
    %dma_wait3A_696 = arith.constant 0 : i32
    %dma_wait3A_697 = tpu.memref_slice %arg6[%dma_wait3A_693, %dma_wait3A_695, %dma_wait3A_696] : memref<3x16x1024xf32, #tpu.memory_space<vmem>> -> memref<1x16x1024xf32, #tpu.memory_space<vmem>>
    %dma_wait3A_698 = tpu.memref_squeeze %dma_wait3A_697 : memref<1x16x1024xf32, #tpu.memory_space<vmem>> -> memref<16x1024xf32, #tpu.memory_space<vmem>>
    %dma_wait3A_699 = arith.constant 0 : i32
    %dma_wait3A_700 = arith.constant 0 : i32
    %dma_wait3A_701 = tpu.memref_slice %arg7[%arg1, %dma_wait3A_694, %dma_wait3A_699, %dma_wait3A_700] : memref<16x3x16x1024xf32, #tpu.memory_space<vmem_shared>> -> memref<1x1x16x1024xf32, #tpu.memory_space<vmem_shared>>
    %dma_wait3A_702 = tpu.memref_squeeze %dma_wait3A_701 : memref<1x1x16x1024xf32, #tpu.memory_space<vmem_shared>> -> memref<16x1024xf32, #tpu.memory_space<vmem_shared>>
    %dma_wait3A_703 = arith.constant 0 : i32
    %dma_wait3A_704 = arith.constant 0 : i32
    %dma_wait3A_705 = tpu.memref_slice %arg7[%arg1, %dma_wait3A_694, %dma_wait3A_703, %dma_wait3A_704] : memref<16x3x16x1024xf32, #tpu.memory_space<vmem_shared>> -> memref<1x1x16x1024xf32, #tpu.memory_space<vmem_shared>>
    %dma_wait3A_706 = tpu.memref_squeeze %dma_wait3A_705 : memref<1x1x16x1024xf32, #tpu.memory_space<vmem_shared>> -> memref<16x1024xf32, #tpu.memory_space<vmem_shared>>
    %dma_wait3A_707 = arith.constant 0 : i32
    %dma_wait3A_708 = arith.constant 0 : i32
    %dma_wait3A_709 = tpu.memref_slice %arg6[%dma_wait3A_693, %dma_wait3A_707, %dma_wait3A_708] : memref<3x16x1024xf32, #tpu.memory_space<vmem>> -> memref<1x16x1024xf32, #tpu.memory_space<vmem>>
    %dma_wait3A_710 = tpu.memref_squeeze %dma_wait3A_709 : memref<1x16x1024xf32, #tpu.memory_space<vmem>> -> memref<16x1024xf32, #tpu.memory_space<vmem>>
    tpu.wait_dma2 semaphore(%arg9 : memref<!tpu.dma_semaphore, #tpu.memory_space<semaphore_mem>>) src(%dma_wait3A_710 : memref<16x1024xf32, #tpu.memory_space<vmem>>) dst(%dma_wait3A_706 : memref<16x1024xf32, #tpu.memory_space<vmem_shared>>)
    %add3A_711 = arith.constant 144 : i32
    %add3A_712 = arith.addi %mul3A_2, %add3A_711 : i32
    %dma_start3A_713 = arith.constant 0 : i32
    %dma_start3A_714 = arith.constant 0 : i32
    %dma_start3A_715 = tpu.memref_slice %arg4[%add3A_712, %dma_start3A_714] : memref<16384x1024xf32, #tpu.memory_space<hbm>> -> memref<16x1024xf32, #tpu.memory_space<hbm>>
    %dma_start3A_716 = arith.constant 0 : i32
    %dma_start3A_717 = arith.constant 0 : i32
    %dma_start3A_718 = tpu.memref_slice %arg7[%arg1, %dma_start3A_713, %dma_start3A_716, %dma_start3A_717] : memref<16x3x16x1024xf32, #tpu.memory_space<vmem_shared>> -> memref<1x1x16x1024xf32, #tpu.memory_space<vmem_shared>>
    %dma_start3A_719 = tpu.memref_squeeze %dma_start3A_718 : memref<1x1x16x1024xf32, #tpu.memory_space<vmem_shared>> -> memref<16x1024xf32, #tpu.memory_space<vmem_shared>>
    tpu.enqueue_dma source(%dma_start3A_719 : memref<16x1024xf32, #tpu.memory_space<vmem_shared>>) target(%dma_start3A_715 : memref<16x1024xf32, #tpu.memory_space<hbm>>) target_semaphore(%arg10 : memref<!tpu.dma_semaphore, #tpu.memory_space<semaphore_mem>>)
    %dma_start3A_720 = arith.constant 0 : i32
    %dma_start3A_721 = arith.constant 0 : i32
    %dma_start3A_722 = arith.constant 0 : i32
    %dma_start3A_723 = tpu.memref_slice %arg6[%dma_start3A_720, %dma_start3A_721, %dma_start3A_722] : memref<3x16x1024xf32, #tpu.memory_space<vmem>> -> memref<1x16x1024xf32, #tpu.memory_space<vmem>>
    %dma_start3A_724 = tpu.memref_squeeze %dma_start3A_723 : memref<1x16x1024xf32, #tpu.memory_space<vmem>> -> memref<16x1024xf32, #tpu.memory_space<vmem>>
    %dma_start3A_725 = arith.constant 192 : i32
    %dma_start3A_726 = tpu.memref_slice %arg5[%dma_start3A_725] : memref<512xi32, #tpu.memory_space<vmem>> -> memref<16xi32, #tpu.memory_space<vmem>>
    %dma_start3A_727 = arith.constant 0 : i32
    %dma_start3A_728 = arith.constant 0 : i32
    %dma_start3A_729 = tpu.memref_slice %arg2[%dma_start3A_727, %dma_start3A_728] : memref<100000x1024xf32, #tpu.memory_space<hbm>> -> memref<100000x1024xf32, #tpu.memory_space<hbm>>
    tpu.enqueue_indirect_dma source(%dma_start3A_729 : memref<100000x1024xf32, #tpu.memory_space<hbm>>) target(%dma_start3A_724 : memref<16x1024xf32, #tpu.memory_space<vmem>>) offsets(%dma_start3A_726 : memref<16xi32, #tpu.memory_space<vmem>>) semaphore(%arg8 : memref<!tpu.dma_semaphore, #tpu.memory_space<semaphore_mem>>)
    %dma_wait3A_730 = arith.constant 1 : i32
    %dma_wait3A_731 = arith.constant 0 : i32
    %dma_wait3A_732 = arith.constant 0 : i32
    %dma_wait3A_733 = tpu.memref_slice %arg6[%dma_wait3A_730, %dma_wait3A_731, %dma_wait3A_732] : memref<3x16x1024xf32, #tpu.memory_space<vmem>> -> memref<1x16x1024xf32, #tpu.memory_space<vmem>>
    %dma_wait3A_734 = tpu.memref_squeeze %dma_wait3A_733 : memref<1x16x1024xf32, #tpu.memory_space<vmem>> -> memref<16x1024xf32, #tpu.memory_space<vmem>>
    %dma_wait3A_735 = arith.constant 160 : i32
    %dma_wait3A_736 = tpu.memref_slice %arg5[%dma_wait3A_735] : memref<512xi32, #tpu.memory_space<vmem>> -> memref<16xi32, #tpu.memory_space<vmem>>
    %dma_wait3A_737 = arith.constant 0 : i32
    %dma_wait3A_738 = arith.constant 0 : i32
    %dma_wait3A_739 = tpu.memref_slice %arg2[%dma_wait3A_737, %dma_wait3A_738] : memref<100000x1024xf32, #tpu.memory_space<hbm>> -> memref<100000x1024xf32, #tpu.memory_space<hbm>>
    tpu.wait_indirect_dma semaphore(%arg8 : memref<!tpu.dma_semaphore, #tpu.memory_space<semaphore_mem>>) src(%dma_wait3A_739 : memref<100000x1024xf32, #tpu.memory_space<hbm>>) dst(%dma_wait3A_734 : memref<16x1024xf32, #tpu.memory_space<vmem>>)
    %dma_wait3A_740 = arith.constant 1 : i32
    %dma_wait3A_741 = arith.constant 0 : i32
    %dma_wait3A_742 = tpu.memref_slice %arg4[%add3A_568, %dma_wait3A_741] : memref<16384x1024xf32, #tpu.memory_space<hbm>> -> memref<16x1024xf32, #tpu.memory_space<hbm>>
    %dma_wait3A_743 = arith.constant 0 : i32
    %dma_wait3A_744 = arith.constant 0 : i32
    %dma_wait3A_745 = tpu.memref_slice %arg7[%arg1, %dma_wait3A_740, %dma_wait3A_743, %dma_wait3A_744] : memref<16x3x16x1024xf32, #tpu.memory_space<vmem_shared>> -> memref<1x1x16x1024xf32, #tpu.memory_space<vmem_shared>>
    %dma_wait3A_746 = tpu.memref_squeeze %dma_wait3A_745 : memref<1x1x16x1024xf32, #tpu.memory_space<vmem_shared>> -> memref<16x1024xf32, #tpu.memory_space<vmem_shared>>
    tpu.wait_dma2 semaphore(%arg10 : memref<!tpu.dma_semaphore, #tpu.memory_space<semaphore_mem>>) src(%dma_wait3A_746 : memref<16x1024xf32, #tpu.memory_space<vmem_shared>>) dst(%dma_wait3A_742 : memref<16x1024xf32, #tpu.memory_space<hbm>>)
    %dma_start3A_747 = arith.constant 1 : i32
    %dma_start3A_748 = arith.constant 1 : i32
    %dma_start3A_749 = arith.constant 0 : i32
    %dma_start3A_750 = arith.constant 0 : i32
    %dma_start3A_751 = tpu.memref_slice %arg6[%dma_start3A_747, %dma_start3A_749, %dma_start3A_750] : memref<3x16x1024xf32, #tpu.memory_space<vmem>> -> memref<1x16x1024xf32, #tpu.memory_space<vmem>>
    %dma_start3A_752 = tpu.memref_squeeze %dma_start3A_751 : memref<1x16x1024xf32, #tpu.memory_space<vmem>> -> memref<16x1024xf32, #tpu.memory_space<vmem>>
    %dma_start3A_753 = arith.constant 0 : i32
    %dma_start3A_754 = arith.constant 0 : i32
    %dma_start3A_755 = tpu.memref_slice %arg7[%arg1, %dma_start3A_748, %dma_start3A_753, %dma_start3A_754] : memref<16x3x16x1024xf32, #tpu.memory_space<vmem_shared>> -> memref<1x1x16x1024xf32, #tpu.memory_space<vmem_shared>>
    %dma_start3A_756 = tpu.memref_squeeze %dma_start3A_755 : memref<1x1x16x1024xf32, #tpu.memory_space<vmem_shared>> -> memref<16x1024xf32, #tpu.memory_space<vmem_shared>>
    %dma_start3A_757 = arith.constant 0 : i32
    %dma_start3A_758 = arith.constant 0 : i32
    %dma_start3A_759 = tpu.memref_slice %arg7[%arg1, %dma_start3A_748, %dma_start3A_757, %dma_start3A_758] : memref<16x3x16x1024xf32, #tpu.memory_space<vmem_shared>> -> memref<1x1x16x1024xf32, #tpu.memory_space<vmem_shared>>
    %dma_start3A_760 = tpu.memref_squeeze %dma_start3A_759 : memref<1x1x16x1024xf32, #tpu.memory_space<vmem_shared>> -> memref<16x1024xf32, #tpu.memory_space<vmem_shared>>
    %dma_start3A_761 = arith.constant 0 : i32
    %dma_start3A_762 = arith.constant 0 : i32
    %dma_start3A_763 = tpu.memref_slice %arg6[%dma_start3A_747, %dma_start3A_761, %dma_start3A_762] : memref<3x16x1024xf32, #tpu.memory_space<vmem>> -> memref<1x16x1024xf32, #tpu.memory_space<vmem>>
    %dma_start3A_764 = tpu.memref_squeeze %dma_start3A_763 : memref<1x16x1024xf32, #tpu.memory_space<vmem>> -> memref<16x1024xf32, #tpu.memory_space<vmem>>
    tpu.enqueue_dma source(%dma_start3A_764 : memref<16x1024xf32, #tpu.memory_space<vmem>>) target(%dma_start3A_760 : memref<16x1024xf32, #tpu.memory_space<vmem_shared>>) target_semaphore(%arg9 : memref<!tpu.dma_semaphore, #tpu.memory_space<semaphore_mem>>)
    %dma_wait3A_765 = arith.constant 1 : i32
    %dma_wait3A_766 = arith.constant 1 : i32
    %dma_wait3A_767 = arith.constant 0 : i32
    %dma_wait3A_768 = arith.constant 0 : i32
    %dma_wait3A_769 = tpu.memref_slice %arg6[%dma_wait3A_765, %dma_wait3A_767, %dma_wait3A_768] : memref<3x16x1024xf32, #tpu.memory_space<vmem>> -> memref<1x16x1024xf32, #tpu.memory_space<vmem>>
    %dma_wait3A_770 = tpu.memref_squeeze %dma_wait3A_769 : memref<1x16x1024xf32, #tpu.memory_space<vmem>> -> memref<16x1024xf32, #tpu.memory_space<vmem>>
    %dma_wait3A_771 = arith.constant 0 : i32
    %dma_wait3A_772 = arith.constant 0 : i32
    %dma_wait3A_773 = tpu.memref_slice %arg7[%arg1, %dma_wait3A_766, %dma_wait3A_771, %dma_wait3A_772] : memref<16x3x16x1024xf32, #tpu.memory_space<vmem_shared>> -> memref<1x1x16x1024xf32, #tpu.memory_space<vmem_shared>>
    %dma_wait3A_774 = tpu.memref_squeeze %dma_wait3A_773 : memref<1x1x16x1024xf32, #tpu.memory_space<vmem_shared>> -> memref<16x1024xf32, #tpu.memory_space<vmem_shared>>
    %dma_wait3A_775 = arith.constant 0 : i32
    %dma_wait3A_776 = arith.constant 0 : i32
    %dma_wait3A_777 = tpu.memref_slice %arg7[%arg1, %dma_wait3A_766, %dma_wait3A_775, %dma_wait3A_776] : memref<16x3x16x1024xf32, #tpu.memory_space<vmem_shared>> -> memref<1x1x16x1024xf32, #tpu.memory_space<vmem_shared>>
    %dma_wait3A_778 = tpu.memref_squeeze %dma_wait3A_777 : memref<1x1x16x1024xf32, #tpu.memory_space<vmem_shared>> -> memref<16x1024xf32, #tpu.memory_space<vmem_shared>>
    %dma_wait3A_779 = arith.constant 0 : i32
    %dma_wait3A_780 = arith.constant 0 : i32
    %dma_wait3A_781 = tpu.memref_slice %arg6[%dma_wait3A_765, %dma_wait3A_779, %dma_wait3A_780] : memref<3x16x1024xf32, #tpu.memory_space<vmem>> -> memref<1x16x1024xf32, #tpu.memory_space<vmem>>
    %dma_wait3A_782 = tpu.memref_squeeze %dma_wait3A_781 : memref<1x16x1024xf32, #tpu.memory_space<vmem>> -> memref<16x1024xf32, #tpu.memory_space<vmem>>
    tpu.wait_dma2 semaphore(%arg9 : memref<!tpu.dma_semaphore, #tpu.memory_space<semaphore_mem>>) src(%dma_wait3A_782 : memref<16x1024xf32, #tpu.memory_space<vmem>>) dst(%dma_wait3A_778 : memref<16x1024xf32, #tpu.memory_space<vmem_shared>>)
    %add3A_783 = arith.constant 160 : i32
    %add3A_784 = arith.addi %mul3A_2, %add3A_783 : i32
    %dma_start3A_785 = arith.constant 1 : i32
    %dma_start3A_786 = arith.constant 0 : i32
    %dma_start3A_787 = tpu.memref_slice %arg4[%add3A_784, %dma_start3A_786] : memref<16384x1024xf32, #tpu.memory_space<hbm>> -> memref<16x1024xf32, #tpu.memory_space<hbm>>
    %dma_start3A_788 = arith.constant 0 : i32
    %dma_start3A_789 = arith.constant 0 : i32
    %dma_start3A_790 = tpu.memref_slice %arg7[%arg1, %dma_start3A_785, %dma_start3A_788, %dma_start3A_789] : memref<16x3x16x1024xf32, #tpu.memory_space<vmem_shared>> -> memref<1x1x16x1024xf32, #tpu.memory_space<vmem_shared>>
    %dma_start3A_791 = tpu.memref_squeeze %dma_start3A_790 : memref<1x1x16x1024xf32, #tpu.memory_space<vmem_shared>> -> memref<16x1024xf32, #tpu.memory_space<vmem_shared>>
    tpu.enqueue_dma source(%dma_start3A_791 : memref<16x1024xf32, #tpu.memory_space<vmem_shared>>) target(%dma_start3A_787 : memref<16x1024xf32, #tpu.memory_space<hbm>>) target_semaphore(%arg10 : memref<!tpu.dma_semaphore, #tpu.memory_space<semaphore_mem>>)
    %dma_start3A_792 = arith.constant 1 : i32
    %dma_start3A_793 = arith.constant 0 : i32
    %dma_start3A_794 = arith.constant 0 : i32
    %dma_start3A_795 = tpu.memref_slice %arg6[%dma_start3A_792, %dma_start3A_793, %dma_start3A_794] : memref<3x16x1024xf32, #tpu.memory_space<vmem>> -> memref<1x16x1024xf32, #tpu.memory_space<vmem>>
    %dma_start3A_796 = tpu.memref_squeeze %dma_start3A_795 : memref<1x16x1024xf32, #tpu.memory_space<vmem>> -> memref<16x1024xf32, #tpu.memory_space<vmem>>
    %dma_start3A_797 = arith.constant 208 : i32
    %dma_start3A_798 = tpu.memref_slice %arg5[%dma_start3A_797] : memref<512xi32, #tpu.memory_space<vmem>> -> memref<16xi32, #tpu.memory_space<vmem>>
    %dma_start3A_799 = arith.constant 0 : i32
    %dma_start3A_800 = arith.constant 0 : i32
    %dma_start3A_801 = tpu.memref_slice %arg2[%dma_start3A_799, %dma_start3A_800] : memref<100000x1024xf32, #tpu.memory_space<hbm>> -> memref<100000x1024xf32, #tpu.memory_space<hbm>>
    tpu.enqueue_indirect_dma source(%dma_start3A_801 : memref<100000x1024xf32, #tpu.memory_space<hbm>>) target(%dma_start3A_796 : memref<16x1024xf32, #tpu.memory_space<vmem>>) offsets(%dma_start3A_798 : memref<16xi32, #tpu.memory_space<vmem>>) semaphore(%arg8 : memref<!tpu.dma_semaphore, #tpu.memory_space<semaphore_mem>>)
    %dma_wait3A_802 = arith.constant 2 : i32
    %dma_wait3A_803 = arith.constant 0 : i32
    %dma_wait3A_804 = arith.constant 0 : i32
    %dma_wait3A_805 = tpu.memref_slice %arg6[%dma_wait3A_802, %dma_wait3A_803, %dma_wait3A_804] : memref<3x16x1024xf32, #tpu.memory_space<vmem>> -> memref<1x16x1024xf32, #tpu.memory_space<vmem>>
    %dma_wait3A_806 = tpu.memref_squeeze %dma_wait3A_805 : memref<1x16x1024xf32, #tpu.memory_space<vmem>> -> memref<16x1024xf32, #tpu.memory_space<vmem>>
    %dma_wait3A_807 = arith.constant 176 : i32
    %dma_wait3A_808 = tpu.memref_slice %arg5[%dma_wait3A_807] : memref<512xi32, #tpu.memory_space<vmem>> -> memref<16xi32, #tpu.memory_space<vmem>>
    %dma_wait3A_809 = arith.constant 0 : i32
    %dma_wait3A_810 = arith.constant 0 : i32
    %dma_wait3A_811 = tpu.memref_slice %arg2[%dma_wait3A_809, %dma_wait3A_810] : memref<100000x1024xf32, #tpu.memory_space<hbm>> -> memref<100000x1024xf32, #tpu.memory_space<hbm>>
    tpu.wait_indirect_dma semaphore(%arg8 : memref<!tpu.dma_semaphore, #tpu.memory_space<semaphore_mem>>) src(%dma_wait3A_811 : memref<100000x1024xf32, #tpu.memory_space<hbm>>) dst(%dma_wait3A_806 : memref<16x1024xf32, #tpu.memory_space<vmem>>)
    %dma_wait3A_812 = arith.constant 2 : i32
    %dma_wait3A_813 = arith.constant 0 : i32
    %dma_wait3A_814 = tpu.memref_slice %arg4[%add3A_640, %dma_wait3A_813] : memref<16384x1024xf32, #tpu.memory_space<hbm>> -> memref<16x1024xf32, #tpu.memory_space<hbm>>
    %dma_wait3A_815 = arith.constant 0 : i32
    %dma_wait3A_816 = arith.constant 0 : i32
    %dma_wait3A_817 = tpu.memref_slice %arg7[%arg1, %dma_wait3A_812, %dma_wait3A_815, %dma_wait3A_816] : memref<16x3x16x1024xf32, #tpu.memory_space<vmem_shared>> -> memref<1x1x16x1024xf32, #tpu.memory_space<vmem_shared>>
    %dma_wait3A_818 = tpu.memref_squeeze %dma_wait3A_817 : memref<1x1x16x1024xf32, #tpu.memory_space<vmem_shared>> -> memref<16x1024xf32, #tpu.memory_space<vmem_shared>>
    tpu.wait_dma2 semaphore(%arg10 : memref<!tpu.dma_semaphore, #tpu.memory_space<semaphore_mem>>) src(%dma_wait3A_818 : memref<16x1024xf32, #tpu.memory_space<vmem_shared>>) dst(%dma_wait3A_814 : memref<16x1024xf32, #tpu.memory_space<hbm>>)
    %dma_start3A_819 = arith.constant 2 : i32
    %dma_start3A_820 = arith.constant 2 : i32
    %dma_start3A_821 = arith.constant 0 : i32
    %dma_start3A_822 = arith.constant 0 : i32
    %dma_start3A_823 = tpu.memref_slice %arg6[%dma_start3A_819, %dma_start3A_821, %dma_start3A_822] : memref<3x16x1024xf32, #tpu.memory_space<vmem>> -> memref<1x16x1024xf32, #tpu.memory_space<vmem>>
    %dma_start3A_824 = tpu.memref_squeeze %dma_start3A_823 : memref<1x16x1024xf32, #tpu.memory_space<vmem>> -> memref<16x1024xf32, #tpu.memory_space<vmem>>
    %dma_start3A_825 = arith.constant 0 : i32
    %dma_start3A_826 = arith.constant 0 : i32
    %dma_start3A_827 = tpu.memref_slice %arg7[%arg1, %dma_start3A_820, %dma_start3A_825, %dma_start3A_826] : memref<16x3x16x1024xf32, #tpu.memory_space<vmem_shared>> -> memref<1x1x16x1024xf32, #tpu.memory_space<vmem_shared>>
    %dma_start3A_828 = tpu.memref_squeeze %dma_start3A_827 : memref<1x1x16x1024xf32, #tpu.memory_space<vmem_shared>> -> memref<16x1024xf32, #tpu.memory_space<vmem_shared>>
    %dma_start3A_829 = arith.constant 0 : i32
    %dma_start3A_830 = arith.constant 0 : i32
    %dma_start3A_831 = tpu.memref_slice %arg7[%arg1, %dma_start3A_820, %dma_start3A_829, %dma_start3A_830] : memref<16x3x16x1024xf32, #tpu.memory_space<vmem_shared>> -> memref<1x1x16x1024xf32, #tpu.memory_space<vmem_shared>>
    %dma_start3A_832 = tpu.memref_squeeze %dma_start3A_831 : memref<1x1x16x1024xf32, #tpu.memory_space<vmem_shared>> -> memref<16x1024xf32, #tpu.memory_space<vmem_shared>>
    %dma_start3A_833 = arith.constant 0 : i32
    %dma_start3A_834 = arith.constant 0 : i32
    %dma_start3A_835 = tpu.memref_slice %arg6[%dma_start3A_819, %dma_start3A_833, %dma_start3A_834] : memref<3x16x1024xf32, #tpu.memory_space<vmem>> -> memref<1x16x1024xf32, #tpu.memory_space<vmem>>
    %dma_start3A_836 = tpu.memref_squeeze %dma_start3A_835 : memref<1x16x1024xf32, #tpu.memory_space<vmem>> -> memref<16x1024xf32, #tpu.memory_space<vmem>>
    tpu.enqueue_dma source(%dma_start3A_836 : memref<16x1024xf32, #tpu.memory_space<vmem>>) target(%dma_start3A_832 : memref<16x1024xf32, #tpu.memory_space<vmem_shared>>) target_semaphore(%arg9 : memref<!tpu.dma_semaphore, #tpu.memory_space<semaphore_mem>>)
    %dma_wait3A_837 = arith.constant 2 : i32
    %dma_wait3A_838 = arith.constant 2 : i32
    %dma_wait3A_839 = arith.constant 0 : i32
    %dma_wait3A_840 = arith.constant 0 : i32
    %dma_wait3A_841 = tpu.memref_slice %arg6[%dma_wait3A_837, %dma_wait3A_839, %dma_wait3A_840] : memref<3x16x1024xf32, #tpu.memory_space<vmem>> -> memref<1x16x1024xf32, #tpu.memory_space<vmem>>
    %dma_wait3A_842 = tpu.memref_squeeze %dma_wait3A_841 : memref<1x16x1024xf32, #tpu.memory_space<vmem>> -> memref<16x1024xf32, #tpu.memory_space<vmem>>
    %dma_wait3A_843 = arith.constant 0 : i32
    %dma_wait3A_844 = arith.constant 0 : i32
    %dma_wait3A_845 = tpu.memref_slice %arg7[%arg1, %dma_wait3A_838, %dma_wait3A_843, %dma_wait3A_844] : memref<16x3x16x1024xf32, #tpu.memory_space<vmem_shared>> -> memref<1x1x16x1024xf32, #tpu.memory_space<vmem_shared>>
    %dma_wait3A_846 = tpu.memref_squeeze %dma_wait3A_845 : memref<1x1x16x1024xf32, #tpu.memory_space<vmem_shared>> -> memref<16x1024xf32, #tpu.memory_space<vmem_shared>>
    %dma_wait3A_847 = arith.constant 0 : i32
    %dma_wait3A_848 = arith.constant 0 : i32
    %dma_wait3A_849 = tpu.memref_slice %arg7[%arg1, %dma_wait3A_838, %dma_wait3A_847, %dma_wait3A_848] : memref<16x3x16x1024xf32, #tpu.memory_space<vmem_shared>> -> memref<1x1x16x1024xf32, #tpu.memory_space<vmem_shared>>
    %dma_wait3A_850 = tpu.memref_squeeze %dma_wait3A_849 : memref<1x1x16x1024xf32, #tpu.memory_space<vmem_shared>> -> memref<16x1024xf32, #tpu.memory_space<vmem_shared>>
    %dma_wait3A_851 = arith.constant 0 : i32
    %dma_wait3A_852 = arith.constant 0 : i32
    %dma_wait3A_853 = tpu.memref_slice %arg6[%dma_wait3A_837, %dma_wait3A_851, %dma_wait3A_852] : memref<3x16x1024xf32, #tpu.memory_space<vmem>> -> memref<1x16x1024xf32, #tpu.memory_space<vmem>>
    %dma_wait3A_854 = tpu.memref_squeeze %dma_wait3A_853 : memref<1x16x1024xf32, #tpu.memory_space<vmem>> -> memref<16x1024xf32, #tpu.memory_space<vmem>>
    tpu.wait_dma2 semaphore(%arg9 : memref<!tpu.dma_semaphore, #tpu.memory_space<semaphore_mem>>) src(%dma_wait3A_854 : memref<16x1024xf32, #tpu.memory_space<vmem>>) dst(%dma_wait3A_850 : memref<16x1024xf32, #tpu.memory_space<vmem_shared>>)
    %add3A_855 = arith.constant 176 : i32
    %add3A_856 = arith.addi %mul3A_2, %add3A_855 : i32
    %dma_start3A_857 = arith.constant 2 : i32
    %dma_start3A_858 = arith.constant 0 : i32
    %dma_start3A_859 = tpu.memref_slice %arg4[%add3A_856, %dma_start3A_858] : memref<16384x1024xf32, #tpu.memory_space<hbm>> -> memref<16x1024xf32, #tpu.memory_space<hbm>>
    %dma_start3A_860 = arith.constant 0 : i32
    %dma_start3A_861 = arith.constant 0 : i32
    %dma_start3A_862 = tpu.memref_slice %arg7[%arg1, %dma_start3A_857, %dma_start3A_860, %dma_start3A_861] : memref<16x3x16x1024xf32, #tpu.memory_space<vmem_shared>> -> memref<1x1x16x1024xf32, #tpu.memory_space<vmem_shared>>
    %dma_start3A_863 = tpu.memref_squeeze %dma_start3A_862 : memref<1x1x16x1024xf32, #tpu.memory_space<vmem_shared>> -> memref<16x1024xf32, #tpu.memory_space<vmem_shared>>
    tpu.enqueue_dma source(%dma_start3A_863 : memref<16x1024xf32, #tpu.memory_space<vmem_shared>>) target(%dma_start3A_859 : memref<16x1024xf32, #tpu.memory_space<hbm>>) target_semaphore(%arg10 : memref<!tpu.dma_semaphore, #tpu.memory_space<semaphore_mem>>)
    %dma_start3A_864 = arith.constant 2 : i32
    %dma_start3A_865 = arith.constant 0 : i32
    %dma_start3A_866 = arith.constant 0 : i32
    %dma_start3A_867 = tpu.memref_slice %arg6[%dma_start3A_864, %dma_start3A_865, %dma_start3A_866] : memref<3x16x1024xf32, #tpu.memory_space<vmem>> -> memref<1x16x1024xf32, #tpu.memory_space<vmem>>
    %dma_start3A_868 = tpu.memref_squeeze %dma_start3A_867 : memref<1x16x1024xf32, #tpu.memory_space<vmem>> -> memref<16x1024xf32, #tpu.memory_space<vmem>>
    %dma_start3A_869 = arith.constant 224 : i32
    %dma_start3A_870 = tpu.memref_slice %arg5[%dma_start3A_869] : memref<512xi32, #tpu.memory_space<vmem>> -> memref<16xi32, #tpu.memory_space<vmem>>
    %dma_start3A_871 = arith.constant 0 : i32
    %dma_start3A_872 = arith.constant 0 : i32
    %dma_start3A_873 = tpu.memref_slice %arg2[%dma_start3A_871, %dma_start3A_872] : memref<100000x1024xf32, #tpu.memory_space<hbm>> -> memref<100000x1024xf32, #tpu.memory_space<hbm>>
    tpu.enqueue_indirect_dma source(%dma_start3A_873 : memref<100000x1024xf32, #tpu.memory_space<hbm>>) target(%dma_start3A_868 : memref<16x1024xf32, #tpu.memory_space<vmem>>) offsets(%dma_start3A_870 : memref<16xi32, #tpu.memory_space<vmem>>) semaphore(%arg8 : memref<!tpu.dma_semaphore, #tpu.memory_space<semaphore_mem>>)
    %dma_wait3A_874 = arith.constant 0 : i32
    %dma_wait3A_875 = arith.constant 0 : i32
    %dma_wait3A_876 = arith.constant 0 : i32
    %dma_wait3A_877 = tpu.memref_slice %arg6[%dma_wait3A_874, %dma_wait3A_875, %dma_wait3A_876] : memref<3x16x1024xf32, #tpu.memory_space<vmem>> -> memref<1x16x1024xf32, #tpu.memory_space<vmem>>
    %dma_wait3A_878 = tpu.memref_squeeze %dma_wait3A_877 : memref<1x16x1024xf32, #tpu.memory_space<vmem>> -> memref<16x1024xf32, #tpu.memory_space<vmem>>
    %dma_wait3A_879 = arith.constant 192 : i32
    %dma_wait3A_880 = tpu.memref_slice %arg5[%dma_wait3A_879] : memref<512xi32, #tpu.memory_space<vmem>> -> memref<16xi32, #tpu.memory_space<vmem>>
    %dma_wait3A_881 = arith.constant 0 : i32
    %dma_wait3A_882 = arith.constant 0 : i32
    %dma_wait3A_883 = tpu.memref_slice %arg2[%dma_wait3A_881, %dma_wait3A_882] : memref<100000x1024xf32, #tpu.memory_space<hbm>> -> memref<100000x1024xf32, #tpu.memory_space<hbm>>
    tpu.wait_indirect_dma semaphore(%arg8 : memref<!tpu.dma_semaphore, #tpu.memory_space<semaphore_mem>>) src(%dma_wait3A_883 : memref<100000x1024xf32, #tpu.memory_space<hbm>>) dst(%dma_wait3A_878 : memref<16x1024xf32, #tpu.memory_space<vmem>>)
    %dma_wait3A_884 = arith.constant 0 : i32
    %dma_wait3A_885 = arith.constant 0 : i32
    %dma_wait3A_886 = tpu.memref_slice %arg4[%add3A_712, %dma_wait3A_885] : memref<16384x1024xf32, #tpu.memory_space<hbm>> -> memref<16x1024xf32, #tpu.memory_space<hbm>>
    %dma_wait3A_887 = arith.constant 0 : i32
    %dma_wait3A_888 = arith.constant 0 : i32
    %dma_wait3A_889 = tpu.memref_slice %arg7[%arg1, %dma_wait3A_884, %dma_wait3A_887, %dma_wait3A_888] : memref<16x3x16x1024xf32, #tpu.memory_space<vmem_shared>> -> memref<1x1x16x1024xf32, #tpu.memory_space<vmem_shared>>
    %dma_wait3A_890 = tpu.memref_squeeze %dma_wait3A_889 : memref<1x1x16x1024xf32, #tpu.memory_space<vmem_shared>> -> memref<16x1024xf32, #tpu.memory_space<vmem_shared>>
    tpu.wait_dma2 semaphore(%arg10 : memref<!tpu.dma_semaphore, #tpu.memory_space<semaphore_mem>>) src(%dma_wait3A_890 : memref<16x1024xf32, #tpu.memory_space<vmem_shared>>) dst(%dma_wait3A_886 : memref<16x1024xf32, #tpu.memory_space<hbm>>)
    %dma_start3A_891 = arith.constant 0 : i32
    %dma_start3A_892 = arith.constant 0 : i32
    %dma_start3A_893 = arith.constant 0 : i32
    %dma_start3A_894 = arith.constant 0 : i32
    %dma_start3A_895 = tpu.memref_slice %arg6[%dma_start3A_891, %dma_start3A_893, %dma_start3A_894] : memref<3x16x1024xf32, #tpu.memory_space<vmem>> -> memref<1x16x1024xf32, #tpu.memory_space<vmem>>
    %dma_start3A_896 = tpu.memref_squeeze %dma_start3A_895 : memref<1x16x1024xf32, #tpu.memory_space<vmem>> -> memref<16x1024xf32, #tpu.memory_space<vmem>>
    %dma_start3A_897 = arith.constant 0 : i32
    %dma_start3A_898 = arith.constant 0 : i32
    %dma_start3A_899 = tpu.memref_slice %arg7[%arg1, %dma_start3A_892, %dma_start3A_897, %dma_start3A_898] : memref<16x3x16x1024xf32, #tpu.memory_space<vmem_shared>> -> memref<1x1x16x1024xf32, #tpu.memory_space<vmem_shared>>
    %dma_start3A_900 = tpu.memref_squeeze %dma_start3A_899 : memref<1x1x16x1024xf32, #tpu.memory_space<vmem_shared>> -> memref<16x1024xf32, #tpu.memory_space<vmem_shared>>
    %dma_start3A_901 = arith.constant 0 : i32
    %dma_start3A_902 = arith.constant 0 : i32
    %dma_start3A_903 = tpu.memref_slice %arg7[%arg1, %dma_start3A_892, %dma_start3A_901, %dma_start3A_902] : memref<16x3x16x1024xf32, #tpu.memory_space<vmem_shared>> -> memref<1x1x16x1024xf32, #tpu.memory_space<vmem_shared>>
    %dma_start3A_904 = tpu.memref_squeeze %dma_start3A_903 : memref<1x1x16x1024xf32, #tpu.memory_space<vmem_shared>> -> memref<16x1024xf32, #tpu.memory_space<vmem_shared>>
    %dma_start3A_905 = arith.constant 0 : i32
    %dma_start3A_906 = arith.constant 0 : i32
    %dma_start3A_907 = tpu.memref_slice %arg6[%dma_start3A_891, %dma_start3A_905, %dma_start3A_906] : memref<3x16x1024xf32, #tpu.memory_space<vmem>> -> memref<1x16x1024xf32, #tpu.memory_space<vmem>>
    %dma_start3A_908 = tpu.memref_squeeze %dma_start3A_907 : memref<1x16x1024xf32, #tpu.memory_space<vmem>> -> memref<16x1024xf32, #tpu.memory_space<vmem>>
    tpu.enqueue_dma source(%dma_start3A_908 : memref<16x1024xf32, #tpu.memory_space<vmem>>) target(%dma_start3A_904 : memref<16x1024xf32, #tpu.memory_space<vmem_shared>>) target_semaphore(%arg9 : memref<!tpu.dma_semaphore, #tpu.memory_space<semaphore_mem>>)
    %dma_wait3A_909 = arith.constant 0 : i32
    %dma_wait3A_910 = arith.constant 0 : i32
    %dma_wait3A_911 = arith.constant 0 : i32
    %dma_wait3A_912 = arith.constant 0 : i32
    %dma_wait3A_913 = tpu.memref_slice %arg6[%dma_wait3A_909, %dma_wait3A_911, %dma_wait3A_912] : memref<3x16x1024xf32, #tpu.memory_space<vmem>> -> memref<1x16x1024xf32, #tpu.memory_space<vmem>>
    %dma_wait3A_914 = tpu.memref_squeeze %dma_wait3A_913 : memref<1x16x1024xf32, #tpu.memory_space<vmem>> -> memref<16x1024xf32, #tpu.memory_space<vmem>>
    %dma_wait3A_915 = arith.constant 0 : i32
    %dma_wait3A_916 = arith.constant 0 : i32
    %dma_wait3A_917 = tpu.memref_slice %arg7[%arg1, %dma_wait3A_910, %dma_wait3A_915, %dma_wait3A_916] : memref<16x3x16x1024xf32, #tpu.memory_space<vmem_shared>> -> memref<1x1x16x1024xf32, #tpu.memory_space<vmem_shared>>
    %dma_wait3A_918 = tpu.memref_squeeze %dma_wait3A_917 : memref<1x1x16x1024xf32, #tpu.memory_space<vmem_shared>> -> memref<16x1024xf32, #tpu.memory_space<vmem_shared>>
    %dma_wait3A_919 = arith.constant 0 : i32
    %dma_wait3A_920 = arith.constant 0 : i32
    %dma_wait3A_921 = tpu.memref_slice %arg7[%arg1, %dma_wait3A_910, %dma_wait3A_919, %dma_wait3A_920] : memref<16x3x16x1024xf32, #tpu.memory_space<vmem_shared>> -> memref<1x1x16x1024xf32, #tpu.memory_space<vmem_shared>>
    %dma_wait3A_922 = tpu.memref_squeeze %dma_wait3A_921 : memref<1x1x16x1024xf32, #tpu.memory_space<vmem_shared>> -> memref<16x1024xf32, #tpu.memory_space<vmem_shared>>
    %dma_wait3A_923 = arith.constant 0 : i32
    %dma_wait3A_924 = arith.constant 0 : i32
    %dma_wait3A_925 = tpu.memref_slice %arg6[%dma_wait3A_909, %dma_wait3A_923, %dma_wait3A_924] : memref<3x16x1024xf32, #tpu.memory_space<vmem>> -> memref<1x16x1024xf32, #tpu.memory_space<vmem>>
    %dma_wait3A_926 = tpu.memref_squeeze %dma_wait3A_925 : memref<1x16x1024xf32, #tpu.memory_space<vmem>> -> memref<16x1024xf32, #tpu.memory_space<vmem>>
    tpu.wait_dma2 semaphore(%arg9 : memref<!tpu.dma_semaphore, #tpu.memory_space<semaphore_mem>>) src(%dma_wait3A_926 : memref<16x1024xf32, #tpu.memory_space<vmem>>) dst(%dma_wait3A_922 : memref<16x1024xf32, #tpu.memory_space<vmem_shared>>)
    %add3A_927 = arith.constant 192 : i32
    %add3A_928 = arith.addi %mul3A_2, %add3A_927 : i32
    %dma_start3A_929 = arith.constant 0 : i32
    %dma_start3A_930 = arith.constant 0 : i32
    %dma_start3A_931 = tpu.memref_slice %arg4[%add3A_928, %dma_start3A_930] : memref<16384x1024xf32, #tpu.memory_space<hbm>> -> memref<16x1024xf32, #tpu.memory_space<hbm>>
    %dma_start3A_932 = arith.constant 0 : i32
    %dma_start3A_933 = arith.constant 0 : i32
    %dma_start3A_934 = tpu.memref_slice %arg7[%arg1, %dma_start3A_929, %dma_start3A_932, %dma_start3A_933] : memref<16x3x16x1024xf32, #tpu.memory_space<vmem_shared>> -> memref<1x1x16x1024xf32, #tpu.memory_space<vmem_shared>>
    %dma_start3A_935 = tpu.memref_squeeze %dma_start3A_934 : memref<1x1x16x1024xf32, #tpu.memory_space<vmem_shared>> -> memref<16x1024xf32, #tpu.memory_space<vmem_shared>>
    tpu.enqueue_dma source(%dma_start3A_935 : memref<16x1024xf32, #tpu.memory_space<vmem_shared>>) target(%dma_start3A_931 : memref<16x1024xf32, #tpu.memory_space<hbm>>) target_semaphore(%arg10 : memref<!tpu.dma_semaphore, #tpu.memory_space<semaphore_mem>>)
    %dma_start3A_936 = arith.constant 0 : i32
    %dma_start3A_937 = arith.constant 0 : i32
    %dma_start3A_938 = arith.constant 0 : i32
    %dma_start3A_939 = tpu.memref_slice %arg6[%dma_start3A_936, %dma_start3A_937, %dma_start3A_938] : memref<3x16x1024xf32, #tpu.memory_space<vmem>> -> memref<1x16x1024xf32, #tpu.memory_space<vmem>>
    %dma_start3A_940 = tpu.memref_squeeze %dma_start3A_939 : memref<1x16x1024xf32, #tpu.memory_space<vmem>> -> memref<16x1024xf32, #tpu.memory_space<vmem>>
    %dma_start3A_941 = arith.constant 240 : i32
    %dma_start3A_942 = tpu.memref_slice %arg5[%dma_start3A_941] : memref<512xi32, #tpu.memory_space<vmem>> -> memref<16xi32, #tpu.memory_space<vmem>>
    %dma_start3A_943 = arith.constant 0 : i32
    %dma_start3A_944 = arith.constant 0 : i32
    %dma_start3A_945 = tpu.memref_slice %arg2[%dma_start3A_943, %dma_start3A_944] : memref<100000x1024xf32, #tpu.memory_space<hbm>> -> memref<100000x1024xf32, #tpu.memory_space<hbm>>
    tpu.enqueue_indirect_dma source(%dma_start3A_945 : memref<100000x1024xf32, #tpu.memory_space<hbm>>) target(%dma_start3A_940 : memref<16x1024xf32, #tpu.memory_space<vmem>>) offsets(%dma_start3A_942 : memref<16xi32, #tpu.memory_space<vmem>>) semaphore(%arg8 : memref<!tpu.dma_semaphore, #tpu.memory_space<semaphore_mem>>)
    %dma_wait3A_946 = arith.constant 1 : i32
    %dma_wait3A_947 = arith.constant 0 : i32
    %dma_wait3A_948 = arith.constant 0 : i32
    %dma_wait3A_949 = tpu.memref_slice %arg6[%dma_wait3A_946, %dma_wait3A_947, %dma_wait3A_948] : memref<3x16x1024xf32, #tpu.memory_space<vmem>> -> memref<1x16x1024xf32, #tpu.memory_space<vmem>>
    %dma_wait3A_950 = tpu.memref_squeeze %dma_wait3A_949 : memref<1x16x1024xf32, #tpu.memory_space<vmem>> -> memref<16x1024xf32, #tpu.memory_space<vmem>>
    %dma_wait3A_951 = arith.constant 208 : i32
    %dma_wait3A_952 = tpu.memref_slice %arg5[%dma_wait3A_951] : memref<512xi32, #tpu.memory_space<vmem>> -> memref<16xi32, #tpu.memory_space<vmem>>
    %dma_wait3A_953 = arith.constant 0 : i32
    %dma_wait3A_954 = arith.constant 0 : i32
    %dma_wait3A_955 = tpu.memref_slice %arg2[%dma_wait3A_953, %dma_wait3A_954] : memref<100000x1024xf32, #tpu.memory_space<hbm>> -> memref<100000x1024xf32, #tpu.memory_space<hbm>>
    tpu.wait_indirect_dma semaphore(%arg8 : memref<!tpu.dma_semaphore, #tpu.memory_space<semaphore_mem>>) src(%dma_wait3A_955 : memref<100000x1024xf32, #tpu.memory_space<hbm>>) dst(%dma_wait3A_950 : memref<16x1024xf32, #tpu.memory_space<vmem>>)
    %dma_wait3A_956 = arith.constant 1 : i32
    %dma_wait3A_957 = arith.constant 0 : i32
    %dma_wait3A_958 = tpu.memref_slice %arg4[%add3A_784, %dma_wait3A_957] : memref<16384x1024xf32, #tpu.memory_space<hbm>> -> memref<16x1024xf32, #tpu.memory_space<hbm>>
    %dma_wait3A_959 = arith.constant 0 : i32
    %dma_wait3A_960 = arith.constant 0 : i32
    %dma_wait3A_961 = tpu.memref_slice %arg7[%arg1, %dma_wait3A_956, %dma_wait3A_959, %dma_wait3A_960] : memref<16x3x16x1024xf32, #tpu.memory_space<vmem_shared>> -> memref<1x1x16x1024xf32, #tpu.memory_space<vmem_shared>>
    %dma_wait3A_962 = tpu.memref_squeeze %dma_wait3A_961 : memref<1x1x16x1024xf32, #tpu.memory_space<vmem_shared>> -> memref<16x1024xf32, #tpu.memory_space<vmem_shared>>
    tpu.wait_dma2 semaphore(%arg10 : memref<!tpu.dma_semaphore, #tpu.memory_space<semaphore_mem>>) src(%dma_wait3A_962 : memref<16x1024xf32, #tpu.memory_space<vmem_shared>>) dst(%dma_wait3A_958 : memref<16x1024xf32, #tpu.memory_space<hbm>>)
    %dma_start3A_963 = arith.constant 1 : i32
    %dma_start3A_964 = arith.constant 1 : i32
    %dma_start3A_965 = arith.constant 0 : i32
    %dma_start3A_966 = arith.constant 0 : i32
    %dma_start3A_967 = tpu.memref_slice %arg6[%dma_start3A_963, %dma_start3A_965, %dma_start3A_966] : memref<3x16x1024xf32, #tpu.memory_space<vmem>> -> memref<1x16x1024xf32, #tpu.memory_space<vmem>>
    %dma_start3A_968 = tpu.memref_squeeze %dma_start3A_967 : memref<1x16x1024xf32, #tpu.memory_space<vmem>> -> memref<16x1024xf32, #tpu.memory_space<vmem>>
    %dma_start3A_969 = arith.constant 0 : i32
    %dma_start3A_970 = arith.constant 0 : i32
    %dma_start3A_971 = tpu.memref_slice %arg7[%arg1, %dma_start3A_964, %dma_start3A_969, %dma_start3A_970] : memref<16x3x16x1024xf32, #tpu.memory_space<vmem_shared>> -> memref<1x1x16x1024xf32, #tpu.memory_space<vmem_shared>>
    %dma_start3A_972 = tpu.memref_squeeze %dma_start3A_971 : memref<1x1x16x1024xf32, #tpu.memory_space<vmem_shared>> -> memref<16x1024xf32, #tpu.memory_space<vmem_shared>>
    %dma_start3A_973 = arith.constant 0 : i32
    %dma_start3A_974 = arith.constant 0 : i32
    %dma_start3A_975 = tpu.memref_slice %arg7[%arg1, %dma_start3A_964, %dma_start3A_973, %dma_start3A_974] : memref<16x3x16x1024xf32, #tpu.memory_space<vmem_shared>> -> memref<1x1x16x1024xf32, #tpu.memory_space<vmem_shared>>
    %dma_start3A_976 = tpu.memref_squeeze %dma_start3A_975 : memref<1x1x16x1024xf32, #tpu.memory_space<vmem_shared>> -> memref<16x1024xf32, #tpu.memory_space<vmem_shared>>
    %dma_start3A_977 = arith.constant 0 : i32
    %dma_start3A_978 = arith.constant 0 : i32
    %dma_start3A_979 = tpu.memref_slice %arg6[%dma_start3A_963, %dma_start3A_977, %dma_start3A_978] : memref<3x16x1024xf32, #tpu.memory_space<vmem>> -> memref<1x16x1024xf32, #tpu.memory_space<vmem>>
    %dma_start3A_980 = tpu.memref_squeeze %dma_start3A_979 : memref<1x16x1024xf32, #tpu.memory_space<vmem>> -> memref<16x1024xf32, #tpu.memory_space<vmem>>
    tpu.enqueue_dma source(%dma_start3A_980 : memref<16x1024xf32, #tpu.memory_space<vmem>>) target(%dma_start3A_976 : memref<16x1024xf32, #tpu.memory_space<vmem_shared>>) target_semaphore(%arg9 : memref<!tpu.dma_semaphore, #tpu.memory_space<semaphore_mem>>)
    %dma_wait3A_981 = arith.constant 1 : i32
    %dma_wait3A_982 = arith.constant 1 : i32
    %dma_wait3A_983 = arith.constant 0 : i32
    %dma_wait3A_984 = arith.constant 0 : i32
    %dma_wait3A_985 = tpu.memref_slice %arg6[%dma_wait3A_981, %dma_wait3A_983, %dma_wait3A_984] : memref<3x16x1024xf32, #tpu.memory_space<vmem>> -> memref<1x16x1024xf32, #tpu.memory_space<vmem>>
    %dma_wait3A_986 = tpu.memref_squeeze %dma_wait3A_985 : memref<1x16x1024xf32, #tpu.memory_space<vmem>> -> memref<16x1024xf32, #tpu.memory_space<vmem>>
    %dma_wait3A_987 = arith.constant 0 : i32
    %dma_wait3A_988 = arith.constant 0 : i32
    %dma_wait3A_989 = tpu.memref_slice %arg7[%arg1, %dma_wait3A_982, %dma_wait3A_987, %dma_wait3A_988] : memref<16x3x16x1024xf32, #tpu.memory_space<vmem_shared>> -> memref<1x1x16x1024xf32, #tpu.memory_space<vmem_shared>>
    %dma_wait3A_990 = tpu.memref_squeeze %dma_wait3A_989 : memref<1x1x16x1024xf32, #tpu.memory_space<vmem_shared>> -> memref<16x1024xf32, #tpu.memory_space<vmem_shared>>
    %dma_wait3A_991 = arith.constant 0 : i32
    %dma_wait3A_992 = arith.constant 0 : i32
    %dma_wait3A_993 = tpu.memref_slice %arg7[%arg1, %dma_wait3A_982, %dma_wait3A_991, %dma_wait3A_992] : memref<16x3x16x1024xf32, #tpu.memory_space<vmem_shared>> -> memref<1x1x16x1024xf32, #tpu.memory_space<vmem_shared>>
    %dma_wait3A_994 = tpu.memref_squeeze %dma_wait3A_993 : memref<1x1x16x1024xf32, #tpu.memory_space<vmem_shared>> -> memref<16x1024xf32, #tpu.memory_space<vmem_shared>>
    %dma_wait3A_995 = arith.constant 0 : i32
    %dma_wait3A_996 = arith.constant 0 : i32
    %dma_wait3A_997 = tpu.memref_slice %arg6[%dma_wait3A_981, %dma_wait3A_995, %dma_wait3A_996] : memref<3x16x1024xf32, #tpu.memory_space<vmem>> -> memref<1x16x1024xf32, #tpu.memory_space<vmem>>
    %dma_wait3A_998 = tpu.memref_squeeze %dma_wait3A_997 : memref<1x16x1024xf32, #tpu.memory_space<vmem>> -> memref<16x1024xf32, #tpu.memory_space<vmem>>
    tpu.wait_dma2 semaphore(%arg9 : memref<!tpu.dma_semaphore, #tpu.memory_space<semaphore_mem>>) src(%dma_wait3A_998 : memref<16x1024xf32, #tpu.memory_space<vmem>>) dst(%dma_wait3A_994 : memref<16x1024xf32, #tpu.memory_space<vmem_shared>>)
    %add3A_999 = arith.constant 208 : i32
    %add3A_1000 = arith.addi %mul3A_2, %add3A_999 : i32
    %dma_start3A_1001 = arith.constant 1 : i32
    %dma_start3A_1002 = arith.constant 0 : i32
    %dma_start3A_1003 = tpu.memref_slice %arg4[%add3A_1000, %dma_start3A_1002] : memref<16384x1024xf32, #tpu.memory_space<hbm>> -> memref<16x1024xf32, #tpu.memory_space<hbm>>
    %dma_start3A_1004 = arith.constant 0 : i32
    %dma_start3A_1005 = arith.constant 0 : i32
    %dma_start3A_1006 = tpu.memref_slice %arg7[%arg1, %dma_start3A_1001, %dma_start3A_1004, %dma_start3A_1005] : memref<16x3x16x1024xf32, #tpu.memory_space<vmem_shared>> -> memref<1x1x16x1024xf32, #tpu.memory_space<vmem_shared>>
    %dma_start3A_1007 = tpu.memref_squeeze %dma_start3A_1006 : memref<1x1x16x1024xf32, #tpu.memory_space<vmem_shared>> -> memref<16x1024xf32, #tpu.memory_space<vmem_shared>>
    tpu.enqueue_dma source(%dma_start3A_1007 : memref<16x1024xf32, #tpu.memory_space<vmem_shared>>) target(%dma_start3A_1003 : memref<16x1024xf32, #tpu.memory_space<hbm>>) target_semaphore(%arg10 : memref<!tpu.dma_semaphore, #tpu.memory_space<semaphore_mem>>)
    %dma_start3A_1008 = arith.constant 1 : i32
    %dma_start3A_1009 = arith.constant 0 : i32
    %dma_start3A_1010 = arith.constant 0 : i32
    %dma_start3A_1011 = tpu.memref_slice %arg6[%dma_start3A_1008, %dma_start3A_1009, %dma_start3A_1010] : memref<3x16x1024xf32, #tpu.memory_space<vmem>> -> memref<1x16x1024xf32, #tpu.memory_space<vmem>>
    %dma_start3A_1012 = tpu.memref_squeeze %dma_start3A_1011 : memref<1x16x1024xf32, #tpu.memory_space<vmem>> -> memref<16x1024xf32, #tpu.memory_space<vmem>>
    %dma_start3A_1013 = arith.constant 256 : i32
    %dma_start3A_1014 = tpu.memref_slice %arg5[%dma_start3A_1013] : memref<512xi32, #tpu.memory_space<vmem>> -> memref<16xi32, #tpu.memory_space<vmem>>
    %dma_start3A_1015 = arith.constant 0 : i32
    %dma_start3A_1016 = arith.constant 0 : i32
    %dma_start3A_1017 = tpu.memref_slice %arg2[%dma_start3A_1015, %dma_start3A_1016] : memref<100000x1024xf32, #tpu.memory_space<hbm>> -> memref<100000x1024xf32, #tpu.memory_space<hbm>>
    tpu.enqueue_indirect_dma source(%dma_start3A_1017 : memref<100000x1024xf32, #tpu.memory_space<hbm>>) target(%dma_start3A_1012 : memref<16x1024xf32, #tpu.memory_space<vmem>>) offsets(%dma_start3A_1014 : memref<16xi32, #tpu.memory_space<vmem>>) semaphore(%arg8 : memref<!tpu.dma_semaphore, #tpu.memory_space<semaphore_mem>>)
    %dma_wait3A_1018 = arith.constant 2 : i32
    %dma_wait3A_1019 = arith.constant 0 : i32
    %dma_wait3A_1020 = arith.constant 0 : i32
    %dma_wait3A_1021 = tpu.memref_slice %arg6[%dma_wait3A_1018, %dma_wait3A_1019, %dma_wait3A_1020] : memref<3x16x1024xf32, #tpu.memory_space<vmem>> -> memref<1x16x1024xf32, #tpu.memory_space<vmem>>
    %dma_wait3A_1022 = tpu.memref_squeeze %dma_wait3A_1021 : memref<1x16x1024xf32, #tpu.memory_space<vmem>> -> memref<16x1024xf32, #tpu.memory_space<vmem>>
    %dma_wait3A_1023 = arith.constant 224 : i32
    %dma_wait3A_1024 = tpu.memref_slice %arg5[%dma_wait3A_1023] : memref<512xi32, #tpu.memory_space<vmem>> -> memref<16xi32, #tpu.memory_space<vmem>>
    %dma_wait3A_1025 = arith.constant 0 : i32
    %dma_wait3A_1026 = arith.constant 0 : i32
    %dma_wait3A_1027 = tpu.memref_slice %arg2[%dma_wait3A_1025, %dma_wait3A_1026] : memref<100000x1024xf32, #tpu.memory_space<hbm>> -> memref<100000x1024xf32, #tpu.memory_space<hbm>>
    tpu.wait_indirect_dma semaphore(%arg8 : memref<!tpu.dma_semaphore, #tpu.memory_space<semaphore_mem>>) src(%dma_wait3A_1027 : memref<100000x1024xf32, #tpu.memory_space<hbm>>) dst(%dma_wait3A_1022 : memref<16x1024xf32, #tpu.memory_space<vmem>>)
    %dma_wait3A_1028 = arith.constant 2 : i32
    %dma_wait3A_1029 = arith.constant 0 : i32
    %dma_wait3A_1030 = tpu.memref_slice %arg4[%add3A_856, %dma_wait3A_1029] : memref<16384x1024xf32, #tpu.memory_space<hbm>> -> memref<16x1024xf32, #tpu.memory_space<hbm>>
    %dma_wait3A_1031 = arith.constant 0 : i32
    %dma_wait3A_1032 = arith.constant 0 : i32
    %dma_wait3A_1033 = tpu.memref_slice %arg7[%arg1, %dma_wait3A_1028, %dma_wait3A_1031, %dma_wait3A_1032] : memref<16x3x16x1024xf32, #tpu.memory_space<vmem_shared>> -> memref<1x1x16x1024xf32, #tpu.memory_space<vmem_shared>>
    %dma_wait3A_1034 = tpu.memref_squeeze %dma_wait3A_1033 : memref<1x1x16x1024xf32, #tpu.memory_space<vmem_shared>> -> memref<16x1024xf32, #tpu.memory_space<vmem_shared>>
    tpu.wait_dma2 semaphore(%arg10 : memref<!tpu.dma_semaphore, #tpu.memory_space<semaphore_mem>>) src(%dma_wait3A_1034 : memref<16x1024xf32, #tpu.memory_space<vmem_shared>>) dst(%dma_wait3A_1030 : memref<16x1024xf32, #tpu.memory_space<hbm>>)
    %dma_start3A_1035 = arith.constant 2 : i32
    %dma_start3A_1036 = arith.constant 2 : i32
    %dma_start3A_1037 = arith.constant 0 : i32
    %dma_start3A_1038 = arith.constant 0 : i32
    %dma_start3A_1039 = tpu.memref_slice %arg6[%dma_start3A_1035, %dma_start3A_1037, %dma_start3A_1038] : memref<3x16x1024xf32, #tpu.memory_space<vmem>> -> memref<1x16x1024xf32, #tpu.memory_space<vmem>>
    %dma_start3A_1040 = tpu.memref_squeeze %dma_start3A_1039 : memref<1x16x1024xf32, #tpu.memory_space<vmem>> -> memref<16x1024xf32, #tpu.memory_space<vmem>>
    %dma_start3A_1041 = arith.constant 0 : i32
    %dma_start3A_1042 = arith.constant 0 : i32
    %dma_start3A_1043 = tpu.memref_slice %arg7[%arg1, %dma_start3A_1036, %dma_start3A_1041, %dma_start3A_1042] : memref<16x3x16x1024xf32, #tpu.memory_space<vmem_shared>> -> memref<1x1x16x1024xf32, #tpu.memory_space<vmem_shared>>
    %dma_start3A_1044 = tpu.memref_squeeze %dma_start3A_1043 : memref<1x1x16x1024xf32, #tpu.memory_space<vmem_shared>> -> memref<16x1024xf32, #tpu.memory_space<vmem_shared>>
    %dma_start3A_1045 = arith.constant 0 : i32
    %dma_start3A_1046 = arith.constant 0 : i32
    %dma_start3A_1047 = tpu.memref_slice %arg7[%arg1, %dma_start3A_1036, %dma_start3A_1045, %dma_start3A_1046] : memref<16x3x16x1024xf32, #tpu.memory_space<vmem_shared>> -> memref<1x1x16x1024xf32, #tpu.memory_space<vmem_shared>>
    %dma_start3A_1048 = tpu.memref_squeeze %dma_start3A_1047 : memref<1x1x16x1024xf32, #tpu.memory_space<vmem_shared>> -> memref<16x1024xf32, #tpu.memory_space<vmem_shared>>
    %dma_start3A_1049 = arith.constant 0 : i32
    %dma_start3A_1050 = arith.constant 0 : i32
    %dma_start3A_1051 = tpu.memref_slice %arg6[%dma_start3A_1035, %dma_start3A_1049, %dma_start3A_1050] : memref<3x16x1024xf32, #tpu.memory_space<vmem>> -> memref<1x16x1024xf32, #tpu.memory_space<vmem>>
    %dma_start3A_1052 = tpu.memref_squeeze %dma_start3A_1051 : memref<1x16x1024xf32, #tpu.memory_space<vmem>> -> memref<16x1024xf32, #tpu.memory_space<vmem>>
    tpu.enqueue_dma source(%dma_start3A_1052 : memref<16x1024xf32, #tpu.memory_space<vmem>>) target(%dma_start3A_1048 : memref<16x1024xf32, #tpu.memory_space<vmem_shared>>) target_semaphore(%arg9 : memref<!tpu.dma_semaphore, #tpu.memory_space<semaphore_mem>>)
    %dma_wait3A_1053 = arith.constant 2 : i32
    %dma_wait3A_1054 = arith.constant 2 : i32
    %dma_wait3A_1055 = arith.constant 0 : i32
    %dma_wait3A_1056 = arith.constant 0 : i32
    %dma_wait3A_1057 = tpu.memref_slice %arg6[%dma_wait3A_1053, %dma_wait3A_1055, %dma_wait3A_1056] : memref<3x16x1024xf32, #tpu.memory_space<vmem>> -> memref<1x16x1024xf32, #tpu.memory_space<vmem>>
    %dma_wait3A_1058 = tpu.memref_squeeze %dma_wait3A_1057 : memref<1x16x1024xf32, #tpu.memory_space<vmem>> -> memref<16x1024xf32, #tpu.memory_space<vmem>>
    %dma_wait3A_1059 = arith.constant 0 : i32
    %dma_wait3A_1060 = arith.constant 0 : i32
    %dma_wait3A_1061 = tpu.memref_slice %arg7[%arg1, %dma_wait3A_1054, %dma_wait3A_1059, %dma_wait3A_1060] : memref<16x3x16x1024xf32, #tpu.memory_space<vmem_shared>> -> memref<1x1x16x1024xf32, #tpu.memory_space<vmem_shared>>
    %dma_wait3A_1062 = tpu.memref_squeeze %dma_wait3A_1061 : memref<1x1x16x1024xf32, #tpu.memory_space<vmem_shared>> -> memref<16x1024xf32, #tpu.memory_space<vmem_shared>>
    %dma_wait3A_1063 = arith.constant 0 : i32
    %dma_wait3A_1064 = arith.constant 0 : i32
    %dma_wait3A_1065 = tpu.memref_slice %arg7[%arg1, %dma_wait3A_1054, %dma_wait3A_1063, %dma_wait3A_1064] : memref<16x3x16x1024xf32, #tpu.memory_space<vmem_shared>> -> memref<1x1x16x1024xf32, #tpu.memory_space<vmem_shared>>
    %dma_wait3A_1066 = tpu.memref_squeeze %dma_wait3A_1065 : memref<1x1x16x1024xf32, #tpu.memory_space<vmem_shared>> -> memref<16x1024xf32, #tpu.memory_space<vmem_shared>>
    %dma_wait3A_1067 = arith.constant 0 : i32
    %dma_wait3A_1068 = arith.constant 0 : i32
    %dma_wait3A_1069 = tpu.memref_slice %arg6[%dma_wait3A_1053, %dma_wait3A_1067, %dma_wait3A_1068] : memref<3x16x1024xf32, #tpu.memory_space<vmem>> -> memref<1x16x1024xf32, #tpu.memory_space<vmem>>
    %dma_wait3A_1070 = tpu.memref_squeeze %dma_wait3A_1069 : memref<1x16x1024xf32, #tpu.memory_space<vmem>> -> memref<16x1024xf32, #tpu.memory_space<vmem>>
    tpu.wait_dma2 semaphore(%arg9 : memref<!tpu.dma_semaphore, #tpu.memory_space<semaphore_mem>>) src(%dma_wait3A_1070 : memref<16x1024xf32, #tpu.memory_space<vmem>>) dst(%dma_wait3A_1066 : memref<16x1024xf32, #tpu.memory_space<vmem_shared>>)
    %add3A_1071 = arith.constant 224 : i32
    %add3A_1072 = arith.addi %mul3A_2, %add3A_1071 : i32
    %dma_start3A_1073 = arith.constant 2 : i32
    %dma_start3A_1074 = arith.constant 0 : i32
    %dma_start3A_1075 = tpu.memref_slice %arg4[%add3A_1072, %dma_start3A_1074] : memref<16384x1024xf32, #tpu.memory_space<hbm>> -> memref<16x1024xf32, #tpu.memory_space<hbm>>
    %dma_start3A_1076 = arith.constant 0 : i32
    %dma_start3A_1077 = arith.constant 0 : i32
    %dma_start3A_1078 = tpu.memref_slice %arg7[%arg1, %dma_start3A_1073, %dma_start3A_1076, %dma_start3A_1077] : memref<16x3x16x1024xf32, #tpu.memory_space<vmem_shared>> -> memref<1x1x16x1024xf32, #tpu.memory_space<vmem_shared>>
    %dma_start3A_1079 = tpu.memref_squeeze %dma_start3A_1078 : memref<1x1x16x1024xf32, #tpu.memory_space<vmem_shared>> -> memref<16x1024xf32, #tpu.memory_space<vmem_shared>>
    tpu.enqueue_dma source(%dma_start3A_1079 : memref<16x1024xf32, #tpu.memory_space<vmem_shared>>) target(%dma_start3A_1075 : memref<16x1024xf32, #tpu.memory_space<hbm>>) target_semaphore(%arg10 : memref<!tpu.dma_semaphore, #tpu.memory_space<semaphore_mem>>)
    %dma_start3A_1080 = arith.constant 2 : i32
    %dma_start3A_1081 = arith.constant 0 : i32
    %dma_start3A_1082 = arith.constant 0 : i32
    %dma_start3A_1083 = tpu.memref_slice %arg6[%dma_start3A_1080, %dma_start3A_1081, %dma_start3A_1082] : memref<3x16x1024xf32, #tpu.memory_space<vmem>> -> memref<1x16x1024xf32, #tpu.memory_space<vmem>>
    %dma_start3A_1084 = tpu.memref_squeeze %dma_start3A_1083 : memref<1x16x1024xf32, #tpu.memory_space<vmem>> -> memref<16x1024xf32, #tpu.memory_space<vmem>>
    %dma_start3A_1085 = arith.constant 272 : i32
    %dma_start3A_1086 = tpu.memref_slice %arg5[%dma_start3A_1085] : memref<512xi32, #tpu.memory_space<vmem>> -> memref<16xi32, #tpu.memory_space<vmem>>
    %dma_start3A_1087 = arith.constant 0 : i32
    %dma_start3A_1088 = arith.constant 0 : i32
    %dma_start3A_1089 = tpu.memref_slice %arg2[%dma_start3A_1087, %dma_start3A_1088] : memref<100000x1024xf32, #tpu.memory_space<hbm>> -> memref<100000x1024xf32, #tpu.memory_space<hbm>>
    tpu.enqueue_indirect_dma source(%dma_start3A_1089 : memref<100000x1024xf32, #tpu.memory_space<hbm>>) target(%dma_start3A_1084 : memref<16x1024xf32, #tpu.memory_space<vmem>>) offsets(%dma_start3A_1086 : memref<16xi32, #tpu.memory_space<vmem>>) semaphore(%arg8 : memref<!tpu.dma_semaphore, #tpu.memory_space<semaphore_mem>>)
    %dma_wait3A_1090 = arith.constant 0 : i32
    %dma_wait3A_1091 = arith.constant 0 : i32
    %dma_wait3A_1092 = arith.constant 0 : i32
    %dma_wait3A_1093 = tpu.memref_slice %arg6[%dma_wait3A_1090, %dma_wait3A_1091, %dma_wait3A_1092] : memref<3x16x1024xf32, #tpu.memory_space<vmem>> -> memref<1x16x1024xf32, #tpu.memory_space<vmem>>
    %dma_wait3A_1094 = tpu.memref_squeeze %dma_wait3A_1093 : memref<1x16x1024xf32, #tpu.memory_space<vmem>> -> memref<16x1024xf32, #tpu.memory_space<vmem>>
    %dma_wait3A_1095 = arith.constant 240 : i32
    %dma_wait3A_1096 = tpu.memref_slice %arg5[%dma_wait3A_1095] : memref<512xi32, #tpu.memory_space<vmem>> -> memref<16xi32, #tpu.memory_space<vmem>>
    %dma_wait3A_1097 = arith.constant 0 : i32
    %dma_wait3A_1098 = arith.constant 0 : i32
    %dma_wait3A_1099 = tpu.memref_slice %arg2[%dma_wait3A_1097, %dma_wait3A_1098] : memref<100000x1024xf32, #tpu.memory_space<hbm>> -> memref<100000x1024xf32, #tpu.memory_space<hbm>>
    tpu.wait_indirect_dma semaphore(%arg8 : memref<!tpu.dma_semaphore, #tpu.memory_space<semaphore_mem>>) src(%dma_wait3A_1099 : memref<100000x1024xf32, #tpu.memory_space<hbm>>) dst(%dma_wait3A_1094 : memref<16x1024xf32, #tpu.memory_space<vmem>>)
    %dma_wait3A_1100 = arith.constant 0 : i32
    %dma_wait3A_1101 = arith.constant 0 : i32
    %dma_wait3A_1102 = tpu.memref_slice %arg4[%add3A_928, %dma_wait3A_1101] : memref<16384x1024xf32, #tpu.memory_space<hbm>> -> memref<16x1024xf32, #tpu.memory_space<hbm>>
    %dma_wait3A_1103 = arith.constant 0 : i32
    %dma_wait3A_1104 = arith.constant 0 : i32
    %dma_wait3A_1105 = tpu.memref_slice %arg7[%arg1, %dma_wait3A_1100, %dma_wait3A_1103, %dma_wait3A_1104] : memref<16x3x16x1024xf32, #tpu.memory_space<vmem_shared>> -> memref<1x1x16x1024xf32, #tpu.memory_space<vmem_shared>>
    %dma_wait3A_1106 = tpu.memref_squeeze %dma_wait3A_1105 : memref<1x1x16x1024xf32, #tpu.memory_space<vmem_shared>> -> memref<16x1024xf32, #tpu.memory_space<vmem_shared>>
    tpu.wait_dma2 semaphore(%arg10 : memref<!tpu.dma_semaphore, #tpu.memory_space<semaphore_mem>>) src(%dma_wait3A_1106 : memref<16x1024xf32, #tpu.memory_space<vmem_shared>>) dst(%dma_wait3A_1102 : memref<16x1024xf32, #tpu.memory_space<hbm>>)
    %dma_start3A_1107 = arith.constant 0 : i32
    %dma_start3A_1108 = arith.constant 0 : i32
    %dma_start3A_1109 = arith.constant 0 : i32
    %dma_start3A_1110 = arith.constant 0 : i32
    %dma_start3A_1111 = tpu.memref_slice %arg6[%dma_start3A_1107, %dma_start3A_1109, %dma_start3A_1110] : memref<3x16x1024xf32, #tpu.memory_space<vmem>> -> memref<1x16x1024xf32, #tpu.memory_space<vmem>>
    %dma_start3A_1112 = tpu.memref_squeeze %dma_start3A_1111 : memref<1x16x1024xf32, #tpu.memory_space<vmem>> -> memref<16x1024xf32, #tpu.memory_space<vmem>>
    %dma_start3A_1113 = arith.constant 0 : i32
    %dma_start3A_1114 = arith.constant 0 : i32
    %dma_start3A_1115 = tpu.memref_slice %arg7[%arg1, %dma_start3A_1108, %dma_start3A_1113, %dma_start3A_1114] : memref<16x3x16x1024xf32, #tpu.memory_space<vmem_shared>> -> memref<1x1x16x1024xf32, #tpu.memory_space<vmem_shared>>
    %dma_start3A_1116 = tpu.memref_squeeze %dma_start3A_1115 : memref<1x1x16x1024xf32, #tpu.memory_space<vmem_shared>> -> memref<16x1024xf32, #tpu.memory_space<vmem_shared>>
    %dma_start3A_1117 = arith.constant 0 : i32
    %dma_start3A_1118 = arith.constant 0 : i32
    %dma_start3A_1119 = tpu.memref_slice %arg7[%arg1, %dma_start3A_1108, %dma_start3A_1117, %dma_start3A_1118] : memref<16x3x16x1024xf32, #tpu.memory_space<vmem_shared>> -> memref<1x1x16x1024xf32, #tpu.memory_space<vmem_shared>>
    %dma_start3A_1120 = tpu.memref_squeeze %dma_start3A_1119 : memref<1x1x16x1024xf32, #tpu.memory_space<vmem_shared>> -> memref<16x1024xf32, #tpu.memory_space<vmem_shared>>
    %dma_start3A_1121 = arith.constant 0 : i32
    %dma_start3A_1122 = arith.constant 0 : i32
    %dma_start3A_1123 = tpu.memref_slice %arg6[%dma_start3A_1107, %dma_start3A_1121, %dma_start3A_1122] : memref<3x16x1024xf32, #tpu.memory_space<vmem>> -> memref<1x16x1024xf32, #tpu.memory_space<vmem>>
    %dma_start3A_1124 = tpu.memref_squeeze %dma_start3A_1123 : memref<1x16x1024xf32, #tpu.memory_space<vmem>> -> memref<16x1024xf32, #tpu.memory_space<vmem>>
    tpu.enqueue_dma source(%dma_start3A_1124 : memref<16x1024xf32, #tpu.memory_space<vmem>>) target(%dma_start3A_1120 : memref<16x1024xf32, #tpu.memory_space<vmem_shared>>) target_semaphore(%arg9 : memref<!tpu.dma_semaphore, #tpu.memory_space<semaphore_mem>>)
    %dma_wait3A_1125 = arith.constant 0 : i32
    %dma_wait3A_1126 = arith.constant 0 : i32
    %dma_wait3A_1127 = arith.constant 0 : i32
    %dma_wait3A_1128 = arith.constant 0 : i32
    %dma_wait3A_1129 = tpu.memref_slice %arg6[%dma_wait3A_1125, %dma_wait3A_1127, %dma_wait3A_1128] : memref<3x16x1024xf32, #tpu.memory_space<vmem>> -> memref<1x16x1024xf32, #tpu.memory_space<vmem>>
    %dma_wait3A_1130 = tpu.memref_squeeze %dma_wait3A_1129 : memref<1x16x1024xf32, #tpu.memory_space<vmem>> -> memref<16x1024xf32, #tpu.memory_space<vmem>>
    %dma_wait3A_1131 = arith.constant 0 : i32
    %dma_wait3A_1132 = arith.constant 0 : i32
    %dma_wait3A_1133 = tpu.memref_slice %arg7[%arg1, %dma_wait3A_1126, %dma_wait3A_1131, %dma_wait3A_1132] : memref<16x3x16x1024xf32, #tpu.memory_space<vmem_shared>> -> memref<1x1x16x1024xf32, #tpu.memory_space<vmem_shared>>
    %dma_wait3A_1134 = tpu.memref_squeeze %dma_wait3A_1133 : memref<1x1x16x1024xf32, #tpu.memory_space<vmem_shared>> -> memref<16x1024xf32, #tpu.memory_space<vmem_shared>>
    %dma_wait3A_1135 = arith.constant 0 : i32
    %dma_wait3A_1136 = arith.constant 0 : i32
    %dma_wait3A_1137 = tpu.memref_slice %arg7[%arg1, %dma_wait3A_1126, %dma_wait3A_1135, %dma_wait3A_1136] : memref<16x3x16x1024xf32, #tpu.memory_space<vmem_shared>> -> memref<1x1x16x1024xf32, #tpu.memory_space<vmem_shared>>
    %dma_wait3A_1138 = tpu.memref_squeeze %dma_wait3A_1137 : memref<1x1x16x1024xf32, #tpu.memory_space<vmem_shared>> -> memref<16x1024xf32, #tpu.memory_space<vmem_shared>>
    %dma_wait3A_1139 = arith.constant 0 : i32
    %dma_wait3A_1140 = arith.constant 0 : i32
    %dma_wait3A_1141 = tpu.memref_slice %arg6[%dma_wait3A_1125, %dma_wait3A_1139, %dma_wait3A_1140] : memref<3x16x1024xf32, #tpu.memory_space<vmem>> -> memref<1x16x1024xf32, #tpu.memory_space<vmem>>
    %dma_wait3A_1142 = tpu.memref_squeeze %dma_wait3A_1141 : memref<1x16x1024xf32, #tpu.memory_space<vmem>> -> memref<16x1024xf32, #tpu.memory_space<vmem>>
    tpu.wait_dma2 semaphore(%arg9 : memref<!tpu.dma_semaphore, #tpu.memory_space<semaphore_mem>>) src(%dma_wait3A_1142 : memref<16x1024xf32, #tpu.memory_space<vmem>>) dst(%dma_wait3A_1138 : memref<16x1024xf32, #tpu.memory_space<vmem_shared>>)
    %add3A_1143 = arith.constant 240 : i32
    %add3A_1144 = arith.addi %mul3A_2, %add3A_1143 : i32
    %dma_start3A_1145 = arith.constant 0 : i32
    %dma_start3A_1146 = arith.constant 0 : i32
    %dma_start3A_1147 = tpu.memref_slice %arg4[%add3A_1144, %dma_start3A_1146] : memref<16384x1024xf32, #tpu.memory_space<hbm>> -> memref<16x1024xf32, #tpu.memory_space<hbm>>
    %dma_start3A_1148 = arith.constant 0 : i32
    %dma_start3A_1149 = arith.constant 0 : i32
    %dma_start3A_1150 = tpu.memref_slice %arg7[%arg1, %dma_start3A_1145, %dma_start3A_1148, %dma_start3A_1149] : memref<16x3x16x1024xf32, #tpu.memory_space<vmem_shared>> -> memref<1x1x16x1024xf32, #tpu.memory_space<vmem_shared>>
    %dma_start3A_1151 = tpu.memref_squeeze %dma_start3A_1150 : memref<1x1x16x1024xf32, #tpu.memory_space<vmem_shared>> -> memref<16x1024xf32, #tpu.memory_space<vmem_shared>>
    tpu.enqueue_dma source(%dma_start3A_1151 : memref<16x1024xf32, #tpu.memory_space<vmem_shared>>) target(%dma_start3A_1147 : memref<16x1024xf32, #tpu.memory_space<hbm>>) target_semaphore(%arg10 : memref<!tpu.dma_semaphore, #tpu.memory_space<semaphore_mem>>)
    %dma_start3A_1152 = arith.constant 0 : i32
    %dma_start3A_1153 = arith.constant 0 : i32
    %dma_start3A_1154 = arith.constant 0 : i32
    %dma_start3A_1155 = tpu.memref_slice %arg6[%dma_start3A_1152, %dma_start3A_1153, %dma_start3A_1154] : memref<3x16x1024xf32, #tpu.memory_space<vmem>> -> memref<1x16x1024xf32, #tpu.memory_space<vmem>>
    %dma_start3A_1156 = tpu.memref_squeeze %dma_start3A_1155 : memref<1x16x1024xf32, #tpu.memory_space<vmem>> -> memref<16x1024xf32, #tpu.memory_space<vmem>>
    %dma_start3A_1157 = arith.constant 288 : i32
    %dma_start3A_1158 = tpu.memref_slice %arg5[%dma_start3A_1157] : memref<512xi32, #tpu.memory_space<vmem>> -> memref<16xi32, #tpu.memory_space<vmem>>
    %dma_start3A_1159 = arith.constant 0 : i32
    %dma_start3A_1160 = arith.constant 0 : i32
    %dma_start3A_1161 = tpu.memref_slice %arg2[%dma_start3A_1159, %dma_start3A_1160] : memref<100000x1024xf32, #tpu.memory_space<hbm>> -> memref<100000x1024xf32, #tpu.memory_space<hbm>>
    tpu.enqueue_indirect_dma source(%dma_start3A_1161 : memref<100000x1024xf32, #tpu.memory_space<hbm>>) target(%dma_start3A_1156 : memref<16x1024xf32, #tpu.memory_space<vmem>>) offsets(%dma_start3A_1158 : memref<16xi32, #tpu.memory_space<vmem>>) semaphore(%arg8 : memref<!tpu.dma_semaphore, #tpu.memory_space<semaphore_mem>>)
    %dma_wait3A_1162 = arith.constant 1 : i32
    %dma_wait3A_1163 = arith.constant 0 : i32
    %dma_wait3A_1164 = arith.constant 0 : i32
    %dma_wait3A_1165 = tpu.memref_slice %arg6[%dma_wait3A_1162, %dma_wait3A_1163, %dma_wait3A_1164] : memref<3x16x1024xf32, #tpu.memory_space<vmem>> -> memref<1x16x1024xf32, #tpu.memory_space<vmem>>
    %dma_wait3A_1166 = tpu.memref_squeeze %dma_wait3A_1165 : memref<1x16x1024xf32, #tpu.memory_space<vmem>> -> memref<16x1024xf32, #tpu.memory_space<vmem>>
    %dma_wait3A_1167 = arith.constant 256 : i32
    %dma_wait3A_1168 = tpu.memref_slice %arg5[%dma_wait3A_1167] : memref<512xi32, #tpu.memory_space<vmem>> -> memref<16xi32, #tpu.memory_space<vmem>>
    %dma_wait3A_1169 = arith.constant 0 : i32
    %dma_wait3A_1170 = arith.constant 0 : i32
    %dma_wait3A_1171 = tpu.memref_slice %arg2[%dma_wait3A_1169, %dma_wait3A_1170] : memref<100000x1024xf32, #tpu.memory_space<hbm>> -> memref<100000x1024xf32, #tpu.memory_space<hbm>>
    tpu.wait_indirect_dma semaphore(%arg8 : memref<!tpu.dma_semaphore, #tpu.memory_space<semaphore_mem>>) src(%dma_wait3A_1171 : memref<100000x1024xf32, #tpu.memory_space<hbm>>) dst(%dma_wait3A_1166 : memref<16x1024xf32, #tpu.memory_space<vmem>>)
    %dma_wait3A_1172 = arith.constant 1 : i32
    %dma_wait3A_1173 = arith.constant 0 : i32
    %dma_wait3A_1174 = tpu.memref_slice %arg4[%add3A_1000, %dma_wait3A_1173] : memref<16384x1024xf32, #tpu.memory_space<hbm>> -> memref<16x1024xf32, #tpu.memory_space<hbm>>
    %dma_wait3A_1175 = arith.constant 0 : i32
    %dma_wait3A_1176 = arith.constant 0 : i32
    %dma_wait3A_1177 = tpu.memref_slice %arg7[%arg1, %dma_wait3A_1172, %dma_wait3A_1175, %dma_wait3A_1176] : memref<16x3x16x1024xf32, #tpu.memory_space<vmem_shared>> -> memref<1x1x16x1024xf32, #tpu.memory_space<vmem_shared>>
    %dma_wait3A_1178 = tpu.memref_squeeze %dma_wait3A_1177 : memref<1x1x16x1024xf32, #tpu.memory_space<vmem_shared>> -> memref<16x1024xf32, #tpu.memory_space<vmem_shared>>
    tpu.wait_dma2 semaphore(%arg10 : memref<!tpu.dma_semaphore, #tpu.memory_space<semaphore_mem>>) src(%dma_wait3A_1178 : memref<16x1024xf32, #tpu.memory_space<vmem_shared>>) dst(%dma_wait3A_1174 : memref<16x1024xf32, #tpu.memory_space<hbm>>)
    %dma_start3A_1179 = arith.constant 1 : i32
    %dma_start3A_1180 = arith.constant 1 : i32
    %dma_start3A_1181 = arith.constant 0 : i32
    %dma_start3A_1182 = arith.constant 0 : i32
    %dma_start3A_1183 = tpu.memref_slice %arg6[%dma_start3A_1179, %dma_start3A_1181, %dma_start3A_1182] : memref<3x16x1024xf32, #tpu.memory_space<vmem>> -> memref<1x16x1024xf32, #tpu.memory_space<vmem>>
    %dma_start3A_1184 = tpu.memref_squeeze %dma_start3A_1183 : memref<1x16x1024xf32, #tpu.memory_space<vmem>> -> memref<16x1024xf32, #tpu.memory_space<vmem>>
    %dma_start3A_1185 = arith.constant 0 : i32
    %dma_start3A_1186 = arith.constant 0 : i32
    %dma_start3A_1187 = tpu.memref_slice %arg7[%arg1, %dma_start3A_1180, %dma_start3A_1185, %dma_start3A_1186] : memref<16x3x16x1024xf32, #tpu.memory_space<vmem_shared>> -> memref<1x1x16x1024xf32, #tpu.memory_space<vmem_shared>>
    %dma_start3A_1188 = tpu.memref_squeeze %dma_start3A_1187 : memref<1x1x16x1024xf32, #tpu.memory_space<vmem_shared>> -> memref<16x1024xf32, #tpu.memory_space<vmem_shared>>
    %dma_start3A_1189 = arith.constant 0 : i32
    %dma_start3A_1190 = arith.constant 0 : i32
    %dma_start3A_1191 = tpu.memref_slice %arg7[%arg1, %dma_start3A_1180, %dma_start3A_1189, %dma_start3A_1190] : memref<16x3x16x1024xf32, #tpu.memory_space<vmem_shared>> -> memref<1x1x16x1024xf32, #tpu.memory_space<vmem_shared>>
    %dma_start3A_1192 = tpu.memref_squeeze %dma_start3A_1191 : memref<1x1x16x1024xf32, #tpu.memory_space<vmem_shared>> -> memref<16x1024xf32, #tpu.memory_space<vmem_shared>>
    %dma_start3A_1193 = arith.constant 0 : i32
    %dma_start3A_1194 = arith.constant 0 : i32
    %dma_start3A_1195 = tpu.memref_slice %arg6[%dma_start3A_1179, %dma_start3A_1193, %dma_start3A_1194] : memref<3x16x1024xf32, #tpu.memory_space<vmem>> -> memref<1x16x1024xf32, #tpu.memory_space<vmem>>
    %dma_start3A_1196 = tpu.memref_squeeze %dma_start3A_1195 : memref<1x16x1024xf32, #tpu.memory_space<vmem>> -> memref<16x1024xf32, #tpu.memory_space<vmem>>
    tpu.enqueue_dma source(%dma_start3A_1196 : memref<16x1024xf32, #tpu.memory_space<vmem>>) target(%dma_start3A_1192 : memref<16x1024xf32, #tpu.memory_space<vmem_shared>>) target_semaphore(%arg9 : memref<!tpu.dma_semaphore, #tpu.memory_space<semaphore_mem>>)
    %dma_wait3A_1197 = arith.constant 1 : i32
    %dma_wait3A_1198 = arith.constant 1 : i32
    %dma_wait3A_1199 = arith.constant 0 : i32
    %dma_wait3A_1200 = arith.constant 0 : i32
    %dma_wait3A_1201 = tpu.memref_slice %arg6[%dma_wait3A_1197, %dma_wait3A_1199, %dma_wait3A_1200] : memref<3x16x1024xf32, #tpu.memory_space<vmem>> -> memref<1x16x1024xf32, #tpu.memory_space<vmem>>
    %dma_wait3A_1202 = tpu.memref_squeeze %dma_wait3A_1201 : memref<1x16x1024xf32, #tpu.memory_space<vmem>> -> memref<16x1024xf32, #tpu.memory_space<vmem>>
    %dma_wait3A_1203 = arith.constant 0 : i32
    %dma_wait3A_1204 = arith.constant 0 : i32
    %dma_wait3A_1205 = tpu.memref_slice %arg7[%arg1, %dma_wait3A_1198, %dma_wait3A_1203, %dma_wait3A_1204] : memref<16x3x16x1024xf32, #tpu.memory_space<vmem_shared>> -> memref<1x1x16x1024xf32, #tpu.memory_space<vmem_shared>>
    %dma_wait3A_1206 = tpu.memref_squeeze %dma_wait3A_1205 : memref<1x1x16x1024xf32, #tpu.memory_space<vmem_shared>> -> memref<16x1024xf32, #tpu.memory_space<vmem_shared>>
    %dma_wait3A_1207 = arith.constant 0 : i32
    %dma_wait3A_1208 = arith.constant 0 : i32
    %dma_wait3A_1209 = tpu.memref_slice %arg7[%arg1, %dma_wait3A_1198, %dma_wait3A_1207, %dma_wait3A_1208] : memref<16x3x16x1024xf32, #tpu.memory_space<vmem_shared>> -> memref<1x1x16x1024xf32, #tpu.memory_space<vmem_shared>>
    %dma_wait3A_1210 = tpu.memref_squeeze %dma_wait3A_1209 : memref<1x1x16x1024xf32, #tpu.memory_space<vmem_shared>> -> memref<16x1024xf32, #tpu.memory_space<vmem_shared>>
    %dma_wait3A_1211 = arith.constant 0 : i32
    %dma_wait3A_1212 = arith.constant 0 : i32
    %dma_wait3A_1213 = tpu.memref_slice %arg6[%dma_wait3A_1197, %dma_wait3A_1211, %dma_wait3A_1212] : memref<3x16x1024xf32, #tpu.memory_space<vmem>> -> memref<1x16x1024xf32, #tpu.memory_space<vmem>>
    %dma_wait3A_1214 = tpu.memref_squeeze %dma_wait3A_1213 : memref<1x16x1024xf32, #tpu.memory_space<vmem>> -> memref<16x1024xf32, #tpu.memory_space<vmem>>
    tpu.wait_dma2 semaphore(%arg9 : memref<!tpu.dma_semaphore, #tpu.memory_space<semaphore_mem>>) src(%dma_wait3A_1214 : memref<16x1024xf32, #tpu.memory_space<vmem>>) dst(%dma_wait3A_1210 : memref<16x1024xf32, #tpu.memory_space<vmem_shared>>)
    %add3A_1215 = arith.constant 256 : i32
    %add3A_1216 = arith.addi %mul3A_2, %add3A_1215 : i32
    %dma_start3A_1217 = arith.constant 1 : i32
    %dma_start3A_1218 = arith.constant 0 : i32
    %dma_start3A_1219 = tpu.memref_slice %arg4[%add3A_1216, %dma_start3A_1218] : memref<16384x1024xf32, #tpu.memory_space<hbm>> -> memref<16x1024xf32, #tpu.memory_space<hbm>>
    %dma_start3A_1220 = arith.constant 0 : i32
    %dma_start3A_1221 = arith.constant 0 : i32
    %dma_start3A_1222 = tpu.memref_slice %arg7[%arg1, %dma_start3A_1217, %dma_start3A_1220, %dma_start3A_1221] : memref<16x3x16x1024xf32, #tpu.memory_space<vmem_shared>> -> memref<1x1x16x1024xf32, #tpu.memory_space<vmem_shared>>
    %dma_start3A_1223 = tpu.memref_squeeze %dma_start3A_1222 : memref<1x1x16x1024xf32, #tpu.memory_space<vmem_shared>> -> memref<16x1024xf32, #tpu.memory_space<vmem_shared>>
    tpu.enqueue_dma source(%dma_start3A_1223 : memref<16x1024xf32, #tpu.memory_space<vmem_shared>>) target(%dma_start3A_1219 : memref<16x1024xf32, #tpu.memory_space<hbm>>) target_semaphore(%arg10 : memref<!tpu.dma_semaphore, #tpu.memory_space<semaphore_mem>>)
    %dma_start3A_1224 = arith.constant 1 : i32
    %dma_start3A_1225 = arith.constant 0 : i32
    %dma_start3A_1226 = arith.constant 0 : i32
    %dma_start3A_1227 = tpu.memref_slice %arg6[%dma_start3A_1224, %dma_start3A_1225, %dma_start3A_1226] : memref<3x16x1024xf32, #tpu.memory_space<vmem>> -> memref<1x16x1024xf32, #tpu.memory_space<vmem>>
    %dma_start3A_1228 = tpu.memref_squeeze %dma_start3A_1227 : memref<1x16x1024xf32, #tpu.memory_space<vmem>> -> memref<16x1024xf32, #tpu.memory_space<vmem>>
    %dma_start3A_1229 = arith.constant 304 : i32
    %dma_start3A_1230 = tpu.memref_slice %arg5[%dma_start3A_1229] : memref<512xi32, #tpu.memory_space<vmem>> -> memref<16xi32, #tpu.memory_space<vmem>>
    %dma_start3A_1231 = arith.constant 0 : i32
    %dma_start3A_1232 = arith.constant 0 : i32
    %dma_start3A_1233 = tpu.memref_slice %arg2[%dma_start3A_1231, %dma_start3A_1232] : memref<100000x1024xf32, #tpu.memory_space<hbm>> -> memref<100000x1024xf32, #tpu.memory_space<hbm>>
    tpu.enqueue_indirect_dma source(%dma_start3A_1233 : memref<100000x1024xf32, #tpu.memory_space<hbm>>) target(%dma_start3A_1228 : memref<16x1024xf32, #tpu.memory_space<vmem>>) offsets(%dma_start3A_1230 : memref<16xi32, #tpu.memory_space<vmem>>) semaphore(%arg8 : memref<!tpu.dma_semaphore, #tpu.memory_space<semaphore_mem>>)
    %dma_wait3A_1234 = arith.constant 2 : i32
    %dma_wait3A_1235 = arith.constant 0 : i32
    %dma_wait3A_1236 = arith.constant 0 : i32
    %dma_wait3A_1237 = tpu.memref_slice %arg6[%dma_wait3A_1234, %dma_wait3A_1235, %dma_wait3A_1236] : memref<3x16x1024xf32, #tpu.memory_space<vmem>> -> memref<1x16x1024xf32, #tpu.memory_space<vmem>>
    %dma_wait3A_1238 = tpu.memref_squeeze %dma_wait3A_1237 : memref<1x16x1024xf32, #tpu.memory_space<vmem>> -> memref<16x1024xf32, #tpu.memory_space<vmem>>
    %dma_wait3A_1239 = arith.constant 272 : i32
    %dma_wait3A_1240 = tpu.memref_slice %arg5[%dma_wait3A_1239] : memref<512xi32, #tpu.memory_space<vmem>> -> memref<16xi32, #tpu.memory_space<vmem>>
    %dma_wait3A_1241 = arith.constant 0 : i32
    %dma_wait3A_1242 = arith.constant 0 : i32
    %dma_wait3A_1243 = tpu.memref_slice %arg2[%dma_wait3A_1241, %dma_wait3A_1242] : memref<100000x1024xf32, #tpu.memory_space<hbm>> -> memref<100000x1024xf32, #tpu.memory_space<hbm>>
    tpu.wait_indirect_dma semaphore(%arg8 : memref<!tpu.dma_semaphore, #tpu.memory_space<semaphore_mem>>) src(%dma_wait3A_1243 : memref<100000x1024xf32, #tpu.memory_space<hbm>>) dst(%dma_wait3A_1238 : memref<16x1024xf32, #tpu.memory_space<vmem>>)
    %dma_wait3A_1244 = arith.constant 2 : i32
    %dma_wait3A_1245 = arith.constant 0 : i32
    %dma_wait3A_1246 = tpu.memref_slice %arg4[%add3A_1072, %dma_wait3A_1245] : memref<16384x1024xf32, #tpu.memory_space<hbm>> -> memref<16x1024xf32, #tpu.memory_space<hbm>>
    %dma_wait3A_1247 = arith.constant 0 : i32
    %dma_wait3A_1248 = arith.constant 0 : i32
    %dma_wait3A_1249 = tpu.memref_slice %arg7[%arg1, %dma_wait3A_1244, %dma_wait3A_1247, %dma_wait3A_1248] : memref<16x3x16x1024xf32, #tpu.memory_space<vmem_shared>> -> memref<1x1x16x1024xf32, #tpu.memory_space<vmem_shared>>
    %dma_wait3A_1250 = tpu.memref_squeeze %dma_wait3A_1249 : memref<1x1x16x1024xf32, #tpu.memory_space<vmem_shared>> -> memref<16x1024xf32, #tpu.memory_space<vmem_shared>>
    tpu.wait_dma2 semaphore(%arg10 : memref<!tpu.dma_semaphore, #tpu.memory_space<semaphore_mem>>) src(%dma_wait3A_1250 : memref<16x1024xf32, #tpu.memory_space<vmem_shared>>) dst(%dma_wait3A_1246 : memref<16x1024xf32, #tpu.memory_space<hbm>>)
    %dma_start3A_1251 = arith.constant 2 : i32
    %dma_start3A_1252 = arith.constant 2 : i32
    %dma_start3A_1253 = arith.constant 0 : i32
    %dma_start3A_1254 = arith.constant 0 : i32
    %dma_start3A_1255 = tpu.memref_slice %arg6[%dma_start3A_1251, %dma_start3A_1253, %dma_start3A_1254] : memref<3x16x1024xf32, #tpu.memory_space<vmem>> -> memref<1x16x1024xf32, #tpu.memory_space<vmem>>
    %dma_start3A_1256 = tpu.memref_squeeze %dma_start3A_1255 : memref<1x16x1024xf32, #tpu.memory_space<vmem>> -> memref<16x1024xf32, #tpu.memory_space<vmem>>
    %dma_start3A_1257 = arith.constant 0 : i32
    %dma_start3A_1258 = arith.constant 0 : i32
    %dma_start3A_1259 = tpu.memref_slice %arg7[%arg1, %dma_start3A_1252, %dma_start3A_1257, %dma_start3A_1258] : memref<16x3x16x1024xf32, #tpu.memory_space<vmem_shared>> -> memref<1x1x16x1024xf32, #tpu.memory_space<vmem_shared>>
    %dma_start3A_1260 = tpu.memref_squeeze %dma_start3A_1259 : memref<1x1x16x1024xf32, #tpu.memory_space<vmem_shared>> -> memref<16x1024xf32, #tpu.memory_space<vmem_shared>>
    %dma_start3A_1261 = arith.constant 0 : i32
    %dma_start3A_1262 = arith.constant 0 : i32
    %dma_start3A_1263 = tpu.memref_slice %arg7[%arg1, %dma_start3A_1252, %dma_start3A_1261, %dma_start3A_1262] : memref<16x3x16x1024xf32, #tpu.memory_space<vmem_shared>> -> memref<1x1x16x1024xf32, #tpu.memory_space<vmem_shared>>
    %dma_start3A_1264 = tpu.memref_squeeze %dma_start3A_1263 : memref<1x1x16x1024xf32, #tpu.memory_space<vmem_shared>> -> memref<16x1024xf32, #tpu.memory_space<vmem_shared>>
    %dma_start3A_1265 = arith.constant 0 : i32
    %dma_start3A_1266 = arith.constant 0 : i32
    %dma_start3A_1267 = tpu.memref_slice %arg6[%dma_start3A_1251, %dma_start3A_1265, %dma_start3A_1266] : memref<3x16x1024xf32, #tpu.memory_space<vmem>> -> memref<1x16x1024xf32, #tpu.memory_space<vmem>>
    %dma_start3A_1268 = tpu.memref_squeeze %dma_start3A_1267 : memref<1x16x1024xf32, #tpu.memory_space<vmem>> -> memref<16x1024xf32, #tpu.memory_space<vmem>>
    tpu.enqueue_dma source(%dma_start3A_1268 : memref<16x1024xf32, #tpu.memory_space<vmem>>) target(%dma_start3A_1264 : memref<16x1024xf32, #tpu.memory_space<vmem_shared>>) target_semaphore(%arg9 : memref<!tpu.dma_semaphore, #tpu.memory_space<semaphore_mem>>)
    %dma_wait3A_1269 = arith.constant 2 : i32
    %dma_wait3A_1270 = arith.constant 2 : i32
    %dma_wait3A_1271 = arith.constant 0 : i32
    %dma_wait3A_1272 = arith.constant 0 : i32
    %dma_wait3A_1273 = tpu.memref_slice %arg6[%dma_wait3A_1269, %dma_wait3A_1271, %dma_wait3A_1272] : memref<3x16x1024xf32, #tpu.memory_space<vmem>> -> memref<1x16x1024xf32, #tpu.memory_space<vmem>>
    %dma_wait3A_1274 = tpu.memref_squeeze %dma_wait3A_1273 : memref<1x16x1024xf32, #tpu.memory_space<vmem>> -> memref<16x1024xf32, #tpu.memory_space<vmem>>
    %dma_wait3A_1275 = arith.constant 0 : i32
    %dma_wait3A_1276 = arith.constant 0 : i32
    %dma_wait3A_1277 = tpu.memref_slice %arg7[%arg1, %dma_wait3A_1270, %dma_wait3A_1275, %dma_wait3A_1276] : memref<16x3x16x1024xf32, #tpu.memory_space<vmem_shared>> -> memref<1x1x16x1024xf32, #tpu.memory_space<vmem_shared>>
    %dma_wait3A_1278 = tpu.memref_squeeze %dma_wait3A_1277 : memref<1x1x16x1024xf32, #tpu.memory_space<vmem_shared>> -> memref<16x1024xf32, #tpu.memory_space<vmem_shared>>
    %dma_wait3A_1279 = arith.constant 0 : i32
    %dma_wait3A_1280 = arith.constant 0 : i32
    %dma_wait3A_1281 = tpu.memref_slice %arg7[%arg1, %dma_wait3A_1270, %dma_wait3A_1279, %dma_wait3A_1280] : memref<16x3x16x1024xf32, #tpu.memory_space<vmem_shared>> -> memref<1x1x16x1024xf32, #tpu.memory_space<vmem_shared>>
    %dma_wait3A_1282 = tpu.memref_squeeze %dma_wait3A_1281 : memref<1x1x16x1024xf32, #tpu.memory_space<vmem_shared>> -> memref<16x1024xf32, #tpu.memory_space<vmem_shared>>
    %dma_wait3A_1283 = arith.constant 0 : i32
    %dma_wait3A_1284 = arith.constant 0 : i32
    %dma_wait3A_1285 = tpu.memref_slice %arg6[%dma_wait3A_1269, %dma_wait3A_1283, %dma_wait3A_1284] : memref<3x16x1024xf32, #tpu.memory_space<vmem>> -> memref<1x16x1024xf32, #tpu.memory_space<vmem>>
    %dma_wait3A_1286 = tpu.memref_squeeze %dma_wait3A_1285 : memref<1x16x1024xf32, #tpu.memory_space<vmem>> -> memref<16x1024xf32, #tpu.memory_space<vmem>>
    tpu.wait_dma2 semaphore(%arg9 : memref<!tpu.dma_semaphore, #tpu.memory_space<semaphore_mem>>) src(%dma_wait3A_1286 : memref<16x1024xf32, #tpu.memory_space<vmem>>) dst(%dma_wait3A_1282 : memref<16x1024xf32, #tpu.memory_space<vmem_shared>>)
    %add3A_1287 = arith.constant 272 : i32
    %add3A_1288 = arith.addi %mul3A_2, %add3A_1287 : i32
    %dma_start3A_1289 = arith.constant 2 : i32
    %dma_start3A_1290 = arith.constant 0 : i32
    %dma_start3A_1291 = tpu.memref_slice %arg4[%add3A_1288, %dma_start3A_1290] : memref<16384x1024xf32, #tpu.memory_space<hbm>> -> memref<16x1024xf32, #tpu.memory_space<hbm>>
    %dma_start3A_1292 = arith.constant 0 : i32
    %dma_start3A_1293 = arith.constant 0 : i32
    %dma_start3A_1294 = tpu.memref_slice %arg7[%arg1, %dma_start3A_1289, %dma_start3A_1292, %dma_start3A_1293] : memref<16x3x16x1024xf32, #tpu.memory_space<vmem_shared>> -> memref<1x1x16x1024xf32, #tpu.memory_space<vmem_shared>>
    %dma_start3A_1295 = tpu.memref_squeeze %dma_start3A_1294 : memref<1x1x16x1024xf32, #tpu.memory_space<vmem_shared>> -> memref<16x1024xf32, #tpu.memory_space<vmem_shared>>
    tpu.enqueue_dma source(%dma_start3A_1295 : memref<16x1024xf32, #tpu.memory_space<vmem_shared>>) target(%dma_start3A_1291 : memref<16x1024xf32, #tpu.memory_space<hbm>>) target_semaphore(%arg10 : memref<!tpu.dma_semaphore, #tpu.memory_space<semaphore_mem>>)
    %dma_start3A_1296 = arith.constant 2 : i32
    %dma_start3A_1297 = arith.constant 0 : i32
    %dma_start3A_1298 = arith.constant 0 : i32
    %dma_start3A_1299 = tpu.memref_slice %arg6[%dma_start3A_1296, %dma_start3A_1297, %dma_start3A_1298] : memref<3x16x1024xf32, #tpu.memory_space<vmem>> -> memref<1x16x1024xf32, #tpu.memory_space<vmem>>
    %dma_start3A_1300 = tpu.memref_squeeze %dma_start3A_1299 : memref<1x16x1024xf32, #tpu.memory_space<vmem>> -> memref<16x1024xf32, #tpu.memory_space<vmem>>
    %dma_start3A_1301 = arith.constant 320 : i32
    %dma_start3A_1302 = tpu.memref_slice %arg5[%dma_start3A_1301] : memref<512xi32, #tpu.memory_space<vmem>> -> memref<16xi32, #tpu.memory_space<vmem>>
    %dma_start3A_1303 = arith.constant 0 : i32
    %dma_start3A_1304 = arith.constant 0 : i32
    %dma_start3A_1305 = tpu.memref_slice %arg2[%dma_start3A_1303, %dma_start3A_1304] : memref<100000x1024xf32, #tpu.memory_space<hbm>> -> memref<100000x1024xf32, #tpu.memory_space<hbm>>
    tpu.enqueue_indirect_dma source(%dma_start3A_1305 : memref<100000x1024xf32, #tpu.memory_space<hbm>>) target(%dma_start3A_1300 : memref<16x1024xf32, #tpu.memory_space<vmem>>) offsets(%dma_start3A_1302 : memref<16xi32, #tpu.memory_space<vmem>>) semaphore(%arg8 : memref<!tpu.dma_semaphore, #tpu.memory_space<semaphore_mem>>)
    %dma_wait3A_1306 = arith.constant 0 : i32
    %dma_wait3A_1307 = arith.constant 0 : i32
    %dma_wait3A_1308 = arith.constant 0 : i32
    %dma_wait3A_1309 = tpu.memref_slice %arg6[%dma_wait3A_1306, %dma_wait3A_1307, %dma_wait3A_1308] : memref<3x16x1024xf32, #tpu.memory_space<vmem>> -> memref<1x16x1024xf32, #tpu.memory_space<vmem>>
    %dma_wait3A_1310 = tpu.memref_squeeze %dma_wait3A_1309 : memref<1x16x1024xf32, #tpu.memory_space<vmem>> -> memref<16x1024xf32, #tpu.memory_space<vmem>>
    %dma_wait3A_1311 = arith.constant 288 : i32
    %dma_wait3A_1312 = tpu.memref_slice %arg5[%dma_wait3A_1311] : memref<512xi32, #tpu.memory_space<vmem>> -> memref<16xi32, #tpu.memory_space<vmem>>
    %dma_wait3A_1313 = arith.constant 0 : i32
    %dma_wait3A_1314 = arith.constant 0 : i32
    %dma_wait3A_1315 = tpu.memref_slice %arg2[%dma_wait3A_1313, %dma_wait3A_1314] : memref<100000x1024xf32, #tpu.memory_space<hbm>> -> memref<100000x1024xf32, #tpu.memory_space<hbm>>
    tpu.wait_indirect_dma semaphore(%arg8 : memref<!tpu.dma_semaphore, #tpu.memory_space<semaphore_mem>>) src(%dma_wait3A_1315 : memref<100000x1024xf32, #tpu.memory_space<hbm>>) dst(%dma_wait3A_1310 : memref<16x1024xf32, #tpu.memory_space<vmem>>)
    %dma_wait3A_1316 = arith.constant 0 : i32
    %dma_wait3A_1317 = arith.constant 0 : i32
    %dma_wait3A_1318 = tpu.memref_slice %arg4[%add3A_1144, %dma_wait3A_1317] : memref<16384x1024xf32, #tpu.memory_space<hbm>> -> memref<16x1024xf32, #tpu.memory_space<hbm>>
    %dma_wait3A_1319 = arith.constant 0 : i32
    %dma_wait3A_1320 = arith.constant 0 : i32
    %dma_wait3A_1321 = tpu.memref_slice %arg7[%arg1, %dma_wait3A_1316, %dma_wait3A_1319, %dma_wait3A_1320] : memref<16x3x16x1024xf32, #tpu.memory_space<vmem_shared>> -> memref<1x1x16x1024xf32, #tpu.memory_space<vmem_shared>>
    %dma_wait3A_1322 = tpu.memref_squeeze %dma_wait3A_1321 : memref<1x1x16x1024xf32, #tpu.memory_space<vmem_shared>> -> memref<16x1024xf32, #tpu.memory_space<vmem_shared>>
    tpu.wait_dma2 semaphore(%arg10 : memref<!tpu.dma_semaphore, #tpu.memory_space<semaphore_mem>>) src(%dma_wait3A_1322 : memref<16x1024xf32, #tpu.memory_space<vmem_shared>>) dst(%dma_wait3A_1318 : memref<16x1024xf32, #tpu.memory_space<hbm>>)
    %dma_start3A_1323 = arith.constant 0 : i32
    %dma_start3A_1324 = arith.constant 0 : i32
    %dma_start3A_1325 = arith.constant 0 : i32
    %dma_start3A_1326 = arith.constant 0 : i32
    %dma_start3A_1327 = tpu.memref_slice %arg6[%dma_start3A_1323, %dma_start3A_1325, %dma_start3A_1326] : memref<3x16x1024xf32, #tpu.memory_space<vmem>> -> memref<1x16x1024xf32, #tpu.memory_space<vmem>>
    %dma_start3A_1328 = tpu.memref_squeeze %dma_start3A_1327 : memref<1x16x1024xf32, #tpu.memory_space<vmem>> -> memref<16x1024xf32, #tpu.memory_space<vmem>>
    %dma_start3A_1329 = arith.constant 0 : i32
    %dma_start3A_1330 = arith.constant 0 : i32
    %dma_start3A_1331 = tpu.memref_slice %arg7[%arg1, %dma_start3A_1324, %dma_start3A_1329, %dma_start3A_1330] : memref<16x3x16x1024xf32, #tpu.memory_space<vmem_shared>> -> memref<1x1x16x1024xf32, #tpu.memory_space<vmem_shared>>
    %dma_start3A_1332 = tpu.memref_squeeze %dma_start3A_1331 : memref<1x1x16x1024xf32, #tpu.memory_space<vmem_shared>> -> memref<16x1024xf32, #tpu.memory_space<vmem_shared>>
    %dma_start3A_1333 = arith.constant 0 : i32
    %dma_start3A_1334 = arith.constant 0 : i32
    %dma_start3A_1335 = tpu.memref_slice %arg7[%arg1, %dma_start3A_1324, %dma_start3A_1333, %dma_start3A_1334] : memref<16x3x16x1024xf32, #tpu.memory_space<vmem_shared>> -> memref<1x1x16x1024xf32, #tpu.memory_space<vmem_shared>>
    %dma_start3A_1336 = tpu.memref_squeeze %dma_start3A_1335 : memref<1x1x16x1024xf32, #tpu.memory_space<vmem_shared>> -> memref<16x1024xf32, #tpu.memory_space<vmem_shared>>
    %dma_start3A_1337 = arith.constant 0 : i32
    %dma_start3A_1338 = arith.constant 0 : i32
    %dma_start3A_1339 = tpu.memref_slice %arg6[%dma_start3A_1323, %dma_start3A_1337, %dma_start3A_1338] : memref<3x16x1024xf32, #tpu.memory_space<vmem>> -> memref<1x16x1024xf32, #tpu.memory_space<vmem>>
    %dma_start3A_1340 = tpu.memref_squeeze %dma_start3A_1339 : memref<1x16x1024xf32, #tpu.memory_space<vmem>> -> memref<16x1024xf32, #tpu.memory_space<vmem>>
    tpu.enqueue_dma source(%dma_start3A_1340 : memref<16x1024xf32, #tpu.memory_space<vmem>>) target(%dma_start3A_1336 : memref<16x1024xf32, #tpu.memory_space<vmem_shared>>) target_semaphore(%arg9 : memref<!tpu.dma_semaphore, #tpu.memory_space<semaphore_mem>>)
    %dma_wait3A_1341 = arith.constant 0 : i32
    %dma_wait3A_1342 = arith.constant 0 : i32
    %dma_wait3A_1343 = arith.constant 0 : i32
    %dma_wait3A_1344 = arith.constant 0 : i32
    %dma_wait3A_1345 = tpu.memref_slice %arg6[%dma_wait3A_1341, %dma_wait3A_1343, %dma_wait3A_1344] : memref<3x16x1024xf32, #tpu.memory_space<vmem>> -> memref<1x16x1024xf32, #tpu.memory_space<vmem>>
    %dma_wait3A_1346 = tpu.memref_squeeze %dma_wait3A_1345 : memref<1x16x1024xf32, #tpu.memory_space<vmem>> -> memref<16x1024xf32, #tpu.memory_space<vmem>>
    %dma_wait3A_1347 = arith.constant 0 : i32
    %dma_wait3A_1348 = arith.constant 0 : i32
    %dma_wait3A_1349 = tpu.memref_slice %arg7[%arg1, %dma_wait3A_1342, %dma_wait3A_1347, %dma_wait3A_1348] : memref<16x3x16x1024xf32, #tpu.memory_space<vmem_shared>> -> memref<1x1x16x1024xf32, #tpu.memory_space<vmem_shared>>
    %dma_wait3A_1350 = tpu.memref_squeeze %dma_wait3A_1349 : memref<1x1x16x1024xf32, #tpu.memory_space<vmem_shared>> -> memref<16x1024xf32, #tpu.memory_space<vmem_shared>>
    %dma_wait3A_1351 = arith.constant 0 : i32
    %dma_wait3A_1352 = arith.constant 0 : i32
    %dma_wait3A_1353 = tpu.memref_slice %arg7[%arg1, %dma_wait3A_1342, %dma_wait3A_1351, %dma_wait3A_1352] : memref<16x3x16x1024xf32, #tpu.memory_space<vmem_shared>> -> memref<1x1x16x1024xf32, #tpu.memory_space<vmem_shared>>
    %dma_wait3A_1354 = tpu.memref_squeeze %dma_wait3A_1353 : memref<1x1x16x1024xf32, #tpu.memory_space<vmem_shared>> -> memref<16x1024xf32, #tpu.memory_space<vmem_shared>>
    %dma_wait3A_1355 = arith.constant 0 : i32
    %dma_wait3A_1356 = arith.constant 0 : i32
    %dma_wait3A_1357 = tpu.memref_slice %arg6[%dma_wait3A_1341, %dma_wait3A_1355, %dma_wait3A_1356] : memref<3x16x1024xf32, #tpu.memory_space<vmem>> -> memref<1x16x1024xf32, #tpu.memory_space<vmem>>
    %dma_wait3A_1358 = tpu.memref_squeeze %dma_wait3A_1357 : memref<1x16x1024xf32, #tpu.memory_space<vmem>> -> memref<16x1024xf32, #tpu.memory_space<vmem>>
    tpu.wait_dma2 semaphore(%arg9 : memref<!tpu.dma_semaphore, #tpu.memory_space<semaphore_mem>>) src(%dma_wait3A_1358 : memref<16x1024xf32, #tpu.memory_space<vmem>>) dst(%dma_wait3A_1354 : memref<16x1024xf32, #tpu.memory_space<vmem_shared>>)
    %add3A_1359 = arith.constant 288 : i32
    %add3A_1360 = arith.addi %mul3A_2, %add3A_1359 : i32
    %dma_start3A_1361 = arith.constant 0 : i32
    %dma_start3A_1362 = arith.constant 0 : i32
    %dma_start3A_1363 = tpu.memref_slice %arg4[%add3A_1360, %dma_start3A_1362] : memref<16384x1024xf32, #tpu.memory_space<hbm>> -> memref<16x1024xf32, #tpu.memory_space<hbm>>
    %dma_start3A_1364 = arith.constant 0 : i32
    %dma_start3A_1365 = arith.constant 0 : i32
    %dma_start3A_1366 = tpu.memref_slice %arg7[%arg1, %dma_start3A_1361, %dma_start3A_1364, %dma_start3A_1365] : memref<16x3x16x1024xf32, #tpu.memory_space<vmem_shared>> -> memref<1x1x16x1024xf32, #tpu.memory_space<vmem_shared>>
    %dma_start3A_1367 = tpu.memref_squeeze %dma_start3A_1366 : memref<1x1x16x1024xf32, #tpu.memory_space<vmem_shared>> -> memref<16x1024xf32, #tpu.memory_space<vmem_shared>>
    tpu.enqueue_dma source(%dma_start3A_1367 : memref<16x1024xf32, #tpu.memory_space<vmem_shared>>) target(%dma_start3A_1363 : memref<16x1024xf32, #tpu.memory_space<hbm>>) target_semaphore(%arg10 : memref<!tpu.dma_semaphore, #tpu.memory_space<semaphore_mem>>)
    %dma_start3A_1368 = arith.constant 0 : i32
    %dma_start3A_1369 = arith.constant 0 : i32
    %dma_start3A_1370 = arith.constant 0 : i32
    %dma_start3A_1371 = tpu.memref_slice %arg6[%dma_start3A_1368, %dma_start3A_1369, %dma_start3A_1370] : memref<3x16x1024xf32, #tpu.memory_space<vmem>> -> memref<1x16x1024xf32, #tpu.memory_space<vmem>>
    %dma_start3A_1372 = tpu.memref_squeeze %dma_start3A_1371 : memref<1x16x1024xf32, #tpu.memory_space<vmem>> -> memref<16x1024xf32, #tpu.memory_space<vmem>>
    %dma_start3A_1373 = arith.constant 336 : i32
    %dma_start3A_1374 = tpu.memref_slice %arg5[%dma_start3A_1373] : memref<512xi32, #tpu.memory_space<vmem>> -> memref<16xi32, #tpu.memory_space<vmem>>
    %dma_start3A_1375 = arith.constant 0 : i32
    %dma_start3A_1376 = arith.constant 0 : i32
    %dma_start3A_1377 = tpu.memref_slice %arg2[%dma_start3A_1375, %dma_start3A_1376] : memref<100000x1024xf32, #tpu.memory_space<hbm>> -> memref<100000x1024xf32, #tpu.memory_space<hbm>>
    tpu.enqueue_indirect_dma source(%dma_start3A_1377 : memref<100000x1024xf32, #tpu.memory_space<hbm>>) target(%dma_start3A_1372 : memref<16x1024xf32, #tpu.memory_space<vmem>>) offsets(%dma_start3A_1374 : memref<16xi32, #tpu.memory_space<vmem>>) semaphore(%arg8 : memref<!tpu.dma_semaphore, #tpu.memory_space<semaphore_mem>>)
    %dma_wait3A_1378 = arith.constant 1 : i32
    %dma_wait3A_1379 = arith.constant 0 : i32
    %dma_wait3A_1380 = arith.constant 0 : i32
    %dma_wait3A_1381 = tpu.memref_slice %arg6[%dma_wait3A_1378, %dma_wait3A_1379, %dma_wait3A_1380] : memref<3x16x1024xf32, #tpu.memory_space<vmem>> -> memref<1x16x1024xf32, #tpu.memory_space<vmem>>
    %dma_wait3A_1382 = tpu.memref_squeeze %dma_wait3A_1381 : memref<1x16x1024xf32, #tpu.memory_space<vmem>> -> memref<16x1024xf32, #tpu.memory_space<vmem>>
    %dma_wait3A_1383 = arith.constant 304 : i32
    %dma_wait3A_1384 = tpu.memref_slice %arg5[%dma_wait3A_1383] : memref<512xi32, #tpu.memory_space<vmem>> -> memref<16xi32, #tpu.memory_space<vmem>>
    %dma_wait3A_1385 = arith.constant 0 : i32
    %dma_wait3A_1386 = arith.constant 0 : i32
    %dma_wait3A_1387 = tpu.memref_slice %arg2[%dma_wait3A_1385, %dma_wait3A_1386] : memref<100000x1024xf32, #tpu.memory_space<hbm>> -> memref<100000x1024xf32, #tpu.memory_space<hbm>>
    tpu.wait_indirect_dma semaphore(%arg8 : memref<!tpu.dma_semaphore, #tpu.memory_space<semaphore_mem>>) src(%dma_wait3A_1387 : memref<100000x1024xf32, #tpu.memory_space<hbm>>) dst(%dma_wait3A_1382 : memref<16x1024xf32, #tpu.memory_space<vmem>>)
    %dma_wait3A_1388 = arith.constant 1 : i32
    %dma_wait3A_1389 = arith.constant 0 : i32
    %dma_wait3A_1390 = tpu.memref_slice %arg4[%add3A_1216, %dma_wait3A_1389] : memref<16384x1024xf32, #tpu.memory_space<hbm>> -> memref<16x1024xf32, #tpu.memory_space<hbm>>
    %dma_wait3A_1391 = arith.constant 0 : i32
    %dma_wait3A_1392 = arith.constant 0 : i32
    %dma_wait3A_1393 = tpu.memref_slice %arg7[%arg1, %dma_wait3A_1388, %dma_wait3A_1391, %dma_wait3A_1392] : memref<16x3x16x1024xf32, #tpu.memory_space<vmem_shared>> -> memref<1x1x16x1024xf32, #tpu.memory_space<vmem_shared>>
    %dma_wait3A_1394 = tpu.memref_squeeze %dma_wait3A_1393 : memref<1x1x16x1024xf32, #tpu.memory_space<vmem_shared>> -> memref<16x1024xf32, #tpu.memory_space<vmem_shared>>
    tpu.wait_dma2 semaphore(%arg10 : memref<!tpu.dma_semaphore, #tpu.memory_space<semaphore_mem>>) src(%dma_wait3A_1394 : memref<16x1024xf32, #tpu.memory_space<vmem_shared>>) dst(%dma_wait3A_1390 : memref<16x1024xf32, #tpu.memory_space<hbm>>)
    %dma_start3A_1395 = arith.constant 1 : i32
    %dma_start3A_1396 = arith.constant 1 : i32
    %dma_start3A_1397 = arith.constant 0 : i32
    %dma_start3A_1398 = arith.constant 0 : i32
    %dma_start3A_1399 = tpu.memref_slice %arg6[%dma_start3A_1395, %dma_start3A_1397, %dma_start3A_1398] : memref<3x16x1024xf32, #tpu.memory_space<vmem>> -> memref<1x16x1024xf32, #tpu.memory_space<vmem>>
    %dma_start3A_1400 = tpu.memref_squeeze %dma_start3A_1399 : memref<1x16x1024xf32, #tpu.memory_space<vmem>> -> memref<16x1024xf32, #tpu.memory_space<vmem>>
    %dma_start3A_1401 = arith.constant 0 : i32
    %dma_start3A_1402 = arith.constant 0 : i32
    %dma_start3A_1403 = tpu.memref_slice %arg7[%arg1, %dma_start3A_1396, %dma_start3A_1401, %dma_start3A_1402] : memref<16x3x16x1024xf32, #tpu.memory_space<vmem_shared>> -> memref<1x1x16x1024xf32, #tpu.memory_space<vmem_shared>>
    %dma_start3A_1404 = tpu.memref_squeeze %dma_start3A_1403 : memref<1x1x16x1024xf32, #tpu.memory_space<vmem_shared>> -> memref<16x1024xf32, #tpu.memory_space<vmem_shared>>
    %dma_start3A_1405 = arith.constant 0 : i32
    %dma_start3A_1406 = arith.constant 0 : i32
    %dma_start3A_1407 = tpu.memref_slice %arg7[%arg1, %dma_start3A_1396, %dma_start3A_1405, %dma_start3A_1406] : memref<16x3x16x1024xf32, #tpu.memory_space<vmem_shared>> -> memref<1x1x16x1024xf32, #tpu.memory_space<vmem_shared>>
    %dma_start3A_1408 = tpu.memref_squeeze %dma_start3A_1407 : memref<1x1x16x1024xf32, #tpu.memory_space<vmem_shared>> -> memref<16x1024xf32, #tpu.memory_space<vmem_shared>>
    %dma_start3A_1409 = arith.constant 0 : i32
    %dma_start3A_1410 = arith.constant 0 : i32
    %dma_start3A_1411 = tpu.memref_slice %arg6[%dma_start3A_1395, %dma_start3A_1409, %dma_start3A_1410] : memref<3x16x1024xf32, #tpu.memory_space<vmem>> -> memref<1x16x1024xf32, #tpu.memory_space<vmem>>
    %dma_start3A_1412 = tpu.memref_squeeze %dma_start3A_1411 : memref<1x16x1024xf32, #tpu.memory_space<vmem>> -> memref<16x1024xf32, #tpu.memory_space<vmem>>
    tpu.enqueue_dma source(%dma_start3A_1412 : memref<16x1024xf32, #tpu.memory_space<vmem>>) target(%dma_start3A_1408 : memref<16x1024xf32, #tpu.memory_space<vmem_shared>>) target_semaphore(%arg9 : memref<!tpu.dma_semaphore, #tpu.memory_space<semaphore_mem>>)
    %dma_wait3A_1413 = arith.constant 1 : i32
    %dma_wait3A_1414 = arith.constant 1 : i32
    %dma_wait3A_1415 = arith.constant 0 : i32
    %dma_wait3A_1416 = arith.constant 0 : i32
    %dma_wait3A_1417 = tpu.memref_slice %arg6[%dma_wait3A_1413, %dma_wait3A_1415, %dma_wait3A_1416] : memref<3x16x1024xf32, #tpu.memory_space<vmem>> -> memref<1x16x1024xf32, #tpu.memory_space<vmem>>
    %dma_wait3A_1418 = tpu.memref_squeeze %dma_wait3A_1417 : memref<1x16x1024xf32, #tpu.memory_space<vmem>> -> memref<16x1024xf32, #tpu.memory_space<vmem>>
    %dma_wait3A_1419 = arith.constant 0 : i32
    %dma_wait3A_1420 = arith.constant 0 : i32
    %dma_wait3A_1421 = tpu.memref_slice %arg7[%arg1, %dma_wait3A_1414, %dma_wait3A_1419, %dma_wait3A_1420] : memref<16x3x16x1024xf32, #tpu.memory_space<vmem_shared>> -> memref<1x1x16x1024xf32, #tpu.memory_space<vmem_shared>>
    %dma_wait3A_1422 = tpu.memref_squeeze %dma_wait3A_1421 : memref<1x1x16x1024xf32, #tpu.memory_space<vmem_shared>> -> memref<16x1024xf32, #tpu.memory_space<vmem_shared>>
    %dma_wait3A_1423 = arith.constant 0 : i32
    %dma_wait3A_1424 = arith.constant 0 : i32
    %dma_wait3A_1425 = tpu.memref_slice %arg7[%arg1, %dma_wait3A_1414, %dma_wait3A_1423, %dma_wait3A_1424] : memref<16x3x16x1024xf32, #tpu.memory_space<vmem_shared>> -> memref<1x1x16x1024xf32, #tpu.memory_space<vmem_shared>>
    %dma_wait3A_1426 = tpu.memref_squeeze %dma_wait3A_1425 : memref<1x1x16x1024xf32, #tpu.memory_space<vmem_shared>> -> memref<16x1024xf32, #tpu.memory_space<vmem_shared>>
    %dma_wait3A_1427 = arith.constant 0 : i32
    %dma_wait3A_1428 = arith.constant 0 : i32
    %dma_wait3A_1429 = tpu.memref_slice %arg6[%dma_wait3A_1413, %dma_wait3A_1427, %dma_wait3A_1428] : memref<3x16x1024xf32, #tpu.memory_space<vmem>> -> memref<1x16x1024xf32, #tpu.memory_space<vmem>>
    %dma_wait3A_1430 = tpu.memref_squeeze %dma_wait3A_1429 : memref<1x16x1024xf32, #tpu.memory_space<vmem>> -> memref<16x1024xf32, #tpu.memory_space<vmem>>
    tpu.wait_dma2 semaphore(%arg9 : memref<!tpu.dma_semaphore, #tpu.memory_space<semaphore_mem>>) src(%dma_wait3A_1430 : memref<16x1024xf32, #tpu.memory_space<vmem>>) dst(%dma_wait3A_1426 : memref<16x1024xf32, #tpu.memory_space<vmem_shared>>)
    %add3A_1431 = arith.constant 304 : i32
    %add3A_1432 = arith.addi %mul3A_2, %add3A_1431 : i32
    %dma_start3A_1433 = arith.constant 1 : i32
    %dma_start3A_1434 = arith.constant 0 : i32
    %dma_start3A_1435 = tpu.memref_slice %arg4[%add3A_1432, %dma_start3A_1434] : memref<16384x1024xf32, #tpu.memory_space<hbm>> -> memref<16x1024xf32, #tpu.memory_space<hbm>>
    %dma_start3A_1436 = arith.constant 0 : i32
    %dma_start3A_1437 = arith.constant 0 : i32
    %dma_start3A_1438 = tpu.memref_slice %arg7[%arg1, %dma_start3A_1433, %dma_start3A_1436, %dma_start3A_1437] : memref<16x3x16x1024xf32, #tpu.memory_space<vmem_shared>> -> memref<1x1x16x1024xf32, #tpu.memory_space<vmem_shared>>
    %dma_start3A_1439 = tpu.memref_squeeze %dma_start3A_1438 : memref<1x1x16x1024xf32, #tpu.memory_space<vmem_shared>> -> memref<16x1024xf32, #tpu.memory_space<vmem_shared>>
    tpu.enqueue_dma source(%dma_start3A_1439 : memref<16x1024xf32, #tpu.memory_space<vmem_shared>>) target(%dma_start3A_1435 : memref<16x1024xf32, #tpu.memory_space<hbm>>) target_semaphore(%arg10 : memref<!tpu.dma_semaphore, #tpu.memory_space<semaphore_mem>>)
    %dma_start3A_1440 = arith.constant 1 : i32
    %dma_start3A_1441 = arith.constant 0 : i32
    %dma_start3A_1442 = arith.constant 0 : i32
    %dma_start3A_1443 = tpu.memref_slice %arg6[%dma_start3A_1440, %dma_start3A_1441, %dma_start3A_1442] : memref<3x16x1024xf32, #tpu.memory_space<vmem>> -> memref<1x16x1024xf32, #tpu.memory_space<vmem>>
    %dma_start3A_1444 = tpu.memref_squeeze %dma_start3A_1443 : memref<1x16x1024xf32, #tpu.memory_space<vmem>> -> memref<16x1024xf32, #tpu.memory_space<vmem>>
    %dma_start3A_1445 = arith.constant 352 : i32
    %dma_start3A_1446 = tpu.memref_slice %arg5[%dma_start3A_1445] : memref<512xi32, #tpu.memory_space<vmem>> -> memref<16xi32, #tpu.memory_space<vmem>>
    %dma_start3A_1447 = arith.constant 0 : i32
    %dma_start3A_1448 = arith.constant 0 : i32
    %dma_start3A_1449 = tpu.memref_slice %arg2[%dma_start3A_1447, %dma_start3A_1448] : memref<100000x1024xf32, #tpu.memory_space<hbm>> -> memref<100000x1024xf32, #tpu.memory_space<hbm>>
    tpu.enqueue_indirect_dma source(%dma_start3A_1449 : memref<100000x1024xf32, #tpu.memory_space<hbm>>) target(%dma_start3A_1444 : memref<16x1024xf32, #tpu.memory_space<vmem>>) offsets(%dma_start3A_1446 : memref<16xi32, #tpu.memory_space<vmem>>) semaphore(%arg8 : memref<!tpu.dma_semaphore, #tpu.memory_space<semaphore_mem>>)
    %dma_wait3A_1450 = arith.constant 2 : i32
    %dma_wait3A_1451 = arith.constant 0 : i32
    %dma_wait3A_1452 = arith.constant 0 : i32
    %dma_wait3A_1453 = tpu.memref_slice %arg6[%dma_wait3A_1450, %dma_wait3A_1451, %dma_wait3A_1452] : memref<3x16x1024xf32, #tpu.memory_space<vmem>> -> memref<1x16x1024xf32, #tpu.memory_space<vmem>>
    %dma_wait3A_1454 = tpu.memref_squeeze %dma_wait3A_1453 : memref<1x16x1024xf32, #tpu.memory_space<vmem>> -> memref<16x1024xf32, #tpu.memory_space<vmem>>
    %dma_wait3A_1455 = arith.constant 320 : i32
    %dma_wait3A_1456 = tpu.memref_slice %arg5[%dma_wait3A_1455] : memref<512xi32, #tpu.memory_space<vmem>> -> memref<16xi32, #tpu.memory_space<vmem>>
    %dma_wait3A_1457 = arith.constant 0 : i32
    %dma_wait3A_1458 = arith.constant 0 : i32
    %dma_wait3A_1459 = tpu.memref_slice %arg2[%dma_wait3A_1457, %dma_wait3A_1458] : memref<100000x1024xf32, #tpu.memory_space<hbm>> -> memref<100000x1024xf32, #tpu.memory_space<hbm>>
    tpu.wait_indirect_dma semaphore(%arg8 : memref<!tpu.dma_semaphore, #tpu.memory_space<semaphore_mem>>) src(%dma_wait3A_1459 : memref<100000x1024xf32, #tpu.memory_space<hbm>>) dst(%dma_wait3A_1454 : memref<16x1024xf32, #tpu.memory_space<vmem>>)
    %dma_wait3A_1460 = arith.constant 2 : i32
    %dma_wait3A_1461 = arith.constant 0 : i32
    %dma_wait3A_1462 = tpu.memref_slice %arg4[%add3A_1288, %dma_wait3A_1461] : memref<16384x1024xf32, #tpu.memory_space<hbm>> -> memref<16x1024xf32, #tpu.memory_space<hbm>>
    %dma_wait3A_1463 = arith.constant 0 : i32
    %dma_wait3A_1464 = arith.constant 0 : i32
    %dma_wait3A_1465 = tpu.memref_slice %arg7[%arg1, %dma_wait3A_1460, %dma_wait3A_1463, %dma_wait3A_1464] : memref<16x3x16x1024xf32, #tpu.memory_space<vmem_shared>> -> memref<1x1x16x1024xf32, #tpu.memory_space<vmem_shared>>
    %dma_wait3A_1466 = tpu.memref_squeeze %dma_wait3A_1465 : memref<1x1x16x1024xf32, #tpu.memory_space<vmem_shared>> -> memref<16x1024xf32, #tpu.memory_space<vmem_shared>>
    tpu.wait_dma2 semaphore(%arg10 : memref<!tpu.dma_semaphore, #tpu.memory_space<semaphore_mem>>) src(%dma_wait3A_1466 : memref<16x1024xf32, #tpu.memory_space<vmem_shared>>) dst(%dma_wait3A_1462 : memref<16x1024xf32, #tpu.memory_space<hbm>>)
    %dma_start3A_1467 = arith.constant 2 : i32
    %dma_start3A_1468 = arith.constant 2 : i32
    %dma_start3A_1469 = arith.constant 0 : i32
    %dma_start3A_1470 = arith.constant 0 : i32
    %dma_start3A_1471 = tpu.memref_slice %arg6[%dma_start3A_1467, %dma_start3A_1469, %dma_start3A_1470] : memref<3x16x1024xf32, #tpu.memory_space<vmem>> -> memref<1x16x1024xf32, #tpu.memory_space<vmem>>
    %dma_start3A_1472 = tpu.memref_squeeze %dma_start3A_1471 : memref<1x16x1024xf32, #tpu.memory_space<vmem>> -> memref<16x1024xf32, #tpu.memory_space<vmem>>
    %dma_start3A_1473 = arith.constant 0 : i32
    %dma_start3A_1474 = arith.constant 0 : i32
    %dma_start3A_1475 = tpu.memref_slice %arg7[%arg1, %dma_start3A_1468, %dma_start3A_1473, %dma_start3A_1474] : memref<16x3x16x1024xf32, #tpu.memory_space<vmem_shared>> -> memref<1x1x16x1024xf32, #tpu.memory_space<vmem_shared>>
    %dma_start3A_1476 = tpu.memref_squeeze %dma_start3A_1475 : memref<1x1x16x1024xf32, #tpu.memory_space<vmem_shared>> -> memref<16x1024xf32, #tpu.memory_space<vmem_shared>>
    %dma_start3A_1477 = arith.constant 0 : i32
    %dma_start3A_1478 = arith.constant 0 : i32
    %dma_start3A_1479 = tpu.memref_slice %arg7[%arg1, %dma_start3A_1468, %dma_start3A_1477, %dma_start3A_1478] : memref<16x3x16x1024xf32, #tpu.memory_space<vmem_shared>> -> memref<1x1x16x1024xf32, #tpu.memory_space<vmem_shared>>
    %dma_start3A_1480 = tpu.memref_squeeze %dma_start3A_1479 : memref<1x1x16x1024xf32, #tpu.memory_space<vmem_shared>> -> memref<16x1024xf32, #tpu.memory_space<vmem_shared>>
    %dma_start3A_1481 = arith.constant 0 : i32
    %dma_start3A_1482 = arith.constant 0 : i32
    %dma_start3A_1483 = tpu.memref_slice %arg6[%dma_start3A_1467, %dma_start3A_1481, %dma_start3A_1482] : memref<3x16x1024xf32, #tpu.memory_space<vmem>> -> memref<1x16x1024xf32, #tpu.memory_space<vmem>>
    %dma_start3A_1484 = tpu.memref_squeeze %dma_start3A_1483 : memref<1x16x1024xf32, #tpu.memory_space<vmem>> -> memref<16x1024xf32, #tpu.memory_space<vmem>>
    tpu.enqueue_dma source(%dma_start3A_1484 : memref<16x1024xf32, #tpu.memory_space<vmem>>) target(%dma_start3A_1480 : memref<16x1024xf32, #tpu.memory_space<vmem_shared>>) target_semaphore(%arg9 : memref<!tpu.dma_semaphore, #tpu.memory_space<semaphore_mem>>)
    %dma_wait3A_1485 = arith.constant 2 : i32
    %dma_wait3A_1486 = arith.constant 2 : i32
    %dma_wait3A_1487 = arith.constant 0 : i32
    %dma_wait3A_1488 = arith.constant 0 : i32
    %dma_wait3A_1489 = tpu.memref_slice %arg6[%dma_wait3A_1485, %dma_wait3A_1487, %dma_wait3A_1488] : memref<3x16x1024xf32, #tpu.memory_space<vmem>> -> memref<1x16x1024xf32, #tpu.memory_space<vmem>>
    %dma_wait3A_1490 = tpu.memref_squeeze %dma_wait3A_1489 : memref<1x16x1024xf32, #tpu.memory_space<vmem>> -> memref<16x1024xf32, #tpu.memory_space<vmem>>
    %dma_wait3A_1491 = arith.constant 0 : i32
    %dma_wait3A_1492 = arith.constant 0 : i32
    %dma_wait3A_1493 = tpu.memref_slice %arg7[%arg1, %dma_wait3A_1486, %dma_wait3A_1491, %dma_wait3A_1492] : memref<16x3x16x1024xf32, #tpu.memory_space<vmem_shared>> -> memref<1x1x16x1024xf32, #tpu.memory_space<vmem_shared>>
    %dma_wait3A_1494 = tpu.memref_squeeze %dma_wait3A_1493 : memref<1x1x16x1024xf32, #tpu.memory_space<vmem_shared>> -> memref<16x1024xf32, #tpu.memory_space<vmem_shared>>
    %dma_wait3A_1495 = arith.constant 0 : i32
    %dma_wait3A_1496 = arith.constant 0 : i32
    %dma_wait3A_1497 = tpu.memref_slice %arg7[%arg1, %dma_wait3A_1486, %dma_wait3A_1495, %dma_wait3A_1496] : memref<16x3x16x1024xf32, #tpu.memory_space<vmem_shared>> -> memref<1x1x16x1024xf32, #tpu.memory_space<vmem_shared>>
    %dma_wait3A_1498 = tpu.memref_squeeze %dma_wait3A_1497 : memref<1x1x16x1024xf32, #tpu.memory_space<vmem_shared>> -> memref<16x1024xf32, #tpu.memory_space<vmem_shared>>
    %dma_wait3A_1499 = arith.constant 0 : i32
    %dma_wait3A_1500 = arith.constant 0 : i32
    %dma_wait3A_1501 = tpu.memref_slice %arg6[%dma_wait3A_1485, %dma_wait3A_1499, %dma_wait3A_1500] : memref<3x16x1024xf32, #tpu.memory_space<vmem>> -> memref<1x16x1024xf32, #tpu.memory_space<vmem>>
    %dma_wait3A_1502 = tpu.memref_squeeze %dma_wait3A_1501 : memref<1x16x1024xf32, #tpu.memory_space<vmem>> -> memref<16x1024xf32, #tpu.memory_space<vmem>>
    tpu.wait_dma2 semaphore(%arg9 : memref<!tpu.dma_semaphore, #tpu.memory_space<semaphore_mem>>) src(%dma_wait3A_1502 : memref<16x1024xf32, #tpu.memory_space<vmem>>) dst(%dma_wait3A_1498 : memref<16x1024xf32, #tpu.memory_space<vmem_shared>>)
    %add3A_1503 = arith.constant 320 : i32
    %add3A_1504 = arith.addi %mul3A_2, %add3A_1503 : i32
    %dma_start3A_1505 = arith.constant 2 : i32
    %dma_start3A_1506 = arith.constant 0 : i32
    %dma_start3A_1507 = tpu.memref_slice %arg4[%add3A_1504, %dma_start3A_1506] : memref<16384x1024xf32, #tpu.memory_space<hbm>> -> memref<16x1024xf32, #tpu.memory_space<hbm>>
    %dma_start3A_1508 = arith.constant 0 : i32
    %dma_start3A_1509 = arith.constant 0 : i32
    %dma_start3A_1510 = tpu.memref_slice %arg7[%arg1, %dma_start3A_1505, %dma_start3A_1508, %dma_start3A_1509] : memref<16x3x16x1024xf32, #tpu.memory_space<vmem_shared>> -> memref<1x1x16x1024xf32, #tpu.memory_space<vmem_shared>>
    %dma_start3A_1511 = tpu.memref_squeeze %dma_start3A_1510 : memref<1x1x16x1024xf32, #tpu.memory_space<vmem_shared>> -> memref<16x1024xf32, #tpu.memory_space<vmem_shared>>
    tpu.enqueue_dma source(%dma_start3A_1511 : memref<16x1024xf32, #tpu.memory_space<vmem_shared>>) target(%dma_start3A_1507 : memref<16x1024xf32, #tpu.memory_space<hbm>>) target_semaphore(%arg10 : memref<!tpu.dma_semaphore, #tpu.memory_space<semaphore_mem>>)
    %dma_start3A_1512 = arith.constant 2 : i32
    %dma_start3A_1513 = arith.constant 0 : i32
    %dma_start3A_1514 = arith.constant 0 : i32
    %dma_start3A_1515 = tpu.memref_slice %arg6[%dma_start3A_1512, %dma_start3A_1513, %dma_start3A_1514] : memref<3x16x1024xf32, #tpu.memory_space<vmem>> -> memref<1x16x1024xf32, #tpu.memory_space<vmem>>
    %dma_start3A_1516 = tpu.memref_squeeze %dma_start3A_1515 : memref<1x16x1024xf32, #tpu.memory_space<vmem>> -> memref<16x1024xf32, #tpu.memory_space<vmem>>
    %dma_start3A_1517 = arith.constant 368 : i32
    %dma_start3A_1518 = tpu.memref_slice %arg5[%dma_start3A_1517] : memref<512xi32, #tpu.memory_space<vmem>> -> memref<16xi32, #tpu.memory_space<vmem>>
    %dma_start3A_1519 = arith.constant 0 : i32
    %dma_start3A_1520 = arith.constant 0 : i32
    %dma_start3A_1521 = tpu.memref_slice %arg2[%dma_start3A_1519, %dma_start3A_1520] : memref<100000x1024xf32, #tpu.memory_space<hbm>> -> memref<100000x1024xf32, #tpu.memory_space<hbm>>
    tpu.enqueue_indirect_dma source(%dma_start3A_1521 : memref<100000x1024xf32, #tpu.memory_space<hbm>>) target(%dma_start3A_1516 : memref<16x1024xf32, #tpu.memory_space<vmem>>) offsets(%dma_start3A_1518 : memref<16xi32, #tpu.memory_space<vmem>>) semaphore(%arg8 : memref<!tpu.dma_semaphore, #tpu.memory_space<semaphore_mem>>)
    %dma_wait3A_1522 = arith.constant 0 : i32
    %dma_wait3A_1523 = arith.constant 0 : i32
    %dma_wait3A_1524 = arith.constant 0 : i32
    %dma_wait3A_1525 = tpu.memref_slice %arg6[%dma_wait3A_1522, %dma_wait3A_1523, %dma_wait3A_1524] : memref<3x16x1024xf32, #tpu.memory_space<vmem>> -> memref<1x16x1024xf32, #tpu.memory_space<vmem>>
    %dma_wait3A_1526 = tpu.memref_squeeze %dma_wait3A_1525 : memref<1x16x1024xf32, #tpu.memory_space<vmem>> -> memref<16x1024xf32, #tpu.memory_space<vmem>>
    %dma_wait3A_1527 = arith.constant 336 : i32
    %dma_wait3A_1528 = tpu.memref_slice %arg5[%dma_wait3A_1527] : memref<512xi32, #tpu.memory_space<vmem>> -> memref<16xi32, #tpu.memory_space<vmem>>
    %dma_wait3A_1529 = arith.constant 0 : i32
    %dma_wait3A_1530 = arith.constant 0 : i32
    %dma_wait3A_1531 = tpu.memref_slice %arg2[%dma_wait3A_1529, %dma_wait3A_1530] : memref<100000x1024xf32, #tpu.memory_space<hbm>> -> memref<100000x1024xf32, #tpu.memory_space<hbm>>
    tpu.wait_indirect_dma semaphore(%arg8 : memref<!tpu.dma_semaphore, #tpu.memory_space<semaphore_mem>>) src(%dma_wait3A_1531 : memref<100000x1024xf32, #tpu.memory_space<hbm>>) dst(%dma_wait3A_1526 : memref<16x1024xf32, #tpu.memory_space<vmem>>)
    %dma_wait3A_1532 = arith.constant 0 : i32
    %dma_wait3A_1533 = arith.constant 0 : i32
    %dma_wait3A_1534 = tpu.memref_slice %arg4[%add3A_1360, %dma_wait3A_1533] : memref<16384x1024xf32, #tpu.memory_space<hbm>> -> memref<16x1024xf32, #tpu.memory_space<hbm>>
    %dma_wait3A_1535 = arith.constant 0 : i32
    %dma_wait3A_1536 = arith.constant 0 : i32
    %dma_wait3A_1537 = tpu.memref_slice %arg7[%arg1, %dma_wait3A_1532, %dma_wait3A_1535, %dma_wait3A_1536] : memref<16x3x16x1024xf32, #tpu.memory_space<vmem_shared>> -> memref<1x1x16x1024xf32, #tpu.memory_space<vmem_shared>>
    %dma_wait3A_1538 = tpu.memref_squeeze %dma_wait3A_1537 : memref<1x1x16x1024xf32, #tpu.memory_space<vmem_shared>> -> memref<16x1024xf32, #tpu.memory_space<vmem_shared>>
    tpu.wait_dma2 semaphore(%arg10 : memref<!tpu.dma_semaphore, #tpu.memory_space<semaphore_mem>>) src(%dma_wait3A_1538 : memref<16x1024xf32, #tpu.memory_space<vmem_shared>>) dst(%dma_wait3A_1534 : memref<16x1024xf32, #tpu.memory_space<hbm>>)
    %dma_start3A_1539 = arith.constant 0 : i32
    %dma_start3A_1540 = arith.constant 0 : i32
    %dma_start3A_1541 = arith.constant 0 : i32
    %dma_start3A_1542 = arith.constant 0 : i32
    %dma_start3A_1543 = tpu.memref_slice %arg6[%dma_start3A_1539, %dma_start3A_1541, %dma_start3A_1542] : memref<3x16x1024xf32, #tpu.memory_space<vmem>> -> memref<1x16x1024xf32, #tpu.memory_space<vmem>>
    %dma_start3A_1544 = tpu.memref_squeeze %dma_start3A_1543 : memref<1x16x1024xf32, #tpu.memory_space<vmem>> -> memref<16x1024xf32, #tpu.memory_space<vmem>>
    %dma_start3A_1545 = arith.constant 0 : i32
    %dma_start3A_1546 = arith.constant 0 : i32
    %dma_start3A_1547 = tpu.memref_slice %arg7[%arg1, %dma_start3A_1540, %dma_start3A_1545, %dma_start3A_1546] : memref<16x3x16x1024xf32, #tpu.memory_space<vmem_shared>> -> memref<1x1x16x1024xf32, #tpu.memory_space<vmem_shared>>
    %dma_start3A_1548 = tpu.memref_squeeze %dma_start3A_1547 : memref<1x1x16x1024xf32, #tpu.memory_space<vmem_shared>> -> memref<16x1024xf32, #tpu.memory_space<vmem_shared>>
    %dma_start3A_1549 = arith.constant 0 : i32
    %dma_start3A_1550 = arith.constant 0 : i32
    %dma_start3A_1551 = tpu.memref_slice %arg7[%arg1, %dma_start3A_1540, %dma_start3A_1549, %dma_start3A_1550] : memref<16x3x16x1024xf32, #tpu.memory_space<vmem_shared>> -> memref<1x1x16x1024xf32, #tpu.memory_space<vmem_shared>>
    %dma_start3A_1552 = tpu.memref_squeeze %dma_start3A_1551 : memref<1x1x16x1024xf32, #tpu.memory_space<vmem_shared>> -> memref<16x1024xf32, #tpu.memory_space<vmem_shared>>
    %dma_start3A_1553 = arith.constant 0 : i32
    %dma_start3A_1554 = arith.constant 0 : i32
    %dma_start3A_1555 = tpu.memref_slice %arg6[%dma_start3A_1539, %dma_start3A_1553, %dma_start3A_1554] : memref<3x16x1024xf32, #tpu.memory_space<vmem>> -> memref<1x16x1024xf32, #tpu.memory_space<vmem>>
    %dma_start3A_1556 = tpu.memref_squeeze %dma_start3A_1555 : memref<1x16x1024xf32, #tpu.memory_space<vmem>> -> memref<16x1024xf32, #tpu.memory_space<vmem>>
    tpu.enqueue_dma source(%dma_start3A_1556 : memref<16x1024xf32, #tpu.memory_space<vmem>>) target(%dma_start3A_1552 : memref<16x1024xf32, #tpu.memory_space<vmem_shared>>) target_semaphore(%arg9 : memref<!tpu.dma_semaphore, #tpu.memory_space<semaphore_mem>>)
    %dma_wait3A_1557 = arith.constant 0 : i32
    %dma_wait3A_1558 = arith.constant 0 : i32
    %dma_wait3A_1559 = arith.constant 0 : i32
    %dma_wait3A_1560 = arith.constant 0 : i32
    %dma_wait3A_1561 = tpu.memref_slice %arg6[%dma_wait3A_1557, %dma_wait3A_1559, %dma_wait3A_1560] : memref<3x16x1024xf32, #tpu.memory_space<vmem>> -> memref<1x16x1024xf32, #tpu.memory_space<vmem>>
    %dma_wait3A_1562 = tpu.memref_squeeze %dma_wait3A_1561 : memref<1x16x1024xf32, #tpu.memory_space<vmem>> -> memref<16x1024xf32, #tpu.memory_space<vmem>>
    %dma_wait3A_1563 = arith.constant 0 : i32
    %dma_wait3A_1564 = arith.constant 0 : i32
    %dma_wait3A_1565 = tpu.memref_slice %arg7[%arg1, %dma_wait3A_1558, %dma_wait3A_1563, %dma_wait3A_1564] : memref<16x3x16x1024xf32, #tpu.memory_space<vmem_shared>> -> memref<1x1x16x1024xf32, #tpu.memory_space<vmem_shared>>
    %dma_wait3A_1566 = tpu.memref_squeeze %dma_wait3A_1565 : memref<1x1x16x1024xf32, #tpu.memory_space<vmem_shared>> -> memref<16x1024xf32, #tpu.memory_space<vmem_shared>>
    %dma_wait3A_1567 = arith.constant 0 : i32
    %dma_wait3A_1568 = arith.constant 0 : i32
    %dma_wait3A_1569 = tpu.memref_slice %arg7[%arg1, %dma_wait3A_1558, %dma_wait3A_1567, %dma_wait3A_1568] : memref<16x3x16x1024xf32, #tpu.memory_space<vmem_shared>> -> memref<1x1x16x1024xf32, #tpu.memory_space<vmem_shared>>
    %dma_wait3A_1570 = tpu.memref_squeeze %dma_wait3A_1569 : memref<1x1x16x1024xf32, #tpu.memory_space<vmem_shared>> -> memref<16x1024xf32, #tpu.memory_space<vmem_shared>>
    %dma_wait3A_1571 = arith.constant 0 : i32
    %dma_wait3A_1572 = arith.constant 0 : i32
    %dma_wait3A_1573 = tpu.memref_slice %arg6[%dma_wait3A_1557, %dma_wait3A_1571, %dma_wait3A_1572] : memref<3x16x1024xf32, #tpu.memory_space<vmem>> -> memref<1x16x1024xf32, #tpu.memory_space<vmem>>
    %dma_wait3A_1574 = tpu.memref_squeeze %dma_wait3A_1573 : memref<1x16x1024xf32, #tpu.memory_space<vmem>> -> memref<16x1024xf32, #tpu.memory_space<vmem>>
    tpu.wait_dma2 semaphore(%arg9 : memref<!tpu.dma_semaphore, #tpu.memory_space<semaphore_mem>>) src(%dma_wait3A_1574 : memref<16x1024xf32, #tpu.memory_space<vmem>>) dst(%dma_wait3A_1570 : memref<16x1024xf32, #tpu.memory_space<vmem_shared>>)
    %add3A_1575 = arith.constant 336 : i32
    %add3A_1576 = arith.addi %mul3A_2, %add3A_1575 : i32
    %dma_start3A_1577 = arith.constant 0 : i32
    %dma_start3A_1578 = arith.constant 0 : i32
    %dma_start3A_1579 = tpu.memref_slice %arg4[%add3A_1576, %dma_start3A_1578] : memref<16384x1024xf32, #tpu.memory_space<hbm>> -> memref<16x1024xf32, #tpu.memory_space<hbm>>
    %dma_start3A_1580 = arith.constant 0 : i32
    %dma_start3A_1581 = arith.constant 0 : i32
    %dma_start3A_1582 = tpu.memref_slice %arg7[%arg1, %dma_start3A_1577, %dma_start3A_1580, %dma_start3A_1581] : memref<16x3x16x1024xf32, #tpu.memory_space<vmem_shared>> -> memref<1x1x16x1024xf32, #tpu.memory_space<vmem_shared>>
    %dma_start3A_1583 = tpu.memref_squeeze %dma_start3A_1582 : memref<1x1x16x1024xf32, #tpu.memory_space<vmem_shared>> -> memref<16x1024xf32, #tpu.memory_space<vmem_shared>>
    tpu.enqueue_dma source(%dma_start3A_1583 : memref<16x1024xf32, #tpu.memory_space<vmem_shared>>) target(%dma_start3A_1579 : memref<16x1024xf32, #tpu.memory_space<hbm>>) target_semaphore(%arg10 : memref<!tpu.dma_semaphore, #tpu.memory_space<semaphore_mem>>)
    %dma_start3A_1584 = arith.constant 0 : i32
    %dma_start3A_1585 = arith.constant 0 : i32
    %dma_start3A_1586 = arith.constant 0 : i32
    %dma_start3A_1587 = tpu.memref_slice %arg6[%dma_start3A_1584, %dma_start3A_1585, %dma_start3A_1586] : memref<3x16x1024xf32, #tpu.memory_space<vmem>> -> memref<1x16x1024xf32, #tpu.memory_space<vmem>>
    %dma_start3A_1588 = tpu.memref_squeeze %dma_start3A_1587 : memref<1x16x1024xf32, #tpu.memory_space<vmem>> -> memref<16x1024xf32, #tpu.memory_space<vmem>>
    %dma_start3A_1589 = arith.constant 384 : i32
    %dma_start3A_1590 = tpu.memref_slice %arg5[%dma_start3A_1589] : memref<512xi32, #tpu.memory_space<vmem>> -> memref<16xi32, #tpu.memory_space<vmem>>
    %dma_start3A_1591 = arith.constant 0 : i32
    %dma_start3A_1592 = arith.constant 0 : i32
    %dma_start3A_1593 = tpu.memref_slice %arg2[%dma_start3A_1591, %dma_start3A_1592] : memref<100000x1024xf32, #tpu.memory_space<hbm>> -> memref<100000x1024xf32, #tpu.memory_space<hbm>>
    tpu.enqueue_indirect_dma source(%dma_start3A_1593 : memref<100000x1024xf32, #tpu.memory_space<hbm>>) target(%dma_start3A_1588 : memref<16x1024xf32, #tpu.memory_space<vmem>>) offsets(%dma_start3A_1590 : memref<16xi32, #tpu.memory_space<vmem>>) semaphore(%arg8 : memref<!tpu.dma_semaphore, #tpu.memory_space<semaphore_mem>>)
    %dma_wait3A_1594 = arith.constant 1 : i32
    %dma_wait3A_1595 = arith.constant 0 : i32
    %dma_wait3A_1596 = arith.constant 0 : i32
    %dma_wait3A_1597 = tpu.memref_slice %arg6[%dma_wait3A_1594, %dma_wait3A_1595, %dma_wait3A_1596] : memref<3x16x1024xf32, #tpu.memory_space<vmem>> -> memref<1x16x1024xf32, #tpu.memory_space<vmem>>
    %dma_wait3A_1598 = tpu.memref_squeeze %dma_wait3A_1597 : memref<1x16x1024xf32, #tpu.memory_space<vmem>> -> memref<16x1024xf32, #tpu.memory_space<vmem>>
    %dma_wait3A_1599 = arith.constant 352 : i32
    %dma_wait3A_1600 = tpu.memref_slice %arg5[%dma_wait3A_1599] : memref<512xi32, #tpu.memory_space<vmem>> -> memref<16xi32, #tpu.memory_space<vmem>>
    %dma_wait3A_1601 = arith.constant 0 : i32
    %dma_wait3A_1602 = arith.constant 0 : i32
    %dma_wait3A_1603 = tpu.memref_slice %arg2[%dma_wait3A_1601, %dma_wait3A_1602] : memref<100000x1024xf32, #tpu.memory_space<hbm>> -> memref<100000x1024xf32, #tpu.memory_space<hbm>>
    tpu.wait_indirect_dma semaphore(%arg8 : memref<!tpu.dma_semaphore, #tpu.memory_space<semaphore_mem>>) src(%dma_wait3A_1603 : memref<100000x1024xf32, #tpu.memory_space<hbm>>) dst(%dma_wait3A_1598 : memref<16x1024xf32, #tpu.memory_space<vmem>>)
    %dma_wait3A_1604 = arith.constant 1 : i32
    %dma_wait3A_1605 = arith.constant 0 : i32
    %dma_wait3A_1606 = tpu.memref_slice %arg4[%add3A_1432, %dma_wait3A_1605] : memref<16384x1024xf32, #tpu.memory_space<hbm>> -> memref<16x1024xf32, #tpu.memory_space<hbm>>
    %dma_wait3A_1607 = arith.constant 0 : i32
    %dma_wait3A_1608 = arith.constant 0 : i32
    %dma_wait3A_1609 = tpu.memref_slice %arg7[%arg1, %dma_wait3A_1604, %dma_wait3A_1607, %dma_wait3A_1608] : memref<16x3x16x1024xf32, #tpu.memory_space<vmem_shared>> -> memref<1x1x16x1024xf32, #tpu.memory_space<vmem_shared>>
    %dma_wait3A_1610 = tpu.memref_squeeze %dma_wait3A_1609 : memref<1x1x16x1024xf32, #tpu.memory_space<vmem_shared>> -> memref<16x1024xf32, #tpu.memory_space<vmem_shared>>
    tpu.wait_dma2 semaphore(%arg10 : memref<!tpu.dma_semaphore, #tpu.memory_space<semaphore_mem>>) src(%dma_wait3A_1610 : memref<16x1024xf32, #tpu.memory_space<vmem_shared>>) dst(%dma_wait3A_1606 : memref<16x1024xf32, #tpu.memory_space<hbm>>)
    %dma_start3A_1611 = arith.constant 1 : i32
    %dma_start3A_1612 = arith.constant 1 : i32
    %dma_start3A_1613 = arith.constant 0 : i32
    %dma_start3A_1614 = arith.constant 0 : i32
    %dma_start3A_1615 = tpu.memref_slice %arg6[%dma_start3A_1611, %dma_start3A_1613, %dma_start3A_1614] : memref<3x16x1024xf32, #tpu.memory_space<vmem>> -> memref<1x16x1024xf32, #tpu.memory_space<vmem>>
    %dma_start3A_1616 = tpu.memref_squeeze %dma_start3A_1615 : memref<1x16x1024xf32, #tpu.memory_space<vmem>> -> memref<16x1024xf32, #tpu.memory_space<vmem>>
    %dma_start3A_1617 = arith.constant 0 : i32
    %dma_start3A_1618 = arith.constant 0 : i32
    %dma_start3A_1619 = tpu.memref_slice %arg7[%arg1, %dma_start3A_1612, %dma_start3A_1617, %dma_start3A_1618] : memref<16x3x16x1024xf32, #tpu.memory_space<vmem_shared>> -> memref<1x1x16x1024xf32, #tpu.memory_space<vmem_shared>>
    %dma_start3A_1620 = tpu.memref_squeeze %dma_start3A_1619 : memref<1x1x16x1024xf32, #tpu.memory_space<vmem_shared>> -> memref<16x1024xf32, #tpu.memory_space<vmem_shared>>
    %dma_start3A_1621 = arith.constant 0 : i32
    %dma_start3A_1622 = arith.constant 0 : i32
    %dma_start3A_1623 = tpu.memref_slice %arg7[%arg1, %dma_start3A_1612, %dma_start3A_1621, %dma_start3A_1622] : memref<16x3x16x1024xf32, #tpu.memory_space<vmem_shared>> -> memref<1x1x16x1024xf32, #tpu.memory_space<vmem_shared>>
    %dma_start3A_1624 = tpu.memref_squeeze %dma_start3A_1623 : memref<1x1x16x1024xf32, #tpu.memory_space<vmem_shared>> -> memref<16x1024xf32, #tpu.memory_space<vmem_shared>>
    %dma_start3A_1625 = arith.constant 0 : i32
    %dma_start3A_1626 = arith.constant 0 : i32
    %dma_start3A_1627 = tpu.memref_slice %arg6[%dma_start3A_1611, %dma_start3A_1625, %dma_start3A_1626] : memref<3x16x1024xf32, #tpu.memory_space<vmem>> -> memref<1x16x1024xf32, #tpu.memory_space<vmem>>
    %dma_start3A_1628 = tpu.memref_squeeze %dma_start3A_1627 : memref<1x16x1024xf32, #tpu.memory_space<vmem>> -> memref<16x1024xf32, #tpu.memory_space<vmem>>
    tpu.enqueue_dma source(%dma_start3A_1628 : memref<16x1024xf32, #tpu.memory_space<vmem>>) target(%dma_start3A_1624 : memref<16x1024xf32, #tpu.memory_space<vmem_shared>>) target_semaphore(%arg9 : memref<!tpu.dma_semaphore, #tpu.memory_space<semaphore_mem>>)
    %dma_wait3A_1629 = arith.constant 1 : i32
    %dma_wait3A_1630 = arith.constant 1 : i32
    %dma_wait3A_1631 = arith.constant 0 : i32
    %dma_wait3A_1632 = arith.constant 0 : i32
    %dma_wait3A_1633 = tpu.memref_slice %arg6[%dma_wait3A_1629, %dma_wait3A_1631, %dma_wait3A_1632] : memref<3x16x1024xf32, #tpu.memory_space<vmem>> -> memref<1x16x1024xf32, #tpu.memory_space<vmem>>
    %dma_wait3A_1634 = tpu.memref_squeeze %dma_wait3A_1633 : memref<1x16x1024xf32, #tpu.memory_space<vmem>> -> memref<16x1024xf32, #tpu.memory_space<vmem>>
    %dma_wait3A_1635 = arith.constant 0 : i32
    %dma_wait3A_1636 = arith.constant 0 : i32
    %dma_wait3A_1637 = tpu.memref_slice %arg7[%arg1, %dma_wait3A_1630, %dma_wait3A_1635, %dma_wait3A_1636] : memref<16x3x16x1024xf32, #tpu.memory_space<vmem_shared>> -> memref<1x1x16x1024xf32, #tpu.memory_space<vmem_shared>>
    %dma_wait3A_1638 = tpu.memref_squeeze %dma_wait3A_1637 : memref<1x1x16x1024xf32, #tpu.memory_space<vmem_shared>> -> memref<16x1024xf32, #tpu.memory_space<vmem_shared>>
    %dma_wait3A_1639 = arith.constant 0 : i32
    %dma_wait3A_1640 = arith.constant 0 : i32
    %dma_wait3A_1641 = tpu.memref_slice %arg7[%arg1, %dma_wait3A_1630, %dma_wait3A_1639, %dma_wait3A_1640] : memref<16x3x16x1024xf32, #tpu.memory_space<vmem_shared>> -> memref<1x1x16x1024xf32, #tpu.memory_space<vmem_shared>>
    %dma_wait3A_1642 = tpu.memref_squeeze %dma_wait3A_1641 : memref<1x1x16x1024xf32, #tpu.memory_space<vmem_shared>> -> memref<16x1024xf32, #tpu.memory_space<vmem_shared>>
    %dma_wait3A_1643 = arith.constant 0 : i32
    %dma_wait3A_1644 = arith.constant 0 : i32
    %dma_wait3A_1645 = tpu.memref_slice %arg6[%dma_wait3A_1629, %dma_wait3A_1643, %dma_wait3A_1644] : memref<3x16x1024xf32, #tpu.memory_space<vmem>> -> memref<1x16x1024xf32, #tpu.memory_space<vmem>>
    %dma_wait3A_1646 = tpu.memref_squeeze %dma_wait3A_1645 : memref<1x16x1024xf32, #tpu.memory_space<vmem>> -> memref<16x1024xf32, #tpu.memory_space<vmem>>
    tpu.wait_dma2 semaphore(%arg9 : memref<!tpu.dma_semaphore, #tpu.memory_space<semaphore_mem>>) src(%dma_wait3A_1646 : memref<16x1024xf32, #tpu.memory_space<vmem>>) dst(%dma_wait3A_1642 : memref<16x1024xf32, #tpu.memory_space<vmem_shared>>)
    %add3A_1647 = arith.constant 352 : i32
    %add3A_1648 = arith.addi %mul3A_2, %add3A_1647 : i32
    %dma_start3A_1649 = arith.constant 1 : i32
    %dma_start3A_1650 = arith.constant 0 : i32
    %dma_start3A_1651 = tpu.memref_slice %arg4[%add3A_1648, %dma_start3A_1650] : memref<16384x1024xf32, #tpu.memory_space<hbm>> -> memref<16x1024xf32, #tpu.memory_space<hbm>>
    %dma_start3A_1652 = arith.constant 0 : i32
    %dma_start3A_1653 = arith.constant 0 : i32
    %dma_start3A_1654 = tpu.memref_slice %arg7[%arg1, %dma_start3A_1649, %dma_start3A_1652, %dma_start3A_1653] : memref<16x3x16x1024xf32, #tpu.memory_space<vmem_shared>> -> memref<1x1x16x1024xf32, #tpu.memory_space<vmem_shared>>
    %dma_start3A_1655 = tpu.memref_squeeze %dma_start3A_1654 : memref<1x1x16x1024xf32, #tpu.memory_space<vmem_shared>> -> memref<16x1024xf32, #tpu.memory_space<vmem_shared>>
    tpu.enqueue_dma source(%dma_start3A_1655 : memref<16x1024xf32, #tpu.memory_space<vmem_shared>>) target(%dma_start3A_1651 : memref<16x1024xf32, #tpu.memory_space<hbm>>) target_semaphore(%arg10 : memref<!tpu.dma_semaphore, #tpu.memory_space<semaphore_mem>>)
    %dma_start3A_1656 = arith.constant 1 : i32
    %dma_start3A_1657 = arith.constant 0 : i32
    %dma_start3A_1658 = arith.constant 0 : i32
    %dma_start3A_1659 = tpu.memref_slice %arg6[%dma_start3A_1656, %dma_start3A_1657, %dma_start3A_1658] : memref<3x16x1024xf32, #tpu.memory_space<vmem>> -> memref<1x16x1024xf32, #tpu.memory_space<vmem>>
    %dma_start3A_1660 = tpu.memref_squeeze %dma_start3A_1659 : memref<1x16x1024xf32, #tpu.memory_space<vmem>> -> memref<16x1024xf32, #tpu.memory_space<vmem>>
    %dma_start3A_1661 = arith.constant 400 : i32
    %dma_start3A_1662 = tpu.memref_slice %arg5[%dma_start3A_1661] : memref<512xi32, #tpu.memory_space<vmem>> -> memref<16xi32, #tpu.memory_space<vmem>>
    %dma_start3A_1663 = arith.constant 0 : i32
    %dma_start3A_1664 = arith.constant 0 : i32
    %dma_start3A_1665 = tpu.memref_slice %arg2[%dma_start3A_1663, %dma_start3A_1664] : memref<100000x1024xf32, #tpu.memory_space<hbm>> -> memref<100000x1024xf32, #tpu.memory_space<hbm>>
    tpu.enqueue_indirect_dma source(%dma_start3A_1665 : memref<100000x1024xf32, #tpu.memory_space<hbm>>) target(%dma_start3A_1660 : memref<16x1024xf32, #tpu.memory_space<vmem>>) offsets(%dma_start3A_1662 : memref<16xi32, #tpu.memory_space<vmem>>) semaphore(%arg8 : memref<!tpu.dma_semaphore, #tpu.memory_space<semaphore_mem>>)
    %dma_wait3A_1666 = arith.constant 2 : i32
    %dma_wait3A_1667 = arith.constant 0 : i32
    %dma_wait3A_1668 = arith.constant 0 : i32
    %dma_wait3A_1669 = tpu.memref_slice %arg6[%dma_wait3A_1666, %dma_wait3A_1667, %dma_wait3A_1668] : memref<3x16x1024xf32, #tpu.memory_space<vmem>> -> memref<1x16x1024xf32, #tpu.memory_space<vmem>>
    %dma_wait3A_1670 = tpu.memref_squeeze %dma_wait3A_1669 : memref<1x16x1024xf32, #tpu.memory_space<vmem>> -> memref<16x1024xf32, #tpu.memory_space<vmem>>
    %dma_wait3A_1671 = arith.constant 368 : i32
    %dma_wait3A_1672 = tpu.memref_slice %arg5[%dma_wait3A_1671] : memref<512xi32, #tpu.memory_space<vmem>> -> memref<16xi32, #tpu.memory_space<vmem>>
    %dma_wait3A_1673 = arith.constant 0 : i32
    %dma_wait3A_1674 = arith.constant 0 : i32
    %dma_wait3A_1675 = tpu.memref_slice %arg2[%dma_wait3A_1673, %dma_wait3A_1674] : memref<100000x1024xf32, #tpu.memory_space<hbm>> -> memref<100000x1024xf32, #tpu.memory_space<hbm>>
    tpu.wait_indirect_dma semaphore(%arg8 : memref<!tpu.dma_semaphore, #tpu.memory_space<semaphore_mem>>) src(%dma_wait3A_1675 : memref<100000x1024xf32, #tpu.memory_space<hbm>>) dst(%dma_wait3A_1670 : memref<16x1024xf32, #tpu.memory_space<vmem>>)
    %dma_wait3A_1676 = arith.constant 2 : i32
    %dma_wait3A_1677 = arith.constant 0 : i32
    %dma_wait3A_1678 = tpu.memref_slice %arg4[%add3A_1504, %dma_wait3A_1677] : memref<16384x1024xf32, #tpu.memory_space<hbm>> -> memref<16x1024xf32, #tpu.memory_space<hbm>>
    %dma_wait3A_1679 = arith.constant 0 : i32
    %dma_wait3A_1680 = arith.constant 0 : i32
    %dma_wait3A_1681 = tpu.memref_slice %arg7[%arg1, %dma_wait3A_1676, %dma_wait3A_1679, %dma_wait3A_1680] : memref<16x3x16x1024xf32, #tpu.memory_space<vmem_shared>> -> memref<1x1x16x1024xf32, #tpu.memory_space<vmem_shared>>
    %dma_wait3A_1682 = tpu.memref_squeeze %dma_wait3A_1681 : memref<1x1x16x1024xf32, #tpu.memory_space<vmem_shared>> -> memref<16x1024xf32, #tpu.memory_space<vmem_shared>>
    tpu.wait_dma2 semaphore(%arg10 : memref<!tpu.dma_semaphore, #tpu.memory_space<semaphore_mem>>) src(%dma_wait3A_1682 : memref<16x1024xf32, #tpu.memory_space<vmem_shared>>) dst(%dma_wait3A_1678 : memref<16x1024xf32, #tpu.memory_space<hbm>>)
    %dma_start3A_1683 = arith.constant 2 : i32
    %dma_start3A_1684 = arith.constant 2 : i32
    %dma_start3A_1685 = arith.constant 0 : i32
    %dma_start3A_1686 = arith.constant 0 : i32
    %dma_start3A_1687 = tpu.memref_slice %arg6[%dma_start3A_1683, %dma_start3A_1685, %dma_start3A_1686] : memref<3x16x1024xf32, #tpu.memory_space<vmem>> -> memref<1x16x1024xf32, #tpu.memory_space<vmem>>
    %dma_start3A_1688 = tpu.memref_squeeze %dma_start3A_1687 : memref<1x16x1024xf32, #tpu.memory_space<vmem>> -> memref<16x1024xf32, #tpu.memory_space<vmem>>
    %dma_start3A_1689 = arith.constant 0 : i32
    %dma_start3A_1690 = arith.constant 0 : i32
    %dma_start3A_1691 = tpu.memref_slice %arg7[%arg1, %dma_start3A_1684, %dma_start3A_1689, %dma_start3A_1690] : memref<16x3x16x1024xf32, #tpu.memory_space<vmem_shared>> -> memref<1x1x16x1024xf32, #tpu.memory_space<vmem_shared>>
    %dma_start3A_1692 = tpu.memref_squeeze %dma_start3A_1691 : memref<1x1x16x1024xf32, #tpu.memory_space<vmem_shared>> -> memref<16x1024xf32, #tpu.memory_space<vmem_shared>>
    %dma_start3A_1693 = arith.constant 0 : i32
    %dma_start3A_1694 = arith.constant 0 : i32
    %dma_start3A_1695 = tpu.memref_slice %arg7[%arg1, %dma_start3A_1684, %dma_start3A_1693, %dma_start3A_1694] : memref<16x3x16x1024xf32, #tpu.memory_space<vmem_shared>> -> memref<1x1x16x1024xf32, #tpu.memory_space<vmem_shared>>
    %dma_start3A_1696 = tpu.memref_squeeze %dma_start3A_1695 : memref<1x1x16x1024xf32, #tpu.memory_space<vmem_shared>> -> memref<16x1024xf32, #tpu.memory_space<vmem_shared>>
    %dma_start3A_1697 = arith.constant 0 : i32
    %dma_start3A_1698 = arith.constant 0 : i32
    %dma_start3A_1699 = tpu.memref_slice %arg6[%dma_start3A_1683, %dma_start3A_1697, %dma_start3A_1698] : memref<3x16x1024xf32, #tpu.memory_space<vmem>> -> memref<1x16x1024xf32, #tpu.memory_space<vmem>>
    %dma_start3A_1700 = tpu.memref_squeeze %dma_start3A_1699 : memref<1x16x1024xf32, #tpu.memory_space<vmem>> -> memref<16x1024xf32, #tpu.memory_space<vmem>>
    tpu.enqueue_dma source(%dma_start3A_1700 : memref<16x1024xf32, #tpu.memory_space<vmem>>) target(%dma_start3A_1696 : memref<16x1024xf32, #tpu.memory_space<vmem_shared>>) target_semaphore(%arg9 : memref<!tpu.dma_semaphore, #tpu.memory_space<semaphore_mem>>)
    %dma_wait3A_1701 = arith.constant 2 : i32
    %dma_wait3A_1702 = arith.constant 2 : i32
    %dma_wait3A_1703 = arith.constant 0 : i32
    %dma_wait3A_1704 = arith.constant 0 : i32
    %dma_wait3A_1705 = tpu.memref_slice %arg6[%dma_wait3A_1701, %dma_wait3A_1703, %dma_wait3A_1704] : memref<3x16x1024xf32, #tpu.memory_space<vmem>> -> memref<1x16x1024xf32, #tpu.memory_space<vmem>>
    %dma_wait3A_1706 = tpu.memref_squeeze %dma_wait3A_1705 : memref<1x16x1024xf32, #tpu.memory_space<vmem>> -> memref<16x1024xf32, #tpu.memory_space<vmem>>
    %dma_wait3A_1707 = arith.constant 0 : i32
    %dma_wait3A_1708 = arith.constant 0 : i32
    %dma_wait3A_1709 = tpu.memref_slice %arg7[%arg1, %dma_wait3A_1702, %dma_wait3A_1707, %dma_wait3A_1708] : memref<16x3x16x1024xf32, #tpu.memory_space<vmem_shared>> -> memref<1x1x16x1024xf32, #tpu.memory_space<vmem_shared>>
    %dma_wait3A_1710 = tpu.memref_squeeze %dma_wait3A_1709 : memref<1x1x16x1024xf32, #tpu.memory_space<vmem_shared>> -> memref<16x1024xf32, #tpu.memory_space<vmem_shared>>
    %dma_wait3A_1711 = arith.constant 0 : i32
    %dma_wait3A_1712 = arith.constant 0 : i32
    %dma_wait3A_1713 = tpu.memref_slice %arg7[%arg1, %dma_wait3A_1702, %dma_wait3A_1711, %dma_wait3A_1712] : memref<16x3x16x1024xf32, #tpu.memory_space<vmem_shared>> -> memref<1x1x16x1024xf32, #tpu.memory_space<vmem_shared>>
    %dma_wait3A_1714 = tpu.memref_squeeze %dma_wait3A_1713 : memref<1x1x16x1024xf32, #tpu.memory_space<vmem_shared>> -> memref<16x1024xf32, #tpu.memory_space<vmem_shared>>
    %dma_wait3A_1715 = arith.constant 0 : i32
    %dma_wait3A_1716 = arith.constant 0 : i32
    %dma_wait3A_1717 = tpu.memref_slice %arg6[%dma_wait3A_1701, %dma_wait3A_1715, %dma_wait3A_1716] : memref<3x16x1024xf32, #tpu.memory_space<vmem>> -> memref<1x16x1024xf32, #tpu.memory_space<vmem>>
    %dma_wait3A_1718 = tpu.memref_squeeze %dma_wait3A_1717 : memref<1x16x1024xf32, #tpu.memory_space<vmem>> -> memref<16x1024xf32, #tpu.memory_space<vmem>>
    tpu.wait_dma2 semaphore(%arg9 : memref<!tpu.dma_semaphore, #tpu.memory_space<semaphore_mem>>) src(%dma_wait3A_1718 : memref<16x1024xf32, #tpu.memory_space<vmem>>) dst(%dma_wait3A_1714 : memref<16x1024xf32, #tpu.memory_space<vmem_shared>>)
    %add3A_1719 = arith.constant 368 : i32
    %add3A_1720 = arith.addi %mul3A_2, %add3A_1719 : i32
    %dma_start3A_1721 = arith.constant 2 : i32
    %dma_start3A_1722 = arith.constant 0 : i32
    %dma_start3A_1723 = tpu.memref_slice %arg4[%add3A_1720, %dma_start3A_1722] : memref<16384x1024xf32, #tpu.memory_space<hbm>> -> memref<16x1024xf32, #tpu.memory_space<hbm>>
    %dma_start3A_1724 = arith.constant 0 : i32
    %dma_start3A_1725 = arith.constant 0 : i32
    %dma_start3A_1726 = tpu.memref_slice %arg7[%arg1, %dma_start3A_1721, %dma_start3A_1724, %dma_start3A_1725] : memref<16x3x16x1024xf32, #tpu.memory_space<vmem_shared>> -> memref<1x1x16x1024xf32, #tpu.memory_space<vmem_shared>>
    %dma_start3A_1727 = tpu.memref_squeeze %dma_start3A_1726 : memref<1x1x16x1024xf32, #tpu.memory_space<vmem_shared>> -> memref<16x1024xf32, #tpu.memory_space<vmem_shared>>
    tpu.enqueue_dma source(%dma_start3A_1727 : memref<16x1024xf32, #tpu.memory_space<vmem_shared>>) target(%dma_start3A_1723 : memref<16x1024xf32, #tpu.memory_space<hbm>>) target_semaphore(%arg10 : memref<!tpu.dma_semaphore, #tpu.memory_space<semaphore_mem>>)
    %dma_start3A_1728 = arith.constant 2 : i32
    %dma_start3A_1729 = arith.constant 0 : i32
    %dma_start3A_1730 = arith.constant 0 : i32
    %dma_start3A_1731 = tpu.memref_slice %arg6[%dma_start3A_1728, %dma_start3A_1729, %dma_start3A_1730] : memref<3x16x1024xf32, #tpu.memory_space<vmem>> -> memref<1x16x1024xf32, #tpu.memory_space<vmem>>
    %dma_start3A_1732 = tpu.memref_squeeze %dma_start3A_1731 : memref<1x16x1024xf32, #tpu.memory_space<vmem>> -> memref<16x1024xf32, #tpu.memory_space<vmem>>
    %dma_start3A_1733 = arith.constant 416 : i32
    %dma_start3A_1734 = tpu.memref_slice %arg5[%dma_start3A_1733] : memref<512xi32, #tpu.memory_space<vmem>> -> memref<16xi32, #tpu.memory_space<vmem>>
    %dma_start3A_1735 = arith.constant 0 : i32
    %dma_start3A_1736 = arith.constant 0 : i32
    %dma_start3A_1737 = tpu.memref_slice %arg2[%dma_start3A_1735, %dma_start3A_1736] : memref<100000x1024xf32, #tpu.memory_space<hbm>> -> memref<100000x1024xf32, #tpu.memory_space<hbm>>
    tpu.enqueue_indirect_dma source(%dma_start3A_1737 : memref<100000x1024xf32, #tpu.memory_space<hbm>>) target(%dma_start3A_1732 : memref<16x1024xf32, #tpu.memory_space<vmem>>) offsets(%dma_start3A_1734 : memref<16xi32, #tpu.memory_space<vmem>>) semaphore(%arg8 : memref<!tpu.dma_semaphore, #tpu.memory_space<semaphore_mem>>)
    %dma_wait3A_1738 = arith.constant 0 : i32
    %dma_wait3A_1739 = arith.constant 0 : i32
    %dma_wait3A_1740 = arith.constant 0 : i32
    %dma_wait3A_1741 = tpu.memref_slice %arg6[%dma_wait3A_1738, %dma_wait3A_1739, %dma_wait3A_1740] : memref<3x16x1024xf32, #tpu.memory_space<vmem>> -> memref<1x16x1024xf32, #tpu.memory_space<vmem>>
    %dma_wait3A_1742 = tpu.memref_squeeze %dma_wait3A_1741 : memref<1x16x1024xf32, #tpu.memory_space<vmem>> -> memref<16x1024xf32, #tpu.memory_space<vmem>>
    %dma_wait3A_1743 = arith.constant 384 : i32
    %dma_wait3A_1744 = tpu.memref_slice %arg5[%dma_wait3A_1743] : memref<512xi32, #tpu.memory_space<vmem>> -> memref<16xi32, #tpu.memory_space<vmem>>
    %dma_wait3A_1745 = arith.constant 0 : i32
    %dma_wait3A_1746 = arith.constant 0 : i32
    %dma_wait3A_1747 = tpu.memref_slice %arg2[%dma_wait3A_1745, %dma_wait3A_1746] : memref<100000x1024xf32, #tpu.memory_space<hbm>> -> memref<100000x1024xf32, #tpu.memory_space<hbm>>
    tpu.wait_indirect_dma semaphore(%arg8 : memref<!tpu.dma_semaphore, #tpu.memory_space<semaphore_mem>>) src(%dma_wait3A_1747 : memref<100000x1024xf32, #tpu.memory_space<hbm>>) dst(%dma_wait3A_1742 : memref<16x1024xf32, #tpu.memory_space<vmem>>)
    %dma_wait3A_1748 = arith.constant 0 : i32
    %dma_wait3A_1749 = arith.constant 0 : i32
    %dma_wait3A_1750 = tpu.memref_slice %arg4[%add3A_1576, %dma_wait3A_1749] : memref<16384x1024xf32, #tpu.memory_space<hbm>> -> memref<16x1024xf32, #tpu.memory_space<hbm>>
    %dma_wait3A_1751 = arith.constant 0 : i32
    %dma_wait3A_1752 = arith.constant 0 : i32
    %dma_wait3A_1753 = tpu.memref_slice %arg7[%arg1, %dma_wait3A_1748, %dma_wait3A_1751, %dma_wait3A_1752] : memref<16x3x16x1024xf32, #tpu.memory_space<vmem_shared>> -> memref<1x1x16x1024xf32, #tpu.memory_space<vmem_shared>>
    %dma_wait3A_1754 = tpu.memref_squeeze %dma_wait3A_1753 : memref<1x1x16x1024xf32, #tpu.memory_space<vmem_shared>> -> memref<16x1024xf32, #tpu.memory_space<vmem_shared>>
    tpu.wait_dma2 semaphore(%arg10 : memref<!tpu.dma_semaphore, #tpu.memory_space<semaphore_mem>>) src(%dma_wait3A_1754 : memref<16x1024xf32, #tpu.memory_space<vmem_shared>>) dst(%dma_wait3A_1750 : memref<16x1024xf32, #tpu.memory_space<hbm>>)
    %dma_start3A_1755 = arith.constant 0 : i32
    %dma_start3A_1756 = arith.constant 0 : i32
    %dma_start3A_1757 = arith.constant 0 : i32
    %dma_start3A_1758 = arith.constant 0 : i32
    %dma_start3A_1759 = tpu.memref_slice %arg6[%dma_start3A_1755, %dma_start3A_1757, %dma_start3A_1758] : memref<3x16x1024xf32, #tpu.memory_space<vmem>> -> memref<1x16x1024xf32, #tpu.memory_space<vmem>>
    %dma_start3A_1760 = tpu.memref_squeeze %dma_start3A_1759 : memref<1x16x1024xf32, #tpu.memory_space<vmem>> -> memref<16x1024xf32, #tpu.memory_space<vmem>>
    %dma_start3A_1761 = arith.constant 0 : i32
    %dma_start3A_1762 = arith.constant 0 : i32
    %dma_start3A_1763 = tpu.memref_slice %arg7[%arg1, %dma_start3A_1756, %dma_start3A_1761, %dma_start3A_1762] : memref<16x3x16x1024xf32, #tpu.memory_space<vmem_shared>> -> memref<1x1x16x1024xf32, #tpu.memory_space<vmem_shared>>
    %dma_start3A_1764 = tpu.memref_squeeze %dma_start3A_1763 : memref<1x1x16x1024xf32, #tpu.memory_space<vmem_shared>> -> memref<16x1024xf32, #tpu.memory_space<vmem_shared>>
    %dma_start3A_1765 = arith.constant 0 : i32
    %dma_start3A_1766 = arith.constant 0 : i32
    %dma_start3A_1767 = tpu.memref_slice %arg7[%arg1, %dma_start3A_1756, %dma_start3A_1765, %dma_start3A_1766] : memref<16x3x16x1024xf32, #tpu.memory_space<vmem_shared>> -> memref<1x1x16x1024xf32, #tpu.memory_space<vmem_shared>>
    %dma_start3A_1768 = tpu.memref_squeeze %dma_start3A_1767 : memref<1x1x16x1024xf32, #tpu.memory_space<vmem_shared>> -> memref<16x1024xf32, #tpu.memory_space<vmem_shared>>
    %dma_start3A_1769 = arith.constant 0 : i32
    %dma_start3A_1770 = arith.constant 0 : i32
    %dma_start3A_1771 = tpu.memref_slice %arg6[%dma_start3A_1755, %dma_start3A_1769, %dma_start3A_1770] : memref<3x16x1024xf32, #tpu.memory_space<vmem>> -> memref<1x16x1024xf32, #tpu.memory_space<vmem>>
    %dma_start3A_1772 = tpu.memref_squeeze %dma_start3A_1771 : memref<1x16x1024xf32, #tpu.memory_space<vmem>> -> memref<16x1024xf32, #tpu.memory_space<vmem>>
    tpu.enqueue_dma source(%dma_start3A_1772 : memref<16x1024xf32, #tpu.memory_space<vmem>>) target(%dma_start3A_1768 : memref<16x1024xf32, #tpu.memory_space<vmem_shared>>) target_semaphore(%arg9 : memref<!tpu.dma_semaphore, #tpu.memory_space<semaphore_mem>>)
    %dma_wait3A_1773 = arith.constant 0 : i32
    %dma_wait3A_1774 = arith.constant 0 : i32
    %dma_wait3A_1775 = arith.constant 0 : i32
    %dma_wait3A_1776 = arith.constant 0 : i32
    %dma_wait3A_1777 = tpu.memref_slice %arg6[%dma_wait3A_1773, %dma_wait3A_1775, %dma_wait3A_1776] : memref<3x16x1024xf32, #tpu.memory_space<vmem>> -> memref<1x16x1024xf32, #tpu.memory_space<vmem>>
    %dma_wait3A_1778 = tpu.memref_squeeze %dma_wait3A_1777 : memref<1x16x1024xf32, #tpu.memory_space<vmem>> -> memref<16x1024xf32, #tpu.memory_space<vmem>>
    %dma_wait3A_1779 = arith.constant 0 : i32
    %dma_wait3A_1780 = arith.constant 0 : i32
    %dma_wait3A_1781 = tpu.memref_slice %arg7[%arg1, %dma_wait3A_1774, %dma_wait3A_1779, %dma_wait3A_1780] : memref<16x3x16x1024xf32, #tpu.memory_space<vmem_shared>> -> memref<1x1x16x1024xf32, #tpu.memory_space<vmem_shared>>
    %dma_wait3A_1782 = tpu.memref_squeeze %dma_wait3A_1781 : memref<1x1x16x1024xf32, #tpu.memory_space<vmem_shared>> -> memref<16x1024xf32, #tpu.memory_space<vmem_shared>>
    %dma_wait3A_1783 = arith.constant 0 : i32
    %dma_wait3A_1784 = arith.constant 0 : i32
    %dma_wait3A_1785 = tpu.memref_slice %arg7[%arg1, %dma_wait3A_1774, %dma_wait3A_1783, %dma_wait3A_1784] : memref<16x3x16x1024xf32, #tpu.memory_space<vmem_shared>> -> memref<1x1x16x1024xf32, #tpu.memory_space<vmem_shared>>
    %dma_wait3A_1786 = tpu.memref_squeeze %dma_wait3A_1785 : memref<1x1x16x1024xf32, #tpu.memory_space<vmem_shared>> -> memref<16x1024xf32, #tpu.memory_space<vmem_shared>>
    %dma_wait3A_1787 = arith.constant 0 : i32
    %dma_wait3A_1788 = arith.constant 0 : i32
    %dma_wait3A_1789 = tpu.memref_slice %arg6[%dma_wait3A_1773, %dma_wait3A_1787, %dma_wait3A_1788] : memref<3x16x1024xf32, #tpu.memory_space<vmem>> -> memref<1x16x1024xf32, #tpu.memory_space<vmem>>
    %dma_wait3A_1790 = tpu.memref_squeeze %dma_wait3A_1789 : memref<1x16x1024xf32, #tpu.memory_space<vmem>> -> memref<16x1024xf32, #tpu.memory_space<vmem>>
    tpu.wait_dma2 semaphore(%arg9 : memref<!tpu.dma_semaphore, #tpu.memory_space<semaphore_mem>>) src(%dma_wait3A_1790 : memref<16x1024xf32, #tpu.memory_space<vmem>>) dst(%dma_wait3A_1786 : memref<16x1024xf32, #tpu.memory_space<vmem_shared>>)
    %add3A_1791 = arith.constant 384 : i32
    %add3A_1792 = arith.addi %mul3A_2, %add3A_1791 : i32
    %dma_start3A_1793 = arith.constant 0 : i32
    %dma_start3A_1794 = arith.constant 0 : i32
    %dma_start3A_1795 = tpu.memref_slice %arg4[%add3A_1792, %dma_start3A_1794] : memref<16384x1024xf32, #tpu.memory_space<hbm>> -> memref<16x1024xf32, #tpu.memory_space<hbm>>
    %dma_start3A_1796 = arith.constant 0 : i32
    %dma_start3A_1797 = arith.constant 0 : i32
    %dma_start3A_1798 = tpu.memref_slice %arg7[%arg1, %dma_start3A_1793, %dma_start3A_1796, %dma_start3A_1797] : memref<16x3x16x1024xf32, #tpu.memory_space<vmem_shared>> -> memref<1x1x16x1024xf32, #tpu.memory_space<vmem_shared>>
    %dma_start3A_1799 = tpu.memref_squeeze %dma_start3A_1798 : memref<1x1x16x1024xf32, #tpu.memory_space<vmem_shared>> -> memref<16x1024xf32, #tpu.memory_space<vmem_shared>>
    tpu.enqueue_dma source(%dma_start3A_1799 : memref<16x1024xf32, #tpu.memory_space<vmem_shared>>) target(%dma_start3A_1795 : memref<16x1024xf32, #tpu.memory_space<hbm>>) target_semaphore(%arg10 : memref<!tpu.dma_semaphore, #tpu.memory_space<semaphore_mem>>)
    %dma_start3A_1800 = arith.constant 0 : i32
    %dma_start3A_1801 = arith.constant 0 : i32
    %dma_start3A_1802 = arith.constant 0 : i32
    %dma_start3A_1803 = tpu.memref_slice %arg6[%dma_start3A_1800, %dma_start3A_1801, %dma_start3A_1802] : memref<3x16x1024xf32, #tpu.memory_space<vmem>> -> memref<1x16x1024xf32, #tpu.memory_space<vmem>>
    %dma_start3A_1804 = tpu.memref_squeeze %dma_start3A_1803 : memref<1x16x1024xf32, #tpu.memory_space<vmem>> -> memref<16x1024xf32, #tpu.memory_space<vmem>>
    %dma_start3A_1805 = arith.constant 432 : i32
    %dma_start3A_1806 = tpu.memref_slice %arg5[%dma_start3A_1805] : memref<512xi32, #tpu.memory_space<vmem>> -> memref<16xi32, #tpu.memory_space<vmem>>
    %dma_start3A_1807 = arith.constant 0 : i32
    %dma_start3A_1808 = arith.constant 0 : i32
    %dma_start3A_1809 = tpu.memref_slice %arg2[%dma_start3A_1807, %dma_start3A_1808] : memref<100000x1024xf32, #tpu.memory_space<hbm>> -> memref<100000x1024xf32, #tpu.memory_space<hbm>>
    tpu.enqueue_indirect_dma source(%dma_start3A_1809 : memref<100000x1024xf32, #tpu.memory_space<hbm>>) target(%dma_start3A_1804 : memref<16x1024xf32, #tpu.memory_space<vmem>>) offsets(%dma_start3A_1806 : memref<16xi32, #tpu.memory_space<vmem>>) semaphore(%arg8 : memref<!tpu.dma_semaphore, #tpu.memory_space<semaphore_mem>>)
    %dma_wait3A_1810 = arith.constant 1 : i32
    %dma_wait3A_1811 = arith.constant 0 : i32
    %dma_wait3A_1812 = arith.constant 0 : i32
    %dma_wait3A_1813 = tpu.memref_slice %arg6[%dma_wait3A_1810, %dma_wait3A_1811, %dma_wait3A_1812] : memref<3x16x1024xf32, #tpu.memory_space<vmem>> -> memref<1x16x1024xf32, #tpu.memory_space<vmem>>
    %dma_wait3A_1814 = tpu.memref_squeeze %dma_wait3A_1813 : memref<1x16x1024xf32, #tpu.memory_space<vmem>> -> memref<16x1024xf32, #tpu.memory_space<vmem>>
    %dma_wait3A_1815 = arith.constant 400 : i32
    %dma_wait3A_1816 = tpu.memref_slice %arg5[%dma_wait3A_1815] : memref<512xi32, #tpu.memory_space<vmem>> -> memref<16xi32, #tpu.memory_space<vmem>>
    %dma_wait3A_1817 = arith.constant 0 : i32
    %dma_wait3A_1818 = arith.constant 0 : i32
    %dma_wait3A_1819 = tpu.memref_slice %arg2[%dma_wait3A_1817, %dma_wait3A_1818] : memref<100000x1024xf32, #tpu.memory_space<hbm>> -> memref<100000x1024xf32, #tpu.memory_space<hbm>>
    tpu.wait_indirect_dma semaphore(%arg8 : memref<!tpu.dma_semaphore, #tpu.memory_space<semaphore_mem>>) src(%dma_wait3A_1819 : memref<100000x1024xf32, #tpu.memory_space<hbm>>) dst(%dma_wait3A_1814 : memref<16x1024xf32, #tpu.memory_space<vmem>>)
    %dma_wait3A_1820 = arith.constant 1 : i32
    %dma_wait3A_1821 = arith.constant 0 : i32
    %dma_wait3A_1822 = tpu.memref_slice %arg4[%add3A_1648, %dma_wait3A_1821] : memref<16384x1024xf32, #tpu.memory_space<hbm>> -> memref<16x1024xf32, #tpu.memory_space<hbm>>
    %dma_wait3A_1823 = arith.constant 0 : i32
    %dma_wait3A_1824 = arith.constant 0 : i32
    %dma_wait3A_1825 = tpu.memref_slice %arg7[%arg1, %dma_wait3A_1820, %dma_wait3A_1823, %dma_wait3A_1824] : memref<16x3x16x1024xf32, #tpu.memory_space<vmem_shared>> -> memref<1x1x16x1024xf32, #tpu.memory_space<vmem_shared>>
    %dma_wait3A_1826 = tpu.memref_squeeze %dma_wait3A_1825 : memref<1x1x16x1024xf32, #tpu.memory_space<vmem_shared>> -> memref<16x1024xf32, #tpu.memory_space<vmem_shared>>
    tpu.wait_dma2 semaphore(%arg10 : memref<!tpu.dma_semaphore, #tpu.memory_space<semaphore_mem>>) src(%dma_wait3A_1826 : memref<16x1024xf32, #tpu.memory_space<vmem_shared>>) dst(%dma_wait3A_1822 : memref<16x1024xf32, #tpu.memory_space<hbm>>)
    %dma_start3A_1827 = arith.constant 1 : i32
    %dma_start3A_1828 = arith.constant 1 : i32
    %dma_start3A_1829 = arith.constant 0 : i32
    %dma_start3A_1830 = arith.constant 0 : i32
    %dma_start3A_1831 = tpu.memref_slice %arg6[%dma_start3A_1827, %dma_start3A_1829, %dma_start3A_1830] : memref<3x16x1024xf32, #tpu.memory_space<vmem>> -> memref<1x16x1024xf32, #tpu.memory_space<vmem>>
    %dma_start3A_1832 = tpu.memref_squeeze %dma_start3A_1831 : memref<1x16x1024xf32, #tpu.memory_space<vmem>> -> memref<16x1024xf32, #tpu.memory_space<vmem>>
    %dma_start3A_1833 = arith.constant 0 : i32
    %dma_start3A_1834 = arith.constant 0 : i32
    %dma_start3A_1835 = tpu.memref_slice %arg7[%arg1, %dma_start3A_1828, %dma_start3A_1833, %dma_start3A_1834] : memref<16x3x16x1024xf32, #tpu.memory_space<vmem_shared>> -> memref<1x1x16x1024xf32, #tpu.memory_space<vmem_shared>>
    %dma_start3A_1836 = tpu.memref_squeeze %dma_start3A_1835 : memref<1x1x16x1024xf32, #tpu.memory_space<vmem_shared>> -> memref<16x1024xf32, #tpu.memory_space<vmem_shared>>
    %dma_start3A_1837 = arith.constant 0 : i32
    %dma_start3A_1838 = arith.constant 0 : i32
    %dma_start3A_1839 = tpu.memref_slice %arg7[%arg1, %dma_start3A_1828, %dma_start3A_1837, %dma_start3A_1838] : memref<16x3x16x1024xf32, #tpu.memory_space<vmem_shared>> -> memref<1x1x16x1024xf32, #tpu.memory_space<vmem_shared>>
    %dma_start3A_1840 = tpu.memref_squeeze %dma_start3A_1839 : memref<1x1x16x1024xf32, #tpu.memory_space<vmem_shared>> -> memref<16x1024xf32, #tpu.memory_space<vmem_shared>>
    %dma_start3A_1841 = arith.constant 0 : i32
    %dma_start3A_1842 = arith.constant 0 : i32
    %dma_start3A_1843 = tpu.memref_slice %arg6[%dma_start3A_1827, %dma_start3A_1841, %dma_start3A_1842] : memref<3x16x1024xf32, #tpu.memory_space<vmem>> -> memref<1x16x1024xf32, #tpu.memory_space<vmem>>
    %dma_start3A_1844 = tpu.memref_squeeze %dma_start3A_1843 : memref<1x16x1024xf32, #tpu.memory_space<vmem>> -> memref<16x1024xf32, #tpu.memory_space<vmem>>
    tpu.enqueue_dma source(%dma_start3A_1844 : memref<16x1024xf32, #tpu.memory_space<vmem>>) target(%dma_start3A_1840 : memref<16x1024xf32, #tpu.memory_space<vmem_shared>>) target_semaphore(%arg9 : memref<!tpu.dma_semaphore, #tpu.memory_space<semaphore_mem>>)
    %dma_wait3A_1845 = arith.constant 1 : i32
    %dma_wait3A_1846 = arith.constant 1 : i32
    %dma_wait3A_1847 = arith.constant 0 : i32
    %dma_wait3A_1848 = arith.constant 0 : i32
    %dma_wait3A_1849 = tpu.memref_slice %arg6[%dma_wait3A_1845, %dma_wait3A_1847, %dma_wait3A_1848] : memref<3x16x1024xf32, #tpu.memory_space<vmem>> -> memref<1x16x1024xf32, #tpu.memory_space<vmem>>
    %dma_wait3A_1850 = tpu.memref_squeeze %dma_wait3A_1849 : memref<1x16x1024xf32, #tpu.memory_space<vmem>> -> memref<16x1024xf32, #tpu.memory_space<vmem>>
    %dma_wait3A_1851 = arith.constant 0 : i32
    %dma_wait3A_1852 = arith.constant 0 : i32
    %dma_wait3A_1853 = tpu.memref_slice %arg7[%arg1, %dma_wait3A_1846, %dma_wait3A_1851, %dma_wait3A_1852] : memref<16x3x16x1024xf32, #tpu.memory_space<vmem_shared>> -> memref<1x1x16x1024xf32, #tpu.memory_space<vmem_shared>>
    %dma_wait3A_1854 = tpu.memref_squeeze %dma_wait3A_1853 : memref<1x1x16x1024xf32, #tpu.memory_space<vmem_shared>> -> memref<16x1024xf32, #tpu.memory_space<vmem_shared>>
    %dma_wait3A_1855 = arith.constant 0 : i32
    %dma_wait3A_1856 = arith.constant 0 : i32
    %dma_wait3A_1857 = tpu.memref_slice %arg7[%arg1, %dma_wait3A_1846, %dma_wait3A_1855, %dma_wait3A_1856] : memref<16x3x16x1024xf32, #tpu.memory_space<vmem_shared>> -> memref<1x1x16x1024xf32, #tpu.memory_space<vmem_shared>>
    %dma_wait3A_1858 = tpu.memref_squeeze %dma_wait3A_1857 : memref<1x1x16x1024xf32, #tpu.memory_space<vmem_shared>> -> memref<16x1024xf32, #tpu.memory_space<vmem_shared>>
    %dma_wait3A_1859 = arith.constant 0 : i32
    %dma_wait3A_1860 = arith.constant 0 : i32
    %dma_wait3A_1861 = tpu.memref_slice %arg6[%dma_wait3A_1845, %dma_wait3A_1859, %dma_wait3A_1860] : memref<3x16x1024xf32, #tpu.memory_space<vmem>> -> memref<1x16x1024xf32, #tpu.memory_space<vmem>>
    %dma_wait3A_1862 = tpu.memref_squeeze %dma_wait3A_1861 : memref<1x16x1024xf32, #tpu.memory_space<vmem>> -> memref<16x1024xf32, #tpu.memory_space<vmem>>
    tpu.wait_dma2 semaphore(%arg9 : memref<!tpu.dma_semaphore, #tpu.memory_space<semaphore_mem>>) src(%dma_wait3A_1862 : memref<16x1024xf32, #tpu.memory_space<vmem>>) dst(%dma_wait3A_1858 : memref<16x1024xf32, #tpu.memory_space<vmem_shared>>)
    %add3A_1863 = arith.constant 400 : i32
    %add3A_1864 = arith.addi %mul3A_2, %add3A_1863 : i32
    %dma_start3A_1865 = arith.constant 1 : i32
    %dma_start3A_1866 = arith.constant 0 : i32
    %dma_start3A_1867 = tpu.memref_slice %arg4[%add3A_1864, %dma_start3A_1866] : memref<16384x1024xf32, #tpu.memory_space<hbm>> -> memref<16x1024xf32, #tpu.memory_space<hbm>>
    %dma_start3A_1868 = arith.constant 0 : i32
    %dma_start3A_1869 = arith.constant 0 : i32
    %dma_start3A_1870 = tpu.memref_slice %arg7[%arg1, %dma_start3A_1865, %dma_start3A_1868, %dma_start3A_1869] : memref<16x3x16x1024xf32, #tpu.memory_space<vmem_shared>> -> memref<1x1x16x1024xf32, #tpu.memory_space<vmem_shared>>
    %dma_start3A_1871 = tpu.memref_squeeze %dma_start3A_1870 : memref<1x1x16x1024xf32, #tpu.memory_space<vmem_shared>> -> memref<16x1024xf32, #tpu.memory_space<vmem_shared>>
    tpu.enqueue_dma source(%dma_start3A_1871 : memref<16x1024xf32, #tpu.memory_space<vmem_shared>>) target(%dma_start3A_1867 : memref<16x1024xf32, #tpu.memory_space<hbm>>) target_semaphore(%arg10 : memref<!tpu.dma_semaphore, #tpu.memory_space<semaphore_mem>>)
    %dma_start3A_1872 = arith.constant 1 : i32
    %dma_start3A_1873 = arith.constant 0 : i32
    %dma_start3A_1874 = arith.constant 0 : i32
    %dma_start3A_1875 = tpu.memref_slice %arg6[%dma_start3A_1872, %dma_start3A_1873, %dma_start3A_1874] : memref<3x16x1024xf32, #tpu.memory_space<vmem>> -> memref<1x16x1024xf32, #tpu.memory_space<vmem>>
    %dma_start3A_1876 = tpu.memref_squeeze %dma_start3A_1875 : memref<1x16x1024xf32, #tpu.memory_space<vmem>> -> memref<16x1024xf32, #tpu.memory_space<vmem>>
    %dma_start3A_1877 = arith.constant 448 : i32
    %dma_start3A_1878 = tpu.memref_slice %arg5[%dma_start3A_1877] : memref<512xi32, #tpu.memory_space<vmem>> -> memref<16xi32, #tpu.memory_space<vmem>>
    %dma_start3A_1879 = arith.constant 0 : i32
    %dma_start3A_1880 = arith.constant 0 : i32
    %dma_start3A_1881 = tpu.memref_slice %arg2[%dma_start3A_1879, %dma_start3A_1880] : memref<100000x1024xf32, #tpu.memory_space<hbm>> -> memref<100000x1024xf32, #tpu.memory_space<hbm>>
    tpu.enqueue_indirect_dma source(%dma_start3A_1881 : memref<100000x1024xf32, #tpu.memory_space<hbm>>) target(%dma_start3A_1876 : memref<16x1024xf32, #tpu.memory_space<vmem>>) offsets(%dma_start3A_1878 : memref<16xi32, #tpu.memory_space<vmem>>) semaphore(%arg8 : memref<!tpu.dma_semaphore, #tpu.memory_space<semaphore_mem>>)
    %dma_wait3A_1882 = arith.constant 2 : i32
    %dma_wait3A_1883 = arith.constant 0 : i32
    %dma_wait3A_1884 = arith.constant 0 : i32
    %dma_wait3A_1885 = tpu.memref_slice %arg6[%dma_wait3A_1882, %dma_wait3A_1883, %dma_wait3A_1884] : memref<3x16x1024xf32, #tpu.memory_space<vmem>> -> memref<1x16x1024xf32, #tpu.memory_space<vmem>>
    %dma_wait3A_1886 = tpu.memref_squeeze %dma_wait3A_1885 : memref<1x16x1024xf32, #tpu.memory_space<vmem>> -> memref<16x1024xf32, #tpu.memory_space<vmem>>
    %dma_wait3A_1887 = arith.constant 416 : i32
    %dma_wait3A_1888 = tpu.memref_slice %arg5[%dma_wait3A_1887] : memref<512xi32, #tpu.memory_space<vmem>> -> memref<16xi32, #tpu.memory_space<vmem>>
    %dma_wait3A_1889 = arith.constant 0 : i32
    %dma_wait3A_1890 = arith.constant 0 : i32
    %dma_wait3A_1891 = tpu.memref_slice %arg2[%dma_wait3A_1889, %dma_wait3A_1890] : memref<100000x1024xf32, #tpu.memory_space<hbm>> -> memref<100000x1024xf32, #tpu.memory_space<hbm>>
    tpu.wait_indirect_dma semaphore(%arg8 : memref<!tpu.dma_semaphore, #tpu.memory_space<semaphore_mem>>) src(%dma_wait3A_1891 : memref<100000x1024xf32, #tpu.memory_space<hbm>>) dst(%dma_wait3A_1886 : memref<16x1024xf32, #tpu.memory_space<vmem>>)
    %dma_wait3A_1892 = arith.constant 2 : i32
    %dma_wait3A_1893 = arith.constant 0 : i32
    %dma_wait3A_1894 = tpu.memref_slice %arg4[%add3A_1720, %dma_wait3A_1893] : memref<16384x1024xf32, #tpu.memory_space<hbm>> -> memref<16x1024xf32, #tpu.memory_space<hbm>>
    %dma_wait3A_1895 = arith.constant 0 : i32
    %dma_wait3A_1896 = arith.constant 0 : i32
    %dma_wait3A_1897 = tpu.memref_slice %arg7[%arg1, %dma_wait3A_1892, %dma_wait3A_1895, %dma_wait3A_1896] : memref<16x3x16x1024xf32, #tpu.memory_space<vmem_shared>> -> memref<1x1x16x1024xf32, #tpu.memory_space<vmem_shared>>
    %dma_wait3A_1898 = tpu.memref_squeeze %dma_wait3A_1897 : memref<1x1x16x1024xf32, #tpu.memory_space<vmem_shared>> -> memref<16x1024xf32, #tpu.memory_space<vmem_shared>>
    tpu.wait_dma2 semaphore(%arg10 : memref<!tpu.dma_semaphore, #tpu.memory_space<semaphore_mem>>) src(%dma_wait3A_1898 : memref<16x1024xf32, #tpu.memory_space<vmem_shared>>) dst(%dma_wait3A_1894 : memref<16x1024xf32, #tpu.memory_space<hbm>>)
    %dma_start3A_1899 = arith.constant 2 : i32
    %dma_start3A_1900 = arith.constant 2 : i32
    %dma_start3A_1901 = arith.constant 0 : i32
    %dma_start3A_1902 = arith.constant 0 : i32
    %dma_start3A_1903 = tpu.memref_slice %arg6[%dma_start3A_1899, %dma_start3A_1901, %dma_start3A_1902] : memref<3x16x1024xf32, #tpu.memory_space<vmem>> -> memref<1x16x1024xf32, #tpu.memory_space<vmem>>
    %dma_start3A_1904 = tpu.memref_squeeze %dma_start3A_1903 : memref<1x16x1024xf32, #tpu.memory_space<vmem>> -> memref<16x1024xf32, #tpu.memory_space<vmem>>
    %dma_start3A_1905 = arith.constant 0 : i32
    %dma_start3A_1906 = arith.constant 0 : i32
    %dma_start3A_1907 = tpu.memref_slice %arg7[%arg1, %dma_start3A_1900, %dma_start3A_1905, %dma_start3A_1906] : memref<16x3x16x1024xf32, #tpu.memory_space<vmem_shared>> -> memref<1x1x16x1024xf32, #tpu.memory_space<vmem_shared>>
    %dma_start3A_1908 = tpu.memref_squeeze %dma_start3A_1907 : memref<1x1x16x1024xf32, #tpu.memory_space<vmem_shared>> -> memref<16x1024xf32, #tpu.memory_space<vmem_shared>>
    %dma_start3A_1909 = arith.constant 0 : i32
    %dma_start3A_1910 = arith.constant 0 : i32
    %dma_start3A_1911 = tpu.memref_slice %arg7[%arg1, %dma_start3A_1900, %dma_start3A_1909, %dma_start3A_1910] : memref<16x3x16x1024xf32, #tpu.memory_space<vmem_shared>> -> memref<1x1x16x1024xf32, #tpu.memory_space<vmem_shared>>
    %dma_start3A_1912 = tpu.memref_squeeze %dma_start3A_1911 : memref<1x1x16x1024xf32, #tpu.memory_space<vmem_shared>> -> memref<16x1024xf32, #tpu.memory_space<vmem_shared>>
    %dma_start3A_1913 = arith.constant 0 : i32
    %dma_start3A_1914 = arith.constant 0 : i32
    %dma_start3A_1915 = tpu.memref_slice %arg6[%dma_start3A_1899, %dma_start3A_1913, %dma_start3A_1914] : memref<3x16x1024xf32, #tpu.memory_space<vmem>> -> memref<1x16x1024xf32, #tpu.memory_space<vmem>>
    %dma_start3A_1916 = tpu.memref_squeeze %dma_start3A_1915 : memref<1x16x1024xf32, #tpu.memory_space<vmem>> -> memref<16x1024xf32, #tpu.memory_space<vmem>>
    tpu.enqueue_dma source(%dma_start3A_1916 : memref<16x1024xf32, #tpu.memory_space<vmem>>) target(%dma_start3A_1912 : memref<16x1024xf32, #tpu.memory_space<vmem_shared>>) target_semaphore(%arg9 : memref<!tpu.dma_semaphore, #tpu.memory_space<semaphore_mem>>)
    %dma_wait3A_1917 = arith.constant 2 : i32
    %dma_wait3A_1918 = arith.constant 2 : i32
    %dma_wait3A_1919 = arith.constant 0 : i32
    %dma_wait3A_1920 = arith.constant 0 : i32
    %dma_wait3A_1921 = tpu.memref_slice %arg6[%dma_wait3A_1917, %dma_wait3A_1919, %dma_wait3A_1920] : memref<3x16x1024xf32, #tpu.memory_space<vmem>> -> memref<1x16x1024xf32, #tpu.memory_space<vmem>>
    %dma_wait3A_1922 = tpu.memref_squeeze %dma_wait3A_1921 : memref<1x16x1024xf32, #tpu.memory_space<vmem>> -> memref<16x1024xf32, #tpu.memory_space<vmem>>
    %dma_wait3A_1923 = arith.constant 0 : i32
    %dma_wait3A_1924 = arith.constant 0 : i32
    %dma_wait3A_1925 = tpu.memref_slice %arg7[%arg1, %dma_wait3A_1918, %dma_wait3A_1923, %dma_wait3A_1924] : memref<16x3x16x1024xf32, #tpu.memory_space<vmem_shared>> -> memref<1x1x16x1024xf32, #tpu.memory_space<vmem_shared>>
    %dma_wait3A_1926 = tpu.memref_squeeze %dma_wait3A_1925 : memref<1x1x16x1024xf32, #tpu.memory_space<vmem_shared>> -> memref<16x1024xf32, #tpu.memory_space<vmem_shared>>
    %dma_wait3A_1927 = arith.constant 0 : i32
    %dma_wait3A_1928 = arith.constant 0 : i32
    %dma_wait3A_1929 = tpu.memref_slice %arg7[%arg1, %dma_wait3A_1918, %dma_wait3A_1927, %dma_wait3A_1928] : memref<16x3x16x1024xf32, #tpu.memory_space<vmem_shared>> -> memref<1x1x16x1024xf32, #tpu.memory_space<vmem_shared>>
    %dma_wait3A_1930 = tpu.memref_squeeze %dma_wait3A_1929 : memref<1x1x16x1024xf32, #tpu.memory_space<vmem_shared>> -> memref<16x1024xf32, #tpu.memory_space<vmem_shared>>
    %dma_wait3A_1931 = arith.constant 0 : i32
    %dma_wait3A_1932 = arith.constant 0 : i32
    %dma_wait3A_1933 = tpu.memref_slice %arg6[%dma_wait3A_1917, %dma_wait3A_1931, %dma_wait3A_1932] : memref<3x16x1024xf32, #tpu.memory_space<vmem>> -> memref<1x16x1024xf32, #tpu.memory_space<vmem>>
    %dma_wait3A_1934 = tpu.memref_squeeze %dma_wait3A_1933 : memref<1x16x1024xf32, #tpu.memory_space<vmem>> -> memref<16x1024xf32, #tpu.memory_space<vmem>>
    tpu.wait_dma2 semaphore(%arg9 : memref<!tpu.dma_semaphore, #tpu.memory_space<semaphore_mem>>) src(%dma_wait3A_1934 : memref<16x1024xf32, #tpu.memory_space<vmem>>) dst(%dma_wait3A_1930 : memref<16x1024xf32, #tpu.memory_space<vmem_shared>>)
    %add3A_1935 = arith.constant 416 : i32
    %add3A_1936 = arith.addi %mul3A_2, %add3A_1935 : i32
    %dma_start3A_1937 = arith.constant 2 : i32
    %dma_start3A_1938 = arith.constant 0 : i32
    %dma_start3A_1939 = tpu.memref_slice %arg4[%add3A_1936, %dma_start3A_1938] : memref<16384x1024xf32, #tpu.memory_space<hbm>> -> memref<16x1024xf32, #tpu.memory_space<hbm>>
    %dma_start3A_1940 = arith.constant 0 : i32
    %dma_start3A_1941 = arith.constant 0 : i32
    %dma_start3A_1942 = tpu.memref_slice %arg7[%arg1, %dma_start3A_1937, %dma_start3A_1940, %dma_start3A_1941] : memref<16x3x16x1024xf32, #tpu.memory_space<vmem_shared>> -> memref<1x1x16x1024xf32, #tpu.memory_space<vmem_shared>>
    %dma_start3A_1943 = tpu.memref_squeeze %dma_start3A_1942 : memref<1x1x16x1024xf32, #tpu.memory_space<vmem_shared>> -> memref<16x1024xf32, #tpu.memory_space<vmem_shared>>
    tpu.enqueue_dma source(%dma_start3A_1943 : memref<16x1024xf32, #tpu.memory_space<vmem_shared>>) target(%dma_start3A_1939 : memref<16x1024xf32, #tpu.memory_space<hbm>>) target_semaphore(%arg10 : memref<!tpu.dma_semaphore, #tpu.memory_space<semaphore_mem>>)
    %dma_start3A_1944 = arith.constant 2 : i32
    %dma_start3A_1945 = arith.constant 0 : i32
    %dma_start3A_1946 = arith.constant 0 : i32
    %dma_start3A_1947 = tpu.memref_slice %arg6[%dma_start3A_1944, %dma_start3A_1945, %dma_start3A_1946] : memref<3x16x1024xf32, #tpu.memory_space<vmem>> -> memref<1x16x1024xf32, #tpu.memory_space<vmem>>
    %dma_start3A_1948 = tpu.memref_squeeze %dma_start3A_1947 : memref<1x16x1024xf32, #tpu.memory_space<vmem>> -> memref<16x1024xf32, #tpu.memory_space<vmem>>
    %dma_start3A_1949 = arith.constant 464 : i32
    %dma_start3A_1950 = tpu.memref_slice %arg5[%dma_start3A_1949] : memref<512xi32, #tpu.memory_space<vmem>> -> memref<16xi32, #tpu.memory_space<vmem>>
    %dma_start3A_1951 = arith.constant 0 : i32
    %dma_start3A_1952 = arith.constant 0 : i32
    %dma_start3A_1953 = tpu.memref_slice %arg2[%dma_start3A_1951, %dma_start3A_1952] : memref<100000x1024xf32, #tpu.memory_space<hbm>> -> memref<100000x1024xf32, #tpu.memory_space<hbm>>
    tpu.enqueue_indirect_dma source(%dma_start3A_1953 : memref<100000x1024xf32, #tpu.memory_space<hbm>>) target(%dma_start3A_1948 : memref<16x1024xf32, #tpu.memory_space<vmem>>) offsets(%dma_start3A_1950 : memref<16xi32, #tpu.memory_space<vmem>>) semaphore(%arg8 : memref<!tpu.dma_semaphore, #tpu.memory_space<semaphore_mem>>)
    %dma_wait3A_1954 = arith.constant 0 : i32
    %dma_wait3A_1955 = arith.constant 0 : i32
    %dma_wait3A_1956 = arith.constant 0 : i32
    %dma_wait3A_1957 = tpu.memref_slice %arg6[%dma_wait3A_1954, %dma_wait3A_1955, %dma_wait3A_1956] : memref<3x16x1024xf32, #tpu.memory_space<vmem>> -> memref<1x16x1024xf32, #tpu.memory_space<vmem>>
    %dma_wait3A_1958 = tpu.memref_squeeze %dma_wait3A_1957 : memref<1x16x1024xf32, #tpu.memory_space<vmem>> -> memref<16x1024xf32, #tpu.memory_space<vmem>>
    %dma_wait3A_1959 = arith.constant 432 : i32
    %dma_wait3A_1960 = tpu.memref_slice %arg5[%dma_wait3A_1959] : memref<512xi32, #tpu.memory_space<vmem>> -> memref<16xi32, #tpu.memory_space<vmem>>
    %dma_wait3A_1961 = arith.constant 0 : i32
    %dma_wait3A_1962 = arith.constant 0 : i32
    %dma_wait3A_1963 = tpu.memref_slice %arg2[%dma_wait3A_1961, %dma_wait3A_1962] : memref<100000x1024xf32, #tpu.memory_space<hbm>> -> memref<100000x1024xf32, #tpu.memory_space<hbm>>
    tpu.wait_indirect_dma semaphore(%arg8 : memref<!tpu.dma_semaphore, #tpu.memory_space<semaphore_mem>>) src(%dma_wait3A_1963 : memref<100000x1024xf32, #tpu.memory_space<hbm>>) dst(%dma_wait3A_1958 : memref<16x1024xf32, #tpu.memory_space<vmem>>)
    %dma_wait3A_1964 = arith.constant 0 : i32
    %dma_wait3A_1965 = arith.constant 0 : i32
    %dma_wait3A_1966 = tpu.memref_slice %arg4[%add3A_1792, %dma_wait3A_1965] : memref<16384x1024xf32, #tpu.memory_space<hbm>> -> memref<16x1024xf32, #tpu.memory_space<hbm>>
    %dma_wait3A_1967 = arith.constant 0 : i32
    %dma_wait3A_1968 = arith.constant 0 : i32
    %dma_wait3A_1969 = tpu.memref_slice %arg7[%arg1, %dma_wait3A_1964, %dma_wait3A_1967, %dma_wait3A_1968] : memref<16x3x16x1024xf32, #tpu.memory_space<vmem_shared>> -> memref<1x1x16x1024xf32, #tpu.memory_space<vmem_shared>>
    %dma_wait3A_1970 = tpu.memref_squeeze %dma_wait3A_1969 : memref<1x1x16x1024xf32, #tpu.memory_space<vmem_shared>> -> memref<16x1024xf32, #tpu.memory_space<vmem_shared>>
    tpu.wait_dma2 semaphore(%arg10 : memref<!tpu.dma_semaphore, #tpu.memory_space<semaphore_mem>>) src(%dma_wait3A_1970 : memref<16x1024xf32, #tpu.memory_space<vmem_shared>>) dst(%dma_wait3A_1966 : memref<16x1024xf32, #tpu.memory_space<hbm>>)
    %dma_start3A_1971 = arith.constant 0 : i32
    %dma_start3A_1972 = arith.constant 0 : i32
    %dma_start3A_1973 = arith.constant 0 : i32
    %dma_start3A_1974 = arith.constant 0 : i32
    %dma_start3A_1975 = tpu.memref_slice %arg6[%dma_start3A_1971, %dma_start3A_1973, %dma_start3A_1974] : memref<3x16x1024xf32, #tpu.memory_space<vmem>> -> memref<1x16x1024xf32, #tpu.memory_space<vmem>>
    %dma_start3A_1976 = tpu.memref_squeeze %dma_start3A_1975 : memref<1x16x1024xf32, #tpu.memory_space<vmem>> -> memref<16x1024xf32, #tpu.memory_space<vmem>>
    %dma_start3A_1977 = arith.constant 0 : i32
    %dma_start3A_1978 = arith.constant 0 : i32
    %dma_start3A_1979 = tpu.memref_slice %arg7[%arg1, %dma_start3A_1972, %dma_start3A_1977, %dma_start3A_1978] : memref<16x3x16x1024xf32, #tpu.memory_space<vmem_shared>> -> memref<1x1x16x1024xf32, #tpu.memory_space<vmem_shared>>
    %dma_start3A_1980 = tpu.memref_squeeze %dma_start3A_1979 : memref<1x1x16x1024xf32, #tpu.memory_space<vmem_shared>> -> memref<16x1024xf32, #tpu.memory_space<vmem_shared>>
    %dma_start3A_1981 = arith.constant 0 : i32
    %dma_start3A_1982 = arith.constant 0 : i32
    %dma_start3A_1983 = tpu.memref_slice %arg7[%arg1, %dma_start3A_1972, %dma_start3A_1981, %dma_start3A_1982] : memref<16x3x16x1024xf32, #tpu.memory_space<vmem_shared>> -> memref<1x1x16x1024xf32, #tpu.memory_space<vmem_shared>>
    %dma_start3A_1984 = tpu.memref_squeeze %dma_start3A_1983 : memref<1x1x16x1024xf32, #tpu.memory_space<vmem_shared>> -> memref<16x1024xf32, #tpu.memory_space<vmem_shared>>
    %dma_start3A_1985 = arith.constant 0 : i32
    %dma_start3A_1986 = arith.constant 0 : i32
    %dma_start3A_1987 = tpu.memref_slice %arg6[%dma_start3A_1971, %dma_start3A_1985, %dma_start3A_1986] : memref<3x16x1024xf32, #tpu.memory_space<vmem>> -> memref<1x16x1024xf32, #tpu.memory_space<vmem>>
    %dma_start3A_1988 = tpu.memref_squeeze %dma_start3A_1987 : memref<1x16x1024xf32, #tpu.memory_space<vmem>> -> memref<16x1024xf32, #tpu.memory_space<vmem>>
    tpu.enqueue_dma source(%dma_start3A_1988 : memref<16x1024xf32, #tpu.memory_space<vmem>>) target(%dma_start3A_1984 : memref<16x1024xf32, #tpu.memory_space<vmem_shared>>) target_semaphore(%arg9 : memref<!tpu.dma_semaphore, #tpu.memory_space<semaphore_mem>>)
    %dma_wait3A_1989 = arith.constant 0 : i32
    %dma_wait3A_1990 = arith.constant 0 : i32
    %dma_wait3A_1991 = arith.constant 0 : i32
    %dma_wait3A_1992 = arith.constant 0 : i32
    %dma_wait3A_1993 = tpu.memref_slice %arg6[%dma_wait3A_1989, %dma_wait3A_1991, %dma_wait3A_1992] : memref<3x16x1024xf32, #tpu.memory_space<vmem>> -> memref<1x16x1024xf32, #tpu.memory_space<vmem>>
    %dma_wait3A_1994 = tpu.memref_squeeze %dma_wait3A_1993 : memref<1x16x1024xf32, #tpu.memory_space<vmem>> -> memref<16x1024xf32, #tpu.memory_space<vmem>>
    %dma_wait3A_1995 = arith.constant 0 : i32
    %dma_wait3A_1996 = arith.constant 0 : i32
    %dma_wait3A_1997 = tpu.memref_slice %arg7[%arg1, %dma_wait3A_1990, %dma_wait3A_1995, %dma_wait3A_1996] : memref<16x3x16x1024xf32, #tpu.memory_space<vmem_shared>> -> memref<1x1x16x1024xf32, #tpu.memory_space<vmem_shared>>
    %dma_wait3A_1998 = tpu.memref_squeeze %dma_wait3A_1997 : memref<1x1x16x1024xf32, #tpu.memory_space<vmem_shared>> -> memref<16x1024xf32, #tpu.memory_space<vmem_shared>>
    %dma_wait3A_1999 = arith.constant 0 : i32
    %dma_wait3A_2000 = arith.constant 0 : i32
    %dma_wait3A_2001 = tpu.memref_slice %arg7[%arg1, %dma_wait3A_1990, %dma_wait3A_1999, %dma_wait3A_2000] : memref<16x3x16x1024xf32, #tpu.memory_space<vmem_shared>> -> memref<1x1x16x1024xf32, #tpu.memory_space<vmem_shared>>
    %dma_wait3A_2002 = tpu.memref_squeeze %dma_wait3A_2001 : memref<1x1x16x1024xf32, #tpu.memory_space<vmem_shared>> -> memref<16x1024xf32, #tpu.memory_space<vmem_shared>>
    %dma_wait3A_2003 = arith.constant 0 : i32
    %dma_wait3A_2004 = arith.constant 0 : i32
    %dma_wait3A_2005 = tpu.memref_slice %arg6[%dma_wait3A_1989, %dma_wait3A_2003, %dma_wait3A_2004] : memref<3x16x1024xf32, #tpu.memory_space<vmem>> -> memref<1x16x1024xf32, #tpu.memory_space<vmem>>
    %dma_wait3A_2006 = tpu.memref_squeeze %dma_wait3A_2005 : memref<1x16x1024xf32, #tpu.memory_space<vmem>> -> memref<16x1024xf32, #tpu.memory_space<vmem>>
    tpu.wait_dma2 semaphore(%arg9 : memref<!tpu.dma_semaphore, #tpu.memory_space<semaphore_mem>>) src(%dma_wait3A_2006 : memref<16x1024xf32, #tpu.memory_space<vmem>>) dst(%dma_wait3A_2002 : memref<16x1024xf32, #tpu.memory_space<vmem_shared>>)
    %add3A_2007 = arith.constant 432 : i32
    %add3A_2008 = arith.addi %mul3A_2, %add3A_2007 : i32
    %dma_start3A_2009 = arith.constant 0 : i32
    %dma_start3A_2010 = arith.constant 0 : i32
    %dma_start3A_2011 = tpu.memref_slice %arg4[%add3A_2008, %dma_start3A_2010] : memref<16384x1024xf32, #tpu.memory_space<hbm>> -> memref<16x1024xf32, #tpu.memory_space<hbm>>
    %dma_start3A_2012 = arith.constant 0 : i32
    %dma_start3A_2013 = arith.constant 0 : i32
    %dma_start3A_2014 = tpu.memref_slice %arg7[%arg1, %dma_start3A_2009, %dma_start3A_2012, %dma_start3A_2013] : memref<16x3x16x1024xf32, #tpu.memory_space<vmem_shared>> -> memref<1x1x16x1024xf32, #tpu.memory_space<vmem_shared>>
    %dma_start3A_2015 = tpu.memref_squeeze %dma_start3A_2014 : memref<1x1x16x1024xf32, #tpu.memory_space<vmem_shared>> -> memref<16x1024xf32, #tpu.memory_space<vmem_shared>>
    tpu.enqueue_dma source(%dma_start3A_2015 : memref<16x1024xf32, #tpu.memory_space<vmem_shared>>) target(%dma_start3A_2011 : memref<16x1024xf32, #tpu.memory_space<hbm>>) target_semaphore(%arg10 : memref<!tpu.dma_semaphore, #tpu.memory_space<semaphore_mem>>)
    %dma_start3A_2016 = arith.constant 0 : i32
    %dma_start3A_2017 = arith.constant 0 : i32
    %dma_start3A_2018 = arith.constant 0 : i32
    %dma_start3A_2019 = tpu.memref_slice %arg6[%dma_start3A_2016, %dma_start3A_2017, %dma_start3A_2018] : memref<3x16x1024xf32, #tpu.memory_space<vmem>> -> memref<1x16x1024xf32, #tpu.memory_space<vmem>>
    %dma_start3A_2020 = tpu.memref_squeeze %dma_start3A_2019 : memref<1x16x1024xf32, #tpu.memory_space<vmem>> -> memref<16x1024xf32, #tpu.memory_space<vmem>>
    %dma_start3A_2021 = arith.constant 480 : i32
    %dma_start3A_2022 = tpu.memref_slice %arg5[%dma_start3A_2021] : memref<512xi32, #tpu.memory_space<vmem>> -> memref<16xi32, #tpu.memory_space<vmem>>
    %dma_start3A_2023 = arith.constant 0 : i32
    %dma_start3A_2024 = arith.constant 0 : i32
    %dma_start3A_2025 = tpu.memref_slice %arg2[%dma_start3A_2023, %dma_start3A_2024] : memref<100000x1024xf32, #tpu.memory_space<hbm>> -> memref<100000x1024xf32, #tpu.memory_space<hbm>>
    tpu.enqueue_indirect_dma source(%dma_start3A_2025 : memref<100000x1024xf32, #tpu.memory_space<hbm>>) target(%dma_start3A_2020 : memref<16x1024xf32, #tpu.memory_space<vmem>>) offsets(%dma_start3A_2022 : memref<16xi32, #tpu.memory_space<vmem>>) semaphore(%arg8 : memref<!tpu.dma_semaphore, #tpu.memory_space<semaphore_mem>>)
    %dma_wait3A_2026 = arith.constant 1 : i32
    %dma_wait3A_2027 = arith.constant 0 : i32
    %dma_wait3A_2028 = arith.constant 0 : i32
    %dma_wait3A_2029 = tpu.memref_slice %arg6[%dma_wait3A_2026, %dma_wait3A_2027, %dma_wait3A_2028] : memref<3x16x1024xf32, #tpu.memory_space<vmem>> -> memref<1x16x1024xf32, #tpu.memory_space<vmem>>
    %dma_wait3A_2030 = tpu.memref_squeeze %dma_wait3A_2029 : memref<1x16x1024xf32, #tpu.memory_space<vmem>> -> memref<16x1024xf32, #tpu.memory_space<vmem>>
    %dma_wait3A_2031 = arith.constant 448 : i32
    %dma_wait3A_2032 = tpu.memref_slice %arg5[%dma_wait3A_2031] : memref<512xi32, #tpu.memory_space<vmem>> -> memref<16xi32, #tpu.memory_space<vmem>>
    %dma_wait3A_2033 = arith.constant 0 : i32
    %dma_wait3A_2034 = arith.constant 0 : i32
    %dma_wait3A_2035 = tpu.memref_slice %arg2[%dma_wait3A_2033, %dma_wait3A_2034] : memref<100000x1024xf32, #tpu.memory_space<hbm>> -> memref<100000x1024xf32, #tpu.memory_space<hbm>>
    tpu.wait_indirect_dma semaphore(%arg8 : memref<!tpu.dma_semaphore, #tpu.memory_space<semaphore_mem>>) src(%dma_wait3A_2035 : memref<100000x1024xf32, #tpu.memory_space<hbm>>) dst(%dma_wait3A_2030 : memref<16x1024xf32, #tpu.memory_space<vmem>>)
    %dma_wait3A_2036 = arith.constant 1 : i32
    %dma_wait3A_2037 = arith.constant 0 : i32
    %dma_wait3A_2038 = tpu.memref_slice %arg4[%add3A_1864, %dma_wait3A_2037] : memref<16384x1024xf32, #tpu.memory_space<hbm>> -> memref<16x1024xf32, #tpu.memory_space<hbm>>
    %dma_wait3A_2039 = arith.constant 0 : i32
    %dma_wait3A_2040 = arith.constant 0 : i32
    %dma_wait3A_2041 = tpu.memref_slice %arg7[%arg1, %dma_wait3A_2036, %dma_wait3A_2039, %dma_wait3A_2040] : memref<16x3x16x1024xf32, #tpu.memory_space<vmem_shared>> -> memref<1x1x16x1024xf32, #tpu.memory_space<vmem_shared>>
    %dma_wait3A_2042 = tpu.memref_squeeze %dma_wait3A_2041 : memref<1x1x16x1024xf32, #tpu.memory_space<vmem_shared>> -> memref<16x1024xf32, #tpu.memory_space<vmem_shared>>
    tpu.wait_dma2 semaphore(%arg10 : memref<!tpu.dma_semaphore, #tpu.memory_space<semaphore_mem>>) src(%dma_wait3A_2042 : memref<16x1024xf32, #tpu.memory_space<vmem_shared>>) dst(%dma_wait3A_2038 : memref<16x1024xf32, #tpu.memory_space<hbm>>)
    %dma_start3A_2043 = arith.constant 1 : i32
    %dma_start3A_2044 = arith.constant 1 : i32
    %dma_start3A_2045 = arith.constant 0 : i32
    %dma_start3A_2046 = arith.constant 0 : i32
    %dma_start3A_2047 = tpu.memref_slice %arg6[%dma_start3A_2043, %dma_start3A_2045, %dma_start3A_2046] : memref<3x16x1024xf32, #tpu.memory_space<vmem>> -> memref<1x16x1024xf32, #tpu.memory_space<vmem>>
    %dma_start3A_2048 = tpu.memref_squeeze %dma_start3A_2047 : memref<1x16x1024xf32, #tpu.memory_space<vmem>> -> memref<16x1024xf32, #tpu.memory_space<vmem>>
    %dma_start3A_2049 = arith.constant 0 : i32
    %dma_start3A_2050 = arith.constant 0 : i32
    %dma_start3A_2051 = tpu.memref_slice %arg7[%arg1, %dma_start3A_2044, %dma_start3A_2049, %dma_start3A_2050] : memref<16x3x16x1024xf32, #tpu.memory_space<vmem_shared>> -> memref<1x1x16x1024xf32, #tpu.memory_space<vmem_shared>>
    %dma_start3A_2052 = tpu.memref_squeeze %dma_start3A_2051 : memref<1x1x16x1024xf32, #tpu.memory_space<vmem_shared>> -> memref<16x1024xf32, #tpu.memory_space<vmem_shared>>
    %dma_start3A_2053 = arith.constant 0 : i32
    %dma_start3A_2054 = arith.constant 0 : i32
    %dma_start3A_2055 = tpu.memref_slice %arg7[%arg1, %dma_start3A_2044, %dma_start3A_2053, %dma_start3A_2054] : memref<16x3x16x1024xf32, #tpu.memory_space<vmem_shared>> -> memref<1x1x16x1024xf32, #tpu.memory_space<vmem_shared>>
    %dma_start3A_2056 = tpu.memref_squeeze %dma_start3A_2055 : memref<1x1x16x1024xf32, #tpu.memory_space<vmem_shared>> -> memref<16x1024xf32, #tpu.memory_space<vmem_shared>>
    %dma_start3A_2057 = arith.constant 0 : i32
    %dma_start3A_2058 = arith.constant 0 : i32
    %dma_start3A_2059 = tpu.memref_slice %arg6[%dma_start3A_2043, %dma_start3A_2057, %dma_start3A_2058] : memref<3x16x1024xf32, #tpu.memory_space<vmem>> -> memref<1x16x1024xf32, #tpu.memory_space<vmem>>
    %dma_start3A_2060 = tpu.memref_squeeze %dma_start3A_2059 : memref<1x16x1024xf32, #tpu.memory_space<vmem>> -> memref<16x1024xf32, #tpu.memory_space<vmem>>
    tpu.enqueue_dma source(%dma_start3A_2060 : memref<16x1024xf32, #tpu.memory_space<vmem>>) target(%dma_start3A_2056 : memref<16x1024xf32, #tpu.memory_space<vmem_shared>>) target_semaphore(%arg9 : memref<!tpu.dma_semaphore, #tpu.memory_space<semaphore_mem>>)
    %dma_wait3A_2061 = arith.constant 1 : i32
    %dma_wait3A_2062 = arith.constant 1 : i32
    %dma_wait3A_2063 = arith.constant 0 : i32
    %dma_wait3A_2064 = arith.constant 0 : i32
    %dma_wait3A_2065 = tpu.memref_slice %arg6[%dma_wait3A_2061, %dma_wait3A_2063, %dma_wait3A_2064] : memref<3x16x1024xf32, #tpu.memory_space<vmem>> -> memref<1x16x1024xf32, #tpu.memory_space<vmem>>
    %dma_wait3A_2066 = tpu.memref_squeeze %dma_wait3A_2065 : memref<1x16x1024xf32, #tpu.memory_space<vmem>> -> memref<16x1024xf32, #tpu.memory_space<vmem>>
    %dma_wait3A_2067 = arith.constant 0 : i32
    %dma_wait3A_2068 = arith.constant 0 : i32
    %dma_wait3A_2069 = tpu.memref_slice %arg7[%arg1, %dma_wait3A_2062, %dma_wait3A_2067, %dma_wait3A_2068] : memref<16x3x16x1024xf32, #tpu.memory_space<vmem_shared>> -> memref<1x1x16x1024xf32, #tpu.memory_space<vmem_shared>>
    %dma_wait3A_2070 = tpu.memref_squeeze %dma_wait3A_2069 : memref<1x1x16x1024xf32, #tpu.memory_space<vmem_shared>> -> memref<16x1024xf32, #tpu.memory_space<vmem_shared>>
    %dma_wait3A_2071 = arith.constant 0 : i32
    %dma_wait3A_2072 = arith.constant 0 : i32
    %dma_wait3A_2073 = tpu.memref_slice %arg7[%arg1, %dma_wait3A_2062, %dma_wait3A_2071, %dma_wait3A_2072] : memref<16x3x16x1024xf32, #tpu.memory_space<vmem_shared>> -> memref<1x1x16x1024xf32, #tpu.memory_space<vmem_shared>>
    %dma_wait3A_2074 = tpu.memref_squeeze %dma_wait3A_2073 : memref<1x1x16x1024xf32, #tpu.memory_space<vmem_shared>> -> memref<16x1024xf32, #tpu.memory_space<vmem_shared>>
    %dma_wait3A_2075 = arith.constant 0 : i32
    %dma_wait3A_2076 = arith.constant 0 : i32
    %dma_wait3A_2077 = tpu.memref_slice %arg6[%dma_wait3A_2061, %dma_wait3A_2075, %dma_wait3A_2076] : memref<3x16x1024xf32, #tpu.memory_space<vmem>> -> memref<1x16x1024xf32, #tpu.memory_space<vmem>>
    %dma_wait3A_2078 = tpu.memref_squeeze %dma_wait3A_2077 : memref<1x16x1024xf32, #tpu.memory_space<vmem>> -> memref<16x1024xf32, #tpu.memory_space<vmem>>
    tpu.wait_dma2 semaphore(%arg9 : memref<!tpu.dma_semaphore, #tpu.memory_space<semaphore_mem>>) src(%dma_wait3A_2078 : memref<16x1024xf32, #tpu.memory_space<vmem>>) dst(%dma_wait3A_2074 : memref<16x1024xf32, #tpu.memory_space<vmem_shared>>)
    %add3A_2079 = arith.constant 448 : i32
    %add3A_2080 = arith.addi %mul3A_2, %add3A_2079 : i32
    %dma_start3A_2081 = arith.constant 1 : i32
    %dma_start3A_2082 = arith.constant 0 : i32
    %dma_start3A_2083 = tpu.memref_slice %arg4[%add3A_2080, %dma_start3A_2082] : memref<16384x1024xf32, #tpu.memory_space<hbm>> -> memref<16x1024xf32, #tpu.memory_space<hbm>>
    %dma_start3A_2084 = arith.constant 0 : i32
    %dma_start3A_2085 = arith.constant 0 : i32
    %dma_start3A_2086 = tpu.memref_slice %arg7[%arg1, %dma_start3A_2081, %dma_start3A_2084, %dma_start3A_2085] : memref<16x3x16x1024xf32, #tpu.memory_space<vmem_shared>> -> memref<1x1x16x1024xf32, #tpu.memory_space<vmem_shared>>
    %dma_start3A_2087 = tpu.memref_squeeze %dma_start3A_2086 : memref<1x1x16x1024xf32, #tpu.memory_space<vmem_shared>> -> memref<16x1024xf32, #tpu.memory_space<vmem_shared>>
    tpu.enqueue_dma source(%dma_start3A_2087 : memref<16x1024xf32, #tpu.memory_space<vmem_shared>>) target(%dma_start3A_2083 : memref<16x1024xf32, #tpu.memory_space<hbm>>) target_semaphore(%arg10 : memref<!tpu.dma_semaphore, #tpu.memory_space<semaphore_mem>>)
    %dma_start3A_2088 = arith.constant 1 : i32
    %dma_start3A_2089 = arith.constant 0 : i32
    %dma_start3A_2090 = arith.constant 0 : i32
    %dma_start3A_2091 = tpu.memref_slice %arg6[%dma_start3A_2088, %dma_start3A_2089, %dma_start3A_2090] : memref<3x16x1024xf32, #tpu.memory_space<vmem>> -> memref<1x16x1024xf32, #tpu.memory_space<vmem>>
    %dma_start3A_2092 = tpu.memref_squeeze %dma_start3A_2091 : memref<1x16x1024xf32, #tpu.memory_space<vmem>> -> memref<16x1024xf32, #tpu.memory_space<vmem>>
    %dma_start3A_2093 = arith.constant 496 : i32
    %dma_start3A_2094 = tpu.memref_slice %arg5[%dma_start3A_2093] : memref<512xi32, #tpu.memory_space<vmem>> -> memref<16xi32, #tpu.memory_space<vmem>>
    %dma_start3A_2095 = arith.constant 0 : i32
    %dma_start3A_2096 = arith.constant 0 : i32
    %dma_start3A_2097 = tpu.memref_slice %arg2[%dma_start3A_2095, %dma_start3A_2096] : memref<100000x1024xf32, #tpu.memory_space<hbm>> -> memref<100000x1024xf32, #tpu.memory_space<hbm>>
    tpu.enqueue_indirect_dma source(%dma_start3A_2097 : memref<100000x1024xf32, #tpu.memory_space<hbm>>) target(%dma_start3A_2092 : memref<16x1024xf32, #tpu.memory_space<vmem>>) offsets(%dma_start3A_2094 : memref<16xi32, #tpu.memory_space<vmem>>) semaphore(%arg8 : memref<!tpu.dma_semaphore, #tpu.memory_space<semaphore_mem>>)
    %dma_wait3A_2098 = arith.constant 2 : i32
    %dma_wait3A_2099 = arith.constant 0 : i32
    %dma_wait3A_2100 = arith.constant 0 : i32
    %dma_wait3A_2101 = tpu.memref_slice %arg6[%dma_wait3A_2098, %dma_wait3A_2099, %dma_wait3A_2100] : memref<3x16x1024xf32, #tpu.memory_space<vmem>> -> memref<1x16x1024xf32, #tpu.memory_space<vmem>>
    %dma_wait3A_2102 = tpu.memref_squeeze %dma_wait3A_2101 : memref<1x16x1024xf32, #tpu.memory_space<vmem>> -> memref<16x1024xf32, #tpu.memory_space<vmem>>
    %dma_wait3A_2103 = arith.constant 464 : i32
    %dma_wait3A_2104 = tpu.memref_slice %arg5[%dma_wait3A_2103] : memref<512xi32, #tpu.memory_space<vmem>> -> memref<16xi32, #tpu.memory_space<vmem>>
    %dma_wait3A_2105 = arith.constant 0 : i32
    %dma_wait3A_2106 = arith.constant 0 : i32
    %dma_wait3A_2107 = tpu.memref_slice %arg2[%dma_wait3A_2105, %dma_wait3A_2106] : memref<100000x1024xf32, #tpu.memory_space<hbm>> -> memref<100000x1024xf32, #tpu.memory_space<hbm>>
    tpu.wait_indirect_dma semaphore(%arg8 : memref<!tpu.dma_semaphore, #tpu.memory_space<semaphore_mem>>) src(%dma_wait3A_2107 : memref<100000x1024xf32, #tpu.memory_space<hbm>>) dst(%dma_wait3A_2102 : memref<16x1024xf32, #tpu.memory_space<vmem>>)
    %dma_wait3A_2108 = arith.constant 2 : i32
    %dma_wait3A_2109 = arith.constant 0 : i32
    %dma_wait3A_2110 = tpu.memref_slice %arg4[%add3A_1936, %dma_wait3A_2109] : memref<16384x1024xf32, #tpu.memory_space<hbm>> -> memref<16x1024xf32, #tpu.memory_space<hbm>>
    %dma_wait3A_2111 = arith.constant 0 : i32
    %dma_wait3A_2112 = arith.constant 0 : i32
    %dma_wait3A_2113 = tpu.memref_slice %arg7[%arg1, %dma_wait3A_2108, %dma_wait3A_2111, %dma_wait3A_2112] : memref<16x3x16x1024xf32, #tpu.memory_space<vmem_shared>> -> memref<1x1x16x1024xf32, #tpu.memory_space<vmem_shared>>
    %dma_wait3A_2114 = tpu.memref_squeeze %dma_wait3A_2113 : memref<1x1x16x1024xf32, #tpu.memory_space<vmem_shared>> -> memref<16x1024xf32, #tpu.memory_space<vmem_shared>>
    tpu.wait_dma2 semaphore(%arg10 : memref<!tpu.dma_semaphore, #tpu.memory_space<semaphore_mem>>) src(%dma_wait3A_2114 : memref<16x1024xf32, #tpu.memory_space<vmem_shared>>) dst(%dma_wait3A_2110 : memref<16x1024xf32, #tpu.memory_space<hbm>>)
    %dma_start3A_2115 = arith.constant 2 : i32
    %dma_start3A_2116 = arith.constant 2 : i32
    %dma_start3A_2117 = arith.constant 0 : i32
    %dma_start3A_2118 = arith.constant 0 : i32
    %dma_start3A_2119 = tpu.memref_slice %arg6[%dma_start3A_2115, %dma_start3A_2117, %dma_start3A_2118] : memref<3x16x1024xf32, #tpu.memory_space<vmem>> -> memref<1x16x1024xf32, #tpu.memory_space<vmem>>
    %dma_start3A_2120 = tpu.memref_squeeze %dma_start3A_2119 : memref<1x16x1024xf32, #tpu.memory_space<vmem>> -> memref<16x1024xf32, #tpu.memory_space<vmem>>
    %dma_start3A_2121 = arith.constant 0 : i32
    %dma_start3A_2122 = arith.constant 0 : i32
    %dma_start3A_2123 = tpu.memref_slice %arg7[%arg1, %dma_start3A_2116, %dma_start3A_2121, %dma_start3A_2122] : memref<16x3x16x1024xf32, #tpu.memory_space<vmem_shared>> -> memref<1x1x16x1024xf32, #tpu.memory_space<vmem_shared>>
    %dma_start3A_2124 = tpu.memref_squeeze %dma_start3A_2123 : memref<1x1x16x1024xf32, #tpu.memory_space<vmem_shared>> -> memref<16x1024xf32, #tpu.memory_space<vmem_shared>>
    %dma_start3A_2125 = arith.constant 0 : i32
    %dma_start3A_2126 = arith.constant 0 : i32
    %dma_start3A_2127 = tpu.memref_slice %arg7[%arg1, %dma_start3A_2116, %dma_start3A_2125, %dma_start3A_2126] : memref<16x3x16x1024xf32, #tpu.memory_space<vmem_shared>> -> memref<1x1x16x1024xf32, #tpu.memory_space<vmem_shared>>
    %dma_start3A_2128 = tpu.memref_squeeze %dma_start3A_2127 : memref<1x1x16x1024xf32, #tpu.memory_space<vmem_shared>> -> memref<16x1024xf32, #tpu.memory_space<vmem_shared>>
    %dma_start3A_2129 = arith.constant 0 : i32
    %dma_start3A_2130 = arith.constant 0 : i32
    %dma_start3A_2131 = tpu.memref_slice %arg6[%dma_start3A_2115, %dma_start3A_2129, %dma_start3A_2130] : memref<3x16x1024xf32, #tpu.memory_space<vmem>> -> memref<1x16x1024xf32, #tpu.memory_space<vmem>>
    %dma_start3A_2132 = tpu.memref_squeeze %dma_start3A_2131 : memref<1x16x1024xf32, #tpu.memory_space<vmem>> -> memref<16x1024xf32, #tpu.memory_space<vmem>>
    tpu.enqueue_dma source(%dma_start3A_2132 : memref<16x1024xf32, #tpu.memory_space<vmem>>) target(%dma_start3A_2128 : memref<16x1024xf32, #tpu.memory_space<vmem_shared>>) target_semaphore(%arg9 : memref<!tpu.dma_semaphore, #tpu.memory_space<semaphore_mem>>)
    %dma_wait3A_2133 = arith.constant 2 : i32
    %dma_wait3A_2134 = arith.constant 2 : i32
    %dma_wait3A_2135 = arith.constant 0 : i32
    %dma_wait3A_2136 = arith.constant 0 : i32
    %dma_wait3A_2137 = tpu.memref_slice %arg6[%dma_wait3A_2133, %dma_wait3A_2135, %dma_wait3A_2136] : memref<3x16x1024xf32, #tpu.memory_space<vmem>> -> memref<1x16x1024xf32, #tpu.memory_space<vmem>>
    %dma_wait3A_2138 = tpu.memref_squeeze %dma_wait3A_2137 : memref<1x16x1024xf32, #tpu.memory_space<vmem>> -> memref<16x1024xf32, #tpu.memory_space<vmem>>
    %dma_wait3A_2139 = arith.constant 0 : i32
    %dma_wait3A_2140 = arith.constant 0 : i32
    %dma_wait3A_2141 = tpu.memref_slice %arg7[%arg1, %dma_wait3A_2134, %dma_wait3A_2139, %dma_wait3A_2140] : memref<16x3x16x1024xf32, #tpu.memory_space<vmem_shared>> -> memref<1x1x16x1024xf32, #tpu.memory_space<vmem_shared>>
    %dma_wait3A_2142 = tpu.memref_squeeze %dma_wait3A_2141 : memref<1x1x16x1024xf32, #tpu.memory_space<vmem_shared>> -> memref<16x1024xf32, #tpu.memory_space<vmem_shared>>
    %dma_wait3A_2143 = arith.constant 0 : i32
    %dma_wait3A_2144 = arith.constant 0 : i32
    %dma_wait3A_2145 = tpu.memref_slice %arg7[%arg1, %dma_wait3A_2134, %dma_wait3A_2143, %dma_wait3A_2144] : memref<16x3x16x1024xf32, #tpu.memory_space<vmem_shared>> -> memref<1x1x16x1024xf32, #tpu.memory_space<vmem_shared>>
    %dma_wait3A_2146 = tpu.memref_squeeze %dma_wait3A_2145 : memref<1x1x16x1024xf32, #tpu.memory_space<vmem_shared>> -> memref<16x1024xf32, #tpu.memory_space<vmem_shared>>
    %dma_wait3A_2147 = arith.constant 0 : i32
    %dma_wait3A_2148 = arith.constant 0 : i32
    %dma_wait3A_2149 = tpu.memref_slice %arg6[%dma_wait3A_2133, %dma_wait3A_2147, %dma_wait3A_2148] : memref<3x16x1024xf32, #tpu.memory_space<vmem>> -> memref<1x16x1024xf32, #tpu.memory_space<vmem>>
    %dma_wait3A_2150 = tpu.memref_squeeze %dma_wait3A_2149 : memref<1x16x1024xf32, #tpu.memory_space<vmem>> -> memref<16x1024xf32, #tpu.memory_space<vmem>>
    tpu.wait_dma2 semaphore(%arg9 : memref<!tpu.dma_semaphore, #tpu.memory_space<semaphore_mem>>) src(%dma_wait3A_2150 : memref<16x1024xf32, #tpu.memory_space<vmem>>) dst(%dma_wait3A_2146 : memref<16x1024xf32, #tpu.memory_space<vmem_shared>>)
    %add3A_2151 = arith.constant 464 : i32
    %add3A_2152 = arith.addi %mul3A_2, %add3A_2151 : i32
    %dma_start3A_2153 = arith.constant 2 : i32
    %dma_start3A_2154 = arith.constant 0 : i32
    %dma_start3A_2155 = tpu.memref_slice %arg4[%add3A_2152, %dma_start3A_2154] : memref<16384x1024xf32, #tpu.memory_space<hbm>> -> memref<16x1024xf32, #tpu.memory_space<hbm>>
    %dma_start3A_2156 = arith.constant 0 : i32
    %dma_start3A_2157 = arith.constant 0 : i32
    %dma_start3A_2158 = tpu.memref_slice %arg7[%arg1, %dma_start3A_2153, %dma_start3A_2156, %dma_start3A_2157] : memref<16x3x16x1024xf32, #tpu.memory_space<vmem_shared>> -> memref<1x1x16x1024xf32, #tpu.memory_space<vmem_shared>>
    %dma_start3A_2159 = tpu.memref_squeeze %dma_start3A_2158 : memref<1x1x16x1024xf32, #tpu.memory_space<vmem_shared>> -> memref<16x1024xf32, #tpu.memory_space<vmem_shared>>
    tpu.enqueue_dma source(%dma_start3A_2159 : memref<16x1024xf32, #tpu.memory_space<vmem_shared>>) target(%dma_start3A_2155 : memref<16x1024xf32, #tpu.memory_space<hbm>>) target_semaphore(%arg10 : memref<!tpu.dma_semaphore, #tpu.memory_space<semaphore_mem>>)
    %dma_wait3A_2160 = arith.constant 0 : i32
    %dma_wait3A_2161 = arith.constant 0 : i32
    %dma_wait3A_2162 = arith.constant 0 : i32
    %dma_wait3A_2163 = tpu.memref_slice %arg6[%dma_wait3A_2160, %dma_wait3A_2161, %dma_wait3A_2162] : memref<3x16x1024xf32, #tpu.memory_space<vmem>> -> memref<1x16x1024xf32, #tpu.memory_space<vmem>>
    %dma_wait3A_2164 = tpu.memref_squeeze %dma_wait3A_2163 : memref<1x16x1024xf32, #tpu.memory_space<vmem>> -> memref<16x1024xf32, #tpu.memory_space<vmem>>
    %dma_wait3A_2165 = arith.constant 480 : i32
    %dma_wait3A_2166 = tpu.memref_slice %arg5[%dma_wait3A_2165] : memref<512xi32, #tpu.memory_space<vmem>> -> memref<16xi32, #tpu.memory_space<vmem>>
    %dma_wait3A_2167 = arith.constant 0 : i32
    %dma_wait3A_2168 = arith.constant 0 : i32
    %dma_wait3A_2169 = tpu.memref_slice %arg2[%dma_wait3A_2167, %dma_wait3A_2168] : memref<100000x1024xf32, #tpu.memory_space<hbm>> -> memref<100000x1024xf32, #tpu.memory_space<hbm>>
    tpu.wait_indirect_dma semaphore(%arg8 : memref<!tpu.dma_semaphore, #tpu.memory_space<semaphore_mem>>) src(%dma_wait3A_2169 : memref<100000x1024xf32, #tpu.memory_space<hbm>>) dst(%dma_wait3A_2164 : memref<16x1024xf32, #tpu.memory_space<vmem>>)
    %dma_wait3A_2170 = arith.constant 0 : i32
    %dma_wait3A_2171 = arith.constant 0 : i32
    %dma_wait3A_2172 = tpu.memref_slice %arg4[%add3A_2008, %dma_wait3A_2171] : memref<16384x1024xf32, #tpu.memory_space<hbm>> -> memref<16x1024xf32, #tpu.memory_space<hbm>>
    %dma_wait3A_2173 = arith.constant 0 : i32
    %dma_wait3A_2174 = arith.constant 0 : i32
    %dma_wait3A_2175 = tpu.memref_slice %arg7[%arg1, %dma_wait3A_2170, %dma_wait3A_2173, %dma_wait3A_2174] : memref<16x3x16x1024xf32, #tpu.memory_space<vmem_shared>> -> memref<1x1x16x1024xf32, #tpu.memory_space<vmem_shared>>
    %dma_wait3A_2176 = tpu.memref_squeeze %dma_wait3A_2175 : memref<1x1x16x1024xf32, #tpu.memory_space<vmem_shared>> -> memref<16x1024xf32, #tpu.memory_space<vmem_shared>>
    tpu.wait_dma2 semaphore(%arg10 : memref<!tpu.dma_semaphore, #tpu.memory_space<semaphore_mem>>) src(%dma_wait3A_2176 : memref<16x1024xf32, #tpu.memory_space<vmem_shared>>) dst(%dma_wait3A_2172 : memref<16x1024xf32, #tpu.memory_space<hbm>>)
    %dma_start3A_2177 = arith.constant 0 : i32
    %dma_start3A_2178 = arith.constant 0 : i32
    %dma_start3A_2179 = arith.constant 0 : i32
    %dma_start3A_2180 = arith.constant 0 : i32
    %dma_start3A_2181 = tpu.memref_slice %arg6[%dma_start3A_2177, %dma_start3A_2179, %dma_start3A_2180] : memref<3x16x1024xf32, #tpu.memory_space<vmem>> -> memref<1x16x1024xf32, #tpu.memory_space<vmem>>
    %dma_start3A_2182 = tpu.memref_squeeze %dma_start3A_2181 : memref<1x16x1024xf32, #tpu.memory_space<vmem>> -> memref<16x1024xf32, #tpu.memory_space<vmem>>
    %dma_start3A_2183 = arith.constant 0 : i32
    %dma_start3A_2184 = arith.constant 0 : i32
    %dma_start3A_2185 = tpu.memref_slice %arg7[%arg1, %dma_start3A_2178, %dma_start3A_2183, %dma_start3A_2184] : memref<16x3x16x1024xf32, #tpu.memory_space<vmem_shared>> -> memref<1x1x16x1024xf32, #tpu.memory_space<vmem_shared>>
    %dma_start3A_2186 = tpu.memref_squeeze %dma_start3A_2185 : memref<1x1x16x1024xf32, #tpu.memory_space<vmem_shared>> -> memref<16x1024xf32, #tpu.memory_space<vmem_shared>>
    %dma_start3A_2187 = arith.constant 0 : i32
    %dma_start3A_2188 = arith.constant 0 : i32
    %dma_start3A_2189 = tpu.memref_slice %arg7[%arg1, %dma_start3A_2178, %dma_start3A_2187, %dma_start3A_2188] : memref<16x3x16x1024xf32, #tpu.memory_space<vmem_shared>> -> memref<1x1x16x1024xf32, #tpu.memory_space<vmem_shared>>
    %dma_start3A_2190 = tpu.memref_squeeze %dma_start3A_2189 : memref<1x1x16x1024xf32, #tpu.memory_space<vmem_shared>> -> memref<16x1024xf32, #tpu.memory_space<vmem_shared>>
    %dma_start3A_2191 = arith.constant 0 : i32
    %dma_start3A_2192 = arith.constant 0 : i32
    %dma_start3A_2193 = tpu.memref_slice %arg6[%dma_start3A_2177, %dma_start3A_2191, %dma_start3A_2192] : memref<3x16x1024xf32, #tpu.memory_space<vmem>> -> memref<1x16x1024xf32, #tpu.memory_space<vmem>>
    %dma_start3A_2194 = tpu.memref_squeeze %dma_start3A_2193 : memref<1x16x1024xf32, #tpu.memory_space<vmem>> -> memref<16x1024xf32, #tpu.memory_space<vmem>>
    tpu.enqueue_dma source(%dma_start3A_2194 : memref<16x1024xf32, #tpu.memory_space<vmem>>) target(%dma_start3A_2190 : memref<16x1024xf32, #tpu.memory_space<vmem_shared>>) target_semaphore(%arg9 : memref<!tpu.dma_semaphore, #tpu.memory_space<semaphore_mem>>)
    %dma_wait3A_2195 = arith.constant 0 : i32
    %dma_wait3A_2196 = arith.constant 0 : i32
    %dma_wait3A_2197 = arith.constant 0 : i32
    %dma_wait3A_2198 = arith.constant 0 : i32
    %dma_wait3A_2199 = tpu.memref_slice %arg6[%dma_wait3A_2195, %dma_wait3A_2197, %dma_wait3A_2198] : memref<3x16x1024xf32, #tpu.memory_space<vmem>> -> memref<1x16x1024xf32, #tpu.memory_space<vmem>>
    %dma_wait3A_2200 = tpu.memref_squeeze %dma_wait3A_2199 : memref<1x16x1024xf32, #tpu.memory_space<vmem>> -> memref<16x1024xf32, #tpu.memory_space<vmem>>
    %dma_wait3A_2201 = arith.constant 0 : i32
    %dma_wait3A_2202 = arith.constant 0 : i32
    %dma_wait3A_2203 = tpu.memref_slice %arg7[%arg1, %dma_wait3A_2196, %dma_wait3A_2201, %dma_wait3A_2202] : memref<16x3x16x1024xf32, #tpu.memory_space<vmem_shared>> -> memref<1x1x16x1024xf32, #tpu.memory_space<vmem_shared>>
    %dma_wait3A_2204 = tpu.memref_squeeze %dma_wait3A_2203 : memref<1x1x16x1024xf32, #tpu.memory_space<vmem_shared>> -> memref<16x1024xf32, #tpu.memory_space<vmem_shared>>
    %dma_wait3A_2205 = arith.constant 0 : i32
    %dma_wait3A_2206 = arith.constant 0 : i32
    %dma_wait3A_2207 = tpu.memref_slice %arg7[%arg1, %dma_wait3A_2196, %dma_wait3A_2205, %dma_wait3A_2206] : memref<16x3x16x1024xf32, #tpu.memory_space<vmem_shared>> -> memref<1x1x16x1024xf32, #tpu.memory_space<vmem_shared>>
    %dma_wait3A_2208 = tpu.memref_squeeze %dma_wait3A_2207 : memref<1x1x16x1024xf32, #tpu.memory_space<vmem_shared>> -> memref<16x1024xf32, #tpu.memory_space<vmem_shared>>
    %dma_wait3A_2209 = arith.constant 0 : i32
    %dma_wait3A_2210 = arith.constant 0 : i32
    %dma_wait3A_2211 = tpu.memref_slice %arg6[%dma_wait3A_2195, %dma_wait3A_2209, %dma_wait3A_2210] : memref<3x16x1024xf32, #tpu.memory_space<vmem>> -> memref<1x16x1024xf32, #tpu.memory_space<vmem>>
    %dma_wait3A_2212 = tpu.memref_squeeze %dma_wait3A_2211 : memref<1x16x1024xf32, #tpu.memory_space<vmem>> -> memref<16x1024xf32, #tpu.memory_space<vmem>>
    tpu.wait_dma2 semaphore(%arg9 : memref<!tpu.dma_semaphore, #tpu.memory_space<semaphore_mem>>) src(%dma_wait3A_2212 : memref<16x1024xf32, #tpu.memory_space<vmem>>) dst(%dma_wait3A_2208 : memref<16x1024xf32, #tpu.memory_space<vmem_shared>>)
    %add3A_2213 = arith.constant 480 : i32
    %add3A_2214 = arith.addi %mul3A_2, %add3A_2213 : i32
    %dma_start3A_2215 = arith.constant 0 : i32
    %dma_start3A_2216 = arith.constant 0 : i32
    %dma_start3A_2217 = tpu.memref_slice %arg4[%add3A_2214, %dma_start3A_2216] : memref<16384x1024xf32, #tpu.memory_space<hbm>> -> memref<16x1024xf32, #tpu.memory_space<hbm>>
    %dma_start3A_2218 = arith.constant 0 : i32
    %dma_start3A_2219 = arith.constant 0 : i32
    %dma_start3A_2220 = tpu.memref_slice %arg7[%arg1, %dma_start3A_2215, %dma_start3A_2218, %dma_start3A_2219] : memref<16x3x16x1024xf32, #tpu.memory_space<vmem_shared>> -> memref<1x1x16x1024xf32, #tpu.memory_space<vmem_shared>>
    %dma_start3A_2221 = tpu.memref_squeeze %dma_start3A_2220 : memref<1x1x16x1024xf32, #tpu.memory_space<vmem_shared>> -> memref<16x1024xf32, #tpu.memory_space<vmem_shared>>
    tpu.enqueue_dma source(%dma_start3A_2221 : memref<16x1024xf32, #tpu.memory_space<vmem_shared>>) target(%dma_start3A_2217 : memref<16x1024xf32, #tpu.memory_space<hbm>>) target_semaphore(%arg10 : memref<!tpu.dma_semaphore, #tpu.memory_space<semaphore_mem>>)
    %dma_wait3A_2222 = arith.constant 1 : i32
    %dma_wait3A_2223 = arith.constant 0 : i32
    %dma_wait3A_2224 = arith.constant 0 : i32
    %dma_wait3A_2225 = tpu.memref_slice %arg6[%dma_wait3A_2222, %dma_wait3A_2223, %dma_wait3A_2224] : memref<3x16x1024xf32, #tpu.memory_space<vmem>> -> memref<1x16x1024xf32, #tpu.memory_space<vmem>>
    %dma_wait3A_2226 = tpu.memref_squeeze %dma_wait3A_2225 : memref<1x16x1024xf32, #tpu.memory_space<vmem>> -> memref<16x1024xf32, #tpu.memory_space<vmem>>
    %dma_wait3A_2227 = arith.constant 496 : i32
    %dma_wait3A_2228 = tpu.memref_slice %arg5[%dma_wait3A_2227] : memref<512xi32, #tpu.memory_space<vmem>> -> memref<16xi32, #tpu.memory_space<vmem>>
    %dma_wait3A_2229 = arith.constant 0 : i32
    %dma_wait3A_2230 = arith.constant 0 : i32
    %dma_wait3A_2231 = tpu.memref_slice %arg2[%dma_wait3A_2229, %dma_wait3A_2230] : memref<100000x1024xf32, #tpu.memory_space<hbm>> -> memref<100000x1024xf32, #tpu.memory_space<hbm>>
    tpu.wait_indirect_dma semaphore(%arg8 : memref<!tpu.dma_semaphore, #tpu.memory_space<semaphore_mem>>) src(%dma_wait3A_2231 : memref<100000x1024xf32, #tpu.memory_space<hbm>>) dst(%dma_wait3A_2226 : memref<16x1024xf32, #tpu.memory_space<vmem>>)
    %dma_wait3A_2232 = arith.constant 1 : i32
    %dma_wait3A_2233 = arith.constant 0 : i32
    %dma_wait3A_2234 = tpu.memref_slice %arg4[%add3A_2080, %dma_wait3A_2233] : memref<16384x1024xf32, #tpu.memory_space<hbm>> -> memref<16x1024xf32, #tpu.memory_space<hbm>>
    %dma_wait3A_2235 = arith.constant 0 : i32
    %dma_wait3A_2236 = arith.constant 0 : i32
    %dma_wait3A_2237 = tpu.memref_slice %arg7[%arg1, %dma_wait3A_2232, %dma_wait3A_2235, %dma_wait3A_2236] : memref<16x3x16x1024xf32, #tpu.memory_space<vmem_shared>> -> memref<1x1x16x1024xf32, #tpu.memory_space<vmem_shared>>
    %dma_wait3A_2238 = tpu.memref_squeeze %dma_wait3A_2237 : memref<1x1x16x1024xf32, #tpu.memory_space<vmem_shared>> -> memref<16x1024xf32, #tpu.memory_space<vmem_shared>>
    tpu.wait_dma2 semaphore(%arg10 : memref<!tpu.dma_semaphore, #tpu.memory_space<semaphore_mem>>) src(%dma_wait3A_2238 : memref<16x1024xf32, #tpu.memory_space<vmem_shared>>) dst(%dma_wait3A_2234 : memref<16x1024xf32, #tpu.memory_space<hbm>>)
    %dma_start3A_2239 = arith.constant 1 : i32
    %dma_start3A_2240 = arith.constant 1 : i32
    %dma_start3A_2241 = arith.constant 0 : i32
    %dma_start3A_2242 = arith.constant 0 : i32
    %dma_start3A_2243 = tpu.memref_slice %arg6[%dma_start3A_2239, %dma_start3A_2241, %dma_start3A_2242] : memref<3x16x1024xf32, #tpu.memory_space<vmem>> -> memref<1x16x1024xf32, #tpu.memory_space<vmem>>
    %dma_start3A_2244 = tpu.memref_squeeze %dma_start3A_2243 : memref<1x16x1024xf32, #tpu.memory_space<vmem>> -> memref<16x1024xf32, #tpu.memory_space<vmem>>
    %dma_start3A_2245 = arith.constant 0 : i32
    %dma_start3A_2246 = arith.constant 0 : i32
    %dma_start3A_2247 = tpu.memref_slice %arg7[%arg1, %dma_start3A_2240, %dma_start3A_2245, %dma_start3A_2246] : memref<16x3x16x1024xf32, #tpu.memory_space<vmem_shared>> -> memref<1x1x16x1024xf32, #tpu.memory_space<vmem_shared>>
    %dma_start3A_2248 = tpu.memref_squeeze %dma_start3A_2247 : memref<1x1x16x1024xf32, #tpu.memory_space<vmem_shared>> -> memref<16x1024xf32, #tpu.memory_space<vmem_shared>>
    %dma_start3A_2249 = arith.constant 0 : i32
    %dma_start3A_2250 = arith.constant 0 : i32
    %dma_start3A_2251 = tpu.memref_slice %arg7[%arg1, %dma_start3A_2240, %dma_start3A_2249, %dma_start3A_2250] : memref<16x3x16x1024xf32, #tpu.memory_space<vmem_shared>> -> memref<1x1x16x1024xf32, #tpu.memory_space<vmem_shared>>
    %dma_start3A_2252 = tpu.memref_squeeze %dma_start3A_2251 : memref<1x1x16x1024xf32, #tpu.memory_space<vmem_shared>> -> memref<16x1024xf32, #tpu.memory_space<vmem_shared>>
    %dma_start3A_2253 = arith.constant 0 : i32
    %dma_start3A_2254 = arith.constant 0 : i32
    %dma_start3A_2255 = tpu.memref_slice %arg6[%dma_start3A_2239, %dma_start3A_2253, %dma_start3A_2254] : memref<3x16x1024xf32, #tpu.memory_space<vmem>> -> memref<1x16x1024xf32, #tpu.memory_space<vmem>>
    %dma_start3A_2256 = tpu.memref_squeeze %dma_start3A_2255 : memref<1x16x1024xf32, #tpu.memory_space<vmem>> -> memref<16x1024xf32, #tpu.memory_space<vmem>>
    tpu.enqueue_dma source(%dma_start3A_2256 : memref<16x1024xf32, #tpu.memory_space<vmem>>) target(%dma_start3A_2252 : memref<16x1024xf32, #tpu.memory_space<vmem_shared>>) target_semaphore(%arg9 : memref<!tpu.dma_semaphore, #tpu.memory_space<semaphore_mem>>)
    %dma_wait3A_2257 = arith.constant 1 : i32
    %dma_wait3A_2258 = arith.constant 1 : i32
    %dma_wait3A_2259 = arith.constant 0 : i32
    %dma_wait3A_2260 = arith.constant 0 : i32
    %dma_wait3A_2261 = tpu.memref_slice %arg6[%dma_wait3A_2257, %dma_wait3A_2259, %dma_wait3A_2260] : memref<3x16x1024xf32, #tpu.memory_space<vmem>> -> memref<1x16x1024xf32, #tpu.memory_space<vmem>>
    %dma_wait3A_2262 = tpu.memref_squeeze %dma_wait3A_2261 : memref<1x16x1024xf32, #tpu.memory_space<vmem>> -> memref<16x1024xf32, #tpu.memory_space<vmem>>
    %dma_wait3A_2263 = arith.constant 0 : i32
    %dma_wait3A_2264 = arith.constant 0 : i32
    %dma_wait3A_2265 = tpu.memref_slice %arg7[%arg1, %dma_wait3A_2258, %dma_wait3A_2263, %dma_wait3A_2264] : memref<16x3x16x1024xf32, #tpu.memory_space<vmem_shared>> -> memref<1x1x16x1024xf32, #tpu.memory_space<vmem_shared>>
    %dma_wait3A_2266 = tpu.memref_squeeze %dma_wait3A_2265 : memref<1x1x16x1024xf32, #tpu.memory_space<vmem_shared>> -> memref<16x1024xf32, #tpu.memory_space<vmem_shared>>
    %dma_wait3A_2267 = arith.constant 0 : i32
    %dma_wait3A_2268 = arith.constant 0 : i32
    %dma_wait3A_2269 = tpu.memref_slice %arg7[%arg1, %dma_wait3A_2258, %dma_wait3A_2267, %dma_wait3A_2268] : memref<16x3x16x1024xf32, #tpu.memory_space<vmem_shared>> -> memref<1x1x16x1024xf32, #tpu.memory_space<vmem_shared>>
    %dma_wait3A_2270 = tpu.memref_squeeze %dma_wait3A_2269 : memref<1x1x16x1024xf32, #tpu.memory_space<vmem_shared>> -> memref<16x1024xf32, #tpu.memory_space<vmem_shared>>
    %dma_wait3A_2271 = arith.constant 0 : i32
    %dma_wait3A_2272 = arith.constant 0 : i32
    %dma_wait3A_2273 = tpu.memref_slice %arg6[%dma_wait3A_2257, %dma_wait3A_2271, %dma_wait3A_2272] : memref<3x16x1024xf32, #tpu.memory_space<vmem>> -> memref<1x16x1024xf32, #tpu.memory_space<vmem>>
    %dma_wait3A_2274 = tpu.memref_squeeze %dma_wait3A_2273 : memref<1x16x1024xf32, #tpu.memory_space<vmem>> -> memref<16x1024xf32, #tpu.memory_space<vmem>>
    tpu.wait_dma2 semaphore(%arg9 : memref<!tpu.dma_semaphore, #tpu.memory_space<semaphore_mem>>) src(%dma_wait3A_2274 : memref<16x1024xf32, #tpu.memory_space<vmem>>) dst(%dma_wait3A_2270 : memref<16x1024xf32, #tpu.memory_space<vmem_shared>>)
    %add3A_2275 = arith.constant 496 : i32
    %add3A_2276 = arith.addi %mul3A_2, %add3A_2275 : i32
    %dma_start3A_2277 = arith.constant 1 : i32
    %dma_start3A_2278 = arith.constant 0 : i32
    %dma_start3A_2279 = tpu.memref_slice %arg4[%add3A_2276, %dma_start3A_2278] : memref<16384x1024xf32, #tpu.memory_space<hbm>> -> memref<16x1024xf32, #tpu.memory_space<hbm>>
    %dma_start3A_2280 = arith.constant 0 : i32
    %dma_start3A_2281 = arith.constant 0 : i32
    %dma_start3A_2282 = tpu.memref_slice %arg7[%arg1, %dma_start3A_2277, %dma_start3A_2280, %dma_start3A_2281] : memref<16x3x16x1024xf32, #tpu.memory_space<vmem_shared>> -> memref<1x1x16x1024xf32, #tpu.memory_space<vmem_shared>>
    %dma_start3A_2283 = tpu.memref_squeeze %dma_start3A_2282 : memref<1x1x16x1024xf32, #tpu.memory_space<vmem_shared>> -> memref<16x1024xf32, #tpu.memory_space<vmem_shared>>
    tpu.enqueue_dma source(%dma_start3A_2283 : memref<16x1024xf32, #tpu.memory_space<vmem_shared>>) target(%dma_start3A_2279 : memref<16x1024xf32, #tpu.memory_space<hbm>>) target_semaphore(%arg10 : memref<!tpu.dma_semaphore, #tpu.memory_space<semaphore_mem>>)
    %dma_wait3A_2284 = arith.constant 2 : i32
    %dma_wait3A_2285 = arith.constant 0 : i32
    %dma_wait3A_2286 = tpu.memref_slice %arg4[%add3A_2152, %dma_wait3A_2285] : memref<16384x1024xf32, #tpu.memory_space<hbm>> -> memref<16x1024xf32, #tpu.memory_space<hbm>>
    %dma_wait3A_2287 = arith.constant 0 : i32
    %dma_wait3A_2288 = arith.constant 0 : i32
    %dma_wait3A_2289 = tpu.memref_slice %arg7[%arg1, %dma_wait3A_2284, %dma_wait3A_2287, %dma_wait3A_2288] : memref<16x3x16x1024xf32, #tpu.memory_space<vmem_shared>> -> memref<1x1x16x1024xf32, #tpu.memory_space<vmem_shared>>
    %dma_wait3A_2290 = tpu.memref_squeeze %dma_wait3A_2289 : memref<1x1x16x1024xf32, #tpu.memory_space<vmem_shared>> -> memref<16x1024xf32, #tpu.memory_space<vmem_shared>>
    tpu.wait_dma2 semaphore(%arg10 : memref<!tpu.dma_semaphore, #tpu.memory_space<semaphore_mem>>) src(%dma_wait3A_2290 : memref<16x1024xf32, #tpu.memory_space<vmem_shared>>) dst(%dma_wait3A_2286 : memref<16x1024xf32, #tpu.memory_space<hbm>>)
    %dma_wait3A_2291 = arith.constant 0 : i32
    %dma_wait3A_2292 = arith.constant 0 : i32
    %dma_wait3A_2293 = tpu.memref_slice %arg4[%add3A_2214, %dma_wait3A_2292] : memref<16384x1024xf32, #tpu.memory_space<hbm>> -> memref<16x1024xf32, #tpu.memory_space<hbm>>
    %dma_wait3A_2294 = arith.constant 0 : i32
    %dma_wait3A_2295 = arith.constant 0 : i32
    %dma_wait3A_2296 = tpu.memref_slice %arg7[%arg1, %dma_wait3A_2291, %dma_wait3A_2294, %dma_wait3A_2295] : memref<16x3x16x1024xf32, #tpu.memory_space<vmem_shared>> -> memref<1x1x16x1024xf32, #tpu.memory_space<vmem_shared>>
    %dma_wait3A_2297 = tpu.memref_squeeze %dma_wait3A_2296 : memref<1x1x16x1024xf32, #tpu.memory_space<vmem_shared>> -> memref<16x1024xf32, #tpu.memory_space<vmem_shared>>
    tpu.wait_dma2 semaphore(%arg10 : memref<!tpu.dma_semaphore, #tpu.memory_space<semaphore_mem>>) src(%dma_wait3A_2297 : memref<16x1024xf32, #tpu.memory_space<vmem_shared>>) dst(%dma_wait3A_2293 : memref<16x1024xf32, #tpu.memory_space<hbm>>)
    %dma_wait3A_2298 = arith.constant 1 : i32
    %dma_wait3A_2299 = arith.constant 0 : i32
    %dma_wait3A_2300 = tpu.memref_slice %arg4[%add3A_2276, %dma_wait3A_2299] : memref<16384x1024xf32, #tpu.memory_space<hbm>> -> memref<16x1024xf32, #tpu.memory_space<hbm>>
    %dma_wait3A_2301 = arith.constant 0 : i32
    %dma_wait3A_2302 = arith.constant 0 : i32
    %dma_wait3A_2303 = tpu.memref_slice %arg7[%arg1, %dma_wait3A_2298, %dma_wait3A_2301, %dma_wait3A_2302] : memref<16x3x16x1024xf32, #tpu.memory_space<vmem_shared>> -> memref<1x1x16x1024xf32, #tpu.memory_space<vmem_shared>>
    %dma_wait3A_2304 = tpu.memref_squeeze %dma_wait3A_2303 : memref<1x1x16x1024xf32, #tpu.memory_space<vmem_shared>> -> memref<16x1024xf32, #tpu.memory_space<vmem_shared>>
    tpu.wait_dma2 semaphore(%arg10 : memref<!tpu.dma_semaphore, #tpu.memory_space<semaphore_mem>>) src(%dma_wait3A_2304 : memref<16x1024xf32, #tpu.memory_space<vmem_shared>>) dst(%dma_wait3A_2300 : memref<16x1024xf32, #tpu.memory_space<hbm>>)
    return
  }
}

</mosaic_0001>

<sc_bundles>
// kernel: kernel.3.cloned.1.call-start
scs
__scs_entry_jumppad:
0x0: {  	(pc) =	sbr.rel $0x88, $3  }
0x1: {  	(tag) =	ssettag $0x0;
	lr =	simm.s32 $0x1  }
0x2: {  	[smem:$0x3F9F] =	sst lr;
	_ =	strace $0xD0000000  }
0x3: {  	_ = 	snop  }
0x4: {  	_ = 	snop  }
0x5: {  	_ = 	snop  }
0x6: {  	_ = 	snop  }
0x7: {  	_ = 	snop  }
__scs_overlays_trampoline_lowered:
0x8: {  	[smem:$0x3FAE] =	sst s0  }
0x9: {  	[smem:$0x3FAF] =	sst s1  }
0xa: {  	[smem:$0x3FB0] =	sst s2  }
0xb: {  	[smem:$0x3FB1] =	sst s3  }
0xc: {  	[smem:$0x3FB2] =	sst s4  }
0xd: {  	[smem:$0x3FB3] =	sst s5  }
0xe: {  	[smem:$0x3FB4] =	sst s6  }
0xf: {  	[smem:$0x3FB5] =	sst s7  }
0x10: {  	[smem:$0x3FB6] =	sst s8  }
0x11: {  	[smem:$0x3FB7] =	sst s9;
	s0 =	simm.s32 @!p0 $0x0  }
0x12: {  	s1 =	sld [smem:$0x3F9D];
	s0 =	simm.s32 @p0 $0x1  }
0x13: {  	[smem:$0x3FB8] =	sst s0;
	s0 =	simm.s32 @!p1 $0x0  }
0x14: {  	s2 =	sld [smem:$0x3F9C];
	s0 =	simm.s32 @p1 $0x1  }
0x15: {  	[smem:$0x3FB9] =	sst s0;
	s0 =	simm.s32 @!p2 $0x0  }
0x16: {  	s3 =	sld [smem:$0x3FDB];
	s0 =	simm.s32 @p2 $0x1  }
0x17: {  	s4 =	simm.s32 $0x1BF5;
	[smem:$0x3FBB] =	sst s0  }
0x18: {  	s0 =	sld [smem:$0x3F9E];
	_ =	swait.ge [sflag:s4], $0x0  }
0x19: {  	s7 =	sld [smem:$0x3F9F]  }
0x1a: {  	s8 =	sadd.s32 $0xFFFFE003, lr  }
0x1b: {  	s9 =	sadd.s32 $0xFFFFFEF7, lr;
	s5 =	simm.s32 $0xFFFFFFFF;
	p2 =	slt.u32 s8, $0xFFFFF086  }
0x1c: {  	p1 =	slt.u32 s9, $0xF7A;
	s5 =	simm.s32 @!p2 $0x0  }
0x1d: {  	s5 =	simm.s32 @p1 $0x1;
	p0 =	seq.s32 s7, s2  }
0x1e: {  	s7 =	smul.u32 @!p0 $0xF7A, s2;
	p2 =	seq.s32 @!p0 s5, $0x0  }
0x1f: {  	s9 =	smul.u32 $0xF7A, s1;
	s8 =	simm.s32 @!p0 $0x1BF5;
	p2 =	por !p2, p0  }
0x20: {  	[sflag:s8] =	ssyncset.s32 @!p0 $0xFFFFF086;
	s6 =	sadd.s32 @!p0 s3, s7;
	s7 =	simm.s32 @!p0 $0x108  }
0x21: {  	s3 =	sadd.s32 s3, s9;
	s6 =	sadd.s32 @!p0 $0x88, s6;
	s7 =	simm.s32 @p2 $0x1082  }
0x22: {  	[simem:s7], [sflag:s8] =	dma.local @!p0 [hbm:s6], $0xF7A  }
0x23: {  	s9 =	sor.u32 $0xD0000000, s2;
	s6 =	simm.s32 $0x108;
	_ =	swait.ge @!p0 [sflag:s8], $0x0  }
0x24: {  	s3 =	sadd.s32 $0x88, s3;
	s6 =	simm.s32 @!p1 $0x1082;
	[sflag:s4] =	ssyncset.s32 $0xFFFFF086  }
0x25: {  	[simem:s6], [sflag:s4] =	dma.local [hbm:s3], $0xF7A  }
0x26: {  	[smem:$0x3F9F] =	sst s1;
	(tag) =	ssettag s2;
	_ =	strace s9  }
0x27: {  	s1 =	sld [smem:$0x3FAF]  }
0x28: {  	s2 =	sld [smem:$0x3FB0]  }
0x29: {  	s4 =	sld [smem:$0x3FB2]  }
0x2a: {  	p0 =	seq.s32 s5, $0x0;
	s5 =	sld [smem:$0x3FB3]  }
0x2b: {  	s6 =	sld [smem:$0x3FB4]  }
0x2c: {  	s7 =	sld [smem:$0x3FB5]  }
0x2d: {  	s3 =	simm.s32 $0x108;
	s8 =	sld [smem:$0x3FB6]  }
0x2e: {  	s3 =	simm.s32 @!p0 $0x1082;
	s9 =	sld [smem:$0x3FB7]  }
0x2f: {  	lr =	sadd.s32 s0, s3;
	s0 =	sld [smem:$0x3FAE]  }
0x30: {  	s3 =	sld [smem:$0x3FB1]  }
0x31: {  	[smem:$0x3FBA] =	sst s10  }
0x32: {  	s10 =	sld [smem:$0x3FB8];
	_ =	sdelay $0x3  }
0x33: {  	p0 =	seq.s32 s10, $0x1;
	s10 =	sld [smem:$0x3FBA];
	_ =	sdelay $0x3  }
0x34: {  	[smem:$0x3FBA] =	sst s10  }
0x35: {  	s10 =	sld [smem:$0x3FB9];
	_ =	sdelay $0x3  }
0x36: {  	p1 =	seq.s32 s10, $0x1;
	s10 =	sld [smem:$0x3FBA];
	_ =	sdelay $0x3  }
0x37: {  	[smem:$0x3FBA] =	sst s10  }
0x38: {  	s10 =	sld [smem:$0x3FBB]  }
0x39: {  	_ = 	snop;
	(pc) =	sbr.ind lr, $3  }
0x3a: {  	_ = 	snop  }
0x3b: {  	_ = 	snop  }
0x3c: {  	p2 =	seq.s32 s10, $0x1;
	s10 =	sld [smem:$0x3FBA]  }
0x3d: {  	_ =	shalt  }
0x3e: {  	_ =	shalt  }
0x3f: {  	_ =	shalt  }
0x40: {  	_ =	shalt  }
0x41: {  	_ =	shalt  }
0x42: {  	_ =	shalt  }
0x43: {  	_ =	shalt  }
0x44: {  	_ =	shalt  }
0x45: {  	_ =	shalt  }
0x46: {  	_ =	shalt  }
0x47: {  	_ =	shalt  }
0x48: {  	_ =	shalt  }
0x49: {  	_ =	shalt  }
0x4a: {  	_ =	shalt  }
0x4b: {  	_ =	shalt  }
0x4c: {  	_ =	shalt  }
0x4d: {  	_ =	shalt  }
0x4e: {  	_ =	shalt  }
0x4f: {  	_ =	shalt  }
0x50: {  	_ =	shalt  }
0x51: {  	_ =	shalt  }
0x52: {  	_ =	shalt  }
0x53: {  	_ =	shalt  }
0x54: {  	_ =	shalt  }
0x55: {  	_ =	shalt  }
0x56: {  	_ =	shalt  }
0x57: {  	_ =	shalt  }
0x58: {  	_ =	shalt  }
0x59: {  	_ =	shalt  }
0x5a: {  	_ =	shalt  }
0x5b: {  	_ =	shalt  }
0x5c: {  	_ =	shalt  }
0x5d: {  	_ =	shalt  }
0x5e: {  	_ =	shalt  }
0x5f: {  	_ =	shalt  }
0x60: {  	_ =	shalt  }
0x61: {  	_ =	shalt  }
0x62: {  	_ =	shalt  }
0x63: {  	_ =	shalt  }
0x64: {  	_ =	shalt  }
0x65: {  	_ =	shalt  }
0x66: {  	_ =	shalt  }
0x67: {  	_ =	shalt  }
0x68: {  	_ =	shalt  }
0x69: {  	_ =	shalt  }
0x6a: {  	_ =	shalt  }
0x6b: {  	_ =	shalt  }
0x6c: {  	_ =	shalt  }
0x6d: {  	_ =	shalt  }
0x6e: {  	_ =	shalt  }
0x6f: {  	_ =	shalt  }
0x70: {  	_ =	shalt  }
0x71: {  	_ =	shalt  }
0x72: {  	_ =	shalt  }
0x73: {  	_ =	shalt  }
0x74: {  	_ =	shalt  }
0x75: {  	_ =	shalt  }
0x76: {  	_ =	shalt  }
0x77: {  	_ =	shalt  }
0x78: {  	_ =	shalt  }
0x79: {  	_ =	shalt  }
0x7a: {  	_ =	shalt  }
0x7b: {  	_ =	shalt  }
0x7c: {  	_ =	shalt  }
0x7d: {  	_ =	shalt  }
0x7e: {  	_ =	shalt  }
0x7f: {  	_ =	shalt  }
0x80: {  	_ =	shalt  }
0x81: {  	_ =	shalt  }
0x82: {  	_ =	shalt  }
0x83: {  	_ =	shalt  }
0x84: {  	_ =	shalt  }
0x85: {  	_ =	shalt  }
0x86: {  	_ =	shalt  }
0x87: {  	_ =	shalt  }
.Lfunc_end0:
.L_simem_size_0:
called_computation_lowered:
.L_overlay_start_0:
0x88: {  	s2 =	sld [smem:$0x3FD9]  }
0x89: {  	s3 =	sld [smem:$0x3FFE];
	_ =	sdelay $0x1  }
0x8a: {  	s1 =	srdreg.scid  }
0x8b: {  	s0 =	sand.u32 $0x1, s1  }
0x8c: {  	s18 =	sshll.u32 s0, $0xA;
	s2 =	sadd.s32 s3, s2  }
0x8d: {  	s2 =	sadd.s32 s2, s18  }
0x8e: {  	[smem:$0x3FC6] =	sst s2  }
0x8f: {  	_ = 	snop  }
0x90: {  	s2 =	sld [smem:$0x3FC9]  }
0x91: {  	s19 =	sld [smem:$0x3FC8]  }
0x92: {  	s4 =	sld [smem:$0x3FD0];
	(tm) =	ssettm $0x1  }
0x93: {  	s5 =	sld [smem:$0x3FFB];
	_ =	sdelay $0x3  }
0x94: {  	_ =	strace s5  }
0x95: {  	s5 =	sld [smem:$0x3FFC];
	_ =	sdelay $0x3  }
0x96: {  	_ =	strace s5  }
0x97: {  	s5 =	sld [smem:$0x3FFD];
	_ =	sdelay $0x3  }
0x98: {  	_ =	strace s5  }
0x99: {  	_ =	strace $0x8FFFFFFF  }
0x9a: {  	s20 =	sld [smem:$0x3FDB];
	_ =	sdelay $0x1  }
0x9b: {  	s6 =	simm.s32 $_scs_section_size  }
0x9c: {  	s7 =	simm.s32 $_size__tile_overlayer_lowered;
	s8 =	simm.s32 $_tile_overlayer_lowered  }
0x9d: {  	s23 =	simm.s32 $0x1BFF;
	s22 =	sshll.u32 s8, $0x1;
	s5 =	sadd.s32 s6, s20  }
0x9e: {  	s9 =	simm.s32 $0x0;
	s21 =	sshll.u32 s7, $0x1;
	s7 =	sadd.s32 s22, s5  }
0x9f: {  	[timem:s9], [sflag:s23] =	dma.local [hbm:s7], s21  }
0xa0: {  	_ =	swait.ge [sflag:s23], s21  }
0xa1: {  	s6 =	ssub.s32 $0x0, s21;
	[sflag:s23] =	ssyncset.done $0x0  }
0xa2: {  	[sflag:s23] =	ssyncadd.s32 s6;
	_ =	sdelay $0x1  }
0xa3: {  	s24 =	simm.s32 $0x1B8B  }
0xa4: {  	_ =	swait.ge [sflag:s24], $0x1  }
0xa5: {  	[sflag:s24] =	ssyncset.done $0x0  }
0xa6: {  	s25 =	simm.s32 $0x1B8E;
	[sflag:s24] =	ssyncadd.s32 $0xFFFFFFFF  }
0xa7: {  	s26 =	simm.s32 $execute0_lowered;
	[smem:$0x3FD2] =	sst s25  }
0xa8: {  	s6 =	sshll.u32 s26, $0x1;
	_ =	strace $0x80000046;
	[dreg:$0x1] =	wrdreg $0xFFFFFFFF  }
0xa9: {  	s28 =	simm.s32 $_size_execute0_lowered;
	s5 =	sadd.s32 s5, s6;
	[dreg:$0x0] =	wrdreg $0x0  }
0xaa: {  	s6 =	sshll.u32 s28, $0x1;
	[dreg:$0x2] =	wrdreg s5  }
0xab: {  	[dreg:$0x3] =	wrdreg s6  }
0xac: {  	[dreg:$0x4] =	wrdreg $0xC0  }
0xad: {  	_ =	task [dreg:s9], $0x5FFFF  }
0xae: {  	[dreg:$0x1] =	wrdreg $0xFFFFFFFF  }
0xaf: {  	[dreg:$0x0] =	wrdreg $0x60  }
0xb0: {  	[dreg:$0x2] =	wrdreg s19  }
0xb1: {  	[dreg:$0x3] =	wrdreg s2  }
0xb2: {  	[dreg:$0x4] =	wrdreg s4  }
0xb3: {  	[dreg:$0x5] =	wrdreg $0xC2000  }
0xb4: {  	[dreg:$0x6] =	wrdreg $0x9  }
0xb5: {  	_ =	task.clear_ibuf [dreg:s9], $0x7FFFF;
	_ =	strace $0x90000046  }
0xb6: {  	s29 =	simm.s32 $0x9;
	_ =	strace $0x80000048  }
0xb7: {  	_ =	swait.ge [sflag:s29], $0x1  }
0xb8: {  	[sflag:s29] =	ssyncadd.s32 $0xFFFFFFFF  }
0xb9: {  	_ =	strace $0x90000048  }
0xba: {  	_ =	sfence  }
0xbb: {  	s30 =	sld [smem:$0x0];
	_ =	sdelay $0x2  }
0xbc: {  	s31 =	sshll.u32 s1, $0xD;
	s1 =	sshrl.u32 s1, $0x2  }
0xbd: {  	s3 =	sand.u32 $0x4000, s31;
	s1 =	sadd.s32 s1, s30  }
0xbe: {  	s0 =	sor.u32 s3, s0;
	s1 =	sshll.u32 s1, $0x11  }
0xbf: {  	s0 =	sor.u32 s1, s0  }
0xc0: {  	s0 =	sadd.s32 $0x8F2B, s0  }
0xc1: {  	[sflag:s0] =	ssyncadd.remote.s32 $0x1  }
0xc2: {  	_ =	sfence.sel $0xFFFF  }
0xc3: {  	[dreg:$0x0] =	wrdreg $0xFFFFFFFF;
	(pc) =	sbr.abs _section_cstart, $3  }
0xc4: {  	[dreg:$0x1] =	wrdreg $0xFFFFFFFF  }
0xc5: {  	_ =	task.clear_ibuf [dreg:s9], $0x2FFFF;
	_ =	strace $0x9FFFFFFF  }
0xc6: {  	(tm) =	ssettm $0x7FFFFFFF  }
0xc7: {  	_ =	shalt  }
tec
execute0_lowered:
.L_overlay_start_1:
0x0: {  	(tag) =	ssettag $0x1  }
0x1: {  	s0 =	srdreg.scid  }
0x2: {  	s1 =	rddreg [dreg:$0x0];
	s8 =	stileid.u32;
	s5 =	sand.u32 $0x1, s0  }
0x3: {  	s2 =	rddreg [dreg:$0x1];
	s6 =	sshll.u32 s8, $0xA;
	s7 =	sshll.u32 s5, $0x9  }
0x4: {  	s4 =	rddreg [dreg:$0x2];
	s6 =	sor.u32 s7, s6  }
0x5: {  	s3 =	simm.s32 $0x0;
	s0 =	rddreg [dreg:$0x3];
	s7 =	sshrl.u32 s6, $0x3  }
0x6: {  	[smem:$0x7FF] =	sst s3;
	s6 =	sshll.u32 s6, $0x7;
	s2 =	sadd.s32 s2, s7  }
0x7: {  	_ =	strace $0x80000047;
	s10 =	sadd.s32 s4, s6;
	[dreg:$0x5] =	wrdreg s2  }
0x8: {  	s20 =	sadd.s32 $0x800, s10;
	[smem:$0x7FC] =	sst s10  }
0x9: {  	s21 =	sadd.s32 $0x1000, s10;
	[dreg:$0x6] =	wrdreg s20  }
0xa: {  	s22 =	sadd.s32 $0x1800, s10;
	[dreg:$0x7] =	wrdreg s21  }
0xb: {  	s23 =	sadd.s32 $0x2000, s10;
	[dreg:$0x8] =	wrdreg s22  }
0xc: {  	s24 =	sadd.s32 $0x2800, s10;
	[dreg:$0x9] =	wrdreg s23  }
0xd: {  	s25 =	sadd.s32 $0x3000, s10;
	[dreg:$0xa] =	wrdreg s24  }
0xe: {  	s26 =	sadd.s32 $0x3800, s10;
	[dreg:$0xb] =	wrdreg s25  }
0xf: {  	s29 =	sadd.s32 $0x4000, s10;
	[dreg:$0xc] =	wrdreg s26  }
0x10: {  	s30 =	sadd.s32 $0x4800, s10;
	[dreg:$0xd] =	wrdreg s29  }
0x11: {  	s31 =	sadd.s32 $0x5000, s10;
	[dreg:$0xe] =	wrdreg s30  }
0x12: {  	s4 =	sadd.s32 $0x5800, s10;
	[dreg:$0xf] =	wrdreg s31  }
0x13: {  	s6 =	sadd.s32 $0x6000, s10;
	[dreg:$0x10] =	wrdreg s4  }
0x14: {  	s7 =	sadd.s32 $0x6800, s10;
	[dreg:$0x11] =	wrdreg s6  }
0x15: {  	s9 =	sadd.s32 $0x7000, s10;
	[dreg:$0x12] =	wrdreg s7  }
0x16: {  	s11 =	sadd.s32 $0x7800, s10;
	[dreg:$0x13] =	wrdreg s9  }
0x17: {  	s12 =	sadd.s32 $0x8000, s10;
	[dreg:$0x14] =	wrdreg s11  }
0x18: {  	s13 =	sadd.s32 $0x8800, s10;
	[dreg:$0x15] =	wrdreg s12  }
0x19: {  	s14 =	sadd.s32 $0x9000, s10;
	[dreg:$0x16] =	wrdreg s13  }
0x1a: {  	s15 =	sadd.s32 $0x9800, s10;
	[dreg:$0x17] =	wrdreg s14  }
0x1b: {  	s16 =	sadd.s32 $0xA000, s10;
	[dreg:$0x18] =	wrdreg s15  }
0x1c: {  	s8 =	smul.u32 $0x30000, s8;
	s18 =	sadd.s32 $0xA800, s10;
	[dreg:$0x19] =	wrdreg s16  }
0x1d: {  	s17 =	ssub.s32 $0x2, s5;
	s19 =	sadd.s32 $0xB000, s10;
	[dreg:$0x1a] =	wrdreg s18  }
0x1e: {  	s5 =	sshrl.u32 s17, $0x1;
	[dreg:$0x1b] =	wrdreg s19;
	s20 =	sadd.s32 $0xB800, s10  }
0x1f: {  	s8 =	sshrl.u32 s8, $0x2;
	s21 =	sadd.s32 $0xC000, s10;
	[dreg:$0x1c] =	wrdreg s20  }
0x20: {  	s8 =	sadd.s32 s8, s0;
	s22 =	sadd.s32 $0xC800, s10;
	[dreg:$0x1d] =	wrdreg s21  }
0x21: {  	s0 =	simm.s32 $0x1;
	s23 =	sadd.s32 $0xD000, s10;
	[dreg:$0x1e] =	wrdreg s22  }
0x22: {  	s28 =	sadd.s32 $0x4000, s8;
	s24 =	sadd.s32 $0xD800, s10;
	[dreg:$0x1f] =	wrdreg s23  }
0x23: {  	s4 =	ssub.s32 s17, s5;
	s25 =	sadd.s32 $0xE000, s10;
	[smem:$0x7F7] =	sst s24  }
0x24: {  	s5 =	sadd.s32 $0x100, s1;
	s26 =	sadd.s32 $0xE800, s10;
	[smem:$0x7F8] =	sst s25  }
0x25: {  	s6 =	sadd.s32 $0x200, s1;
	s30 =	sadd.s32 $0x8000, s8;
	[smem:$0x7F9] =	sst s26  }
0x26: {  	s7 =	sadd.s32 $0x300, s1;
	s29 =	sadd.s32 $0xF000, s10;
	[smem:$0x7FA] =	sst s30  }
0x27: {  	v2 =	vlaneseq.u32;
	s31 =	sadd.s32 $0xF800, s10;
	s12 =	simm.s32 $0x2;
	[smem:$0x7FB] =	sst s29  }
0x28: {  	vm0 =	vmmov $0xffff;
	v1 =	vshrl.u32 v2, $0x3;
	s9 =	simm.s32 $0x4200;
	s10 =	simm.s32 $0x8200;
	[smem:$0x7FD] =	sst s31  }
0x29: {  	v0 =	vand.u32 $0x7, v2;
	v2 =	vor.u32 $0x8, v2;
	v1 =	vmul.u32 $0x8, v1;
	s2 =	smax.u32 s4, $0x1;
	s4 =	simm.s32 $0x3;
	s21 =	simm.s32 $0x200  }
.LBB2_1:
0x2a: {  	[smem:$0x7F6] =	sst s2  }
0x2b: {  	s14 =	rddreg [dreg:$0x5];
	s15 =	simm.s32 $0x4  }
0x2c: {  	[tilespmem:s3], [sflag:$0x4] =	stream.linear.gather [hbm4b:s14+s3], $0x200, $0x38;
	[tilespmem:$0x18200] =	vst v63  }
0x2d: {  	_ =	swait.ge [sflag:s15], $0x200  }
0x2e: {  	[sflag:s15] =	ssyncset.done $0x0  }
0x2f: {  	[sflag:s15] =	ssyncadd.s32 $0xFFFFFE00  }
0x30: {  	v3 =	vld [tilespmem:$0x0];
	_ =	sdelay $0x4  }
0x31: {  	v4 =	vshll.u32 v3, $0x3  }
0x32: {  	v3 =	vand.u32 $0x7, v3;
	v4 =	vand.u32 $0xFFFFFFC0, v4  }
0x33: {  	v3 =	vor.u32 v3, v4  }
0x34: {  	v4 =	vperm.xlane v3, v0;
	_ =	sdelay $0x1  }
0x35: {  	v4 =	vadd.s32 v1, v4;
	_ =	sdelay $0x4  }
0x36: {  	[tilespmem:s21], [sflag:$0x1] =	stream.indirect_vreg.gather [hbm4b:s1+s3], $0x80, v4, vm0, $0xb8;
	[tilespmem:$0x18200] =	vst v63  }
0x37: {  	s16 =	simm.s32 $0xA00;
	v3 =	vperm.xlane v3, v2  }
0x38: {  	[tilespmem:s16], [sflag:$0x1] =	stream.indirect_vreg.gather [hbm4b:s5+s3], $0x80, v4, vm0, $0xb8;
	[tilespmem:$0x18200] =	vst v63  }
0x39: {  	s17 =	simm.s32 $0x1200;
	v3 =	vadd.s32 v1, v3  }
0x3a: {  	[tilespmem:s17], [sflag:$0x1] =	stream.indirect_vreg.gather [hbm4b:s6+s3], $0x80, v4, vm0, $0xb8;
	[tilespmem:$0x18200] =	vst v63  }
0x3b: {  	s18 =	simm.s32 $0x1A00  }
0x3c: {  	[tilespmem:s18], [sflag:$0x1] =	stream.indirect_vreg.gather [hbm4b:s7+s3], $0x80, v4, vm0, $0xb8;
	[tilespmem:$0x18200] =	vst v63  }
0x3d: {  	s19 =	simm.s32 $0x2200  }
0x3e: {  	[tilespmem:s19], [sflag:$0x1] =	stream.indirect_vreg.gather [hbm4b:s1+s3], $0x80, v3, vm0, $0xb8;
	[tilespmem:$0x18200] =	vst v63  }
0x3f: {  	s20 =	simm.s32 $0x2A00  }
0x40: {  	[tilespmem:s20], [sflag:$0x1] =	stream.indirect_vreg.gather [hbm4b:s5+s3], $0x80, v3, vm0, $0xb8;
	[tilespmem:$0x18200] =	vst v63  }
0x41: {  	s22 =	simm.s32 $0x3200  }
0x42: {  	[tilespmem:s22], [sflag:$0x1] =	stream.indirect_vreg.gather [hbm4b:s6+s3], $0x80, v3, vm0, $0xb8;
	[tilespmem:$0x18200] =	vst v63  }
0x43: {  	s24 =	simm.s32 $0x3A00  }
0x44: {  	[tilespmem:s24], [sflag:$0x1] =	stream.indirect_vreg.gather [hbm4b:s7+s3], $0x80, v3, vm0, $0xb8;
	[tilespmem:$0x18200] =	vst v63  }
0x45: {  	v3 =	vld [tilespmem:$0x10];
	_ =	sdelay $0x4  }
0x46: {  	v33 =	vshll.u32 v3, $0x3  }
0x47: {  	v3 =	vand.u32 $0x7, v3;
	v4 =	vand.u32 $0xFFFFFFC0, v33  }
0x48: {  	v3 =	vor.u32 v3, v4  }
0x49: {  	v4 =	vperm.xlane v3, v0;
	_ =	sdelay $0x1  }
0x4a: {  	v4 =	vadd.s32 v1, v4;
	_ =	sdelay $0x4  }
0x4b: {  	[tilespmem:s9], [sflag:$0x1] =	stream.indirect_vreg.gather [hbm4b:s1+s3], $0x80, v4, vm0, $0xb8;
	[tilespmem:$0x18200] =	vst v63  }
0x4c: {  	s25 =	simm.s32 $0x4A00;
	v3 =	vperm.xlane v3, v2  }
0x4d: {  	[tilespmem:s25], [sflag:$0x1] =	stream.indirect_vreg.gather [hbm4b:s5+s3], $0x80, v4, vm0, $0xb8;
	[tilespmem:$0x18200] =	vst v63  }
0x4e: {  	s30 =	simm.s32 $0x5200;
	v3 =	vadd.s32 v1, v3  }
0x4f: {  	[tilespmem:s30], [sflag:$0x1] =	stream.indirect_vreg.gather [hbm4b:s6+s3], $0x80, v4, vm0, $0xb8;
	[tilespmem:$0x18200] =	vst v63  }
0x50: {  	s31 =	simm.s32 $0x5A00  }
0x51: {  	[tilespmem:s31], [sflag:$0x1] =	stream.indirect_vreg.gather [hbm4b:s7+s3], $0x80, v4, vm0, $0xb8;
	[tilespmem:$0x18200] =	vst v63  }
0x52: {  	s14 =	simm.s32 $0x6200  }
0x53: {  	[tilespmem:s14], [sflag:$0x1] =	stream.indirect_vreg.gather [hbm4b:s1+s3], $0x80, v3, vm0, $0xb8;
	[tilespmem:$0x18200] =	vst v63  }
0x54: {  	s17 =	simm.s32 $0x6A00  }
0x55: {  	[tilespmem:s17], [sflag:$0x1] =	stream.indirect_vreg.gather [hbm4b:s5+s3], $0x80, v3, vm0, $0xb8;
	[tilespmem:$0x18200] =	vst v63  }
0x56: {  	s18 =	simm.s32 $0x7200  }
0x57: {  	[tilespmem:s18], [sflag:$0x1] =	stream.indirect_vreg.gather [hbm4b:s6+s3], $0x80, v3, vm0, $0xb8;
	[tilespmem:$0x18200] =	vst v63  }
0x58: {  	s19 =	simm.s32 $0x7A00  }
0x59: {  	[tilespmem:s19], [sflag:$0x1] =	stream.indirect_vreg.gather [hbm4b:s7+s3], $0x80, v3, vm0, $0xb8;
	[tilespmem:$0x18200] =	vst v63  }
0x5a: {  	v3 =	vld [tilespmem:$0x20];
	_ =	sdelay $0x4  }
0x5b: {  	v34 =	vshll.u32 v3, $0x3  }
0x5c: {  	v3 =	vand.u32 $0x7, v3;
	v4 =	vand.u32 $0xFFFFFFC0, v34  }
0x5d: {  	v3 =	vor.u32 v3, v4  }
0x5e: {  	v4 =	vperm.xlane v3, v0;
	_ =	sdelay $0x1  }
0x5f: {  	v4 =	vadd.s32 v1, v4;
	_ =	sdelay $0x4  }
0x60: {  	[tilespmem:s10], [sflag:$0x1] =	stream.indirect_vreg.gather [hbm4b:s1+s3], $0x80, v4, vm0, $0xb8;
	[tilespmem:$0x18200] =	vst v63  }
0x61: {  	s22 =	simm.s32 $0x8A00;
	v3 =	vperm.xlane v3, v2  }
0x62: {  	[tilespmem:s22], [sflag:$0x1] =	stream.indirect_vreg.gather [hbm4b:s5+s3], $0x80, v4, vm0, $0xb8;
	[tilespmem:$0x18200] =	vst v63  }
0x63: {  	s31 =	simm.s32 $0x9200;
	v3 =	vadd.s32 v1, v3  }
0x64: {  	[tilespmem:s31], [sflag:$0x1] =	stream.indirect_vreg.gather [hbm4b:s6+s3], $0x80, v4, vm0, $0xb8;
	[tilespmem:$0x18200] =	vst v63  }
0x65: {  	s14 =	simm.s32 $0x9A00  }
0x66: {  	[tilespmem:s14], [sflag:$0x1] =	stream.indirect_vreg.gather [hbm4b:s7+s3], $0x80, v4, vm0, $0xb8;
	[tilespmem:$0x18200] =	vst v63  }
0x67: {  	s31 =	simm.s32 $0xA200  }
0x68: {  	[tilespmem:s31], [sflag:$0x1] =	stream.indirect_vreg.gather [hbm4b:s1+s3], $0x80, v3, vm0, $0xb8;
	[tilespmem:$0x18200] =	vst v63  }
0x69: {  	s14 =	simm.s32 $0xAA00  }
0x6a: {  	[tilespmem:s14], [sflag:$0x1] =	stream.indirect_vreg.gather [hbm4b:s5+s3], $0x80, v3, vm0, $0xb8;
	[tilespmem:$0x18200] =	vst v63  }
0x6b: {  	s31 =	simm.s32 $0xB200  }
0x6c: {  	[tilespmem:s31], [sflag:$0x1] =	stream.indirect_vreg.gather [hbm4b:s6+s3], $0x80, v3, vm0, $0xb8;
	[tilespmem:$0x18200] =	vst v63  }
0x6d: {  	s14 =	simm.s32 $0xBA00  }
0x6e: {  	[tilespmem:s14], [sflag:$0x1] =	stream.indirect_vreg.gather [hbm4b:s7+s3], $0x80, v3, vm0, $0xb8;
	[tilespmem:$0x18200] =	vst v63  }
0x6f: {  	_ =	swait.ge [sflag:s0], $0x4000  }
0x70: {  	[sflag:s0] =	ssyncset.done $0x0  }
0x71: {  	[sflag:s0] =	ssyncadd.s32 $0xFFFFC000  }
0x72: {  	[spmem:s8] =	stream.linear.scatter [tilespmem:s21], [sflag:$0x2], $0x4000, $0x38;
	[tilespmem:$0x18200] =	vst v63  }
0x73: {  	_ =	swait.ge [sflag:s12], $0x4000  }
0x74: {  	s31 =	stileid.u32;
	s14 =	sld [smem:$0x7FC]  }
0x75: {  	s2 =	sshll.u32 s31, $0x6;
	[sflag:s12] =	ssyncset.done $0x0  }
0x76: {  	s31 =	sor.u32 $0x1C03, s2;
	s2 =	sshrl.u32 s8, $0x3;
	[sflag:s12] =	ssyncadd.s32 $0xFFFFC000  }
0x77: {  	[hbm:s14], [sflag:s31] =	dma.local [spmem:s2], $0x800  }
0x78: {  	v3 =	vld [tilespmem:$0x30];
	_ =	sdelay $0x4  }
0x79: {  	v35 =	vshll.u32 v3, $0x3  }
0x7a: {  	v3 =	vand.u32 $0x7, v3;
	v4 =	vand.u32 $0xFFFFFFC0, v35  }
0x7b: {  	v3 =	vor.u32 v3, v4  }
0x7c: {  	v4 =	vperm.xlane v3, v0;
	_ =	sdelay $0x1  }
0x7d: {  	v4 =	vadd.s32 v1, v4;
	_ =	sdelay $0x4  }
0x7e: {  	[tilespmem:s21], [sflag:$0x1] =	stream.indirect_vreg.gather [hbm4b:s1+s3], $0x80, v4, vm0, $0xb8;
	[tilespmem:$0x18200] =	vst v63  }
0x7f: {  	s26 =	simm.s32 $0xA00;
	v3 =	vperm.xlane v3, v2  }
0x80: {  	[tilespmem:s26], [sflag:$0x1] =	stream.indirect_vreg.gather [hbm4b:s5+s3], $0x80, v4, vm0, $0xb8;
	[tilespmem:$0x18200] =	vst v63  }
0x81: {  	s23 =	simm.s32 $0x1200;
	v3 =	vadd.s32 v1, v3  }
0x82: {  	[tilespmem:s23], [sflag:$0x1] =	stream.indirect_vreg.gather [hbm4b:s6+s3], $0x80, v4, vm0, $0xb8;
	[tilespmem:$0x18200] =	vst v63  }
0x83: {  	s29 =	simm.s32 $0x1A00  }
0x84: {  	[tilespmem:s29], [sflag:$0x1] =	stream.indirect_vreg.gather [hbm4b:s7+s3], $0x80, v4, vm0, $0xb8;
	[tilespmem:$0x18200] =	vst v63  }
0x85: {  	s15 =	simm.s32 $0x2200  }
0x86: {  	[tilespmem:s15], [sflag:$0x1] =	stream.indirect_vreg.gather [hbm4b:s1+s3], $0x80, v3, vm0, $0xb8;
	[tilespmem:$0x18200] =	vst v63  }
0x87: {  	s11 =	simm.s32 $0x2A00  }
0x88: {  	[tilespmem:s11], [sflag:$0x1] =	stream.indirect_vreg.gather [hbm4b:s5+s3], $0x80, v3, vm0, $0xb8;
	[tilespmem:$0x18200] =	vst v63  }
0x89: {  	s13 =	simm.s32 $0x3200  }
0x8a: {  	[tilespmem:s13], [sflag:$0x1] =	stream.indirect_vreg.gather [hbm4b:s6+s3], $0x80, v3, vm0, $0xb8;
	[tilespmem:$0x18200] =	vst v63  }
0x8b: {  	s24 =	simm.s32 $0x3A00  }
0x8c: {  	[tilespmem:s24], [sflag:$0x1] =	stream.indirect_vreg.gather [hbm4b:s7+s3], $0x80, v3, vm0, $0xb8;
	[tilespmem:$0x18200] =	vst v63  }
0x8d: {  	_ =	swait.ge [sflag:s0], $0x4000  }
0x8e: {  	[sflag:s0] =	ssyncset.done $0x0  }
0x8f: {  	[sflag:s0] =	ssyncadd.s32 $0xFFFFC000  }
0x90: {  	[spmem:s28] =	stream.linear.scatter [tilespmem:s9], [sflag:$0x2], $0x4000, $0x38;
	[tilespmem:$0x18200] =	vst v63  }
0x91: {  	_ =	swait.ge [sflag:s12], $0x4000  }
0x92: {  	s13 =	rddreg [dreg:$0x6];
	[sflag:s12] =	ssyncset.done $0x0  }
0x93: {  	s14 =	sshrl.u32 s28, $0x3;
	[sflag:s12] =	ssyncadd.s32 $0xFFFFC000  }
0x94: {  	[hbm:s13], [sflag:s31] =	dma.local [spmem:s14], $0x800  }
0x95: {  	v3 =	vld [tilespmem:$0x40];
	_ =	sdelay $0x4  }
0x96: {  	v36 =	vshll.u32 v3, $0x3  }
0x97: {  	v3 =	vand.u32 $0x7, v3;
	v4 =	vand.u32 $0xFFFFFFC0, v36  }
0x98: {  	v3 =	vor.u32 v3, v4  }
0x99: {  	v4 =	vperm.xlane v3, v0;
	_ =	sdelay $0x1  }
0x9a: {  	v4 =	vadd.s32 v1, v4;
	_ =	sdelay $0x4  }
0x9b: {  	[tilespmem:s9], [sflag:$0x1] =	stream.indirect_vreg.gather [hbm4b:s1+s3], $0x80, v4, vm0, $0xb8;
	[tilespmem:$0x18200] =	vst v63  }
0x9c: {  	s20 =	simm.s32 $0x4A00;
	v3 =	vperm.xlane v3, v2  }
0x9d: {  	[tilespmem:s20], [sflag:$0x1] =	stream.indirect_vreg.gather [hbm4b:s5+s3], $0x80, v4, vm0, $0xb8;
	[tilespmem:$0x18200] =	vst v63  }
0x9e: {  	s16 =	simm.s32 $0x5200;
	v3 =	vadd.s32 v1, v3  }
0x9f: {  	[tilespmem:s16], [sflag:$0x1] =	stream.indirect_vreg.gather [hbm4b:s6+s3], $0x80, v4, vm0, $0xb8;
	[tilespmem:$0x18200] =	vst v63  }
0xa0: {  	s25 =	simm.s32 $0x5A00  }
0xa1: {  	[tilespmem:s25], [sflag:$0x1] =	stream.indirect_vreg.gather [hbm4b:s7+s3], $0x80, v4, vm0, $0xb8;
	[tilespmem:$0x18200] =	vst v63  }
0xa2: {  	s30 =	simm.s32 $0x6200  }
0xa3: {  	[tilespmem:s30], [sflag:$0x1] =	stream.indirect_vreg.gather [hbm4b:s1+s3], $0x80, v3, vm0, $0xb8;
	[tilespmem:$0x18200] =	vst v63  }
0xa4: {  	s17 =	simm.s32 $0x6A00  }
0xa5: {  	[tilespmem:s17], [sflag:$0x1] =	stream.indirect_vreg.gather [hbm4b:s5+s3], $0x80, v3, vm0, $0xb8;
	[tilespmem:$0x18200] =	vst v63  }
0xa6: {  	s18 =	simm.s32 $0x7200  }
0xa7: {  	[tilespmem:s18], [sflag:$0x1] =	stream.indirect_vreg.gather [hbm4b:s6+s3], $0x80, v3, vm0, $0xb8;
	[tilespmem:$0x18200] =	vst v63  }
0xa8: {  	s19 =	simm.s32 $0x7A00  }
0xa9: {  	[tilespmem:s19], [sflag:$0x1] =	stream.indirect_vreg.gather [hbm4b:s7+s3], $0x80, v3, vm0, $0xb8;
	[tilespmem:$0x18200] =	vst v63  }
0xaa: {  	_ =	swait.ge [sflag:s0], $0x4000  }
0xab: {  	s13 =	sld [smem:$0x7FA]  }
0xac: {  	[sflag:s0] =	ssyncset.done $0x0  }
0xad: {  	[sflag:s0] =	ssyncadd.s32 $0xFFFFC000  }
0xae: {  	[spmem:s13] =	stream.linear.scatter [tilespmem:s10], [sflag:$0x2], $0x4000, $0x38;
	[tilespmem:$0x18200] =	vst v63  }
0xaf: {  	_ =	swait.ge [sflag:s12], $0x4000  }
0xb0: {  	[sflag:s12] =	ssyncset.done $0x0  }
0xb1: {  	s15 =	sshrl.u32 s13, $0x3;
	s17 =	rddreg [dreg:$0x7];
	[sflag:s12] =	ssyncadd.s32 $0xFFFFC000  }
0xb2: {  	[hbm:s17], [sflag:s31] =	dma.local [spmem:s15], $0x800  }
0xb3: {  	v3 =	vld [tilespmem:$0x50];
	_ =	sdelay $0x4  }
0xb4: {  	v37 =	vshll.u32 v3, $0x3  }
0xb5: {  	v3 =	vand.u32 $0x7, v3;
	v4 =	vand.u32 $0xFFFFFFC0, v37  }
0xb6: {  	v3 =	vor.u32 v3, v4  }
0xb7: {  	v4 =	vperm.xlane v3, v0;
	_ =	sdelay $0x1  }
0xb8: {  	v4 =	vadd.s32 v1, v4;
	_ =	sdelay $0x4  }
0xb9: {  	[tilespmem:s10], [sflag:$0x1] =	stream.indirect_vreg.gather [hbm4b:s1+s3], $0x80, v4, vm0, $0xb8;
	[tilespmem:$0x18200] =	vst v63  }
0xba: {  	s22 =	simm.s32 $0x8A00;
	v3 =	vperm.xlane v3, v2  }
0xbb: {  	[tilespmem:s22], [sflag:$0x1] =	stream.indirect_vreg.gather [hbm4b:s5+s3], $0x80, v4, vm0, $0xb8;
	[tilespmem:$0x18200] =	vst v63  }
0xbc: {  	s19 =	simm.s32 $0x9200;
	v3 =	vadd.s32 v1, v3  }
0xbd: {  	[tilespmem:s19], [sflag:$0x1] =	stream.indirect_vreg.gather [hbm4b:s6+s3], $0x80, v4, vm0, $0xb8;
	[tilespmem:$0x18200] =	vst v63  }
0xbe: {  	s20 =	simm.s32 $0x9A00  }
0xbf: {  	[tilespmem:s20], [sflag:$0x1] =	stream.indirect_vreg.gather [hbm4b:s7+s3], $0x80, v4, vm0, $0xb8;
	[tilespmem:$0x18200] =	vst v63  }
0xc0: {  	s25 =	simm.s32 $0xA200  }
0xc1: {  	[tilespmem:s25], [sflag:$0x1] =	stream.indirect_vreg.gather [hbm4b:s1+s3], $0x80, v3, vm0, $0xb8;
	[tilespmem:$0x18200] =	vst v63  }
0xc2: {  	s11 =	simm.s32 $0xAA00  }
0xc3: {  	[tilespmem:s11], [sflag:$0x1] =	stream.indirect_vreg.gather [hbm4b:s5+s3], $0x80, v3, vm0, $0xb8;
	[tilespmem:$0x18200] =	vst v63  }
0xc4: {  	s22 =	simm.s32 $0xB200  }
0xc5: {  	[tilespmem:s22], [sflag:$0x1] =	stream.indirect_vreg.gather [hbm4b:s6+s3], $0x80, v3, vm0, $0xb8;
	[tilespmem:$0x18200] =	vst v63  }
0xc6: {  	s23 =	simm.s32 $0xBA00  }
0xc7: {  	[tilespmem:s23], [sflag:$0x1] =	stream.indirect_vreg.gather [hbm4b:s7+s3], $0x80, v3, vm0, $0xb8;
	[tilespmem:$0x18200] =	vst v63  }
0xc8: {  	_ =	swait.ge [sflag:s0], $0x4000  }
0xc9: {  	[sflag:s0] =	ssyncset.done $0x0  }
0xca: {  	[sflag:s0] =	ssyncadd.s32 $0xFFFFC000  }
0xcb: {  	_ =	swait.ge [sflag:s4], $0x800  }
0xcc: {  	[sflag:s4] =	ssyncset.done $0x0  }
0xcd: {  	[sflag:s4] =	ssyncadd.s32 $0xFFFFF800  }
0xce: {  	[spmem:s8] =	stream.linear.scatter [tilespmem:s21], [sflag:$0x2], $0x4000, $0x38;
	[tilespmem:$0x18200] =	vst v63  }
0xcf: {  	_ =	swait.ge [sflag:s12], $0x4000  }
0xd0: {  	[sflag:s12] =	ssyncset.done $0x0  }
0xd1: {  	s18 =	rddreg [dreg:$0x8];
	[sflag:s12] =	ssyncadd.s32 $0xFFFFC000  }
0xd2: {  	[hbm:s18], [sflag:s31] =	dma.local [spmem:s2], $0x800  }
0xd3: {  	v3 =	vld [tilespmem:$0x60];
	_ =	sdelay $0x4  }
0xd4: {  	v38 =	vshll.u32 v3, $0x3  }
0xd5: {  	v3 =	vand.u32 $0x7, v3;
	v4 =	vand.u32 $0xFFFFFFC0, v38  }
0xd6: {  	v3 =	vor.u32 v3, v4  }
0xd7: {  	v4 =	vperm.xlane v3, v0;
	_ =	sdelay $0x1  }
0xd8: {  	v4 =	vadd.s32 v1, v4;
	_ =	sdelay $0x4  }
0xd9: {  	[tilespmem:s21], [sflag:$0x1] =	stream.indirect_vreg.gather [hbm4b:s1+s3], $0x80, v4, vm0, $0xb8;
	[tilespmem:$0x18200] =	vst v63  }
0xda: {  	s30 =	simm.s32 $0xA00;
	v3 =	vperm.xlane v3, v2  }
0xdb: {  	[tilespmem:s30], [sflag:$0x1] =	stream.indirect_vreg.gather [hbm4b:s5+s3], $0x80, v4, vm0, $0xb8;
	[tilespmem:$0x18200] =	vst v63  }
0xdc: {  	s17 =	simm.s32 $0x1200;
	v3 =	vadd.s32 v1, v3  }
0xdd: {  	[tilespmem:s17], [sflag:$0x1] =	stream.indirect_vreg.gather [hbm4b:s6+s3], $0x80, v4, vm0, $0xb8;
	[tilespmem:$0x18200] =	vst v63  }
0xde: {  	s18 =	simm.s32 $0x1A00  }
0xdf: {  	[tilespmem:s18], [sflag:$0x1] =	stream.indirect_vreg.gather [hbm4b:s7+s3], $0x80, v4, vm0, $0xb8;
	[tilespmem:$0x18200] =	vst v63  }
0xe0: {  	s26 =	simm.s32 $0x2200  }
0xe1: {  	[tilespmem:s26], [sflag:$0x1] =	stream.indirect_vreg.gather [hbm4b:s1+s3], $0x80, v3, vm0, $0xb8;
	[tilespmem:$0x18200] =	vst v63  }
0xe2: {  	s29 =	simm.s32 $0x2A00  }
0xe3: {  	[tilespmem:s29], [sflag:$0x1] =	stream.indirect_vreg.gather [hbm4b:s5+s3], $0x80, v3, vm0, $0xb8;
	[tilespmem:$0x18200] =	vst v63  }
0xe4: {  	s16 =	simm.s32 $0x3200  }
0xe5: {  	[tilespmem:s16], [sflag:$0x1] =	stream.indirect_vreg.gather [hbm4b:s6+s3], $0x80, v3, vm0, $0xb8;
	[tilespmem:$0x18200] =	vst v63  }
0xe6: {  	s24 =	simm.s32 $0x3A00  }
0xe7: {  	[tilespmem:s24], [sflag:$0x1] =	stream.indirect_vreg.gather [hbm4b:s7+s3], $0x80, v3, vm0, $0xb8;
	[tilespmem:$0x18200] =	vst v63  }
0xe8: {  	_ =	swait.ge [sflag:s0], $0x4000  }
0xe9: {  	[sflag:s0] =	ssyncset.done $0x0  }
0xea: {  	[sflag:s0] =	ssyncadd.s32 $0xFFFFC000  }
0xeb: {  	_ =	swait.ge [sflag:s4], $0x800  }
0xec: {  	[sflag:s4] =	ssyncset.done $0x0  }
0xed: {  	[sflag:s4] =	ssyncadd.s32 $0xFFFFF800  }
0xee: {  	[spmem:s28] =	stream.linear.scatter [tilespmem:s9], [sflag:$0x2], $0x4000, $0x38;
	[tilespmem:$0x18200] =	vst v63  }
0xef: {  	_ =	swait.ge [sflag:s12], $0x4000  }
0xf0: {  	[sflag:s12] =	ssyncset.done $0x0  }
0xf1: {  	s24 =	rddreg [dreg:$0x9];
	[sflag:s12] =	ssyncadd.s32 $0xFFFFC000  }
0xf2: {  	[hbm:s24], [sflag:s31] =	dma.local [spmem:s14], $0x800  }
0xf3: {  	v3 =	vld [tilespmem:$0x70];
	_ =	sdelay $0x4  }
0xf4: {  	v39 =	vshll.u32 v3, $0x3  }
0xf5: {  	v3 =	vand.u32 $0x7, v3;
	v4 =	vand.u32 $0xFFFFFFC0, v39  }
0xf6: {  	v3 =	vor.u32 v3, v4  }
0xf7: {  	v4 =	vperm.xlane v3, v0;
	_ =	sdelay $0x1  }
0xf8: {  	v4 =	vadd.s32 v1, v4;
	_ =	sdelay $0x4  }
0xf9: {  	[tilespmem:s9], [sflag:$0x1] =	stream.indirect_vreg.gather [hbm4b:s1+s3], $0x80, v4, vm0, $0xb8;
	[tilespmem:$0x18200] =	vst v63  }
0xfa: {  	s24 =	simm.s32 $0x4A00;
	v3 =	vperm.xlane v3, v2  }
0xfb: {  	[tilespmem:s24], [sflag:$0x1] =	stream.indirect_vreg.gather [hbm4b:s5+s3], $0x80, v4, vm0, $0xb8;
	[tilespmem:$0x18200] =	vst v63  }
0xfc: {  	s16 =	simm.s32 $0x5200;
	v3 =	vadd.s32 v1, v3  }
0xfd: {  	[tilespmem:s16], [sflag:$0x1] =	stream.indirect_vreg.gather [hbm4b:s6+s3], $0x80, v4, vm0, $0xb8;
	[tilespmem:$0x18200] =	vst v63  }
0xfe: {  	s16 =	simm.s32 $0x5A00  }
0xff: {  	[tilespmem:s16], [sflag:$0x1] =	stream.indirect_vreg.gather [hbm4b:s7+s3], $0x80, v4, vm0, $0xb8;
	[tilespmem:$0x18200] =	vst v63  }
0x100: {  	s16 =	simm.s32 $0x6200  }
0x101: {  	[tilespmem:s16], [sflag:$0x1] =	stream.indirect_vreg.gather [hbm4b:s1+s3], $0x80, v3, vm0, $0xb8;
	[tilespmem:$0x18200] =	vst v63  }
0x102: {  	s16 =	simm.s32 $0x6A00  }
0x103: {  	[tilespmem:s16], [sflag:$0x1] =	stream.indirect_vreg.gather [hbm4b:s5+s3], $0x80, v3, vm0, $0xb8;
	[tilespmem:$0x18200] =	vst v63  }
0x104: {  	s16 =	simm.s32 $0x7200  }
0x105: {  	[tilespmem:s16], [sflag:$0x1] =	stream.indirect_vreg.gather [hbm4b:s6+s3], $0x80, v3, vm0, $0xb8;
	[tilespmem:$0x18200] =	vst v63  }
0x106: {  	s16 =	simm.s32 $0x7A00  }
0x107: {  	[tilespmem:s16], [sflag:$0x1] =	stream.indirect_vreg.gather [hbm4b:s7+s3], $0x80, v3, vm0, $0xb8;
	[tilespmem:$0x18200] =	vst v63  }
0x108: {  	_ =	swait.ge [sflag:s0], $0x4000  }
0x109: {  	[sflag:s0] =	ssyncset.done $0x0  }
0x10a: {  	[sflag:s0] =	ssyncadd.s32 $0xFFFFC000  }
0x10b: {  	_ =	swait.ge [sflag:s4], $0x800  }
0x10c: {  	[sflag:s4] =	ssyncset.done $0x0  }
0x10d: {  	[sflag:s4] =	ssyncadd.s32 $0xFFFFF800  }
0x10e: {  	[spmem:s13] =	stream.linear.scatter [tilespmem:s10], [sflag:$0x2], $0x4000, $0x38;
	[tilespmem:$0x18200] =	vst v63  }
0x10f: {  	_ =	swait.ge [sflag:s12], $0x4000  }
0x110: {  	[sflag:s12] =	ssyncset.done $0x0  }
0x111: {  	s16 =	rddreg [dreg:$0xa];
	[sflag:s12] =	ssyncadd.s32 $0xFFFFC000  }
0x112: {  	[hbm:s16], [sflag:s31] =	dma.local [spmem:s15], $0x800  }
0x113: {  	v3 =	vld [tilespmem:$0x80];
	_ =	sdelay $0x4  }
0x114: {  	v40 =	vshll.u32 v3, $0x3  }
0x115: {  	v3 =	vand.u32 $0x7, v3;
	v4 =	vand.u32 $0xFFFFFFC0, v40  }
0x116: {  	v3 =	vor.u32 v3, v4  }
0x117: {  	v4 =	vperm.xlane v3, v0;
	_ =	sdelay $0x1  }
0x118: {  	v4 =	vadd.s32 v1, v4;
	_ =	sdelay $0x4  }
0x119: {  	[tilespmem:s10], [sflag:$0x1] =	stream.indirect_vreg.gather [hbm4b:s1+s3], $0x80, v4, vm0, $0xb8;
	[tilespmem:$0x18200] =	vst v63  }
0x11a: {  	s16 =	simm.s32 $0x8A00;
	v3 =	vperm.xlane v3, v2  }
0x11b: {  	[tilespmem:s16], [sflag:$0x1] =	stream.indirect_vreg.gather [hbm4b:s5+s3], $0x80, v4, vm0, $0xb8;
	[tilespmem:$0x18200] =	vst v63  }
0x11c: {  	v3 =	vadd.s32 v1, v3  }
0x11d: {  	[tilespmem:s19], [sflag:$0x1] =	stream.indirect_vreg.gather [hbm4b:s6+s3], $0x80, v4, vm0, $0xb8;
	[tilespmem:$0x18200] =	vst v63  }
0x11e: {  	_ = 	snop  }
0x11f: {  	[tilespmem:s20], [sflag:$0x1] =	stream.indirect_vreg.gather [hbm4b:s7+s3], $0x80, v4, vm0, $0xb8;
	[tilespmem:$0x18200] =	vst v63  }
0x120: {  	_ = 	snop  }
0x121: {  	[tilespmem:s25], [sflag:$0x1] =	stream.indirect_vreg.gather [hbm4b:s1+s3], $0x80, v3, vm0, $0xb8;
	[tilespmem:$0x18200] =	vst v63  }
0x122: {  	_ = 	snop  }
0x123: {  	[tilespmem:s11], [sflag:$0x1] =	stream.indirect_vreg.gather [hbm4b:s5+s3], $0x80, v3, vm0, $0xb8;
	[tilespmem:$0x18200] =	vst v63  }
0x124: {  	_ = 	snop  }
0x125: {  	[tilespmem:s22], [sflag:$0x1] =	stream.indirect_vreg.gather [hbm4b:s6+s3], $0x80, v3, vm0, $0xb8;
	[tilespmem:$0x18200] =	vst v63  }
0x126: {  	_ = 	snop  }
0x127: {  	[tilespmem:s23], [sflag:$0x1] =	stream.indirect_vreg.gather [hbm4b:s7+s3], $0x80, v3, vm0, $0xb8;
	[tilespmem:$0x18200] =	vst v63  }
0x128: {  	_ =	swait.ge [sflag:s0], $0x4000  }
0x129: {  	[sflag:s0] =	ssyncset.done $0x0  }
0x12a: {  	[sflag:s0] =	ssyncadd.s32 $0xFFFFC000  }
0x12b: {  	_ =	swait.ge [sflag:s4], $0x800  }
0x12c: {  	[sflag:s4] =	ssyncset.done $0x0  }
0x12d: {  	[sflag:s4] =	ssyncadd.s32 $0xFFFFF800  }
0x12e: {  	[spmem:s8] =	stream.linear.scatter [tilespmem:s21], [sflag:$0x2], $0x4000, $0x38;
	[tilespmem:$0x18200] =	vst v63  }
0x12f: {  	_ =	swait.ge [sflag:s12], $0x4000  }
0x130: {  	[sflag:s12] =	ssyncset.done $0x0  }
0x131: {  	s11 =	rddreg [dreg:$0xb];
	[sflag:s12] =	ssyncadd.s32 $0xFFFFC000  }
0x132: {  	[hbm:s11], [sflag:s31] =	dma.local [spmem:s2], $0x800  }
0x133: {  	v3 =	vld [tilespmem:$0x90];
	_ =	sdelay $0x4  }
0x134: {  	v41 =	vshll.u32 v3, $0x3  }
0x135: {  	v3 =	vand.u32 $0x7, v3;
	v4 =	vand.u32 $0xFFFFFFC0, v41  }
0x136: {  	v3 =	vor.u32 v3, v4  }
0x137: {  	v4 =	vperm.xlane v3, v0;
	_ =	sdelay $0x1  }
0x138: {  	v4 =	vadd.s32 v1, v4;
	_ =	sdelay $0x4  }
0x139: {  	[tilespmem:s21], [sflag:$0x1] =	stream.indirect_vreg.gather [hbm4b:s1+s3], $0x80, v4, vm0, $0xb8;
	[tilespmem:$0x18200] =	vst v63  }
0x13a: {  	v3 =	vperm.xlane v3, v2  }
0x13b: {  	[tilespmem:s30], [sflag:$0x1] =	stream.indirect_vreg.gather [hbm4b:s5+s3], $0x80, v4, vm0, $0xb8;
	[tilespmem:$0x18200] =	vst v63  }
0x13c: {  	v3 =	vadd.s32 v1, v3  }
0x13d: {  	[tilespmem:s17], [sflag:$0x1] =	stream.indirect_vreg.gather [hbm4b:s6+s3], $0x80, v4, vm0, $0xb8;
	[tilespmem:$0x18200] =	vst v63  }
0x13e: {  	_ = 	snop  }
0x13f: {  	[tilespmem:s18], [sflag:$0x1] =	stream.indirect_vreg.gather [hbm4b:s7+s3], $0x80, v4, vm0, $0xb8;
	[tilespmem:$0x18200] =	vst v63  }
0x140: {  	s26 =	simm.s32 $0x2200  }
0x141: {  	[tilespmem:s26], [sflag:$0x1] =	stream.indirect_vreg.gather [hbm4b:s1+s3], $0x80, v3, vm0, $0xb8;
	[tilespmem:$0x18200] =	vst v63  }
0x142: {  	s29 =	simm.s32 $0x2A00  }
0x143: {  	[tilespmem:s29], [sflag:$0x1] =	stream.indirect_vreg.gather [hbm4b:s5+s3], $0x80, v3, vm0, $0xb8;
	[tilespmem:$0x18200] =	vst v63  }
0x144: {  	s29 =	simm.s32 $0x3200  }
0x145: {  	[tilespmem:s29], [sflag:$0x1] =	stream.indirect_vreg.gather [hbm4b:s6+s3], $0x80, v3, vm0, $0xb8;
	[tilespmem:$0x18200] =	vst v63  }
0x146: {  	s29 =	simm.s32 $0x3A00  }
0x147: {  	[tilespmem:s29], [sflag:$0x1] =	stream.indirect_vreg.gather [hbm4b:s7+s3], $0x80, v3, vm0, $0xb8;
	[tilespmem:$0x18200] =	vst v63  }
0x148: {  	_ =	swait.ge [sflag:s0], $0x4000  }
0x149: {  	[sflag:s0] =	ssyncset.done $0x0  }
0x14a: {  	[sflag:s0] =	ssyncadd.s32 $0xFFFFC000  }
0x14b: {  	_ =	swait.ge [sflag:s4], $0x800  }
0x14c: {  	[sflag:s4] =	ssyncset.done $0x0  }
0x14d: {  	[sflag:s4] =	ssyncadd.s32 $0xFFFFF800  }
0x14e: {  	[spmem:s28] =	stream.linear.scatter [tilespmem:s9], [sflag:$0x2], $0x4000, $0x38;
	[tilespmem:$0x18200] =	vst v63  }
0x14f: {  	_ =	swait.ge [sflag:s12], $0x4000  }
0x150: {  	[sflag:s12] =	ssyncset.done $0x0  }
0x151: {  	s29 =	rddreg [dreg:$0xc];
	[sflag:s12] =	ssyncadd.s32 $0xFFFFC000  }
0x152: {  	[hbm:s29], [sflag:s31] =	dma.local [spmem:s14], $0x800  }
0x153: {  	v3 =	vld [tilespmem:$0xA0];
	_ =	sdelay $0x4  }
0x154: {  	v42 =	vshll.u32 v3, $0x3  }
0x155: {  	v3 =	vand.u32 $0x7, v3;
	v4 =	vand.u32 $0xFFFFFFC0, v42  }
0x156: {  	v3 =	vor.u32 v3, v4  }
0x157: {  	v4 =	vperm.xlane v3, v0;
	_ =	sdelay $0x1  }
0x158: {  	v4 =	vadd.s32 v1, v4;
	_ =	sdelay $0x4  }
0x159: {  	[tilespmem:s9], [sflag:$0x1] =	stream.indirect_vreg.gather [hbm4b:s1+s3], $0x80, v4, vm0, $0xb8;
	[tilespmem:$0x18200] =	vst v63  }
0x15a: {  	s24 =	simm.s32 $0x4A00;
	v3 =	vperm.xlane v3, v2  }
0x15b: {  	[tilespmem:s24], [sflag:$0x1] =	stream.indirect_vreg.gather [hbm4b:s5+s3], $0x80, v4, vm0, $0xb8;
	[tilespmem:$0x18200] =	vst v63  }
0x15c: {  	s29 =	simm.s32 $0x5200;
	v3 =	vadd.s32 v1, v3  }
0x15d: {  	[tilespmem:s29], [sflag:$0x1] =	stream.indirect_vreg.gather [hbm4b:s6+s3], $0x80, v4, vm0, $0xb8;
	[tilespmem:$0x18200] =	vst v63  }
0x15e: {  	s16 =	simm.s32 $0x5A00  }
0x15f: {  	[tilespmem:s16], [sflag:$0x1] =	stream.indirect_vreg.gather [hbm4b:s7+s3], $0x80, v4, vm0, $0xb8;
	[tilespmem:$0x18200] =	vst v63  }
0x160: {  	s16 =	simm.s32 $0x6200  }
0x161: {  	[tilespmem:s16], [sflag:$0x1] =	stream.indirect_vreg.gather [hbm4b:s1+s3], $0x80, v3, vm0, $0xb8;
	[tilespmem:$0x18200] =	vst v63  }
0x162: {  	s16 =	simm.s32 $0x6A00  }
0x163: {  	[tilespmem:s16], [sflag:$0x1] =	stream.indirect_vreg.gather [hbm4b:s5+s3], $0x80, v3, vm0, $0xb8;
	[tilespmem:$0x18200] =	vst v63  }
0x164: {  	s16 =	simm.s32 $0x7200  }
0x165: {  	[tilespmem:s16], [sflag:$0x1] =	stream.indirect_vreg.gather [hbm4b:s6+s3], $0x80, v3, vm0, $0xb8;
	[tilespmem:$0x18200] =	vst v63  }
0x166: {  	s16 =	simm.s32 $0x7A00  }
0x167: {  	[tilespmem:s16], [sflag:$0x1] =	stream.indirect_vreg.gather [hbm4b:s7+s3], $0x80, v3, vm0, $0xb8;
	[tilespmem:$0x18200] =	vst v63  }
0x168: {  	_ =	swait.ge [sflag:s0], $0x4000  }
0x169: {  	[sflag:s0] =	ssyncset.done $0x0  }
0x16a: {  	[sflag:s0] =	ssyncadd.s32 $0xFFFFC000  }
0x16b: {  	_ =	swait.ge [sflag:s4], $0x800  }
0x16c: {  	[sflag:s4] =	ssyncset.done $0x0  }
0x16d: {  	[sflag:s4] =	ssyncadd.s32 $0xFFFFF800  }
0x16e: {  	[spmem:s13] =	stream.linear.scatter [tilespmem:s10], [sflag:$0x2], $0x4000, $0x38;
	[tilespmem:$0x18200] =	vst v63  }
0x16f: {  	_ =	swait.ge [sflag:s12], $0x4000  }
0x170: {  	[sflag:s12] =	ssyncset.done $0x0  }
0x171: {  	s16 =	rddreg [dreg:$0xd];
	[sflag:s12] =	ssyncadd.s32 $0xFFFFC000  }
0x172: {  	[hbm:s16], [sflag:s31] =	dma.local [spmem:s15], $0x800  }
0x173: {  	v3 =	vld [tilespmem:$0xB0];
	_ =	sdelay $0x4  }
0x174: {  	v43 =	vshll.u32 v3, $0x3  }
0x175: {  	v3 =	vand.u32 $0x7, v3;
	v4 =	vand.u32 $0xFFFFFFC0, v43  }
0x176: {  	v3 =	vor.u32 v3, v4  }
0x177: {  	v4 =	vperm.xlane v3, v0;
	_ =	sdelay $0x1  }
0x178: {  	v4 =	vadd.s32 v1, v4;
	_ =	sdelay $0x4  }
0x179: {  	[tilespmem:s10], [sflag:$0x1] =	stream.indirect_vreg.gather [hbm4b:s1+s3], $0x80, v4, vm0, $0xb8;
	[tilespmem:$0x18200] =	vst v63  }
0x17a: {  	s16 =	simm.s32 $0x8A00;
	v3 =	vperm.xlane v3, v2  }
0x17b: {  	[tilespmem:s16], [sflag:$0x1] =	stream.indirect_vreg.gather [hbm4b:s5+s3], $0x80, v4, vm0, $0xb8;
	[tilespmem:$0x18200] =	vst v63  }
0x17c: {  	s19 =	simm.s32 $0x9200;
	v3 =	vadd.s32 v1, v3  }
0x17d: {  	[tilespmem:s19], [sflag:$0x1] =	stream.indirect_vreg.gather [hbm4b:s6+s3], $0x80, v4, vm0, $0xb8;
	[tilespmem:$0x18200] =	vst v63  }
0x17e: {  	s20 =	simm.s32 $0x9A00  }
0x17f: {  	[tilespmem:s20], [sflag:$0x1] =	stream.indirect_vreg.gather [hbm4b:s7+s3], $0x80, v4, vm0, $0xb8;
	[tilespmem:$0x18200] =	vst v63  }
0x180: {  	s25 =	simm.s32 $0xA200  }
0x181: {  	[tilespmem:s25], [sflag:$0x1] =	stream.indirect_vreg.gather [hbm4b:s1+s3], $0x80, v3, vm0, $0xb8;
	[tilespmem:$0x18200] =	vst v63  }
0x182: {  	s25 =	simm.s32 $0xAA00  }
0x183: {  	[tilespmem:s25], [sflag:$0x1] =	stream.indirect_vreg.gather [hbm4b:s5+s3], $0x80, v3, vm0, $0xb8;
	[tilespmem:$0x18200] =	vst v63  }
0x184: {  	s22 =	simm.s32 $0xB200  }
0x185: {  	[tilespmem:s22], [sflag:$0x1] =	stream.indirect_vreg.gather [hbm4b:s6+s3], $0x80, v3, vm0, $0xb8;
	[tilespmem:$0x18200] =	vst v63  }
0x186: {  	s23 =	simm.s32 $0xBA00  }
0x187: {  	[tilespmem:s23], [sflag:$0x1] =	stream.indirect_vreg.gather [hbm4b:s7+s3], $0x80, v3, vm0, $0xb8;
	[tilespmem:$0x18200] =	vst v63  }
0x188: {  	_ =	swait.ge [sflag:s0], $0x4000  }
0x189: {  	[sflag:s0] =	ssyncset.done $0x0  }
0x18a: {  	[sflag:s0] =	ssyncadd.s32 $0xFFFFC000  }
0x18b: {  	_ =	swait.ge [sflag:s4], $0x800  }
0x18c: {  	[sflag:s4] =	ssyncset.done $0x0  }
0x18d: {  	[sflag:s4] =	ssyncadd.s32 $0xFFFFF800  }
0x18e: {  	[spmem:s8] =	stream.linear.scatter [tilespmem:s21], [sflag:$0x2], $0x4000, $0x38;
	[tilespmem:$0x18200] =	vst v63  }
0x18f: {  	_ =	swait.ge [sflag:s12], $0x4000  }
0x190: {  	[sflag:s12] =	ssyncset.done $0x0  }
0x191: {  	s16 =	rddreg [dreg:$0xe];
	[sflag:s12] =	ssyncadd.s32 $0xFFFFC000  }
0x192: {  	[hbm:s16], [sflag:s31] =	dma.local [spmem:s2], $0x800  }
0x193: {  	v3 =	vld [tilespmem:$0xC0];
	_ =	sdelay $0x4  }
0x194: {  	v44 =	vshll.u32 v3, $0x3  }
0x195: {  	v3 =	vand.u32 $0x7, v3;
	v4 =	vand.u32 $0xFFFFFFC0, v44  }
0x196: {  	v3 =	vor.u32 v3, v4  }
0x197: {  	v4 =	vperm.xlane v3, v0;
	_ =	sdelay $0x1  }
0x198: {  	v4 =	vadd.s32 v1, v4;
	_ =	sdelay $0x4  }
0x199: {  	[tilespmem:s21], [sflag:$0x1] =	stream.indirect_vreg.gather [hbm4b:s1+s3], $0x80, v4, vm0, $0xb8;
	[tilespmem:$0x18200] =	vst v63  }
0x19a: {  	s11 =	simm.s32 $0xA00;
	v3 =	vperm.xlane v3, v2  }
0x19b: {  	[tilespmem:s11], [sflag:$0x1] =	stream.indirect_vreg.gather [hbm4b:s5+s3], $0x80, v4, vm0, $0xb8;
	[tilespmem:$0x18200] =	vst v63  }
0x19c: {  	s30 =	simm.s32 $0x1200;
	v3 =	vadd.s32 v1, v3  }
0x19d: {  	[tilespmem:s30], [sflag:$0x1] =	stream.indirect_vreg.gather [hbm4b:s6+s3], $0x80, v4, vm0, $0xb8;
	[tilespmem:$0x18200] =	vst v63  }
0x19e: {  	s17 =	simm.s32 $0x1A00  }
0x19f: {  	[tilespmem:s17], [sflag:$0x1] =	stream.indirect_vreg.gather [hbm4b:s7+s3], $0x80, v4, vm0, $0xb8;
	[tilespmem:$0x18200] =	vst v63  }
0x1a0: {  	s18 =	simm.s32 $0x2200  }
0x1a1: {  	[tilespmem:s18], [sflag:$0x1] =	stream.indirect_vreg.gather [hbm4b:s1+s3], $0x80, v3, vm0, $0xb8;
	[tilespmem:$0x18200] =	vst v63  }
0x1a2: {  	s26 =	simm.s32 $0x2A00  }
0x1a3: {  	[tilespmem:s26], [sflag:$0x1] =	stream.indirect_vreg.gather [hbm4b:s5+s3], $0x80, v3, vm0, $0xb8;
	[tilespmem:$0x18200] =	vst v63  }
0x1a4: {  	s16 =	simm.s32 $0x3200  }
0x1a5: {  	[tilespmem:s16], [sflag:$0x1] =	stream.indirect_vreg.gather [hbm4b:s6+s3], $0x80, v3, vm0, $0xb8;
	[tilespmem:$0x18200] =	vst v63  }
0x1a6: {  	s16 =	simm.s32 $0x3A00  }
0x1a7: {  	[tilespmem:s16], [sflag:$0x1] =	stream.indirect_vreg.gather [hbm4b:s7+s3], $0x80, v3, vm0, $0xb8;
	[tilespmem:$0x18200] =	vst v63  }
0x1a8: {  	_ =	swait.ge [sflag:s0], $0x4000  }
0x1a9: {  	[sflag:s0] =	ssyncset.done $0x0  }
0x1aa: {  	[sflag:s0] =	ssyncadd.s32 $0xFFFFC000  }
0x1ab: {  	_ =	swait.ge [sflag:s4], $0x800  }
0x1ac: {  	[sflag:s4] =	ssyncset.done $0x0  }
0x1ad: {  	[sflag:s4] =	ssyncadd.s32 $0xFFFFF800  }
0x1ae: {  	[spmem:s28] =	stream.linear.scatter [tilespmem:s9], [sflag:$0x2], $0x4000, $0x38;
	[tilespmem:$0x18200] =	vst v63  }
0x1af: {  	_ =	swait.ge [sflag:s12], $0x4000  }
0x1b0: {  	[sflag:s12] =	ssyncset.done $0x0  }
0x1b1: {  	s16 =	rddreg [dreg:$0xf];
	[sflag:s12] =	ssyncadd.s32 $0xFFFFC000  }
0x1b2: {  	[hbm:s16], [sflag:s31] =	dma.local [spmem:s14], $0x800  }
0x1b3: {  	v3 =	vld [tilespmem:$0xD0];
	_ =	sdelay $0x4  }
0x1b4: {  	v45 =	vshll.u32 v3, $0x3  }
0x1b5: {  	v3 =	vand.u32 $0x7, v3;
	v4 =	vand.u32 $0xFFFFFFC0, v45  }
0x1b6: {  	v3 =	vor.u32 v3, v4  }
0x1b7: {  	v4 =	vperm.xlane v3, v0;
	_ =	sdelay $0x1  }
0x1b8: {  	v4 =	vadd.s32 v1, v4;
	_ =	sdelay $0x4  }
0x1b9: {  	[tilespmem:s9], [sflag:$0x1] =	stream.indirect_vreg.gather [hbm4b:s1+s3], $0x80, v4, vm0, $0xb8;
	[tilespmem:$0x18200] =	vst v63  }
0x1ba: {  	s24 =	simm.s32 $0x4A00;
	v3 =	vperm.xlane v3, v2  }
0x1bb: {  	[tilespmem:s24], [sflag:$0x1] =	stream.indirect_vreg.gather [hbm4b:s5+s3], $0x80, v4, vm0, $0xb8;
	[tilespmem:$0x18200] =	vst v63  }
0x1bc: {  	s29 =	simm.s32 $0x5200;
	v3 =	vadd.s32 v1, v3  }
0x1bd: {  	[tilespmem:s29], [sflag:$0x1] =	stream.indirect_vreg.gather [hbm4b:s6+s3], $0x80, v4, vm0, $0xb8;
	[tilespmem:$0x18200] =	vst v63  }
0x1be: {  	s16 =	simm.s32 $0x5A00  }
0x1bf: {  	[tilespmem:s16], [sflag:$0x1] =	stream.indirect_vreg.gather [hbm4b:s7+s3], $0x80, v4, vm0, $0xb8;
	[tilespmem:$0x18200] =	vst v63  }
0x1c0: {  	s16 =	simm.s32 $0x6200  }
0x1c1: {  	[tilespmem:s16], [sflag:$0x1] =	stream.indirect_vreg.gather [hbm4b:s1+s3], $0x80, v3, vm0, $0xb8;
	[tilespmem:$0x18200] =	vst v63  }
0x1c2: {  	s16 =	simm.s32 $0x6A00  }
0x1c3: {  	[tilespmem:s16], [sflag:$0x1] =	stream.indirect_vreg.gather [hbm4b:s5+s3], $0x80, v3, vm0, $0xb8;
	[tilespmem:$0x18200] =	vst v63  }
0x1c4: {  	s16 =	simm.s32 $0x7200  }
0x1c5: {  	[tilespmem:s16], [sflag:$0x1] =	stream.indirect_vreg.gather [hbm4b:s6+s3], $0x80, v3, vm0, $0xb8;
	[tilespmem:$0x18200] =	vst v63  }
0x1c6: {  	s16 =	simm.s32 $0x7A00  }
0x1c7: {  	[tilespmem:s16], [sflag:$0x1] =	stream.indirect_vreg.gather [hbm4b:s7+s3], $0x80, v3, vm0, $0xb8;
	[tilespmem:$0x18200] =	vst v63  }
0x1c8: {  	_ =	swait.ge [sflag:s0], $0x4000  }
0x1c9: {  	[sflag:s0] =	ssyncset.done $0x0  }
0x1ca: {  	[sflag:s0] =	ssyncadd.s32 $0xFFFFC000  }
0x1cb: {  	_ =	swait.ge [sflag:s4], $0x800  }
0x1cc: {  	[sflag:s4] =	ssyncset.done $0x0  }
0x1cd: {  	[sflag:s4] =	ssyncadd.s32 $0xFFFFF800  }
0x1ce: {  	[spmem:s13] =	stream.linear.scatter [tilespmem:s10], [sflag:$0x2], $0x4000, $0x38;
	[tilespmem:$0x18200] =	vst v63  }
0x1cf: {  	_ =	swait.ge [sflag:s12], $0x4000  }
0x1d0: {  	[sflag:s12] =	ssyncset.done $0x0  }
0x1d1: {  	s16 =	rddreg [dreg:$0x10];
	[sflag:s12] =	ssyncadd.s32 $0xFFFFC000  }
0x1d2: {  	[hbm:s16], [sflag:s31] =	dma.local [spmem:s15], $0x800  }
0x1d3: {  	v3 =	vld [tilespmem:$0xE0];
	_ =	sdelay $0x4  }
0x1d4: {  	v46 =	vshll.u32 v3, $0x3  }
0x1d5: {  	v3 =	vand.u32 $0x7, v3;
	v4 =	vand.u32 $0xFFFFFFC0, v46  }
0x1d6: {  	v3 =	vor.u32 v3, v4  }
0x1d7: {  	v4 =	vperm.xlane v3, v0;
	_ =	sdelay $0x1  }
0x1d8: {  	v4 =	vadd.s32 v1, v4;
	_ =	sdelay $0x4  }
0x1d9: {  	[tilespmem:s10], [sflag:$0x1] =	stream.indirect_vreg.gather [hbm4b:s1+s3], $0x80, v4, vm0, $0xb8;
	[tilespmem:$0x18200] =	vst v63  }
0x1da: {  	s16 =	simm.s32 $0x8A00;
	v3 =	vperm.xlane v3, v2  }
0x1db: {  	[tilespmem:s16], [sflag:$0x1] =	stream.indirect_vreg.gather [hbm4b:s5+s3], $0x80, v4, vm0, $0xb8;
	[tilespmem:$0x18200] =	vst v63  }
0x1dc: {  	s19 =	simm.s32 $0x9200;
	v3 =	vadd.s32 v1, v3  }
0x1dd: {  	[tilespmem:s19], [sflag:$0x1] =	stream.indirect_vreg.gather [hbm4b:s6+s3], $0x80, v4, vm0, $0xb8;
	[tilespmem:$0x18200] =	vst v63  }
0x1de: {  	s16 =	simm.s32 $0x9A00  }
0x1df: {  	[tilespmem:s16], [sflag:$0x1] =	stream.indirect_vreg.gather [hbm4b:s7+s3], $0x80, v4, vm0, $0xb8;
	[tilespmem:$0x18200] =	vst v63  }
0x1e0: {  	s20 =	simm.s32 $0xA200  }
0x1e1: {  	[tilespmem:s20], [sflag:$0x1] =	stream.indirect_vreg.gather [hbm4b:s1+s3], $0x80, v3, vm0, $0xb8;
	[tilespmem:$0x18200] =	vst v63  }
0x1e2: {  	s25 =	simm.s32 $0xAA00  }
0x1e3: {  	[tilespmem:s25], [sflag:$0x1] =	stream.indirect_vreg.gather [hbm4b:s5+s3], $0x80, v3, vm0, $0xb8;
	[tilespmem:$0x18200] =	vst v63  }
0x1e4: {  	s22 =	simm.s32 $0xB200  }
0x1e5: {  	[tilespmem:s22], [sflag:$0x1] =	stream.indirect_vreg.gather [hbm4b:s6+s3], $0x80, v3, vm0, $0xb8;
	[tilespmem:$0x18200] =	vst v63  }
0x1e6: {  	s23 =	simm.s32 $0xBA00  }
0x1e7: {  	[tilespmem:s23], [sflag:$0x1] =	stream.indirect_vreg.gather [hbm4b:s7+s3], $0x80, v3, vm0, $0xb8;
	[tilespmem:$0x18200] =	vst v63  }
0x1e8: {  	_ =	swait.ge [sflag:s0], $0x4000  }
0x1e9: {  	[sflag:s0] =	ssyncset.done $0x0  }
0x1ea: {  	[sflag:s0] =	ssyncadd.s32 $0xFFFFC000  }
0x1eb: {  	_ =	swait.ge [sflag:s4], $0x800  }
0x1ec: {  	[sflag:s4] =	ssyncset.done $0x0  }
0x1ed: {  	[sflag:s4] =	ssyncadd.s32 $0xFFFFF800  }
0x1ee: {  	[spmem:s8] =	stream.linear.scatter [tilespmem:s21], [sflag:$0x2], $0x4000, $0x38;
	[tilespmem:$0x18200] =	vst v63  }
0x1ef: {  	_ =	swait.ge [sflag:s12], $0x4000  }
0x1f0: {  	[sflag:s12] =	ssyncset.done $0x0  }
0x1f1: {  	s23 =	rddreg [dreg:$0x11];
	[sflag:s12] =	ssyncadd.s32 $0xFFFFC000  }
0x1f2: {  	[hbm:s23], [sflag:s31] =	dma.local [spmem:s2], $0x800  }
0x1f3: {  	v3 =	vld [tilespmem:$0xF0];
	_ =	sdelay $0x4  }
0x1f4: {  	v47 =	vshll.u32 v3, $0x3  }
0x1f5: {  	v3 =	vand.u32 $0x7, v3;
	v4 =	vand.u32 $0xFFFFFFC0, v47  }
0x1f6: {  	v3 =	vor.u32 v3, v4  }
0x1f7: {  	v4 =	vperm.xlane v3, v0;
	_ =	sdelay $0x1  }
0x1f8: {  	v4 =	vadd.s32 v1, v4;
	_ =	sdelay $0x4  }
0x1f9: {  	[tilespmem:s21], [sflag:$0x1] =	stream.indirect_vreg.gather [hbm4b:s1+s3], $0x80, v4, vm0, $0xb8;
	[tilespmem:$0x18200] =	vst v63  }
0x1fa: {  	s11 =	simm.s32 $0xA00;
	v3 =	vperm.xlane v3, v2  }
0x1fb: {  	[tilespmem:s11], [sflag:$0x1] =	stream.indirect_vreg.gather [hbm4b:s5+s3], $0x80, v4, vm0, $0xb8;
	[tilespmem:$0x18200] =	vst v63  }
0x1fc: {  	s30 =	simm.s32 $0x1200;
	v3 =	vadd.s32 v1, v3  }
0x1fd: {  	[tilespmem:s30], [sflag:$0x1] =	stream.indirect_vreg.gather [hbm4b:s6+s3], $0x80, v4, vm0, $0xb8;
	[tilespmem:$0x18200] =	vst v63  }
0x1fe: {  	s17 =	simm.s32 $0x1A00  }
0x1ff: {  	[tilespmem:s17], [sflag:$0x1] =	stream.indirect_vreg.gather [hbm4b:s7+s3], $0x80, v4, vm0, $0xb8;
	[tilespmem:$0x18200] =	vst v63  }
0x200: {  	s18 =	simm.s32 $0x2200  }
0x201: {  	[tilespmem:s18], [sflag:$0x1] =	stream.indirect_vreg.gather [hbm4b:s1+s3], $0x80, v3, vm0, $0xb8;
	[tilespmem:$0x18200] =	vst v63  }
0x202: {  	s26 =	simm.s32 $0x2A00  }
0x203: {  	[tilespmem:s26], [sflag:$0x1] =	stream.indirect_vreg.gather [hbm4b:s5+s3], $0x80, v3, vm0, $0xb8;
	[tilespmem:$0x18200] =	vst v63  }
0x204: {  	s26 =	simm.s32 $0x3200  }
0x205: {  	[tilespmem:s26], [sflag:$0x1] =	stream.indirect_vreg.gather [hbm4b:s6+s3], $0x80, v3, vm0, $0xb8;
	[tilespmem:$0x18200] =	vst v63  }
0x206: {  	s26 =	simm.s32 $0x3A00  }
0x207: {  	[tilespmem:s26], [sflag:$0x1] =	stream.indirect_vreg.gather [hbm4b:s7+s3], $0x80, v3, vm0, $0xb8;
	[tilespmem:$0x18200] =	vst v63  }
0x208: {  	_ =	swait.ge [sflag:s0], $0x4000  }
0x209: {  	[sflag:s0] =	ssyncset.done $0x0  }
0x20a: {  	[sflag:s0] =	ssyncadd.s32 $0xFFFFC000  }
0x20b: {  	_ =	swait.ge [sflag:s4], $0x800  }
0x20c: {  	[sflag:s4] =	ssyncset.done $0x0  }
0x20d: {  	[sflag:s4] =	ssyncadd.s32 $0xFFFFF800  }
0x20e: {  	[spmem:s28] =	stream.linear.scatter [tilespmem:s9], [sflag:$0x2], $0x4000, $0x38;
	[tilespmem:$0x18200] =	vst v63  }
0x20f: {  	_ =	swait.ge [sflag:s12], $0x4000  }
0x210: {  	[sflag:s12] =	ssyncset.done $0x0  }
0x211: {  	s26 =	rddreg [dreg:$0x12];
	[sflag:s12] =	ssyncadd.s32 $0xFFFFC000  }
0x212: {  	[hbm:s26], [sflag:s31] =	dma.local [spmem:s14], $0x800  }
0x213: {  	v3 =	vld [tilespmem:$0x100];
	_ =	sdelay $0x4  }
0x214: {  	v48 =	vshll.u32 v3, $0x3  }
0x215: {  	v3 =	vand.u32 $0x7, v3;
	v4 =	vand.u32 $0xFFFFFFC0, v48  }
0x216: {  	v3 =	vor.u32 v3, v4  }
0x217: {  	v4 =	vperm.xlane v3, v0;
	_ =	sdelay $0x1  }
0x218: {  	v4 =	vadd.s32 v1, v4;
	_ =	sdelay $0x4  }
0x219: {  	[tilespmem:s9], [sflag:$0x1] =	stream.indirect_vreg.gather [hbm4b:s1+s3], $0x80, v4, vm0, $0xb8;
	[tilespmem:$0x18200] =	vst v63  }
0x21a: {  	s24 =	simm.s32 $0x4A00;
	v3 =	vperm.xlane v3, v2  }
0x21b: {  	[tilespmem:s24], [sflag:$0x1] =	stream.indirect_vreg.gather [hbm4b:s5+s3], $0x80, v4, vm0, $0xb8;
	[tilespmem:$0x18200] =	vst v63  }
0x21c: {  	s29 =	simm.s32 $0x5200;
	v3 =	vadd.s32 v1, v3  }
0x21d: {  	[tilespmem:s29], [sflag:$0x1] =	stream.indirect_vreg.gather [hbm4b:s6+s3], $0x80, v4, vm0, $0xb8;
	[tilespmem:$0x18200] =	vst v63  }
0x21e: {  	s29 =	simm.s32 $0x5A00  }
0x21f: {  	[tilespmem:s29], [sflag:$0x1] =	stream.indirect_vreg.gather [hbm4b:s7+s3], $0x80, v4, vm0, $0xb8;
	[tilespmem:$0x18200] =	vst v63  }
0x220: {  	s16 =	simm.s32 $0x6200  }
0x221: {  	[tilespmem:s16], [sflag:$0x1] =	stream.indirect_vreg.gather [hbm4b:s1+s3], $0x80, v3, vm0, $0xb8;
	[tilespmem:$0x18200] =	vst v63  }
0x222: {  	s16 =	simm.s32 $0x6A00  }
0x223: {  	[tilespmem:s16], [sflag:$0x1] =	stream.indirect_vreg.gather [hbm4b:s5+s3], $0x80, v3, vm0, $0xb8;
	[tilespmem:$0x18200] =	vst v63  }
0x224: {  	s16 =	simm.s32 $0x7200  }
0x225: {  	[tilespmem:s16], [sflag:$0x1] =	stream.indirect_vreg.gather [hbm4b:s6+s3], $0x80, v3, vm0, $0xb8;
	[tilespmem:$0x18200] =	vst v63  }
0x226: {  	s16 =	simm.s32 $0x7A00  }
0x227: {  	[tilespmem:s16], [sflag:$0x1] =	stream.indirect_vreg.gather [hbm4b:s7+s3], $0x80, v3, vm0, $0xb8;
	[tilespmem:$0x18200] =	vst v63  }
0x228: {  	_ =	swait.ge [sflag:s0], $0x4000  }
0x229: {  	[sflag:s0] =	ssyncset.done $0x0  }
0x22a: {  	[sflag:s0] =	ssyncadd.s32 $0xFFFFC000  }
0x22b: {  	_ =	swait.ge [sflag:s4], $0x800  }
0x22c: {  	[sflag:s4] =	ssyncset.done $0x0  }
0x22d: {  	[sflag:s4] =	ssyncadd.s32 $0xFFFFF800  }
0x22e: {  	[spmem:s13] =	stream.linear.scatter [tilespmem:s10], [sflag:$0x2], $0x4000, $0x38;
	[tilespmem:$0x18200] =	vst v63  }
0x22f: {  	_ =	swait.ge [sflag:s12], $0x4000  }
0x230: {  	[sflag:s12] =	ssyncset.done $0x0  }
0x231: {  	s16 =	rddreg [dreg:$0x13];
	[sflag:s12] =	ssyncadd.s32 $0xFFFFC000  }
0x232: {  	[hbm:s16], [sflag:s31] =	dma.local [spmem:s15], $0x800  }
0x233: {  	v3 =	vld [tilespmem:$0x110];
	_ =	sdelay $0x4  }
0x234: {  	v49 =	vshll.u32 v3, $0x3  }
0x235: {  	v3 =	vand.u32 $0x7, v3;
	v4 =	vand.u32 $0xFFFFFFC0, v49  }
0x236: {  	v3 =	vor.u32 v3, v4  }
0x237: {  	v4 =	vperm.xlane v3, v0;
	_ =	sdelay $0x1  }
0x238: {  	v4 =	vadd.s32 v1, v4;
	_ =	sdelay $0x4  }
0x239: {  	[tilespmem:s10], [sflag:$0x1] =	stream.indirect_vreg.gather [hbm4b:s1+s3], $0x80, v4, vm0, $0xb8;
	[tilespmem:$0x18200] =	vst v63  }
0x23a: {  	s16 =	simm.s32 $0x8A00;
	v3 =	vperm.xlane v3, v2  }
0x23b: {  	[tilespmem:s16], [sflag:$0x1] =	stream.indirect_vreg.gather [hbm4b:s5+s3], $0x80, v4, vm0, $0xb8;
	[tilespmem:$0x18200] =	vst v63  }
0x23c: {  	s19 =	simm.s32 $0x9200;
	v3 =	vadd.s32 v1, v3  }
0x23d: {  	[tilespmem:s19], [sflag:$0x1] =	stream.indirect_vreg.gather [hbm4b:s6+s3], $0x80, v4, vm0, $0xb8;
	[tilespmem:$0x18200] =	vst v63  }
0x23e: {  	s16 =	simm.s32 $0x9A00  }
0x23f: {  	[tilespmem:s16], [sflag:$0x1] =	stream.indirect_vreg.gather [hbm4b:s7+s3], $0x80, v4, vm0, $0xb8;
	[tilespmem:$0x18200] =	vst v63  }
0x240: {  	s20 =	simm.s32 $0xA200  }
0x241: {  	[tilespmem:s20], [sflag:$0x1] =	stream.indirect_vreg.gather [hbm4b:s1+s3], $0x80, v3, vm0, $0xb8;
	[tilespmem:$0x18200] =	vst v63  }
0x242: {  	s25 =	simm.s32 $0xAA00  }
0x243: {  	[tilespmem:s25], [sflag:$0x1] =	stream.indirect_vreg.gather [hbm4b:s5+s3], $0x80, v3, vm0, $0xb8;
	[tilespmem:$0x18200] =	vst v63  }
0x244: {  	s25 =	simm.s32 $0xB200  }
0x245: {  	[tilespmem:s25], [sflag:$0x1] =	stream.indirect_vreg.gather [hbm4b:s6+s3], $0x80, v3, vm0, $0xb8;
	[tilespmem:$0x18200] =	vst v63  }
0x246: {  	s22 =	simm.s32 $0xBA00  }
0x247: {  	[tilespmem:s22], [sflag:$0x1] =	stream.indirect_vreg.gather [hbm4b:s7+s3], $0x80, v3, vm0, $0xb8;
	[tilespmem:$0x18200] =	vst v63  }
0x248: {  	_ =	swait.ge [sflag:s0], $0x4000  }
0x249: {  	[sflag:s0] =	ssyncset.done $0x0  }
0x24a: {  	[sflag:s0] =	ssyncadd.s32 $0xFFFFC000  }
0x24b: {  	_ =	swait.ge [sflag:s4], $0x800  }
0x24c: {  	[sflag:s4] =	ssyncset.done $0x0  }
0x24d: {  	[sflag:s4] =	ssyncadd.s32 $0xFFFFF800  }
0x24e: {  	[spmem:s8] =	stream.linear.scatter [tilespmem:s21], [sflag:$0x2], $0x4000, $0x38;
	[tilespmem:$0x18200] =	vst v63  }
0x24f: {  	_ =	swait.ge [sflag:s12], $0x4000  }
0x250: {  	[sflag:s12] =	ssyncset.done $0x0  }
0x251: {  	s16 =	rddreg [dreg:$0x14];
	[sflag:s12] =	ssyncadd.s32 $0xFFFFC000  }
0x252: {  	[hbm:s16], [sflag:s31] =	dma.local [spmem:s2], $0x800  }
0x253: {  	v3 =	vld [tilespmem:$0x120];
	_ =	sdelay $0x4  }
0x254: {  	v50 =	vshll.u32 v3, $0x3  }
0x255: {  	v3 =	vand.u32 $0x7, v3;
	v4 =	vand.u32 $0xFFFFFFC0, v50  }
0x256: {  	v3 =	vor.u32 v3, v4  }
0x257: {  	v4 =	vperm.xlane v3, v0;
	_ =	sdelay $0x1  }
0x258: {  	v4 =	vadd.s32 v1, v4;
	_ =	sdelay $0x4  }
0x259: {  	[tilespmem:s21], [sflag:$0x1] =	stream.indirect_vreg.gather [hbm4b:s1+s3], $0x80, v4, vm0, $0xb8;
	[tilespmem:$0x18200] =	vst v63  }
0x25a: {  	s11 =	simm.s32 $0xA00;
	v3 =	vperm.xlane v3, v2  }
0x25b: {  	[tilespmem:s11], [sflag:$0x1] =	stream.indirect_vreg.gather [hbm4b:s5+s3], $0x80, v4, vm0, $0xb8;
	[tilespmem:$0x18200] =	vst v63  }
0x25c: {  	s30 =	simm.s32 $0x1200;
	v3 =	vadd.s32 v1, v3  }
0x25d: {  	[tilespmem:s30], [sflag:$0x1] =	stream.indirect_vreg.gather [hbm4b:s6+s3], $0x80, v4, vm0, $0xb8;
	[tilespmem:$0x18200] =	vst v63  }
0x25e: {  	s17 =	simm.s32 $0x1A00  }
0x25f: {  	[tilespmem:s17], [sflag:$0x1] =	stream.indirect_vreg.gather [hbm4b:s7+s3], $0x80, v4, vm0, $0xb8;
	[tilespmem:$0x18200] =	vst v63  }
0x260: {  	s18 =	simm.s32 $0x2200  }
0x261: {  	[tilespmem:s18], [sflag:$0x1] =	stream.indirect_vreg.gather [hbm4b:s1+s3], $0x80, v3, vm0, $0xb8;
	[tilespmem:$0x18200] =	vst v63  }
0x262: {  	s23 =	simm.s32 $0x2A00  }
0x263: {  	[tilespmem:s23], [sflag:$0x1] =	stream.indirect_vreg.gather [hbm4b:s5+s3], $0x80, v3, vm0, $0xb8;
	[tilespmem:$0x18200] =	vst v63  }
0x264: {  	s16 =	simm.s32 $0x3200  }
0x265: {  	[tilespmem:s16], [sflag:$0x1] =	stream.indirect_vreg.gather [hbm4b:s6+s3], $0x80, v3, vm0, $0xb8;
	[tilespmem:$0x18200] =	vst v63  }
0x266: {  	s16 =	simm.s32 $0x3A00  }
0x267: {  	[tilespmem:s16], [sflag:$0x1] =	stream.indirect_vreg.gather [hbm4b:s7+s3], $0x80, v3, vm0, $0xb8;
	[tilespmem:$0x18200] =	vst v63  }
0x268: {  	_ =	swait.ge [sflag:s0], $0x4000  }
0x269: {  	[sflag:s0] =	ssyncset.done $0x0  }
0x26a: {  	[sflag:s0] =	ssyncadd.s32 $0xFFFFC000  }
0x26b: {  	_ =	swait.ge [sflag:s4], $0x800  }
0x26c: {  	[sflag:s4] =	ssyncset.done $0x0  }
0x26d: {  	[sflag:s4] =	ssyncadd.s32 $0xFFFFF800  }
0x26e: {  	[spmem:s28] =	stream.linear.scatter [tilespmem:s9], [sflag:$0x2], $0x4000, $0x38;
	[tilespmem:$0x18200] =	vst v63  }
0x26f: {  	_ =	swait.ge [sflag:s12], $0x4000  }
0x270: {  	[sflag:s12] =	ssyncset.done $0x0  }
0x271: {  	s16 =	rddreg [dreg:$0x15];
	[sflag:s12] =	ssyncadd.s32 $0xFFFFC000  }
0x272: {  	[hbm:s16], [sflag:s31] =	dma.local [spmem:s14], $0x800  }
0x273: {  	v3 =	vld [tilespmem:$0x130];
	_ =	sdelay $0x4  }
0x274: {  	v51 =	vshll.u32 v3, $0x3  }
0x275: {  	v3 =	vand.u32 $0x7, v3;
	v4 =	vand.u32 $0xFFFFFFC0, v51  }
0x276: {  	v3 =	vor.u32 v3, v4  }
0x277: {  	v4 =	vperm.xlane v3, v0;
	_ =	sdelay $0x1  }
0x278: {  	v4 =	vadd.s32 v1, v4;
	_ =	sdelay $0x4  }
0x279: {  	[tilespmem:s9], [sflag:$0x1] =	stream.indirect_vreg.gather [hbm4b:s1+s3], $0x80, v4, vm0, $0xb8;
	[tilespmem:$0x18200] =	vst v63  }
0x27a: {  	s24 =	simm.s32 $0x4A00;
	v3 =	vperm.xlane v3, v2  }
0x27b: {  	[tilespmem:s24], [sflag:$0x1] =	stream.indirect_vreg.gather [hbm4b:s5+s3], $0x80, v4, vm0, $0xb8;
	[tilespmem:$0x18200] =	vst v63  }
0x27c: {  	s26 =	simm.s32 $0x5200;
	v3 =	vadd.s32 v1, v3  }
0x27d: {  	[tilespmem:s26], [sflag:$0x1] =	stream.indirect_vreg.gather [hbm4b:s6+s3], $0x80, v4, vm0, $0xb8;
	[tilespmem:$0x18200] =	vst v63  }
0x27e: {  	s29 =	simm.s32 $0x5A00  }
0x27f: {  	[tilespmem:s29], [sflag:$0x1] =	stream.indirect_vreg.gather [hbm4b:s7+s3], $0x80, v4, vm0, $0xb8;
	[tilespmem:$0x18200] =	vst v63  }
0x280: {  	s16 =	simm.s32 $0x6200  }
0x281: {  	[tilespmem:s16], [sflag:$0x1] =	stream.indirect_vreg.gather [hbm4b:s1+s3], $0x80, v3, vm0, $0xb8;
	[tilespmem:$0x18200] =	vst v63  }
0x282: {  	s16 =	simm.s32 $0x6A00  }
0x283: {  	[tilespmem:s16], [sflag:$0x1] =	stream.indirect_vreg.gather [hbm4b:s5+s3], $0x80, v3, vm0, $0xb8;
	[tilespmem:$0x18200] =	vst v63  }
0x284: {  	s16 =	simm.s32 $0x7200  }
0x285: {  	[tilespmem:s16], [sflag:$0x1] =	stream.indirect_vreg.gather [hbm4b:s6+s3], $0x80, v3, vm0, $0xb8;
	[tilespmem:$0x18200] =	vst v63  }
0x286: {  	s16 =	simm.s32 $0x7A00  }
0x287: {  	[tilespmem:s16], [sflag:$0x1] =	stream.indirect_vreg.gather [hbm4b:s7+s3], $0x80, v3, vm0, $0xb8;
	[tilespmem:$0x18200] =	vst v63  }
0x288: {  	_ =	swait.ge [sflag:s0], $0x4000  }
0x289: {  	[sflag:s0] =	ssyncset.done $0x0  }
0x28a: {  	[sflag:s0] =	ssyncadd.s32 $0xFFFFC000  }
0x28b: {  	_ =	swait.ge [sflag:s4], $0x800  }
0x28c: {  	[sflag:s4] =	ssyncset.done $0x0  }
0x28d: {  	[sflag:s4] =	ssyncadd.s32 $0xFFFFF800  }
0x28e: {  	[spmem:s13] =	stream.linear.scatter [tilespmem:s10], [sflag:$0x2], $0x4000, $0x38;
	[tilespmem:$0x18200] =	vst v63  }
0x28f: {  	_ =	swait.ge [sflag:s12], $0x4000  }
0x290: {  	[sflag:s12] =	ssyncset.done $0x0  }
0x291: {  	s16 =	rddreg [dreg:$0x16];
	[sflag:s12] =	ssyncadd.s32 $0xFFFFC000  }
0x292: {  	[hbm:s16], [sflag:s31] =	dma.local [spmem:s15], $0x800  }
0x293: {  	v3 =	vld [tilespmem:$0x140];
	_ =	sdelay $0x4  }
0x294: {  	v52 =	vshll.u32 v3, $0x3  }
0x295: {  	v3 =	vand.u32 $0x7, v3;
	v4 =	vand.u32 $0xFFFFFFC0, v52  }
0x296: {  	v3 =	vor.u32 v3, v4  }
0x297: {  	v4 =	vperm.xlane v3, v0;
	_ =	sdelay $0x1  }
0x298: {  	v4 =	vadd.s32 v1, v4;
	_ =	sdelay $0x4  }
0x299: {  	[tilespmem:s10], [sflag:$0x1] =	stream.indirect_vreg.gather [hbm4b:s1+s3], $0x80, v4, vm0, $0xb8;
	[tilespmem:$0x18200] =	vst v63  }
0x29a: {  	s16 =	simm.s32 $0x8A00;
	v3 =	vperm.xlane v3, v2  }
0x29b: {  	[tilespmem:s16], [sflag:$0x1] =	stream.indirect_vreg.gather [hbm4b:s5+s3], $0x80, v4, vm0, $0xb8;
	[tilespmem:$0x18200] =	vst v63  }
0x29c: {  	s19 =	simm.s32 $0x9200;
	v3 =	vadd.s32 v1, v3  }
0x29d: {  	[tilespmem:s19], [sflag:$0x1] =	stream.indirect_vreg.gather [hbm4b:s6+s3], $0x80, v4, vm0, $0xb8;
	[tilespmem:$0x18200] =	vst v63  }
0x29e: {  	s16 =	simm.s32 $0x9A00  }
0x29f: {  	[tilespmem:s16], [sflag:$0x1] =	stream.indirect_vreg.gather [hbm4b:s7+s3], $0x80, v4, vm0, $0xb8;
	[tilespmem:$0x18200] =	vst v63  }
0x2a0: {  	s20 =	simm.s32 $0xA200  }
0x2a1: {  	[tilespmem:s20], [sflag:$0x1] =	stream.indirect_vreg.gather [hbm4b:s1+s3], $0x80, v3, vm0, $0xb8;
	[tilespmem:$0x18200] =	vst v63  }
0x2a2: {  	s16 =	simm.s32 $0xAA00  }
0x2a3: {  	[tilespmem:s16], [sflag:$0x1] =	stream.indirect_vreg.gather [hbm4b:s5+s3], $0x80, v3, vm0, $0xb8;
	[tilespmem:$0x18200] =	vst v63  }
0x2a4: {  	s25 =	simm.s32 $0xB200  }
0x2a5: {  	[tilespmem:s25], [sflag:$0x1] =	stream.indirect_vreg.gather [hbm4b:s6+s3], $0x80, v3, vm0, $0xb8;
	[tilespmem:$0x18200] =	vst v63  }
0x2a6: {  	s22 =	simm.s32 $0xBA00  }
0x2a7: {  	[tilespmem:s22], [sflag:$0x1] =	stream.indirect_vreg.gather [hbm4b:s7+s3], $0x80, v3, vm0, $0xb8;
	[tilespmem:$0x18200] =	vst v63  }
0x2a8: {  	_ =	swait.ge [sflag:s0], $0x4000  }
0x2a9: {  	[sflag:s0] =	ssyncset.done $0x0  }
0x2aa: {  	[sflag:s0] =	ssyncadd.s32 $0xFFFFC000  }
0x2ab: {  	_ =	swait.ge [sflag:s4], $0x800  }
0x2ac: {  	[sflag:s4] =	ssyncset.done $0x0  }
0x2ad: {  	[sflag:s4] =	ssyncadd.s32 $0xFFFFF800  }
0x2ae: {  	[spmem:s8] =	stream.linear.scatter [tilespmem:s21], [sflag:$0x2], $0x4000, $0x38;
	[tilespmem:$0x18200] =	vst v63  }
0x2af: {  	_ =	swait.ge [sflag:s12], $0x4000  }
0x2b0: {  	[sflag:s12] =	ssyncset.done $0x0  }
0x2b1: {  	s16 =	rddreg [dreg:$0x17];
	[sflag:s12] =	ssyncadd.s32 $0xFFFFC000  }
0x2b2: {  	[hbm:s16], [sflag:s31] =	dma.local [spmem:s2], $0x800  }
0x2b3: {  	v3 =	vld [tilespmem:$0x150];
	_ =	sdelay $0x4  }
0x2b4: {  	v53 =	vshll.u32 v3, $0x3  }
0x2b5: {  	v3 =	vand.u32 $0x7, v3;
	v4 =	vand.u32 $0xFFFFFFC0, v53  }
0x2b6: {  	v3 =	vor.u32 v3, v4  }
0x2b7: {  	v4 =	vperm.xlane v3, v0;
	_ =	sdelay $0x1  }
0x2b8: {  	v4 =	vadd.s32 v1, v4;
	_ =	sdelay $0x4  }
0x2b9: {  	[tilespmem:s21], [sflag:$0x1] =	stream.indirect_vreg.gather [hbm4b:s1+s3], $0x80, v4, vm0, $0xb8;
	[tilespmem:$0x18200] =	vst v63  }
0x2ba: {  	s11 =	simm.s32 $0xA00;
	v3 =	vperm.xlane v3, v2  }
0x2bb: {  	[tilespmem:s11], [sflag:$0x1] =	stream.indirect_vreg.gather [hbm4b:s5+s3], $0x80, v4, vm0, $0xb8;
	[tilespmem:$0x18200] =	vst v63  }
0x2bc: {  	s30 =	simm.s32 $0x1200;
	v3 =	vadd.s32 v1, v3  }
0x2bd: {  	[tilespmem:s30], [sflag:$0x1] =	stream.indirect_vreg.gather [hbm4b:s6+s3], $0x80, v4, vm0, $0xb8;
	[tilespmem:$0x18200] =	vst v63  }
0x2be: {  	s17 =	simm.s32 $0x1A00  }
0x2bf: {  	[tilespmem:s17], [sflag:$0x1] =	stream.indirect_vreg.gather [hbm4b:s7+s3], $0x80, v4, vm0, $0xb8;
	[tilespmem:$0x18200] =	vst v63  }
0x2c0: {  	s18 =	simm.s32 $0x2200  }
0x2c1: {  	[tilespmem:s18], [sflag:$0x1] =	stream.indirect_vreg.gather [hbm4b:s1+s3], $0x80, v3, vm0, $0xb8;
	[tilespmem:$0x18200] =	vst v63  }
0x2c2: {  	s23 =	simm.s32 $0x2A00  }
0x2c3: {  	[tilespmem:s23], [sflag:$0x1] =	stream.indirect_vreg.gather [hbm4b:s5+s3], $0x80, v3, vm0, $0xb8;
	[tilespmem:$0x18200] =	vst v63  }
0x2c4: {  	s16 =	simm.s32 $0x3200  }
0x2c5: {  	[tilespmem:s16], [sflag:$0x1] =	stream.indirect_vreg.gather [hbm4b:s6+s3], $0x80, v3, vm0, $0xb8;
	[tilespmem:$0x18200] =	vst v63  }
0x2c6: {  	s16 =	simm.s32 $0x3A00  }
0x2c7: {  	[tilespmem:s16], [sflag:$0x1] =	stream.indirect_vreg.gather [hbm4b:s7+s3], $0x80, v3, vm0, $0xb8;
	[tilespmem:$0x18200] =	vst v63  }
0x2c8: {  	_ =	swait.ge [sflag:s0], $0x4000  }
0x2c9: {  	[sflag:s0] =	ssyncset.done $0x0  }
0x2ca: {  	[sflag:s0] =	ssyncadd.s32 $0xFFFFC000  }
0x2cb: {  	_ =	swait.ge [sflag:s4], $0x800  }
0x2cc: {  	[sflag:s4] =	ssyncset.done $0x0  }
0x2cd: {  	[sflag:s4] =	ssyncadd.s32 $0xFFFFF800  }
0x2ce: {  	[spmem:s28] =	stream.linear.scatter [tilespmem:s9], [sflag:$0x2], $0x4000, $0x38;
	[tilespmem:$0x18200] =	vst v63  }
0x2cf: {  	_ =	swait.ge [sflag:s12], $0x4000  }
0x2d0: {  	[sflag:s12] =	ssyncset.done $0x0  }
0x2d1: {  	s16 =	rddreg [dreg:$0x18];
	[sflag:s12] =	ssyncadd.s32 $0xFFFFC000  }
0x2d2: {  	[hbm:s16], [sflag:s31] =	dma.local [spmem:s14], $0x800  }
0x2d3: {  	v3 =	vld [tilespmem:$0x160];
	_ =	sdelay $0x4  }
0x2d4: {  	v54 =	vshll.u32 v3, $0x3  }
0x2d5: {  	v3 =	vand.u32 $0x7, v3;
	v4 =	vand.u32 $0xFFFFFFC0, v54  }
0x2d6: {  	v3 =	vor.u32 v3, v4  }
0x2d7: {  	v4 =	vperm.xlane v3, v0;
	_ =	sdelay $0x1  }
0x2d8: {  	v4 =	vadd.s32 v1, v4;
	_ =	sdelay $0x4  }
0x2d9: {  	[tilespmem:s9], [sflag:$0x1] =	stream.indirect_vreg.gather [hbm4b:s1+s3], $0x80, v4, vm0, $0xb8;
	[tilespmem:$0x18200] =	vst v63  }
0x2da: {  	s24 =	simm.s32 $0x4A00;
	v3 =	vperm.xlane v3, v2  }
0x2db: {  	[tilespmem:s24], [sflag:$0x1] =	stream.indirect_vreg.gather [hbm4b:s5+s3], $0x80, v4, vm0, $0xb8;
	[tilespmem:$0x18200] =	vst v63  }
0x2dc: {  	s26 =	simm.s32 $0x5200;
	v3 =	vadd.s32 v1, v3  }
0x2dd: {  	[tilespmem:s26], [sflag:$0x1] =	stream.indirect_vreg.gather [hbm4b:s6+s3], $0x80, v4, vm0, $0xb8;
	[tilespmem:$0x18200] =	vst v63  }
0x2de: {  	s29 =	simm.s32 $0x5A00  }
0x2df: {  	[tilespmem:s29], [sflag:$0x1] =	stream.indirect_vreg.gather [hbm4b:s7+s3], $0x80, v4, vm0, $0xb8;
	[tilespmem:$0x18200] =	vst v63  }
0x2e0: {  	s16 =	simm.s32 $0x6200  }
0x2e1: {  	[tilespmem:s16], [sflag:$0x1] =	stream.indirect_vreg.gather [hbm4b:s1+s3], $0x80, v3, vm0, $0xb8;
	[tilespmem:$0x18200] =	vst v63  }
0x2e2: {  	s16 =	simm.s32 $0x6A00  }
0x2e3: {  	[tilespmem:s16], [sflag:$0x1] =	stream.indirect_vreg.gather [hbm4b:s5+s3], $0x80, v3, vm0, $0xb8;
	[tilespmem:$0x18200] =	vst v63  }
0x2e4: {  	s16 =	simm.s32 $0x7200  }
0x2e5: {  	[tilespmem:s16], [sflag:$0x1] =	stream.indirect_vreg.gather [hbm4b:s6+s3], $0x80, v3, vm0, $0xb8;
	[tilespmem:$0x18200] =	vst v63  }
0x2e6: {  	s16 =	simm.s32 $0x7A00  }
0x2e7: {  	[tilespmem:s16], [sflag:$0x1] =	stream.indirect_vreg.gather [hbm4b:s7+s3], $0x80, v3, vm0, $0xb8;
	[tilespmem:$0x18200] =	vst v63  }
0x2e8: {  	_ =	swait.ge [sflag:s0], $0x4000  }
0x2e9: {  	[sflag:s0] =	ssyncset.done $0x0  }
0x2ea: {  	[sflag:s0] =	ssyncadd.s32 $0xFFFFC000  }
0x2eb: {  	_ =	swait.ge [sflag:s4], $0x800  }
0x2ec: {  	[sflag:s4] =	ssyncset.done $0x0  }
0x2ed: {  	[sflag:s4] =	ssyncadd.s32 $0xFFFFF800  }
0x2ee: {  	[spmem:s13] =	stream.linear.scatter [tilespmem:s10], [sflag:$0x2], $0x4000, $0x38;
	[tilespmem:$0x18200] =	vst v63  }
0x2ef: {  	_ =	swait.ge [sflag:s12], $0x4000  }
0x2f0: {  	[sflag:s12] =	ssyncset.done $0x0  }
0x2f1: {  	s16 =	rddreg [dreg:$0x19];
	[sflag:s12] =	ssyncadd.s32 $0xFFFFC000  }
0x2f2: {  	[hbm:s16], [sflag:s31] =	dma.local [spmem:s15], $0x800  }
0x2f3: {  	v3 =	vld [tilespmem:$0x170];
	_ =	sdelay $0x4  }
0x2f4: {  	v55 =	vshll.u32 v3, $0x3  }
0x2f5: {  	v3 =	vand.u32 $0x7, v3;
	v4 =	vand.u32 $0xFFFFFFC0, v55  }
0x2f6: {  	v3 =	vor.u32 v3, v4  }
0x2f7: {  	v4 =	vperm.xlane v3, v0;
	_ =	sdelay $0x1  }
0x2f8: {  	v4 =	vadd.s32 v1, v4;
	_ =	sdelay $0x4  }
0x2f9: {  	[tilespmem:s10], [sflag:$0x1] =	stream.indirect_vreg.gather [hbm4b:s1+s3], $0x80, v4, vm0, $0xb8;
	[tilespmem:$0x18200] =	vst v63  }
0x2fa: {  	s16 =	simm.s32 $0x8A00;
	v3 =	vperm.xlane v3, v2  }
0x2fb: {  	[tilespmem:s16], [sflag:$0x1] =	stream.indirect_vreg.gather [hbm4b:s5+s3], $0x80, v4, vm0, $0xb8;
	[tilespmem:$0x18200] =	vst v63  }
0x2fc: {  	s19 =	simm.s32 $0x9200;
	v3 =	vadd.s32 v1, v3  }
0x2fd: {  	[tilespmem:s19], [sflag:$0x1] =	stream.indirect_vreg.gather [hbm4b:s6+s3], $0x80, v4, vm0, $0xb8;
	[tilespmem:$0x18200] =	vst v63  }
0x2fe: {  	s16 =	simm.s32 $0x9A00  }
0x2ff: {  	[tilespmem:s16], [sflag:$0x1] =	stream.indirect_vreg.gather [hbm4b:s7+s3], $0x80, v4, vm0, $0xb8;
	[tilespmem:$0x18200] =	vst v63  }
0x300: {  	s20 =	simm.s32 $0xA200  }
0x301: {  	[tilespmem:s20], [sflag:$0x1] =	stream.indirect_vreg.gather [hbm4b:s1+s3], $0x80, v3, vm0, $0xb8;
	[tilespmem:$0x18200] =	vst v63  }
0x302: {  	s20 =	simm.s32 $0xAA00  }
0x303: {  	[tilespmem:s20], [sflag:$0x1] =	stream.indirect_vreg.gather [hbm4b:s5+s3], $0x80, v3, vm0, $0xb8;
	[tilespmem:$0x18200] =	vst v63  }
0x304: {  	s25 =	simm.s32 $0xB200  }
0x305: {  	[tilespmem:s25], [sflag:$0x1] =	stream.indirect_vreg.gather [hbm4b:s6+s3], $0x80, v3, vm0, $0xb8;
	[tilespmem:$0x18200] =	vst v63  }
0x306: {  	s22 =	simm.s32 $0xBA00  }
0x307: {  	[tilespmem:s22], [sflag:$0x1] =	stream.indirect_vreg.gather [hbm4b:s7+s3], $0x80, v3, vm0, $0xb8;
	[tilespmem:$0x18200] =	vst v63  }
0x308: {  	_ =	swait.ge [sflag:s0], $0x4000  }
0x309: {  	[sflag:s0] =	ssyncset.done $0x0  }
0x30a: {  	[sflag:s0] =	ssyncadd.s32 $0xFFFFC000  }
0x30b: {  	_ =	swait.ge [sflag:s4], $0x800  }
0x30c: {  	[sflag:s4] =	ssyncset.done $0x0  }
0x30d: {  	[sflag:s4] =	ssyncadd.s32 $0xFFFFF800  }
0x30e: {  	[spmem:s8] =	stream.linear.scatter [tilespmem:s21], [sflag:$0x2], $0x4000, $0x38;
	[tilespmem:$0x18200] =	vst v63  }
0x30f: {  	_ =	swait.ge [sflag:s12], $0x4000  }
0x310: {  	[sflag:s12] =	ssyncset.done $0x0  }
0x311: {  	s22 =	rddreg [dreg:$0x1a];
	[sflag:s12] =	ssyncadd.s32 $0xFFFFC000  }
0x312: {  	[hbm:s22], [sflag:s31] =	dma.local [spmem:s2], $0x800  }
0x313: {  	v3 =	vld [tilespmem:$0x180];
	_ =	sdelay $0x4  }
0x314: {  	v56 =	vshll.u32 v3, $0x3  }
0x315: {  	v3 =	vand.u32 $0x7, v3;
	v4 =	vand.u32 $0xFFFFFFC0, v56  }
0x316: {  	v3 =	vor.u32 v3, v4  }
0x317: {  	v4 =	vperm.xlane v3, v0;
	_ =	sdelay $0x1  }
0x318: {  	v4 =	vadd.s32 v1, v4;
	_ =	sdelay $0x4  }
0x319: {  	[tilespmem:s21], [sflag:$0x1] =	stream.indirect_vreg.gather [hbm4b:s1+s3], $0x80, v4, vm0, $0xb8;
	[tilespmem:$0x18200] =	vst v63  }
0x31a: {  	s11 =	simm.s32 $0xA00;
	v3 =	vperm.xlane v3, v2  }
0x31b: {  	[tilespmem:s11], [sflag:$0x1] =	stream.indirect_vreg.gather [hbm4b:s5+s3], $0x80, v4, vm0, $0xb8;
	[tilespmem:$0x18200] =	vst v63  }
0x31c: {  	s30 =	simm.s32 $0x1200;
	v3 =	vadd.s32 v1, v3  }
0x31d: {  	[tilespmem:s30], [sflag:$0x1] =	stream.indirect_vreg.gather [hbm4b:s6+s3], $0x80, v4, vm0, $0xb8;
	[tilespmem:$0x18200] =	vst v63  }
0x31e: {  	s17 =	simm.s32 $0x1A00  }
0x31f: {  	[tilespmem:s17], [sflag:$0x1] =	stream.indirect_vreg.gather [hbm4b:s7+s3], $0x80, v4, vm0, $0xb8;
	[tilespmem:$0x18200] =	vst v63  }
0x320: {  	s18 =	simm.s32 $0x2200  }
0x321: {  	[tilespmem:s18], [sflag:$0x1] =	stream.indirect_vreg.gather [hbm4b:s1+s3], $0x80, v3, vm0, $0xb8;
	[tilespmem:$0x18200] =	vst v63  }
0x322: {  	s23 =	simm.s32 $0x2A00  }
0x323: {  	[tilespmem:s23], [sflag:$0x1] =	stream.indirect_vreg.gather [hbm4b:s5+s3], $0x80, v3, vm0, $0xb8;
	[tilespmem:$0x18200] =	vst v63  }
0x324: {  	s18 =	simm.s32 $0x3200  }
0x325: {  	[tilespmem:s18], [sflag:$0x1] =	stream.indirect_vreg.gather [hbm4b:s6+s3], $0x80, v3, vm0, $0xb8;
	[tilespmem:$0x18200] =	vst v63  }
0x326: {  	s22 =	simm.s32 $0x3A00  }
0x327: {  	[tilespmem:s22], [sflag:$0x1] =	stream.indirect_vreg.gather [hbm4b:s7+s3], $0x80, v3, vm0, $0xb8;
	[tilespmem:$0x18200] =	vst v63  }
0x328: {  	_ =	swait.ge [sflag:s0], $0x4000  }
0x329: {  	[sflag:s0] =	ssyncset.done $0x0  }
0x32a: {  	[sflag:s0] =	ssyncadd.s32 $0xFFFFC000  }
0x32b: {  	_ =	swait.ge [sflag:s4], $0x800  }
0x32c: {  	[sflag:s4] =	ssyncset.done $0x0  }
0x32d: {  	[sflag:s4] =	ssyncadd.s32 $0xFFFFF800  }
0x32e: {  	[spmem:s28] =	stream.linear.scatter [tilespmem:s9], [sflag:$0x2], $0x4000, $0x38;
	[tilespmem:$0x18200] =	vst v63  }
0x32f: {  	_ =	swait.ge [sflag:s12], $0x4000  }
0x330: {  	[sflag:s12] =	ssyncset.done $0x0  }
0x331: {  	s23 =	rddreg [dreg:$0x1b];
	[sflag:s12] =	ssyncadd.s32 $0xFFFFC000  }
0x332: {  	[hbm:s23], [sflag:s31] =	dma.local [spmem:s14], $0x800  }
0x333: {  	v3 =	vld [tilespmem:$0x190];
	_ =	sdelay $0x4  }
0x334: {  	v57 =	vshll.u32 v3, $0x3  }
0x335: {  	v3 =	vand.u32 $0x7, v3;
	v4 =	vand.u32 $0xFFFFFFC0, v57  }
0x336: {  	v3 =	vor.u32 v3, v4  }
0x337: {  	v4 =	vperm.xlane v3, v0;
	_ =	sdelay $0x1  }
0x338: {  	v4 =	vadd.s32 v1, v4;
	_ =	sdelay $0x4  }
0x339: {  	[tilespmem:s9], [sflag:$0x1] =	stream.indirect_vreg.gather [hbm4b:s1+s3], $0x80, v4, vm0, $0xb8;
	[tilespmem:$0x18200] =	vst v63  }
0x33a: {  	s24 =	simm.s32 $0x4A00;
	v3 =	vperm.xlane v3, v2  }
0x33b: {  	[tilespmem:s24], [sflag:$0x1] =	stream.indirect_vreg.gather [hbm4b:s5+s3], $0x80, v4, vm0, $0xb8;
	[tilespmem:$0x18200] =	vst v63  }
0x33c: {  	s26 =	simm.s32 $0x5200;
	v3 =	vadd.s32 v1, v3  }
0x33d: {  	[tilespmem:s26], [sflag:$0x1] =	stream.indirect_vreg.gather [hbm4b:s6+s3], $0x80, v4, vm0, $0xb8;
	[tilespmem:$0x18200] =	vst v63  }
0x33e: {  	s29 =	simm.s32 $0x5A00  }
0x33f: {  	[tilespmem:s29], [sflag:$0x1] =	stream.indirect_vreg.gather [hbm4b:s7+s3], $0x80, v4, vm0, $0xb8;
	[tilespmem:$0x18200] =	vst v63  }
0x340: {  	s24 =	simm.s32 $0x6200  }
0x341: {  	[tilespmem:s24], [sflag:$0x1] =	stream.indirect_vreg.gather [hbm4b:s1+s3], $0x80, v3, vm0, $0xb8;
	[tilespmem:$0x18200] =	vst v63  }
0x342: {  	s26 =	simm.s32 $0x6A00  }
0x343: {  	[tilespmem:s26], [sflag:$0x1] =	stream.indirect_vreg.gather [hbm4b:s5+s3], $0x80, v3, vm0, $0xb8;
	[tilespmem:$0x18200] =	vst v63  }
0x344: {  	s29 =	simm.s32 $0x7200  }
0x345: {  	[tilespmem:s29], [sflag:$0x1] =	stream.indirect_vreg.gather [hbm4b:s6+s3], $0x80, v3, vm0, $0xb8;
	[tilespmem:$0x18200] =	vst v63  }
0x346: {  	s16 =	simm.s32 $0x7A00  }
0x347: {  	[tilespmem:s16], [sflag:$0x1] =	stream.indirect_vreg.gather [hbm4b:s7+s3], $0x80, v3, vm0, $0xb8;
	[tilespmem:$0x18200] =	vst v63  }
0x348: {  	_ =	swait.ge [sflag:s0], $0x4000  }
0x349: {  	[sflag:s0] =	ssyncset.done $0x0  }
0x34a: {  	[sflag:s0] =	ssyncadd.s32 $0xFFFFC000  }
0x34b: {  	_ =	swait.ge [sflag:s4], $0x800  }
0x34c: {  	[sflag:s4] =	ssyncset.done $0x0  }
0x34d: {  	[sflag:s4] =	ssyncadd.s32 $0xFFFFF800  }
0x34e: {  	[spmem:s13] =	stream.linear.scatter [tilespmem:s10], [sflag:$0x2], $0x4000, $0x38;
	[tilespmem:$0x18200] =	vst v63  }
0x34f: {  	_ =	swait.ge [sflag:s12], $0x4000  }
0x350: {  	[sflag:s12] =	ssyncset.done $0x0  }
0x351: {  	s18 =	rddreg [dreg:$0x1c];
	[sflag:s12] =	ssyncadd.s32 $0xFFFFC000  }
0x352: {  	[hbm:s18], [sflag:s31] =	dma.local [spmem:s15], $0x800  }
0x353: {  	v3 =	vld [tilespmem:$0x1A0];
	_ =	sdelay $0x4  }
0x354: {  	v58 =	vshll.u32 v3, $0x3  }
0x355: {  	v3 =	vand.u32 $0x7, v3;
	v4 =	vand.u32 $0xFFFFFFC0, v58  }
0x356: {  	v3 =	vor.u32 v3, v4  }
0x357: {  	v4 =	vperm.xlane v3, v0;
	_ =	sdelay $0x1  }
0x358: {  	v4 =	vadd.s32 v1, v4;
	_ =	sdelay $0x4  }
0x359: {  	[tilespmem:s10], [sflag:$0x1] =	stream.indirect_vreg.gather [hbm4b:s1+s3], $0x80, v4, vm0, $0xb8;
	[tilespmem:$0x18200] =	vst v63  }
0x35a: {  	s22 =	simm.s32 $0x8A00;
	v3 =	vperm.xlane v3, v2  }
0x35b: {  	[tilespmem:s22], [sflag:$0x1] =	stream.indirect_vreg.gather [hbm4b:s5+s3], $0x80, v4, vm0, $0xb8;
	[tilespmem:$0x18200] =	vst v63  }
0x35c: {  	s19 =	simm.s32 $0x9200;
	v3 =	vadd.s32 v1, v3  }
0x35d: {  	[tilespmem:s19], [sflag:$0x1] =	stream.indirect_vreg.gather [hbm4b:s6+s3], $0x80, v4, vm0, $0xb8;
	[tilespmem:$0x18200] =	vst v63  }
0x35e: {  	s23 =	simm.s32 $0x9A00  }
0x35f: {  	[tilespmem:s23], [sflag:$0x1] =	stream.indirect_vreg.gather [hbm4b:s7+s3], $0x80, v4, vm0, $0xb8;
	[tilespmem:$0x18200] =	vst v63  }
0x360: {  	s24 =	simm.s32 $0xA200  }
0x361: {  	[tilespmem:s24], [sflag:$0x1] =	stream.indirect_vreg.gather [hbm4b:s1+s3], $0x80, v3, vm0, $0xb8;
	[tilespmem:$0x18200] =	vst v63  }
0x362: {  	s26 =	simm.s32 $0xAA00  }
0x363: {  	[tilespmem:s26], [sflag:$0x1] =	stream.indirect_vreg.gather [hbm4b:s5+s3], $0x80, v3, vm0, $0xb8;
	[tilespmem:$0x18200] =	vst v63  }
0x364: {  	s29 =	simm.s32 $0xB200  }
0x365: {  	[tilespmem:s29], [sflag:$0x1] =	stream.indirect_vreg.gather [hbm4b:s6+s3], $0x80, v3, vm0, $0xb8;
	[tilespmem:$0x18200] =	vst v63  }
0x366: {  	s25 =	simm.s32 $0xBA00  }
0x367: {  	[tilespmem:s25], [sflag:$0x1] =	stream.indirect_vreg.gather [hbm4b:s7+s3], $0x80, v3, vm0, $0xb8;
	[tilespmem:$0x18200] =	vst v63  }
0x368: {  	_ =	swait.ge [sflag:s0], $0x4000  }
0x369: {  	[sflag:s0] =	ssyncset.done $0x0  }
0x36a: {  	[sflag:s0] =	ssyncadd.s32 $0xFFFFC000  }
0x36b: {  	_ =	swait.ge [sflag:s4], $0x800  }
0x36c: {  	[sflag:s4] =	ssyncset.done $0x0  }
0x36d: {  	[sflag:s4] =	ssyncadd.s32 $0xFFFFF800  }
0x36e: {  	[spmem:s8] =	stream.linear.scatter [tilespmem:s21], [sflag:$0x2], $0x4000, $0x38;
	[tilespmem:$0x18200] =	vst v63  }
0x36f: {  	_ =	swait.ge [sflag:s12], $0x4000  }
0x370: {  	[sflag:s12] =	ssyncset.done $0x0  }
0x371: {  	s19 =	rddreg [dreg:$0x1d];
	[sflag:s12] =	ssyncadd.s32 $0xFFFFC000  }
0x372: {  	[hbm:s19], [sflag:s31] =	dma.local [spmem:s2], $0x800  }
0x373: {  	v3 =	vld [tilespmem:$0x1B0];
	_ =	sdelay $0x4  }
0x374: {  	v59 =	vshll.u32 v3, $0x3  }
0x375: {  	v3 =	vand.u32 $0x7, v3;
	v4 =	vand.u32 $0xFFFFFFC0, v59  }
0x376: {  	v3 =	vor.u32 v3, v4  }
0x377: {  	v4 =	vperm.xlane v3, v0;
	_ =	sdelay $0x1  }
0x378: {  	v4 =	vadd.s32 v1, v4;
	_ =	sdelay $0x4  }
0x379: {  	[tilespmem:s21], [sflag:$0x1] =	stream.indirect_vreg.gather [hbm4b:s1+s3], $0x80, v4, vm0, $0xb8;
	[tilespmem:$0x18200] =	vst v63  }
0x37a: {  	s20 =	simm.s32 $0xA00;
	v3 =	vperm.xlane v3, v2  }
0x37b: {  	[tilespmem:s20], [sflag:$0x1] =	stream.indirect_vreg.gather [hbm4b:s5+s3], $0x80, v4, vm0, $0xb8;
	[tilespmem:$0x18200] =	vst v63  }
0x37c: {  	v3 =	vadd.s32 v1, v3;
	s20 =	simm.s32 $0x1200  }
0x37d: {  	[tilespmem:s20], [sflag:$0x1] =	stream.indirect_vreg.gather [hbm4b:s6+s3], $0x80, v4, vm0, $0xb8;
	[tilespmem:$0x18200] =	vst v63  }
0x37e: {  	s17 =	simm.s32 $0x1A00  }
0x37f: {  	[tilespmem:s17], [sflag:$0x1] =	stream.indirect_vreg.gather [hbm4b:s7+s3], $0x80, v4, vm0, $0xb8;
	[tilespmem:$0x18200] =	vst v63  }
0x380: {  	s30 =	simm.s32 $0x2200  }
0x381: {  	[tilespmem:s30], [sflag:$0x1] =	stream.indirect_vreg.gather [hbm4b:s1+s3], $0x80, v3, vm0, $0xb8;
	[tilespmem:$0x18200] =	vst v63  }
0x382: {  	s25 =	simm.s32 $0x2A00  }
0x383: {  	[tilespmem:s25], [sflag:$0x1] =	stream.indirect_vreg.gather [hbm4b:s5+s3], $0x80, v3, vm0, $0xb8;
	[tilespmem:$0x18200] =	vst v63  }
0x384: {  	s30 =	simm.s32 $0x3200  }
0x385: {  	[tilespmem:s30], [sflag:$0x1] =	stream.indirect_vreg.gather [hbm4b:s6+s3], $0x80, v3, vm0, $0xb8;
	[tilespmem:$0x18200] =	vst v63  }
0x386: {  	s30 =	simm.s32 $0x3A00  }
0x387: {  	[tilespmem:s30], [sflag:$0x1] =	stream.indirect_vreg.gather [hbm4b:s7+s3], $0x80, v3, vm0, $0xb8;
	[tilespmem:$0x18200] =	vst v63  }
0x388: {  	_ =	swait.ge [sflag:s0], $0x4000  }
0x389: {  	[sflag:s0] =	ssyncset.done $0x0  }
0x38a: {  	[sflag:s0] =	ssyncadd.s32 $0xFFFFC000  }
0x38b: {  	_ =	swait.ge [sflag:s4], $0x800  }
0x38c: {  	[sflag:s4] =	ssyncset.done $0x0  }
0x38d: {  	[sflag:s4] =	ssyncadd.s32 $0xFFFFF800  }
0x38e: {  	[spmem:s28] =	stream.linear.scatter [tilespmem:s9], [sflag:$0x2], $0x4000, $0x38;
	[tilespmem:$0x18200] =	vst v63  }
0x38f: {  	_ =	swait.ge [sflag:s12], $0x4000  }
0x390: {  	[sflag:s12] =	ssyncset.done $0x0  }
0x391: {  	s30 =	rddreg [dreg:$0x1e];
	[sflag:s12] =	ssyncadd.s32 $0xFFFFC000  }
0x392: {  	[hbm:s30], [sflag:s31] =	dma.local [spmem:s14], $0x800  }
0x393: {  	v3 =	vld [tilespmem:$0x1C0];
	_ =	sdelay $0x4  }
0x394: {  	v60 =	vshll.u32 v3, $0x3  }
0x395: {  	v3 =	vand.u32 $0x7, v3;
	v4 =	vand.u32 $0xFFFFFFC0, v60  }
0x396: {  	v3 =	vor.u32 v3, v4  }
0x397: {  	v4 =	vperm.xlane v3, v0;
	_ =	sdelay $0x1  }
0x398: {  	v4 =	vadd.s32 v1, v4;
	_ =	sdelay $0x4  }
0x399: {  	[tilespmem:s9], [sflag:$0x1] =	stream.indirect_vreg.gather [hbm4b:s1+s3], $0x80, v4, vm0, $0xb8;
	[tilespmem:$0x18200] =	vst v63  }
0x39a: {  	s30 =	simm.s32 $0x4A00;
	v3 =	vperm.xlane v3, v2  }
0x39b: {  	[tilespmem:s30], [sflag:$0x1] =	stream.indirect_vreg.gather [hbm4b:s5+s3], $0x80, v4, vm0, $0xb8;
	[tilespmem:$0x18200] =	vst v63  }
0x39c: {  	s16 =	simm.s32 $0x5200;
	v3 =	vadd.s32 v1, v3  }
0x39d: {  	[tilespmem:s16], [sflag:$0x1] =	stream.indirect_vreg.gather [hbm4b:s6+s3], $0x80, v4, vm0, $0xb8;
	[tilespmem:$0x18200] =	vst v63  }
0x39e: {  	s16 =	simm.s32 $0x5A00  }
0x39f: {  	[tilespmem:s16], [sflag:$0x1] =	stream.indirect_vreg.gather [hbm4b:s7+s3], $0x80, v4, vm0, $0xb8;
	[tilespmem:$0x18200] =	vst v63  }
0x3a0: {  	s16 =	simm.s32 $0x6200  }
0x3a1: {  	[tilespmem:s16], [sflag:$0x1] =	stream.indirect_vreg.gather [hbm4b:s1+s3], $0x80, v3, vm0, $0xb8;
	[tilespmem:$0x18200] =	vst v63  }
0x3a2: {  	s16 =	simm.s32 $0x6A00  }
0x3a3: {  	[tilespmem:s16], [sflag:$0x1] =	stream.indirect_vreg.gather [hbm4b:s5+s3], $0x80, v3, vm0, $0xb8;
	[tilespmem:$0x18200] =	vst v63  }
0x3a4: {  	s16 =	simm.s32 $0x7200  }
0x3a5: {  	[tilespmem:s16], [sflag:$0x1] =	stream.indirect_vreg.gather [hbm4b:s6+s3], $0x80, v3, vm0, $0xb8;
	[tilespmem:$0x18200] =	vst v63  }
0x3a6: {  	s16 =	simm.s32 $0x7A00  }
0x3a7: {  	[tilespmem:s16], [sflag:$0x1] =	stream.indirect_vreg.gather [hbm4b:s7+s3], $0x80, v3, vm0, $0xb8;
	[tilespmem:$0x18200] =	vst v63  }
0x3a8: {  	_ =	swait.ge [sflag:s0], $0x4000  }
0x3a9: {  	[sflag:s0] =	ssyncset.done $0x0  }
0x3aa: {  	[sflag:s0] =	ssyncadd.s32 $0xFFFFC000  }
0x3ab: {  	_ =	swait.ge [sflag:s4], $0x800  }
0x3ac: {  	[sflag:s4] =	ssyncset.done $0x0  }
0x3ad: {  	[sflag:s4] =	ssyncadd.s32 $0xFFFFF800  }
0x3ae: {  	[spmem:s13] =	stream.linear.scatter [tilespmem:s10], [sflag:$0x2], $0x4000, $0x38;
	[tilespmem:$0x18200] =	vst v63  }
0x3af: {  	_ =	swait.ge [sflag:s12], $0x4000  }
0x3b0: {  	[sflag:s12] =	ssyncset.done $0x0  }
0x3b1: {  	s16 =	rddreg [dreg:$0x1f];
	[sflag:s12] =	ssyncadd.s32 $0xFFFFC000  }
0x3b2: {  	[hbm:s16], [sflag:s31] =	dma.local [spmem:s15], $0x800  }
0x3b3: {  	v3 =	vld [tilespmem:$0x1D0];
	_ =	sdelay $0x4  }
0x3b4: {  	v61 =	vshll.u32 v3, $0x3  }
0x3b5: {  	v3 =	vand.u32 $0x7, v3;
	v4 =	vand.u32 $0xFFFFFFC0, v61  }
0x3b6: {  	v3 =	vor.u32 v3, v4  }
0x3b7: {  	v4 =	vperm.xlane v3, v0;
	_ =	sdelay $0x1  }
0x3b8: {  	v4 =	vadd.s32 v1, v4;
	_ =	sdelay $0x4  }
0x3b9: {  	[tilespmem:s10], [sflag:$0x1] =	stream.indirect_vreg.gather [hbm4b:s1+s3], $0x80, v4, vm0, $0xb8;
	[tilespmem:$0x18200] =	vst v63  }
0x3ba: {  	s16 =	simm.s32 $0x8A00;
	v3 =	vperm.xlane v3, v2  }
0x3bb: {  	[tilespmem:s16], [sflag:$0x1] =	stream.indirect_vreg.gather [hbm4b:s5+s3], $0x80, v4, vm0, $0xb8;
	[tilespmem:$0x18200] =	vst v63  }
0x3bc: {  	s11 =	simm.s32 $0x9200;
	v3 =	vadd.s32 v1, v3  }
0x3bd: {  	[tilespmem:s11], [sflag:$0x1] =	stream.indirect_vreg.gather [hbm4b:s6+s3], $0x80, v4, vm0, $0xb8;
	[tilespmem:$0x18200] =	vst v63  }
0x3be: {  	s18 =	simm.s32 $0x9A00  }
0x3bf: {  	[tilespmem:s18], [sflag:$0x1] =	stream.indirect_vreg.gather [hbm4b:s7+s3], $0x80, v4, vm0, $0xb8;
	[tilespmem:$0x18200] =	vst v63  }
0x3c0: {  	s22 =	simm.s32 $0xA200  }
0x3c1: {  	[tilespmem:s22], [sflag:$0x1] =	stream.indirect_vreg.gather [hbm4b:s1+s3], $0x80, v3, vm0, $0xb8;
	[tilespmem:$0x18200] =	vst v63  }
0x3c2: {  	s24 =	simm.s32 $0xAA00  }
0x3c3: {  	[tilespmem:s24], [sflag:$0x1] =	stream.indirect_vreg.gather [hbm4b:s5+s3], $0x80, v3, vm0, $0xb8;
	[tilespmem:$0x18200] =	vst v63  }
0x3c4: {  	s26 =	simm.s32 $0xB200  }
0x3c5: {  	[tilespmem:s26], [sflag:$0x1] =	stream.indirect_vreg.gather [hbm4b:s6+s3], $0x80, v3, vm0, $0xb8;
	[tilespmem:$0x18200] =	vst v63  }
0x3c6: {  	s23 =	simm.s32 $0xBA00  }
0x3c7: {  	[tilespmem:s23], [sflag:$0x1] =	stream.indirect_vreg.gather [hbm4b:s7+s3], $0x80, v3, vm0, $0xb8;
	[tilespmem:$0x18200] =	vst v63  }
0x3c8: {  	_ =	swait.ge [sflag:s0], $0x4000  }
0x3c9: {  	[sflag:s0] =	ssyncset.done $0x0  }
0x3ca: {  	[sflag:s0] =	ssyncadd.s32 $0xFFFFC000  }
0x3cb: {  	_ =	swait.ge [sflag:s4], $0x800  }
0x3cc: {  	[sflag:s4] =	ssyncset.done $0x0  }
0x3cd: {  	[sflag:s4] =	ssyncadd.s32 $0xFFFFF800  }
0x3ce: {  	[spmem:s8] =	stream.linear.scatter [tilespmem:s21], [sflag:$0x2], $0x4000, $0x38;
	[tilespmem:$0x18200] =	vst v63  }
0x3cf: {  	_ =	swait.ge [sflag:s12], $0x4000  }
0x3d0: {  	s11 =	sld [smem:$0x7F7]  }
0x3d1: {  	[sflag:s12] =	ssyncset.done $0x0  }
0x3d2: {  	[sflag:s12] =	ssyncadd.s32 $0xFFFFC000  }
0x3d3: {  	[hbm:s11], [sflag:s31] =	dma.local [spmem:s2], $0x800  }
0x3d4: {  	v3 =	vld [tilespmem:$0x1E0];
	_ =	sdelay $0x4  }
0x3d5: {  	v62 =	vshll.u32 v3, $0x3  }
0x3d6: {  	v3 =	vand.u32 $0x7, v3;
	v4 =	vand.u32 $0xFFFFFFC0, v62  }
0x3d7: {  	v3 =	vor.u32 v3, v4  }
0x3d8: {  	v4 =	vperm.xlane v3, v0;
	_ =	sdelay $0x1  }
0x3d9: {  	v4 =	vadd.s32 v1, v4;
	_ =	sdelay $0x4  }
0x3da: {  	[tilespmem:s21], [sflag:$0x1] =	stream.indirect_vreg.gather [hbm4b:s1+s3], $0x80, v4, vm0, $0xb8;
	[tilespmem:$0x18200] =	vst v63  }
0x3db: {  	s19 =	simm.s32 $0xA00;
	v3 =	vperm.xlane v3, v2  }
0x3dc: {  	[tilespmem:s19], [sflag:$0x1] =	stream.indirect_vreg.gather [hbm4b:s5+s3], $0x80, v4, vm0, $0xb8;
	[tilespmem:$0x18200] =	vst v63  }
0x3dd: {  	s29 =	simm.s32 $0x1200;
	v3 =	vadd.s32 v1, v3  }
0x3de: {  	[tilespmem:s29], [sflag:$0x1] =	stream.indirect_vreg.gather [hbm4b:s6+s3], $0x80, v4, vm0, $0xb8;
	[tilespmem:$0x18200] =	vst v63  }
0x3df: {  	s20 =	simm.s32 $0x1A00  }
0x3e0: {  	[tilespmem:s20], [sflag:$0x1] =	stream.indirect_vreg.gather [hbm4b:s7+s3], $0x80, v4, vm0, $0xb8;
	[tilespmem:$0x18200] =	vst v63  }
0x3e1: {  	s17 =	simm.s32 $0x2200  }
0x3e2: {  	[tilespmem:s17], [sflag:$0x1] =	stream.indirect_vreg.gather [hbm4b:s1+s3], $0x80, v3, vm0, $0xb8;
	[tilespmem:$0x18200] =	vst v63  }
0x3e3: {  	s25 =	simm.s32 $0x2A00  }
0x3e4: {  	[tilespmem:s25], [sflag:$0x1] =	stream.indirect_vreg.gather [hbm4b:s5+s3], $0x80, v3, vm0, $0xb8;
	[tilespmem:$0x18200] =	vst v63  }
0x3e5: {  	s16 =	simm.s32 $0x3200  }
0x3e6: {  	[tilespmem:s16], [sflag:$0x1] =	stream.indirect_vreg.gather [hbm4b:s6+s3], $0x80, v3, vm0, $0xb8;
	[tilespmem:$0x18200] =	vst v63  }
0x3e7: {  	s17 =	simm.s32 $0x3A00  }
0x3e8: {  	[tilespmem:s17], [sflag:$0x1] =	stream.indirect_vreg.gather [hbm4b:s7+s3], $0x80, v3, vm0, $0xb8;
	[tilespmem:$0x18200] =	vst v63  }
0x3e9: {  	_ =	swait.ge [sflag:s0], $0x4000  }
0x3ea: {  	[sflag:s0] =	ssyncset.done $0x0  }
0x3eb: {  	[sflag:s0] =	ssyncadd.s32 $0xFFFFC000  }
0x3ec: {  	_ =	swait.ge [sflag:s4], $0x800  }
0x3ed: {  	[sflag:s4] =	ssyncset.done $0x0  }
0x3ee: {  	[sflag:s4] =	ssyncadd.s32 $0xFFFFF800  }
0x3ef: {  	[spmem:s28] =	stream.linear.scatter [tilespmem:s9], [sflag:$0x2], $0x4000, $0x38;
	[tilespmem:$0x18200] =	vst v63  }
0x3f0: {  	_ =	swait.ge [sflag:s12], $0x4000  }
0x3f1: {  	s18 =	sld [smem:$0x7F8]  }
0x3f2: {  	[sflag:s12] =	ssyncset.done $0x0  }
0x3f3: {  	[sflag:s12] =	ssyncadd.s32 $0xFFFFC000  }
0x3f4: {  	[hbm:s18], [sflag:s31] =	dma.local [spmem:s14], $0x800  }
0x3f5: {  	v3 =	vld [tilespmem:$0x1F0];
	_ =	sdelay $0x4  }
0x3f6: {  	v63 =	vshll.u32 v3, $0x3  }
0x3f7: {  	v3 =	vand.u32 $0x7, v3;
	v4 =	vand.u32 $0xFFFFFFC0, v63  }
0x3f8: {  	v3 =	vor.u32 v3, v4  }
0x3f9: {  	v4 =	vperm.xlane v3, v0;
	_ =	sdelay $0x1  }
0x3fa: {  	v4 =	vadd.s32 v1, v4;
	_ =	sdelay $0x4  }
0x3fb: {  	[tilespmem:s9], [sflag:$0x1] =	stream.indirect_vreg.gather [hbm4b:s1+s3], $0x80, v4, vm0, $0xb8;
	[tilespmem:$0x18200] =	vst v63  }
0x3fc: {  	s30 =	simm.s32 $0x4A00;
	v3 =	vperm.xlane v3, v2  }
0x3fd: {  	[tilespmem:s30], [sflag:$0x1] =	stream.indirect_vreg.gather [hbm4b:s5+s3], $0x80, v4, vm0, $0xb8;
	[tilespmem:$0x18200] =	vst v63  }
0x3fe: {  	s19 =	simm.s32 $0x5200;
	v3 =	vadd.s32 v1, v3  }
0x3ff: {  	[tilespmem:s19], [sflag:$0x1] =	stream.indirect_vreg.gather [hbm4b:s6+s3], $0x80, v4, vm0, $0xb8;
	[tilespmem:$0x18200] =	vst v63  }
0x400: {  	s20 =	simm.s32 $0x5A00  }
0x401: {  	[tilespmem:s20], [sflag:$0x1] =	stream.indirect_vreg.gather [hbm4b:s7+s3], $0x80, v4, vm0, $0xb8;
	[tilespmem:$0x18200] =	vst v63  }
0x402: {  	s22 =	simm.s32 $0x6200  }
0x403: {  	[tilespmem:s22], [sflag:$0x1] =	stream.indirect_vreg.gather [hbm4b:s1+s3], $0x80, v3, vm0, $0xb8;
	[tilespmem:$0x18200] =	vst v63  }
0x404: {  	s23 =	simm.s32 $0x6A00  }
0x405: {  	[tilespmem:s23], [sflag:$0x1] =	stream.indirect_vreg.gather [hbm4b:s5+s3], $0x80, v3, vm0, $0xb8;
	[tilespmem:$0x18200] =	vst v63  }
0x406: {  	s24 =	simm.s32 $0x7200  }
0x407: {  	[tilespmem:s24], [sflag:$0x1] =	stream.indirect_vreg.gather [hbm4b:s6+s3], $0x80, v3, vm0, $0xb8;
	[tilespmem:$0x18200] =	vst v63  }
0x408: {  	s25 =	simm.s32 $0x7A00  }
0x409: {  	[tilespmem:s25], [sflag:$0x1] =	stream.indirect_vreg.gather [hbm4b:s7+s3], $0x80, v3, vm0, $0xb8;
	[tilespmem:$0x18200] =	vst v63  }
0x40a: {  	_ =	swait.ge [sflag:s0], $0x4000  }
0x40b: {  	[sflag:s0] =	ssyncset.done $0x0  }
0x40c: {  	[sflag:s0] =	ssyncadd.s32 $0xFFFFC000  }
0x40d: {  	_ =	swait.ge [sflag:s4], $0x800  }
0x40e: {  	[sflag:s4] =	ssyncset.done $0x0  }
0x40f: {  	[sflag:s4] =	ssyncadd.s32 $0xFFFFF800  }
0x410: {  	[spmem:s13] =	stream.linear.scatter [tilespmem:s10], [sflag:$0x2], $0x4000, $0x38;
	[tilespmem:$0x18200] =	vst v63  }
0x411: {  	_ =	swait.ge [sflag:s12], $0x4000  }
0x412: {  	s26 =	sld [smem:$0x7F9]  }
0x413: {  	[sflag:s12] =	ssyncset.done $0x0  }
0x414: {  	[sflag:s12] =	ssyncadd.s32 $0xFFFFC000  }
0x415: {  	[hbm:s26], [sflag:s31] =	dma.local [spmem:s15], $0x800  }
0x416: {  	_ =	swait.ge [sflag:s0], $0x4000  }
0x417: {  	[sflag:s0] =	ssyncset.done $0x0  }
0x418: {  	[sflag:s0] =	ssyncadd.s32 $0xFFFFC000  }
0x419: {  	_ =	swait.ge [sflag:s4], $0x800  }
0x41a: {  	[sflag:s4] =	ssyncset.done $0x0  }
0x41b: {  	[sflag:s4] =	ssyncadd.s32 $0xFFFFF800  }
0x41c: {  	[spmem:s8] =	stream.linear.scatter [tilespmem:s21], [sflag:$0x2], $0x4000, $0x38;
	[tilespmem:$0x18200] =	vst v63  }
0x41d: {  	_ =	swait.ge [sflag:s12], $0x4000  }
0x41e: {  	s29 =	sld [smem:$0x7FB]  }
0x41f: {  	[sflag:s12] =	ssyncset.done $0x0  }
0x420: {  	[sflag:s12] =	ssyncadd.s32 $0xFFFFC000  }
0x421: {  	[hbm:s29], [sflag:s31] =	dma.local [spmem:s2], $0x800  }
0x422: {  	_ =	swait.ge [sflag:s0], $0x4000  }
0x423: {  	[sflag:s0] =	ssyncset.done $0x0  }
0x424: {  	[sflag:s0] =	ssyncadd.s32 $0xFFFFC000  }
0x425: {  	_ =	swait.ge [sflag:s4], $0x800  }
0x426: {  	[sflag:s4] =	ssyncset.done $0x0  }
0x427: {  	[sflag:s4] =	ssyncadd.s32 $0xFFFFF800  }
0x428: {  	[spmem:s28] =	stream.linear.scatter [tilespmem:s9], [sflag:$0x2], $0x4000, $0x38;
	[tilespmem:$0x18200] =	vst v63  }
0x429: {  	_ =	swait.ge [sflag:s12], $0x4000  }
0x42a: {  	s30 =	sld [smem:$0x7FD]  }
0x42b: {  	[sflag:s12] =	ssyncset.done $0x0  }
0x42c: {  	[sflag:s12] =	ssyncadd.s32 $0xFFFFC000  }
0x42d: {  	[hbm:s30], [sflag:s31] =	dma.local [spmem:s14], $0x800  }
0x42e: {  	s2 =	sld [smem:$0x7F6];
	_ =	swait.ge [sflag:s4], $0x800  }
0x42f: {  	[sflag:s4] =	ssyncset.done $0x0  }
0x430: {  	[sflag:s4] =	ssyncadd.s32 $0xFFFFF800  }
0x431: {  	_ =	swait.ge [sflag:s4], $0x800;
	p0 =	sne.s32 s2, $0x1  }
.Ltmp0:
0x432: {  	[sflag:s4] =	ssyncset.done $0x0;
	(pc) =	sbr.rel @p0 .LBB2_1-.Ltmp0, $4  }
0x433: {  	[sflag:s4] =	ssyncadd.s32 $0xFFFFF800  }
0x434: {  	_ =	swait.ge [sflag:s4], $0x800  }
0x435: {  	[sflag:s4] =	ssyncset.done $0x0  }
0x436: {  	s2 =	sadd.s32 $0xFFFFFFFF, s2;
	[sflag:s4] =	ssyncadd.s32 $0xFFFFF800  }
0x437: {  	_ =	sfence.sel $0x180000  }
0x438: {  	[bflag:$0x0] =	sbarrier.arrive $0xFFFF  }
0x439: {  	_ =	strace $0x90000047  }
0x43a: {  	s0 =	stileid.u32;
	[bflag:$0x2] =	sbarrier.arrive $0xFFFF  }
0x43b: {  	p0 =	sne.s32 s0, $0x0;
	s0 =	rddreg [dreg:$0x4]  }
0x43c: {  	s0 =	sadd.s32 @!p0 $0x100000, s0  }
0x43d: {  	[sflag:s0] =	ssyncadd.tile.s32 @!p0 $0x1;
	_ =	shalt  }
.Lfunc_end2:
_tile_overlayer_lowered:
.L_overlay_start_2:
0x43e: {  	(tag) =	ssettag $0x2  }
0x43f: {  	s0 =	rddreg [dreg:$0x0];
	s2 =	stileid.u32  }
0x440: {  	s1 =	rddreg [dreg:$0x1];
	p0 =	sne.s32 s2, $0x0  }
0x441: {  	s3 =	rddreg [dreg:$0x2];
	[bflag:$0x3] =	sbarrier.arrive $0xFFFF;
	s2 =	simm.s32 @!p0 $0x1C04  }
0x442: {  	[timem:s3], [sflag:s2] =	dma.local @!p0 [hbm:s0], s1  }
0x443: {  	s0 =	simm.s32 @!p0 $0x4  }
0x444: {  	_ =	swait.ge @!p0 [sflag:s0], s1  }
0x445: {  	s1 =	ssub.s32 @!p0 $0x0, s1;
	[sflag:s0] =	ssyncset.done @!p0 $0x0  }
0x446: {  	[sflag:s0] =	ssyncadd.s32 @!p0 s1  }
0x447: {  	[bflag:$0x3] =	sbarrier.arrive $0xFFFF  }
0x448: {  	_ =	shalt  }

</sc_bundles>
